<compile_context>
chip_gen: v7x
topology: tpu7x:2x2x1
jax: 0.10.2.dev20260603
libtpu: 0.0.44.dev20260713+nightly
codegen_flags: <defaults>
</compile_context>

<pallas_src>
import functools

import jax
import jax.numpy as jnp
from jax import lax
from jax.experimental import pallas as pl
from jax.experimental.pallas import tpu as pltpu
from jax.experimental.pallas import tpu_sc as plsc

N = 10000
E = 320000
D = 128
H = 128
ZD = 3 * H + D
NP = 64
ND = 64

NC = 2
NS = 16
NW = NC * NS
EPW = E // NW
K = 128
NBLK = 80
HB = NBLK // 2
PADW = NBLK * K - EPW
NACC = 10112
RPS = NACC // NS
RB = 1000
GRID = N // RB

@functools.cache
def _mesh():
    return plsc.VectorSubcoreMesh(core_axis_name="c", subcore_axis_name="s",
                                  num_cores=NC, num_subcores=NS)



def _segsum_body(x_hbm, g_hbm, s_hbm, z_hbm, out_hbm, acc, gid_v, sid_v,
                 rows0, rows1, sg0, sg1, ss0, ss1):
    cid = lax.axis_index("c")
    sid = lax.axis_index("s")
    wid = sid * NC + cid
    pltpu.sync_copy(z_hbm, acc.at[pl.ds(sid * RPS, RPS)])
    plsc.subcore_barrier()

    rows = (rows0, rows1)
    sg = (sg0, sg1)
    ss = (ss0, ss1)

    def gather(j, s):
        pltpu.async_copy(x_hbm.at[gid_v.at[j]], rows[s], sg[s])

    def gather_wait(j, s):
        pltpu.make_async_copy(x_hbm.at[gid_v.at[j]], rows[s], sg[s]).wait()

    def scatter(j, s):
        pltpu.sync_copy(rows[s], acc.at[sid_v.at[j]], add=True)

    for h in range(2):
        pltpu.sync_copy(g_hbm.at[wid, pl.ds(h * HB, HB)], gid_v)
        pltpu.sync_copy(s_hbm.at[wid, pl.ds(h * HB, HB)], sid_v)
        gather(0, 0)

        def pair(t, carry):
            b = t * 2
            gather(b + 1, 1)
            gather_wait(b, 0)
            scatter(b, 0)
            gather(b + 2, 0)
            gather_wait(b + 1, 1)
            scatter(b + 1, 1)
            return carry

        lax.fori_loop(0, HB // 2 - 1, pair, 0)
        gather(HB - 1, 1)
        gather_wait(HB - 2, 0)
        scatter(HB - 2, 0)
        gather_wait(HB - 1, 1)
        scatter(HB - 1, 1)

    plsc.subcore_barrier()
    pltpu.sync_copy(acc.at[pl.ds(sid * RPS, RPS)],
                    out_hbm.at[cid, pl.ds(sid * RPS, RPS)])


@functools.cache
def _segsum_kernel():
    return pl.kernel(
        _segsum_body,
        out_type=jax.ShapeDtypeStruct((NC, NACC, D), jnp.float32),
        mesh=_mesh(),
        scratch_types=[
            pltpu.VMEM_SHARED((NACC, D), jnp.float32),
            pltpu.VMEM((HB, K), jnp.int32),
            pltpu.VMEM((HB, K), jnp.int32),
            pltpu.VMEM((K, D), jnp.float32),
            pltpu.VMEM((K, D), jnp.float32),
            pltpu.SemaphoreType.DMA,
            pltpu.SemaphoreType.DMA,
            pltpu.SemaphoreType.DMA,
            pltpu.SemaphoreType.DMA,
        ],
    )


def _segsum(x, g3, s3, zrows):
    return _segsum_kernel()(x, g3, s3, zrows)



def _mm(x, w, dims):
    return lax.dot_general(x, w, (dims, ((), ())),
                           preferred_element_type=jnp.float32)


def _fwd_body(s_ref, w_ref, b_ref, o_ref):
    s = s_ref[0] + s_ref[1]
    o_ref[...] = jnp.maximum(_mm(s, w_ref[...], ((1,), (0,))) + b_ref[...], 0.0)


def _fwd_layer(sseg, w, b2d):
    return pl.pallas_call(
        _fwd_body,
        grid=(GRID,),
        in_specs=[pl.BlockSpec((NC, RB, D), lambda i: (0, i, 0)),
                  pl.BlockSpec((D, H), lambda i: (0, 0)),
                  pl.BlockSpec((1, H), lambda i: (0, 0))],
        out_specs=pl.BlockSpec((RB, H), lambda i: (i, 0)),
        out_shape=jax.ShapeDtypeStruct((N, H), jnp.float32),
    )(sseg, w, b2d)


def _onehot_gz(i, p_ref, d_ref, gp_ref, gd_ref):
    rows = lax.broadcasted_iota(jnp.int32, (RB, 64), 0) + i * RB
    ohp = (rows == p_ref[...]).astype(jnp.float32)
    ohd = (rows == d_ref[...]).astype(jnp.float32)
    return (_mm(ohp, gp_ref[...], ((1,), (0,))) +
            _mm(ohd, gd_ref[...], ((1,), (0,))))


def _bwd3_body(p_ref, d_ref, gp_ref, gd_ref, y_ref, w_ref, o_ref):
    gz = _onehot_gz(pl.program_id(0), p_ref, d_ref, gp_ref, gd_ref)
    gpre = jnp.where(y_ref[...] > 0, gz, 0.0)
    o_ref[...] = _mm(gpre, w_ref[...], ((1,), (1,)))


def _bwd3(p2d, d2d, gp, gd, y, w):
    return pl.pallas_call(
        _bwd3_body,
        grid=(GRID,),
        in_specs=[pl.BlockSpec((1, 64), lambda i: (0, 0)),
                  pl.BlockSpec((1, 64), lambda i: (0, 0)),
                  pl.BlockSpec((64, H), lambda i: (0, 0)),
                  pl.BlockSpec((64, H), lambda i: (0, 0)),
                  pl.BlockSpec((RB, H), lambda i: (i, 0)),
                  pl.BlockSpec((H, H), lambda i: (0, 0))],
        out_specs=pl.BlockSpec((RB, H), lambda i: (i, 0)),
        out_shape=jax.ShapeDtypeStruct((N, H), jnp.float32),
    )(p2d, d2d, gp, gd, y, w)


def _bwd_mid_body(u_ref, p_ref, d_ref, gp_ref, gd_ref, y_ref, w_ref,
                  og_ref, ot_ref):
    gz = _onehot_gz(pl.program_id(0), p_ref, d_ref, gp_ref, gd_ref)
    grad = u_ref[0] + u_ref[1] + gz
    og_ref[...] = grad
    gpre = jnp.where(y_ref[...] > 0, grad, 0.0)
    ot_ref[...] = _mm(gpre, w_ref[...], ((1,), (1,)))


def _bwd_mid(useg, p2d, d2d, gp, gd, y, w):
    return pl.pallas_call(
        _bwd_mid_body,
        grid=(GRID,),
        in_specs=[pl.BlockSpec((NC, RB, H), lambda i: (0, i, 0)),
                  pl.BlockSpec((1, 64), lambda i: (0, 0)),
                  pl.BlockSpec((1, 64), lambda i: (0, 0)),
                  pl.BlockSpec((64, H), lambda i: (0, 0)),
                  pl.BlockSpec((64, H), lambda i: (0, 0)),
                  pl.BlockSpec((RB, H), lambda i: (i, 0)),
                  pl.BlockSpec((H, H), lambda i: (0, 0))],
        out_specs=[pl.BlockSpec((RB, H), lambda i: (i, 0)),
                   pl.BlockSpec((RB, H), lambda i: (i, 0))],
        out_shape=[jax.ShapeDtypeStruct((N, H), jnp.float32),
                   jax.ShapeDtypeStruct((N, H), jnp.float32)],
    )(useg, p2d, d2d, gp, gd, y, w)


def _bwd_last_body(u_ref, p_ref, d_ref, gp_ref, gd_ref, o_ref):
    gz = _onehot_gz(pl.program_id(0), p_ref, d_ref, gp_ref, gd_ref)
    o_ref[...] = u_ref[0] + u_ref[1] + gz


def _bwd_last(useg, p2d, d2d, gp, gd):
    return pl.pallas_call(
        _bwd_last_body,
        grid=(GRID,),
        in_specs=[pl.BlockSpec((NC, RB, D), lambda i: (0, i, 0)),
                  pl.BlockSpec((1, 64), lambda i: (0, 0)),
                  pl.BlockSpec((1, 64), lambda i: (0, 0)),
                  pl.BlockSpec((64, D), lambda i: (0, 0)),
                  pl.BlockSpec((64, D), lambda i: (0, 0))],
        out_specs=pl.BlockSpec((RB, D), lambda i: (i, 0)),
        out_shape=jax.ShapeDtypeStruct((N, D), jnp.float32),
    )(useg, p2d, d2d, gp, gd)



def _decoder_body(c_ref, b_ref, a_ref, e_ref, p_ref, d_ref, rel_ref, wh1_ref,
                  bh1_ref, wh2t_ref, bh2_ref, oprob, ogzp, ogzd,
                  zp_acc, zd_acc):
    i = pl.program_id(0)

    @pl.when(i == 0)
    def _():
        zp_acc[...] = jnp.zeros_like(zp_acc)
        zd_acc[...] = jnp.zeros_like(zd_acc)

    @pl.when(i < GRID)
    def _():
        rows = lax.broadcasted_iota(jnp.int32, (RB, 64), 0) + i * RB
        ohp = (rows == p_ref[...]).astype(jnp.float32)
        ohd = (rows == d_ref[...]).astype(jnp.float32)
        for col, ref in ((0, c_ref), (1, b_ref), (2, a_ref), (3, e_ref)):
            blk = ref[...]
            zp_acc[:, col * H:(col + 1) * H] += _mm(ohp, blk, ((0,), (0,)))
            zd_acc[:, col * H:(col + 1) * H] += _mm(ohd, blk, ((0,), (0,)))

    @pl.when(i == GRID)
    def _():
        _decoder_tail(rel_ref, wh1_ref, bh1_ref, wh2t_ref, bh2_ref,
                      oprob, ogzp, ogzd, zp_acc, zd_acc)


def _decoder_tail(rel_ref, wh1_ref, bh1_ref, wh2t_ref, bh2_ref,
                  oprob, ogzp, ogzd, zp_acc, zd_acc):
    zP = zp_acc[...]
    zD = zd_acc[...]
    rel = rel_ref[...]
    epm = jnp.mean(zP, axis=0, keepdims=True)
    edm = jnp.mean(zD, axis=0, keepdims=True)
    dmat = _mm(zP * rel, zD, ((1,), (1,)))
    mn = jnp.min(jnp.min(dmat, axis=1, keepdims=True), axis=0, keepdims=True)
    mx = jnp.max(jnp.max(dmat, axis=1, keepdims=True), axis=0, keepdims=True)
    mean = jnp.mean(jnp.mean(dmat, axis=1, keepdims=True), axis=0, keepdims=True)
    cat = jnp.concatenate([epm, edm], axis=1)
    z1 = _mm(cat, wh1_ref[...], ((1,), (0,))) + bh1_ref[...]
    w1row = wh2t_ref[:, :64]
    wmn = wh2t_ref[:, 64:65]
    wme = wh2t_ref[:, 65:66]
    wmx = wh2t_ref[:, 66:67]
    oprob[...] = (jnp.sum(z1 * w1row, axis=1, keepdims=True)
                  + mn * wmn + mean * wme + mx * wmx + bh2_ref[...])
    gcat = _mm(w1row, wh1_ref[...], ((1,), (1,)))
    gep = gcat[:, :ZD]
    ged = gcat[:, ZD:]
    eqmn = (dmat == mn).astype(jnp.float32)
    eqmx = (dmat == mx).astype(jnp.float32)
    nmn = jnp.sum(jnp.sum(eqmn, axis=1, keepdims=True), axis=0, keepdims=True)
    nmx = jnp.sum(jnp.sum(eqmx, axis=1, keepdims=True), axis=0, keepdims=True)
    gd = (wme / (NP * ND) + wmn * eqmn / nmn + wmx * eqmx / nmx)
    ogzp[...] = _mm(gd, zD, ((1,), (0,))) * rel + gep / NP
    ogzd[...] = _mm(gd, zP, ((0,), (0,))) * rel + ged / ND


def _decoder(c, b_, a, e, p2d, d2d, rel2d, wh1, bh1_2d, wh2t, bh2_2d):
    full = lambda i: (0, 0)
    blk = lambda i: (jnp.minimum(i, GRID - 1), 0)
    return pl.pallas_call(
        _decoder_body,
        grid=(GRID + 1,),
        in_specs=[pl.BlockSpec((RB, D), blk),
                  pl.BlockSpec((RB, D), blk),
                  pl.BlockSpec((RB, D), blk),
                  pl.BlockSpec((RB, D), blk),
                  pl.BlockSpec((1, 64), full),
                  pl.BlockSpec((1, 64), full),
                  pl.BlockSpec((1, ZD), full),
                  pl.BlockSpec((2 * ZD, 64), full),
                  pl.BlockSpec((1, 64), full),
                  pl.BlockSpec((1, 67), full),
                  pl.BlockSpec((1, 1), full)],
        out_specs=[pl.BlockSpec((1, 1), full),
                   pl.BlockSpec((64, ZD), full),
                   pl.BlockSpec((64, ZD), full)],
        out_shape=[jax.ShapeDtypeStruct((1, 1), jnp.float32),
                   jax.ShapeDtypeStruct((64, ZD), jnp.float32),
                   jax.ShapeDtypeStruct((64, ZD), jnp.float32)],
        scratch_shapes=[pltpu.VMEM((64, ZD), jnp.float32),
                        pltpu.VMEM((64, ZD), jnp.float32)],
    )(c, b_, a, e, p2d, d2d, rel2d, wh1, bh1_2d, wh2t, bh2_2d)



def _pack(idx, fill):
    t = idx.reshape(NW, EPW)
    return jnp.concatenate([t, fill], axis=1).reshape(NW, NBLK, K)


def kernel(embs, edge_index, proteins, diseases, W1, b1, W2, b2, W3, b3,
           rel, Wh1, bh1, Wh2, bh2):
    src = edge_index[0]
    dst = edge_index[1]
    base = jnp.arange(NW * PADW, dtype=jnp.int32).reshape(NW, PADW)
    fill_g = (base * 131) % N
    fill_s = N + (base % (NACC - N))
    gf, sf = _pack(src, fill_g), _pack(dst, fill_s)
    gb, sb = _pack(dst, fill_g), _pack(src, fill_s)
    zrows = jnp.zeros((RPS, D), jnp.float32)

    b1r, b2r, b3r = b1.reshape(1, H), b2.reshape(1, H), b3.reshape(1, H)
    p2d = proteins.reshape(1, NP)
    d2d = diseases.reshape(1, ND)

    sa = _segsum(embs, gf, sf, zrows)
    a = _fwd_layer(sa, W1, b1r)
    sb_ = _segsum(a, gf, sf, zrows)
    b_ = _fwd_layer(sb_, W2, b2r)
    sc = _segsum(b_, gf, sf, zrows)
    c = _fwd_layer(sc, W3, b3r)

    probas, gzP, gzD = _decoder(c, b_, a, embs, p2d, d2d, rel.reshape(1, ZD),
                                Wh1, bh1.reshape(1, 64), Wh2.reshape(1, 67),
                                bh2.reshape(1, 1))

    t3 = _bwd3(p2d, d2d, gzP[:, :H], gzD[:, :H], c, W3)
    u3 = _segsum(t3, gb, sb, zrows)
    grad_b, t2 = _bwd_mid(u3, p2d, d2d, gzP[:, H:2 * H], gzD[:, H:2 * H], b_, W2)
    u2 = _segsum(t2, gb, sb, zrows)
    grad_a, t1 = _bwd_mid(u2, p2d, d2d, gzP[:, 2 * H:3 * H], gzD[:, 2 * H:3 * H], a, W1)
    u1 = _segsum(t1, gb, sb, zrows)
    grad_e = _bwd_last(u1, p2d, d2d, gzP[:, 3 * H:], gzD[:, 3 * H:])

    return probas, grad_e, grad_a, grad_b

# --- scband reference (transcript-rebuilt; emitter-appended) ---
"""Pipeline reference for scband-whole-model-2542620639903 (READ-ONLY COPY).

The authoritative reference and input builder live on the scoring server;
editing this copy changes nothing except your own understanding.
"""

import jax, jax.numpy as jnp
import numpy as np

N = 10000
E = 320000
D = 128
H = 128
ZD = 3 * H + D
HH = 64
NP = 64
ND = 64


def setup_inputs(seed: int = 0) -> dict:
    key = jax.random.key(seed)
    ks = jax.random.split(key, 12)
    s = 0.05
    inp = {}
    inp['embs'] = jax.random.normal(ks[0], (N, D), dtype=jnp.float32)
    inp['edge_index'] = jax.random.randint(ks[1], (2, E), 0, N, dtype=jnp.int32)
    inp['proteins'] = jax.random.randint(ks[2], (NP,), 0, N, dtype=jnp.int32)
    inp['diseases'] = jax.random.randint(ks[3], (ND,), 0, N, dtype=jnp.int32)
    inp['W1'] = jax.random.normal(ks[4], (D, H), dtype=jnp.float32) * s
    inp['b1'] = jnp.zeros((H,), dtype=jnp.float32)
    inp['W2'] = jax.random.normal(ks[5], (H, H), dtype=jnp.float32) * s
    inp['b2'] = jnp.zeros((H,), dtype=jnp.float32)
    inp['W3'] = jax.random.normal(ks[6], (H, H), dtype=jnp.float32) * s
    inp['b3'] = jnp.zeros((H,), dtype=jnp.float32)
    inp['rel'] = jax.random.normal(ks[7], (ZD,), dtype=jnp.float32) * s
    inp['Wh1'] = jax.random.normal(ks[8], (2 * ZD, HH), dtype=jnp.float32) * s
    inp['bh1'] = jnp.zeros((HH,), dtype=jnp.float32)
    inp['Wh2'] = jax.random.normal(ks[9], (HH + 3, 1), dtype=jnp.float32) * s
    inp['bh2'] = jnp.zeros((1,), dtype=jnp.float32)
    return inp


def _conv(x, src, dst, W, b):
    agg = jax.ops.segment_sum(x[src], dst, num_segments=N)
    return agg @ W + b


def reference(embs, edge_index, proteins, diseases, W1, b1, W2, b2, W3, b3, rel, Wh1, bh1, Wh2, bh2):
    src = edge_index[0]
    dst = edge_index[1]
    pi = jnp.repeat(proteins, ND)
    di = jnp.tile(diseases, NP)

    def fwd(e, da, db):
        a = jax.nn.relu(_conv(e, src, dst, W1, b1)) + da
        b = jax.nn.relu(_conv(a, src, dst, W2, b2)) + db
        c = jax.nn.relu(_conv(b, src, dst, W3, b3))
        z = jnp.concatenate([c, b, a, e], axis=1)
        embs_protein = z[proteins].mean(0)
        embs_disease = z[diseases].mean(0)
        d = jnp.sum(z[pi] * rel * z[di], axis=-1)
        min_mean_max = jnp.stack([d.min(), d.mean(), d.max()])[None, :]
        z1 = jnp.concatenate([embs_protein, embs_disease])[None, :] @ Wh1 + bh1
        probas = jnp.concatenate([z1, min_mean_max], axis=1) @ Wh2 + bh2
        return probas.sum(), probas

    da = jnp.zeros((N, H), dtype=jnp.float32)
    db = jnp.zeros((N, H), dtype=jnp.float32)
    grad_fn = jax.grad(fwd, argnums=(0, 1, 2), has_aux=True)
    (g3, g2, g1), probas = grad_fn(embs, da, db)
    # torch returns (probas, embs.grad, a.grad, b.grad)
    return (probas, g3, g2, g1)

if __name__ == "__main__":
    import jax
    _d = setup_inputs()
    print(jax.jit(kernel)(*tuple(_d.values())))

</pallas_src>

<mosaic_0001>
#map = affine_map<(d0, d1) -> (0, 0)>
#map1 = affine_map<(d0, d1) -> (0, 0, 0)>
module attributes {stable_mosaic.version = 14 : i64} {
  func.func @_segsum_body(%arg0: i32, %arg1: i32, %arg2: memref<10000x128xf32, #tpu.memory_space<hbm>>, %arg3: memref<32x80x128xi32, #tpu.memory_space<hbm>>, %arg4: memref<32x80x128xi32, #tpu.memory_space<hbm>>, %arg5: memref<632x128xf32, #tpu.memory_space<hbm>>, %arg6: memref<2x10112x128xf32, #tpu.memory_space<hbm>>, %arg7: memref<10112x128xf32, #tpu.memory_space<vmem_shared>>, %arg8: memref<40x128xi32, #tpu.memory_space<vmem>>, %arg9: memref<40x128xi32, #tpu.memory_space<vmem>>, %arg10: memref<128x128xf32, #tpu.memory_space<vmem>>, %arg11: memref<128x128xf32, #tpu.memory_space<vmem>>, %arg12: memref<!tpu.dma_semaphore, #tpu.memory_space<semaphore_mem>>, %arg13: memref<!tpu.dma_semaphore, #tpu.memory_space<semaphore_mem>>, %arg14: memref<!tpu.dma_semaphore, #tpu.memory_space<semaphore_mem>>, %arg15: memref<!tpu.dma_semaphore, #tpu.memory_space<semaphore_mem>>) attributes {dimension_semantics = [#tpu.dimension_semantics<core_parallel>, #tpu.dimension_semantics<subcore_parallel>], iteration_bounds = array<i64: 2, 16>, scalar_prefetch = 0 : i64, scratch_operands = 9 : i64, tpu.core_type = #tpu.core_type<sc_vector_subcore>, window_params = [{transform_indices = #map}, {transform_indices = #map1}, {transform_indices = #map1}, {transform_indices = #map}, {transform_indices = #map1}]} {
    %mul3A = arith.constant 2 : i32
    %mul3A_0 = arith.muli %arg1, %mul3A : i32
    %add3A = arith.addi %mul3A_0, %arg0 : i32
    %mul3A_1 = arith.constant 632 : i32
    %mul3A_2 = arith.muli %arg1, %mul3A_1 : i32
    "tpu.region"() ({
      %run_scoped3A_76 = tpu.sem_alloc : memref<!tpu.dma_semaphore, #tpu.memory_space<semaphore_mem>>
      %dma_start3A_77 = arith.constant 0 : i32
      %dma_start3A_78 = tpu.memref_slice %arg7[%mul3A_2, %dma_start3A_77] : memref<10112x128xf32, #tpu.memory_space<vmem_shared>> -> memref<632x128xf32, #tpu.memory_space<vmem_shared>>
      tpu.enqueue_dma source(%arg5 : memref<632x128xf32, #tpu.memory_space<hbm>>) target(%dma_start3A_78 : memref<632x128xf32, #tpu.memory_space<vmem_shared>>) target_semaphore(%run_scoped3A_76 : memref<!tpu.dma_semaphore, #tpu.memory_space<semaphore_mem>>)
      %dma_wait3A_79 = arith.constant 0 : i32
      %dma_wait3A_80 = tpu.memref_slice %arg7[%mul3A_2, %dma_wait3A_79] : memref<10112x128xf32, #tpu.memory_space<vmem_shared>> -> memref<632x128xf32, #tpu.memory_space<vmem_shared>>
      tpu.wait_dma2 semaphore(%run_scoped3A_76 : memref<!tpu.dma_semaphore, #tpu.memory_space<semaphore_mem>>) src(%arg5 : memref<632x128xf32, #tpu.memory_space<hbm>>) dst(%dma_wait3A_80 : memref<632x128xf32, #tpu.memory_space<vmem_shared>>)
      tpu.yield
    }) : () -> ()
    %barrier3A = arith.constant 0 : index
    tpu.barrier barrier_id(%barrier3A)
    "tpu.region"() ({
      %run_scoped3A_76 = tpu.sem_alloc : memref<!tpu.dma_semaphore, #tpu.memory_space<semaphore_mem>>
      %dma_start3A_77 = arith.constant 0 : i32
      %dma_start3A_78 = arith.constant 0 : i32
      %dma_start3A_79 = tpu.memref_slice %arg3[%add3A, %dma_start3A_77, %dma_start3A_78] : memref<32x80x128xi32, #tpu.memory_space<hbm>> -> memref<1x40x128xi32, #tpu.memory_space<hbm>>
      %dma_start3A_80 = tpu.memref_squeeze %dma_start3A_79 : memref<1x40x128xi32, #tpu.memory_space<hbm>> -> memref<40x128xi32, #tpu.memory_space<hbm>>
      %dma_start3A_81 = arith.constant 0 : i32
      %dma_start3A_82 = arith.constant 0 : i32
      %dma_start3A_83 = tpu.memref_slice %arg3[%add3A, %dma_start3A_81, %dma_start3A_82] : memref<32x80x128xi32, #tpu.memory_space<hbm>> -> memref<1x40x128xi32, #tpu.memory_space<hbm>>
      %dma_start3A_84 = tpu.memref_squeeze %dma_start3A_83 : memref<1x40x128xi32, #tpu.memory_space<hbm>> -> memref<40x128xi32, #tpu.memory_space<hbm>>
      tpu.enqueue_dma source(%dma_start3A_84 : memref<40x128xi32, #tpu.memory_space<hbm>>) target(%arg8 : memref<40x128xi32, #tpu.memory_space<vmem>>) target_semaphore(%run_scoped3A_76 : memref<!tpu.dma_semaphore, #tpu.memory_space<semaphore_mem>>)
      %dma_wait3A_85 = arith.constant 0 : i32
      %dma_wait3A_86 = arith.constant 0 : i32
      %dma_wait3A_87 = tpu.memref_slice %arg3[%add3A, %dma_wait3A_85, %dma_wait3A_86] : memref<32x80x128xi32, #tpu.memory_space<hbm>> -> memref<1x40x128xi32, #tpu.memory_space<hbm>>
      %dma_wait3A_88 = tpu.memref_squeeze %dma_wait3A_87 : memref<1x40x128xi32, #tpu.memory_space<hbm>> -> memref<40x128xi32, #tpu.memory_space<hbm>>
      %dma_wait3A_89 = arith.constant 0 : i32
      %dma_wait3A_90 = arith.constant 0 : i32
      %dma_wait3A_91 = tpu.memref_slice %arg3[%add3A, %dma_wait3A_89, %dma_wait3A_90] : memref<32x80x128xi32, #tpu.memory_space<hbm>> -> memref<1x40x128xi32, #tpu.memory_space<hbm>>
      %dma_wait3A_92 = tpu.memref_squeeze %dma_wait3A_91 : memref<1x40x128xi32, #tpu.memory_space<hbm>> -> memref<40x128xi32, #tpu.memory_space<hbm>>
      tpu.wait_dma2 semaphore(%run_scoped3A_76 : memref<!tpu.dma_semaphore, #tpu.memory_space<semaphore_mem>>) src(%dma_wait3A_92 : memref<40x128xi32, #tpu.memory_space<hbm>>) dst(%arg8 : memref<40x128xi32, #tpu.memory_space<vmem>>)
      tpu.yield
    }) : () -> ()
    "tpu.region"() ({
      %run_scoped3A_76 = tpu.sem_alloc : memref<!tpu.dma_semaphore, #tpu.memory_space<semaphore_mem>>
      %dma_start3A_77 = arith.constant 0 : i32
      %dma_start3A_78 = arith.constant 0 : i32
      %dma_start3A_79 = tpu.memref_slice %arg4[%add3A, %dma_start3A_77, %dma_start3A_78] : memref<32x80x128xi32, #tpu.memory_space<hbm>> -> memref<1x40x128xi32, #tpu.memory_space<hbm>>
      %dma_start3A_80 = tpu.memref_squeeze %dma_start3A_79 : memref<1x40x128xi32, #tpu.memory_space<hbm>> -> memref<40x128xi32, #tpu.memory_space<hbm>>
      %dma_start3A_81 = arith.constant 0 : i32
      %dma_start3A_82 = arith.constant 0 : i32
      %dma_start3A_83 = tpu.memref_slice %arg4[%add3A, %dma_start3A_81, %dma_start3A_82] : memref<32x80x128xi32, #tpu.memory_space<hbm>> -> memref<1x40x128xi32, #tpu.memory_space<hbm>>
      %dma_start3A_84 = tpu.memref_squeeze %dma_start3A_83 : memref<1x40x128xi32, #tpu.memory_space<hbm>> -> memref<40x128xi32, #tpu.memory_space<hbm>>
      tpu.enqueue_dma source(%dma_start3A_84 : memref<40x128xi32, #tpu.memory_space<hbm>>) target(%arg9 : memref<40x128xi32, #tpu.memory_space<vmem>>) target_semaphore(%run_scoped3A_76 : memref<!tpu.dma_semaphore, #tpu.memory_space<semaphore_mem>>)
      %dma_wait3A_85 = arith.constant 0 : i32
      %dma_wait3A_86 = arith.constant 0 : i32
      %dma_wait3A_87 = tpu.memref_slice %arg4[%add3A, %dma_wait3A_85, %dma_wait3A_86] : memref<32x80x128xi32, #tpu.memory_space<hbm>> -> memref<1x40x128xi32, #tpu.memory_space<hbm>>
      %dma_wait3A_88 = tpu.memref_squeeze %dma_wait3A_87 : memref<1x40x128xi32, #tpu.memory_space<hbm>> -> memref<40x128xi32, #tpu.memory_space<hbm>>
      %dma_wait3A_89 = arith.constant 0 : i32
      %dma_wait3A_90 = arith.constant 0 : i32
      %dma_wait3A_91 = tpu.memref_slice %arg4[%add3A, %dma_wait3A_89, %dma_wait3A_90] : memref<32x80x128xi32, #tpu.memory_space<hbm>> -> memref<1x40x128xi32, #tpu.memory_space<hbm>>
      %dma_wait3A_92 = tpu.memref_squeeze %dma_wait3A_91 : memref<1x40x128xi32, #tpu.memory_space<hbm>> -> memref<40x128xi32, #tpu.memory_space<hbm>>
      tpu.wait_dma2 semaphore(%run_scoped3A_76 : memref<!tpu.dma_semaphore, #tpu.memory_space<semaphore_mem>>) src(%dma_wait3A_92 : memref<40x128xi32, #tpu.memory_space<hbm>>) dst(%arg9 : memref<40x128xi32, #tpu.memory_space<vmem>>)
      tpu.yield
    }) : () -> ()
    %dma_start3A = arith.constant 0 : i32
    %dma_start3A_3 = arith.constant 0 : i32
    %dma_start3A_4 = tpu.memref_slice %arg8[%dma_start3A, %dma_start3A_3] : memref<40x128xi32, #tpu.memory_space<vmem>> -> memref<1x128xi32, #tpu.memory_space<vmem>>
    %dma_start3A_5 = tpu.memref_squeeze %dma_start3A_4 : memref<1x128xi32, #tpu.memory_space<vmem>> -> memref<128xi32, #tpu.memory_space<vmem>>
    %dma_start3A_6 = arith.constant 0 : i32
    %dma_start3A_7 = arith.constant 0 : i32
    %dma_start3A_8 = tpu.memref_slice %arg2[%dma_start3A_6, %dma_start3A_7] : memref<10000x128xf32, #tpu.memory_space<hbm>> -> memref<10000x128xf32, #tpu.memory_space<hbm>>
    tpu.enqueue_indirect_dma source(%dma_start3A_8 : memref<10000x128xf32, #tpu.memory_space<hbm>>) target(%arg10 : memref<128x128xf32, #tpu.memory_space<vmem>>) offsets(%dma_start3A_5 : memref<128xi32, #tpu.memory_space<vmem>>) semaphore(%arg12 : memref<!tpu.dma_semaphore, #tpu.memory_space<semaphore_mem>>)
    %scan3A = arith.constant 0 : i32
    %scan3A_9 = arith.constant 0 : i32
    %scan3A_10 = arith.constant 19 : i32
    %scan3A_11 = arith.addi %scan3A_9, %scan3A_10 : i32
    %scan3A_12 = arith.constant 1 : i32
    scf.for %scan3A_76 = %scan3A_9 to %scan3A_11 step %scan3A_12  : i32 {
      %mul3A_77 = arith.constant 2 : i32
      %mul3A_78 = arith.muli %scan3A_76, %mul3A_77 : i32
      %add3A_79 = arith.constant 1 : i32
      %add3A_80 = arith.addi %mul3A_78, %add3A_79 : i32
      %dma_start3A_81 = arith.constant 0 : i32
      %dma_start3A_82 = tpu.memref_slice %arg8[%add3A_80, %dma_start3A_81] : memref<40x128xi32, #tpu.memory_space<vmem>> -> memref<1x128xi32, #tpu.memory_space<vmem>>
      %dma_start3A_83 = tpu.memref_squeeze %dma_start3A_82 : memref<1x128xi32, #tpu.memory_space<vmem>> -> memref<128xi32, #tpu.memory_space<vmem>>
      %dma_start3A_84 = arith.constant 0 : i32
      %dma_start3A_85 = arith.constant 0 : i32
      %dma_start3A_86 = tpu.memref_slice %arg2[%dma_start3A_84, %dma_start3A_85] : memref<10000x128xf32, #tpu.memory_space<hbm>> -> memref<10000x128xf32, #tpu.memory_space<hbm>>
      tpu.enqueue_indirect_dma source(%dma_start3A_86 : memref<10000x128xf32, #tpu.memory_space<hbm>>) target(%arg11 : memref<128x128xf32, #tpu.memory_space<vmem>>) offsets(%dma_start3A_83 : memref<128xi32, #tpu.memory_space<vmem>>) semaphore(%arg13 : memref<!tpu.dma_semaphore, #tpu.memory_space<semaphore_mem>>)
      %dma_wait3A_87 = arith.constant 0 : i32
      %dma_wait3A_88 = tpu.memref_slice %arg8[%mul3A_78, %dma_wait3A_87] : memref<40x128xi32, #tpu.memory_space<vmem>> -> memref<1x128xi32, #tpu.memory_space<vmem>>
      %dma_wait3A_89 = tpu.memref_squeeze %dma_wait3A_88 : memref<1x128xi32, #tpu.memory_space<vmem>> -> memref<128xi32, #tpu.memory_space<vmem>>
      %dma_wait3A_90 = arith.constant 0 : i32
      %dma_wait3A_91 = arith.constant 0 : i32
      %dma_wait3A_92 = tpu.memref_slice %arg2[%dma_wait3A_90, %dma_wait3A_91] : memref<10000x128xf32, #tpu.memory_space<hbm>> -> memref<10000x128xf32, #tpu.memory_space<hbm>>
      tpu.wait_indirect_dma semaphore(%arg12 : memref<!tpu.dma_semaphore, #tpu.memory_space<semaphore_mem>>) src(%dma_wait3A_92 : memref<10000x128xf32, #tpu.memory_space<hbm>>) dst(%arg10 : memref<128x128xf32, #tpu.memory_space<vmem>>)
      "tpu.region"() ({
        %run_scoped3A_111 = tpu.sem_alloc : memref<!tpu.dma_semaphore, #tpu.memory_space<semaphore_mem>>
        %dma_start3A_112 = arith.constant 0 : i32
        %dma_start3A_113 = tpu.memref_slice %arg9[%mul3A_78, %dma_start3A_112] : memref<40x128xi32, #tpu.memory_space<vmem>> -> memref<1x128xi32, #tpu.memory_space<vmem>>
        %dma_start3A_114 = tpu.memref_squeeze %dma_start3A_113 : memref<1x128xi32, #tpu.memory_space<vmem>> -> memref<128xi32, #tpu.memory_space<vmem>>
        %dma_start3A_115 = arith.constant 0 : i32
        %dma_start3A_116 = arith.constant 0 : i32
        %dma_start3A_117 = tpu.memref_slice %arg7[%dma_start3A_115, %dma_start3A_116] : memref<10112x128xf32, #tpu.memory_space<vmem_shared>> -> memref<10112x128xf32, #tpu.memory_space<vmem_shared>>
        tpu.enqueue_indirect_dma source(%arg10 : memref<128x128xf32, #tpu.memory_space<vmem>>) target(%dma_start3A_117 : memref<10112x128xf32, #tpu.memory_space<vmem_shared>>) offsets(%dma_start3A_114 : memref<128xi32, #tpu.memory_space<vmem>>) semaphore(%run_scoped3A_111 : memref<!tpu.dma_semaphore, #tpu.memory_space<semaphore_mem>>) {add = true}
        %dma_wait3A_118 = arith.constant 0 : i32
        %dma_wait3A_119 = tpu.memref_slice %arg9[%mul3A_78, %dma_wait3A_118] : memref<40x128xi32, #tpu.memory_space<vmem>> -> memref<1x128xi32, #tpu.memory_space<vmem>>
        %dma_wait3A_120 = tpu.memref_squeeze %dma_wait3A_119 : memref<1x128xi32, #tpu.memory_space<vmem>> -> memref<128xi32, #tpu.memory_space<vmem>>
        %dma_wait3A_121 = arith.constant 0 : i32
        %dma_wait3A_122 = arith.constant 0 : i32
        %dma_wait3A_123 = tpu.memref_slice %arg7[%dma_wait3A_121, %dma_wait3A_122] : memref<10112x128xf32, #tpu.memory_space<vmem_shared>> -> memref<10112x128xf32, #tpu.memory_space<vmem_shared>>
        tpu.wait_indirect_dma semaphore(%run_scoped3A_111 : memref<!tpu.dma_semaphore, #tpu.memory_space<semaphore_mem>>) src(%arg10 : memref<128x128xf32, #tpu.memory_space<vmem>>) dst(%dma_wait3A_123 : memref<10112x128xf32, #tpu.memory_space<vmem_shared>>)
        tpu.yield
      }) : () -> ()
      %add3A_93 = arith.constant 2 : i32
      %add3A_94 = arith.addi %mul3A_78, %add3A_93 : i32
      %dma_start3A_95 = arith.constant 0 : i32
      %dma_start3A_96 = tpu.memref_slice %arg8[%add3A_94, %dma_start3A_95] : memref<40x128xi32, #tpu.memory_space<vmem>> -> memref<1x128xi32, #tpu.memory_space<vmem>>
      %dma_start3A_97 = tpu.memref_squeeze %dma_start3A_96 : memref<1x128xi32, #tpu.memory_space<vmem>> -> memref<128xi32, #tpu.memory_space<vmem>>
      %dma_start3A_98 = arith.constant 0 : i32
      %dma_start3A_99 = arith.constant 0 : i32
      %dma_start3A_100 = tpu.memref_slice %arg2[%dma_start3A_98, %dma_start3A_99] : memref<10000x128xf32, #tpu.memory_space<hbm>> -> memref<10000x128xf32, #tpu.memory_space<hbm>>
      tpu.enqueue_indirect_dma source(%dma_start3A_100 : memref<10000x128xf32, #tpu.memory_space<hbm>>) target(%arg10 : memref<128x128xf32, #tpu.memory_space<vmem>>) offsets(%dma_start3A_97 : memref<128xi32, #tpu.memory_space<vmem>>) semaphore(%arg12 : memref<!tpu.dma_semaphore, #tpu.memory_space<semaphore_mem>>)
      %add3A_101 = arith.constant 1 : i32
      %add3A_102 = arith.addi %mul3A_78, %add3A_101 : i32
      %dma_wait3A_103 = arith.constant 0 : i32
      %dma_wait3A_104 = tpu.memref_slice %arg8[%add3A_102, %dma_wait3A_103] : memref<40x128xi32, #tpu.memory_space<vmem>> -> memref<1x128xi32, #tpu.memory_space<vmem>>
      %dma_wait3A_105 = tpu.memref_squeeze %dma_wait3A_104 : memref<1x128xi32, #tpu.memory_space<vmem>> -> memref<128xi32, #tpu.memory_space<vmem>>
      %dma_wait3A_106 = arith.constant 0 : i32
      %dma_wait3A_107 = arith.constant 0 : i32
      %dma_wait3A_108 = tpu.memref_slice %arg2[%dma_wait3A_106, %dma_wait3A_107] : memref<10000x128xf32, #tpu.memory_space<hbm>> -> memref<10000x128xf32, #tpu.memory_space<hbm>>
      tpu.wait_indirect_dma semaphore(%arg13 : memref<!tpu.dma_semaphore, #tpu.memory_space<semaphore_mem>>) src(%dma_wait3A_108 : memref<10000x128xf32, #tpu.memory_space<hbm>>) dst(%arg11 : memref<128x128xf32, #tpu.memory_space<vmem>>)
      %add3A_109 = arith.constant 1 : i32
      %add3A_110 = arith.addi %mul3A_78, %add3A_109 : i32
      "tpu.region"() ({
        %run_scoped3A_111 = tpu.sem_alloc : memref<!tpu.dma_semaphore, #tpu.memory_space<semaphore_mem>>
        %dma_start3A_112 = arith.constant 0 : i32
        %dma_start3A_113 = tpu.memref_slice %arg9[%add3A_110, %dma_start3A_112] : memref<40x128xi32, #tpu.memory_space<vmem>> -> memref<1x128xi32, #tpu.memory_space<vmem>>
        %dma_start3A_114 = tpu.memref_squeeze %dma_start3A_113 : memref<1x128xi32, #tpu.memory_space<vmem>> -> memref<128xi32, #tpu.memory_space<vmem>>
        %dma_start3A_115 = arith.constant 0 : i32
        %dma_start3A_116 = arith.constant 0 : i32
        %dma_start3A_117 = tpu.memref_slice %arg7[%dma_start3A_115, %dma_start3A_116] : memref<10112x128xf32, #tpu.memory_space<vmem_shared>> -> memref<10112x128xf32, #tpu.memory_space<vmem_shared>>
        tpu.enqueue_indirect_dma source(%arg11 : memref<128x128xf32, #tpu.memory_space<vmem>>) target(%dma_start3A_117 : memref<10112x128xf32, #tpu.memory_space<vmem_shared>>) offsets(%dma_start3A_114 : memref<128xi32, #tpu.memory_space<vmem>>) semaphore(%run_scoped3A_111 : memref<!tpu.dma_semaphore, #tpu.memory_space<semaphore_mem>>) {add = true}
        %dma_wait3A_118 = arith.constant 0 : i32
        %dma_wait3A_119 = tpu.memref_slice %arg9[%add3A_110, %dma_wait3A_118] : memref<40x128xi32, #tpu.memory_space<vmem>> -> memref<1x128xi32, #tpu.memory_space<vmem>>
        %dma_wait3A_120 = tpu.memref_squeeze %dma_wait3A_119 : memref<1x128xi32, #tpu.memory_space<vmem>> -> memref<128xi32, #tpu.memory_space<vmem>>
        %dma_wait3A_121 = arith.constant 0 : i32
        %dma_wait3A_122 = arith.constant 0 : i32
        %dma_wait3A_123 = tpu.memref_slice %arg7[%dma_wait3A_121, %dma_wait3A_122] : memref<10112x128xf32, #tpu.memory_space<vmem_shared>> -> memref<10112x128xf32, #tpu.memory_space<vmem_shared>>
        tpu.wait_indirect_dma semaphore(%run_scoped3A_111 : memref<!tpu.dma_semaphore, #tpu.memory_space<semaphore_mem>>) src(%arg11 : memref<128x128xf32, #tpu.memory_space<vmem>>) dst(%dma_wait3A_123 : memref<10112x128xf32, #tpu.memory_space<vmem_shared>>)
        tpu.yield
      }) : () -> ()
    }
    %scan3A_13 = arith.constant 19 : i32
    %dma_start3A_14 = arith.constant 39 : i32
    %dma_start3A_15 = arith.constant 0 : i32
    %dma_start3A_16 = tpu.memref_slice %arg8[%dma_start3A_14, %dma_start3A_15] : memref<40x128xi32, #tpu.memory_space<vmem>> -> memref<1x128xi32, #tpu.memory_space<vmem>>
    %dma_start3A_17 = tpu.memref_squeeze %dma_start3A_16 : memref<1x128xi32, #tpu.memory_space<vmem>> -> memref<128xi32, #tpu.memory_space<vmem>>
    %dma_start3A_18 = arith.constant 0 : i32
    %dma_start3A_19 = arith.constant 0 : i32
    %dma_start3A_20 = tpu.memref_slice %arg2[%dma_start3A_18, %dma_start3A_19] : memref<10000x128xf32, #tpu.memory_space<hbm>> -> memref<10000x128xf32, #tpu.memory_space<hbm>>
    tpu.enqueue_indirect_dma source(%dma_start3A_20 : memref<10000x128xf32, #tpu.memory_space<hbm>>) target(%arg11 : memref<128x128xf32, #tpu.memory_space<vmem>>) offsets(%dma_start3A_17 : memref<128xi32, #tpu.memory_space<vmem>>) semaphore(%arg13 : memref<!tpu.dma_semaphore, #tpu.memory_space<semaphore_mem>>)
    %dma_wait3A = arith.constant 38 : i32
    %dma_wait3A_21 = arith.constant 0 : i32
    %dma_wait3A_22 = tpu.memref_slice %arg8[%dma_wait3A, %dma_wait3A_21] : memref<40x128xi32, #tpu.memory_space<vmem>> -> memref<1x128xi32, #tpu.memory_space<vmem>>
    %dma_wait3A_23 = tpu.memref_squeeze %dma_wait3A_22 : memref<1x128xi32, #tpu.memory_space<vmem>> -> memref<128xi32, #tpu.memory_space<vmem>>
    %dma_wait3A_24 = arith.constant 0 : i32
    %dma_wait3A_25 = arith.constant 0 : i32
    %dma_wait3A_26 = tpu.memref_slice %arg2[%dma_wait3A_24, %dma_wait3A_25] : memref<10000x128xf32, #tpu.memory_space<hbm>> -> memref<10000x128xf32, #tpu.memory_space<hbm>>
    tpu.wait_indirect_dma semaphore(%arg12 : memref<!tpu.dma_semaphore, #tpu.memory_space<semaphore_mem>>) src(%dma_wait3A_26 : memref<10000x128xf32, #tpu.memory_space<hbm>>) dst(%arg10 : memref<128x128xf32, #tpu.memory_space<vmem>>)
    %run_scoped3A = arith.constant 38 : i32
    "tpu.region"() ({
      %run_scoped3A_76 = tpu.sem_alloc : memref<!tpu.dma_semaphore, #tpu.memory_space<semaphore_mem>>
      %dma_start3A_77 = arith.constant 0 : i32
      %dma_start3A_78 = tpu.memref_slice %arg9[%run_scoped3A, %dma_start3A_77] : memref<40x128xi32, #tpu.memory_space<vmem>> -> memref<1x128xi32, #tpu.memory_space<vmem>>
      %dma_start3A_79 = tpu.memref_squeeze %dma_start3A_78 : memref<1x128xi32, #tpu.memory_space<vmem>> -> memref<128xi32, #tpu.memory_space<vmem>>
      %dma_start3A_80 = arith.constant 0 : i32
      %dma_start3A_81 = arith.constant 0 : i32
      %dma_start3A_82 = tpu.memref_slice %arg7[%dma_start3A_80, %dma_start3A_81] : memref<10112x128xf32, #tpu.memory_space<vmem_shared>> -> memref<10112x128xf32, #tpu.memory_space<vmem_shared>>
      tpu.enqueue_indirect_dma source(%arg10 : memref<128x128xf32, #tpu.memory_space<vmem>>) target(%dma_start3A_82 : memref<10112x128xf32, #tpu.memory_space<vmem_shared>>) offsets(%dma_start3A_79 : memref<128xi32, #tpu.memory_space<vmem>>) semaphore(%run_scoped3A_76 : memref<!tpu.dma_semaphore, #tpu.memory_space<semaphore_mem>>) {add = true}
      %dma_wait3A_83 = arith.constant 0 : i32
      %dma_wait3A_84 = tpu.memref_slice %arg9[%run_scoped3A, %dma_wait3A_83] : memref<40x128xi32, #tpu.memory_space<vmem>> -> memref<1x128xi32, #tpu.memory_space<vmem>>
      %dma_wait3A_85 = tpu.memref_squeeze %dma_wait3A_84 : memref<1x128xi32, #tpu.memory_space<vmem>> -> memref<128xi32, #tpu.memory_space<vmem>>
      %dma_wait3A_86 = arith.constant 0 : i32
      %dma_wait3A_87 = arith.constant 0 : i32
      %dma_wait3A_88 = tpu.memref_slice %arg7[%dma_wait3A_86, %dma_wait3A_87] : memref<10112x128xf32, #tpu.memory_space<vmem_shared>> -> memref<10112x128xf32, #tpu.memory_space<vmem_shared>>
      tpu.wait_indirect_dma semaphore(%run_scoped3A_76 : memref<!tpu.dma_semaphore, #tpu.memory_space<semaphore_mem>>) src(%arg10 : memref<128x128xf32, #tpu.memory_space<vmem>>) dst(%dma_wait3A_88 : memref<10112x128xf32, #tpu.memory_space<vmem_shared>>)
      tpu.yield
    }) : () -> ()
    %dma_wait3A_27 = arith.constant 39 : i32
    %dma_wait3A_28 = arith.constant 0 : i32
    %dma_wait3A_29 = tpu.memref_slice %arg8[%dma_wait3A_27, %dma_wait3A_28] : memref<40x128xi32, #tpu.memory_space<vmem>> -> memref<1x128xi32, #tpu.memory_space<vmem>>
    %dma_wait3A_30 = tpu.memref_squeeze %dma_wait3A_29 : memref<1x128xi32, #tpu.memory_space<vmem>> -> memref<128xi32, #tpu.memory_space<vmem>>
    %dma_wait3A_31 = arith.constant 0 : i32
    %dma_wait3A_32 = arith.constant 0 : i32
    %dma_wait3A_33 = tpu.memref_slice %arg2[%dma_wait3A_31, %dma_wait3A_32] : memref<10000x128xf32, #tpu.memory_space<hbm>> -> memref<10000x128xf32, #tpu.memory_space<hbm>>
    tpu.wait_indirect_dma semaphore(%arg13 : memref<!tpu.dma_semaphore, #tpu.memory_space<semaphore_mem>>) src(%dma_wait3A_33 : memref<10000x128xf32, #tpu.memory_space<hbm>>) dst(%arg11 : memref<128x128xf32, #tpu.memory_space<vmem>>)
    %run_scoped3A_34 = arith.constant 39 : i32
    "tpu.region"() ({
      %run_scoped3A_76 = tpu.sem_alloc : memref<!tpu.dma_semaphore, #tpu.memory_space<semaphore_mem>>
      %dma_start3A_77 = arith.constant 0 : i32
      %dma_start3A_78 = tpu.memref_slice %arg9[%run_scoped3A_34, %dma_start3A_77] : memref<40x128xi32, #tpu.memory_space<vmem>> -> memref<1x128xi32, #tpu.memory_space<vmem>>
      %dma_start3A_79 = tpu.memref_squeeze %dma_start3A_78 : memref<1x128xi32, #tpu.memory_space<vmem>> -> memref<128xi32, #tpu.memory_space<vmem>>
      %dma_start3A_80 = arith.constant 0 : i32
      %dma_start3A_81 = arith.constant 0 : i32
      %dma_start3A_82 = tpu.memref_slice %arg7[%dma_start3A_80, %dma_start3A_81] : memref<10112x128xf32, #tpu.memory_space<vmem_shared>> -> memref<10112x128xf32, #tpu.memory_space<vmem_shared>>
      tpu.enqueue_indirect_dma source(%arg11 : memref<128x128xf32, #tpu.memory_space<vmem>>) target(%dma_start3A_82 : memref<10112x128xf32, #tpu.memory_space<vmem_shared>>) offsets(%dma_start3A_79 : memref<128xi32, #tpu.memory_space<vmem>>) semaphore(%run_scoped3A_76 : memref<!tpu.dma_semaphore, #tpu.memory_space<semaphore_mem>>) {add = true}
      %dma_wait3A_83 = arith.constant 0 : i32
      %dma_wait3A_84 = tpu.memref_slice %arg9[%run_scoped3A_34, %dma_wait3A_83] : memref<40x128xi32, #tpu.memory_space<vmem>> -> memref<1x128xi32, #tpu.memory_space<vmem>>
      %dma_wait3A_85 = tpu.memref_squeeze %dma_wait3A_84 : memref<1x128xi32, #tpu.memory_space<vmem>> -> memref<128xi32, #tpu.memory_space<vmem>>
      %dma_wait3A_86 = arith.constant 0 : i32
      %dma_wait3A_87 = arith.constant 0 : i32
      %dma_wait3A_88 = tpu.memref_slice %arg7[%dma_wait3A_86, %dma_wait3A_87] : memref<10112x128xf32, #tpu.memory_space<vmem_shared>> -> memref<10112x128xf32, #tpu.memory_space<vmem_shared>>
      tpu.wait_indirect_dma semaphore(%run_scoped3A_76 : memref<!tpu.dma_semaphore, #tpu.memory_space<semaphore_mem>>) src(%arg11 : memref<128x128xf32, #tpu.memory_space<vmem>>) dst(%dma_wait3A_88 : memref<10112x128xf32, #tpu.memory_space<vmem_shared>>)
      tpu.yield
    }) : () -> ()
    "tpu.region"() ({
      %run_scoped3A_76 = tpu.sem_alloc : memref<!tpu.dma_semaphore, #tpu.memory_space<semaphore_mem>>
      %dma_start3A_77 = arith.constant 40 : i32
      %dma_start3A_78 = arith.constant 0 : i32
      %dma_start3A_79 = tpu.memref_slice %arg3[%add3A, %dma_start3A_77, %dma_start3A_78] : memref<32x80x128xi32, #tpu.memory_space<hbm>> -> memref<1x40x128xi32, #tpu.memory_space<hbm>>
      %dma_start3A_80 = tpu.memref_squeeze %dma_start3A_79 : memref<1x40x128xi32, #tpu.memory_space<hbm>> -> memref<40x128xi32, #tpu.memory_space<hbm>>
      %dma_start3A_81 = arith.constant 40 : i32
      %dma_start3A_82 = arith.constant 0 : i32
      %dma_start3A_83 = tpu.memref_slice %arg3[%add3A, %dma_start3A_81, %dma_start3A_82] : memref<32x80x128xi32, #tpu.memory_space<hbm>> -> memref<1x40x128xi32, #tpu.memory_space<hbm>>
      %dma_start3A_84 = tpu.memref_squeeze %dma_start3A_83 : memref<1x40x128xi32, #tpu.memory_space<hbm>> -> memref<40x128xi32, #tpu.memory_space<hbm>>
      tpu.enqueue_dma source(%dma_start3A_84 : memref<40x128xi32, #tpu.memory_space<hbm>>) target(%arg8 : memref<40x128xi32, #tpu.memory_space<vmem>>) target_semaphore(%run_scoped3A_76 : memref<!tpu.dma_semaphore, #tpu.memory_space<semaphore_mem>>)
      %dma_wait3A_85 = arith.constant 40 : i32
      %dma_wait3A_86 = arith.constant 0 : i32
      %dma_wait3A_87 = tpu.memref_slice %arg3[%add3A, %dma_wait3A_85, %dma_wait3A_86] : memref<32x80x128xi32, #tpu.memory_space<hbm>> -> memref<1x40x128xi32, #tpu.memory_space<hbm>>
      %dma_wait3A_88 = tpu.memref_squeeze %dma_wait3A_87 : memref<1x40x128xi32, #tpu.memory_space<hbm>> -> memref<40x128xi32, #tpu.memory_space<hbm>>
      %dma_wait3A_89 = arith.constant 40 : i32
      %dma_wait3A_90 = arith.constant 0 : i32
      %dma_wait3A_91 = tpu.memref_slice %arg3[%add3A, %dma_wait3A_89, %dma_wait3A_90] : memref<32x80x128xi32, #tpu.memory_space<hbm>> -> memref<1x40x128xi32, #tpu.memory_space<hbm>>
      %dma_wait3A_92 = tpu.memref_squeeze %dma_wait3A_91 : memref<1x40x128xi32, #tpu.memory_space<hbm>> -> memref<40x128xi32, #tpu.memory_space<hbm>>
      tpu.wait_dma2 semaphore(%run_scoped3A_76 : memref<!tpu.dma_semaphore, #tpu.memory_space<semaphore_mem>>) src(%dma_wait3A_92 : memref<40x128xi32, #tpu.memory_space<hbm>>) dst(%arg8 : memref<40x128xi32, #tpu.memory_space<vmem>>)
      tpu.yield
    }) : () -> ()
    "tpu.region"() ({
      %run_scoped3A_76 = tpu.sem_alloc : memref<!tpu.dma_semaphore, #tpu.memory_space<semaphore_mem>>
      %dma_start3A_77 = arith.constant 40 : i32
      %dma_start3A_78 = arith.constant 0 : i32
      %dma_start3A_79 = tpu.memref_slice %arg4[%add3A, %dma_start3A_77, %dma_start3A_78] : memref<32x80x128xi32, #tpu.memory_space<hbm>> -> memref<1x40x128xi32, #tpu.memory_space<hbm>>
      %dma_start3A_80 = tpu.memref_squeeze %dma_start3A_79 : memref<1x40x128xi32, #tpu.memory_space<hbm>> -> memref<40x128xi32, #tpu.memory_space<hbm>>
      %dma_start3A_81 = arith.constant 40 : i32
      %dma_start3A_82 = arith.constant 0 : i32
      %dma_start3A_83 = tpu.memref_slice %arg4[%add3A, %dma_start3A_81, %dma_start3A_82] : memref<32x80x128xi32, #tpu.memory_space<hbm>> -> memref<1x40x128xi32, #tpu.memory_space<hbm>>
      %dma_start3A_84 = tpu.memref_squeeze %dma_start3A_83 : memref<1x40x128xi32, #tpu.memory_space<hbm>> -> memref<40x128xi32, #tpu.memory_space<hbm>>
      tpu.enqueue_dma source(%dma_start3A_84 : memref<40x128xi32, #tpu.memory_space<hbm>>) target(%arg9 : memref<40x128xi32, #tpu.memory_space<vmem>>) target_semaphore(%run_scoped3A_76 : memref<!tpu.dma_semaphore, #tpu.memory_space<semaphore_mem>>)
      %dma_wait3A_85 = arith.constant 40 : i32
      %dma_wait3A_86 = arith.constant 0 : i32
      %dma_wait3A_87 = tpu.memref_slice %arg4[%add3A, %dma_wait3A_85, %dma_wait3A_86] : memref<32x80x128xi32, #tpu.memory_space<hbm>> -> memref<1x40x128xi32, #tpu.memory_space<hbm>>
      %dma_wait3A_88 = tpu.memref_squeeze %dma_wait3A_87 : memref<1x40x128xi32, #tpu.memory_space<hbm>> -> memref<40x128xi32, #tpu.memory_space<hbm>>
      %dma_wait3A_89 = arith.constant 40 : i32
      %dma_wait3A_90 = arith.constant 0 : i32
      %dma_wait3A_91 = tpu.memref_slice %arg4[%add3A, %dma_wait3A_89, %dma_wait3A_90] : memref<32x80x128xi32, #tpu.memory_space<hbm>> -> memref<1x40x128xi32, #tpu.memory_space<hbm>>
      %dma_wait3A_92 = tpu.memref_squeeze %dma_wait3A_91 : memref<1x40x128xi32, #tpu.memory_space<hbm>> -> memref<40x128xi32, #tpu.memory_space<hbm>>
      tpu.wait_dma2 semaphore(%run_scoped3A_76 : memref<!tpu.dma_semaphore, #tpu.memory_space<semaphore_mem>>) src(%dma_wait3A_92 : memref<40x128xi32, #tpu.memory_space<hbm>>) dst(%arg9 : memref<40x128xi32, #tpu.memory_space<vmem>>)
      tpu.yield
    }) : () -> ()
    %dma_start3A_35 = arith.constant 0 : i32
    %dma_start3A_36 = arith.constant 0 : i32
    %dma_start3A_37 = tpu.memref_slice %arg8[%dma_start3A_35, %dma_start3A_36] : memref<40x128xi32, #tpu.memory_space<vmem>> -> memref<1x128xi32, #tpu.memory_space<vmem>>
    %dma_start3A_38 = tpu.memref_squeeze %dma_start3A_37 : memref<1x128xi32, #tpu.memory_space<vmem>> -> memref<128xi32, #tpu.memory_space<vmem>>
    %dma_start3A_39 = arith.constant 0 : i32
    %dma_start3A_40 = arith.constant 0 : i32
    %dma_start3A_41 = tpu.memref_slice %arg2[%dma_start3A_39, %dma_start3A_40] : memref<10000x128xf32, #tpu.memory_space<hbm>> -> memref<10000x128xf32, #tpu.memory_space<hbm>>
    tpu.enqueue_indirect_dma source(%dma_start3A_41 : memref<10000x128xf32, #tpu.memory_space<hbm>>) target(%arg10 : memref<128x128xf32, #tpu.memory_space<vmem>>) offsets(%dma_start3A_38 : memref<128xi32, #tpu.memory_space<vmem>>) semaphore(%arg12 : memref<!tpu.dma_semaphore, #tpu.memory_space<semaphore_mem>>)
    %scan3A_42 = arith.constant 0 : i32
    %scan3A_43 = arith.constant 0 : i32
    %scan3A_44 = arith.constant 19 : i32
    %scan3A_45 = arith.addi %scan3A_43, %scan3A_44 : i32
    %scan3A_46 = arith.constant 1 : i32
    scf.for %scan3A_76 = %scan3A_43 to %scan3A_45 step %scan3A_46  : i32 {
      %mul3A_77 = arith.constant 2 : i32
      %mul3A_78 = arith.muli %scan3A_76, %mul3A_77 : i32
      %add3A_79 = arith.constant 1 : i32
      %add3A_80 = arith.addi %mul3A_78, %add3A_79 : i32
      %dma_start3A_81 = arith.constant 0 : i32
      %dma_start3A_82 = tpu.memref_slice %arg8[%add3A_80, %dma_start3A_81] : memref<40x128xi32, #tpu.memory_space<vmem>> -> memref<1x128xi32, #tpu.memory_space<vmem>>
      %dma_start3A_83 = tpu.memref_squeeze %dma_start3A_82 : memref<1x128xi32, #tpu.memory_space<vmem>> -> memref<128xi32, #tpu.memory_space<vmem>>
      %dma_start3A_84 = arith.constant 0 : i32
      %dma_start3A_85 = arith.constant 0 : i32
      %dma_start3A_86 = tpu.memref_slice %arg2[%dma_start3A_84, %dma_start3A_85] : memref<10000x128xf32, #tpu.memory_space<hbm>> -> memref<10000x128xf32, #tpu.memory_space<hbm>>
      tpu.enqueue_indirect_dma source(%dma_start3A_86 : memref<10000x128xf32, #tpu.memory_space<hbm>>) target(%arg11 : memref<128x128xf32, #tpu.memory_space<vmem>>) offsets(%dma_start3A_83 : memref<128xi32, #tpu.memory_space<vmem>>) semaphore(%arg13 : memref<!tpu.dma_semaphore, #tpu.memory_space<semaphore_mem>>)
      %dma_wait3A_87 = arith.constant 0 : i32
      %dma_wait3A_88 = tpu.memref_slice %arg8[%mul3A_78, %dma_wait3A_87] : memref<40x128xi32, #tpu.memory_space<vmem>> -> memref<1x128xi32, #tpu.memory_space<vmem>>
      %dma_wait3A_89 = tpu.memref_squeeze %dma_wait3A_88 : memref<1x128xi32, #tpu.memory_space<vmem>> -> memref<128xi32, #tpu.memory_space<vmem>>
      %dma_wait3A_90 = arith.constant 0 : i32
      %dma_wait3A_91 = arith.constant 0 : i32
      %dma_wait3A_92 = tpu.memref_slice %arg2[%dma_wait3A_90, %dma_wait3A_91] : memref<10000x128xf32, #tpu.memory_space<hbm>> -> memref<10000x128xf32, #tpu.memory_space<hbm>>
      tpu.wait_indirect_dma semaphore(%arg12 : memref<!tpu.dma_semaphore, #tpu.memory_space<semaphore_mem>>) src(%dma_wait3A_92 : memref<10000x128xf32, #tpu.memory_space<hbm>>) dst(%arg10 : memref<128x128xf32, #tpu.memory_space<vmem>>)
      "tpu.region"() ({
        %run_scoped3A_111 = tpu.sem_alloc : memref<!tpu.dma_semaphore, #tpu.memory_space<semaphore_mem>>
        %dma_start3A_112 = arith.constant 0 : i32
        %dma_start3A_113 = tpu.memref_slice %arg9[%mul3A_78, %dma_start3A_112] : memref<40x128xi32, #tpu.memory_space<vmem>> -> memref<1x128xi32, #tpu.memory_space<vmem>>
        %dma_start3A_114 = tpu.memref_squeeze %dma_start3A_113 : memref<1x128xi32, #tpu.memory_space<vmem>> -> memref<128xi32, #tpu.memory_space<vmem>>
        %dma_start3A_115 = arith.constant 0 : i32
        %dma_start3A_116 = arith.constant 0 : i32
        %dma_start3A_117 = tpu.memref_slice %arg7[%dma_start3A_115, %dma_start3A_116] : memref<10112x128xf32, #tpu.memory_space<vmem_shared>> -> memref<10112x128xf32, #tpu.memory_space<vmem_shared>>
        tpu.enqueue_indirect_dma source(%arg10 : memref<128x128xf32, #tpu.memory_space<vmem>>) target(%dma_start3A_117 : memref<10112x128xf32, #tpu.memory_space<vmem_shared>>) offsets(%dma_start3A_114 : memref<128xi32, #tpu.memory_space<vmem>>) semaphore(%run_scoped3A_111 : memref<!tpu.dma_semaphore, #tpu.memory_space<semaphore_mem>>) {add = true}
        %dma_wait3A_118 = arith.constant 0 : i32
        %dma_wait3A_119 = tpu.memref_slice %arg9[%mul3A_78, %dma_wait3A_118] : memref<40x128xi32, #tpu.memory_space<vmem>> -> memref<1x128xi32, #tpu.memory_space<vmem>>
        %dma_wait3A_120 = tpu.memref_squeeze %dma_wait3A_119 : memref<1x128xi32, #tpu.memory_space<vmem>> -> memref<128xi32, #tpu.memory_space<vmem>>
        %dma_wait3A_121 = arith.constant 0 : i32
        %dma_wait3A_122 = arith.constant 0 : i32
        %dma_wait3A_123 = tpu.memref_slice %arg7[%dma_wait3A_121, %dma_wait3A_122] : memref<10112x128xf32, #tpu.memory_space<vmem_shared>> -> memref<10112x128xf32, #tpu.memory_space<vmem_shared>>
        tpu.wait_indirect_dma semaphore(%run_scoped3A_111 : memref<!tpu.dma_semaphore, #tpu.memory_space<semaphore_mem>>) src(%arg10 : memref<128x128xf32, #tpu.memory_space<vmem>>) dst(%dma_wait3A_123 : memref<10112x128xf32, #tpu.memory_space<vmem_shared>>)
        tpu.yield
      }) : () -> ()
      %add3A_93 = arith.constant 2 : i32
      %add3A_94 = arith.addi %mul3A_78, %add3A_93 : i32
      %dma_start3A_95 = arith.constant 0 : i32
      %dma_start3A_96 = tpu.memref_slice %arg8[%add3A_94, %dma_start3A_95] : memref<40x128xi32, #tpu.memory_space<vmem>> -> memref<1x128xi32, #tpu.memory_space<vmem>>
      %dma_start3A_97 = tpu.memref_squeeze %dma_start3A_96 : memref<1x128xi32, #tpu.memory_space<vmem>> -> memref<128xi32, #tpu.memory_space<vmem>>
      %dma_start3A_98 = arith.constant 0 : i32
      %dma_start3A_99 = arith.constant 0 : i32
      %dma_start3A_100 = tpu.memref_slice %arg2[%dma_start3A_98, %dma_start3A_99] : memref<10000x128xf32, #tpu.memory_space<hbm>> -> memref<10000x128xf32, #tpu.memory_space<hbm>>
      tpu.enqueue_indirect_dma source(%dma_start3A_100 : memref<10000x128xf32, #tpu.memory_space<hbm>>) target(%arg10 : memref<128x128xf32, #tpu.memory_space<vmem>>) offsets(%dma_start3A_97 : memref<128xi32, #tpu.memory_space<vmem>>) semaphore(%arg12 : memref<!tpu.dma_semaphore, #tpu.memory_space<semaphore_mem>>)
      %add3A_101 = arith.constant 1 : i32
      %add3A_102 = arith.addi %mul3A_78, %add3A_101 : i32
      %dma_wait3A_103 = arith.constant 0 : i32
      %dma_wait3A_104 = tpu.memref_slice %arg8[%add3A_102, %dma_wait3A_103] : memref<40x128xi32, #tpu.memory_space<vmem>> -> memref<1x128xi32, #tpu.memory_space<vmem>>
      %dma_wait3A_105 = tpu.memref_squeeze %dma_wait3A_104 : memref<1x128xi32, #tpu.memory_space<vmem>> -> memref<128xi32, #tpu.memory_space<vmem>>
      %dma_wait3A_106 = arith.constant 0 : i32
      %dma_wait3A_107 = arith.constant 0 : i32
      %dma_wait3A_108 = tpu.memref_slice %arg2[%dma_wait3A_106, %dma_wait3A_107] : memref<10000x128xf32, #tpu.memory_space<hbm>> -> memref<10000x128xf32, #tpu.memory_space<hbm>>
      tpu.wait_indirect_dma semaphore(%arg13 : memref<!tpu.dma_semaphore, #tpu.memory_space<semaphore_mem>>) src(%dma_wait3A_108 : memref<10000x128xf32, #tpu.memory_space<hbm>>) dst(%arg11 : memref<128x128xf32, #tpu.memory_space<vmem>>)
      %add3A_109 = arith.constant 1 : i32
      %add3A_110 = arith.addi %mul3A_78, %add3A_109 : i32
      "tpu.region"() ({
        %run_scoped3A_111 = tpu.sem_alloc : memref<!tpu.dma_semaphore, #tpu.memory_space<semaphore_mem>>
        %dma_start3A_112 = arith.constant 0 : i32
        %dma_start3A_113 = tpu.memref_slice %arg9[%add3A_110, %dma_start3A_112] : memref<40x128xi32, #tpu.memory_space<vmem>> -> memref<1x128xi32, #tpu.memory_space<vmem>>
        %dma_start3A_114 = tpu.memref_squeeze %dma_start3A_113 : memref<1x128xi32, #tpu.memory_space<vmem>> -> memref<128xi32, #tpu.memory_space<vmem>>
        %dma_start3A_115 = arith.constant 0 : i32
        %dma_start3A_116 = arith.constant 0 : i32
        %dma_start3A_117 = tpu.memref_slice %arg7[%dma_start3A_115, %dma_start3A_116] : memref<10112x128xf32, #tpu.memory_space<vmem_shared>> -> memref<10112x128xf32, #tpu.memory_space<vmem_shared>>
        tpu.enqueue_indirect_dma source(%arg11 : memref<128x128xf32, #tpu.memory_space<vmem>>) target(%dma_start3A_117 : memref<10112x128xf32, #tpu.memory_space<vmem_shared>>) offsets(%dma_start3A_114 : memref<128xi32, #tpu.memory_space<vmem>>) semaphore(%run_scoped3A_111 : memref<!tpu.dma_semaphore, #tpu.memory_space<semaphore_mem>>) {add = true}
        %dma_wait3A_118 = arith.constant 0 : i32
        %dma_wait3A_119 = tpu.memref_slice %arg9[%add3A_110, %dma_wait3A_118] : memref<40x128xi32, #tpu.memory_space<vmem>> -> memref<1x128xi32, #tpu.memory_space<vmem>>
        %dma_wait3A_120 = tpu.memref_squeeze %dma_wait3A_119 : memref<1x128xi32, #tpu.memory_space<vmem>> -> memref<128xi32, #tpu.memory_space<vmem>>
        %dma_wait3A_121 = arith.constant 0 : i32
        %dma_wait3A_122 = arith.constant 0 : i32
        %dma_wait3A_123 = tpu.memref_slice %arg7[%dma_wait3A_121, %dma_wait3A_122] : memref<10112x128xf32, #tpu.memory_space<vmem_shared>> -> memref<10112x128xf32, #tpu.memory_space<vmem_shared>>
        tpu.wait_indirect_dma semaphore(%run_scoped3A_111 : memref<!tpu.dma_semaphore, #tpu.memory_space<semaphore_mem>>) src(%arg11 : memref<128x128xf32, #tpu.memory_space<vmem>>) dst(%dma_wait3A_123 : memref<10112x128xf32, #tpu.memory_space<vmem_shared>>)
        tpu.yield
      }) : () -> ()
    }
    %scan3A_47 = arith.constant 19 : i32
    %dma_start3A_48 = arith.constant 39 : i32
    %dma_start3A_49 = arith.constant 0 : i32
    %dma_start3A_50 = tpu.memref_slice %arg8[%dma_start3A_48, %dma_start3A_49] : memref<40x128xi32, #tpu.memory_space<vmem>> -> memref<1x128xi32, #tpu.memory_space<vmem>>
    %dma_start3A_51 = tpu.memref_squeeze %dma_start3A_50 : memref<1x128xi32, #tpu.memory_space<vmem>> -> memref<128xi32, #tpu.memory_space<vmem>>
    %dma_start3A_52 = arith.constant 0 : i32
    %dma_start3A_53 = arith.constant 0 : i32
    %dma_start3A_54 = tpu.memref_slice %arg2[%dma_start3A_52, %dma_start3A_53] : memref<10000x128xf32, #tpu.memory_space<hbm>> -> memref<10000x128xf32, #tpu.memory_space<hbm>>
    tpu.enqueue_indirect_dma source(%dma_start3A_54 : memref<10000x128xf32, #tpu.memory_space<hbm>>) target(%arg11 : memref<128x128xf32, #tpu.memory_space<vmem>>) offsets(%dma_start3A_51 : memref<128xi32, #tpu.memory_space<vmem>>) semaphore(%arg13 : memref<!tpu.dma_semaphore, #tpu.memory_space<semaphore_mem>>)
    %dma_wait3A_55 = arith.constant 38 : i32
    %dma_wait3A_56 = arith.constant 0 : i32
    %dma_wait3A_57 = tpu.memref_slice %arg8[%dma_wait3A_55, %dma_wait3A_56] : memref<40x128xi32, #tpu.memory_space<vmem>> -> memref<1x128xi32, #tpu.memory_space<vmem>>
    %dma_wait3A_58 = tpu.memref_squeeze %dma_wait3A_57 : memref<1x128xi32, #tpu.memory_space<vmem>> -> memref<128xi32, #tpu.memory_space<vmem>>
    %dma_wait3A_59 = arith.constant 0 : i32
    %dma_wait3A_60 = arith.constant 0 : i32
    %dma_wait3A_61 = tpu.memref_slice %arg2[%dma_wait3A_59, %dma_wait3A_60] : memref<10000x128xf32, #tpu.memory_space<hbm>> -> memref<10000x128xf32, #tpu.memory_space<hbm>>
    tpu.wait_indirect_dma semaphore(%arg12 : memref<!tpu.dma_semaphore, #tpu.memory_space<semaphore_mem>>) src(%dma_wait3A_61 : memref<10000x128xf32, #tpu.memory_space<hbm>>) dst(%arg10 : memref<128x128xf32, #tpu.memory_space<vmem>>)
    %run_scoped3A_62 = arith.constant 38 : i32
    "tpu.region"() ({
      %run_scoped3A_76 = tpu.sem_alloc : memref<!tpu.dma_semaphore, #tpu.memory_space<semaphore_mem>>
      %dma_start3A_77 = arith.constant 0 : i32
      %dma_start3A_78 = tpu.memref_slice %arg9[%run_scoped3A_62, %dma_start3A_77] : memref<40x128xi32, #tpu.memory_space<vmem>> -> memref<1x128xi32, #tpu.memory_space<vmem>>
      %dma_start3A_79 = tpu.memref_squeeze %dma_start3A_78 : memref<1x128xi32, #tpu.memory_space<vmem>> -> memref<128xi32, #tpu.memory_space<vmem>>
      %dma_start3A_80 = arith.constant 0 : i32
      %dma_start3A_81 = arith.constant 0 : i32
      %dma_start3A_82 = tpu.memref_slice %arg7[%dma_start3A_80, %dma_start3A_81] : memref<10112x128xf32, #tpu.memory_space<vmem_shared>> -> memref<10112x128xf32, #tpu.memory_space<vmem_shared>>
      tpu.enqueue_indirect_dma source(%arg10 : memref<128x128xf32, #tpu.memory_space<vmem>>) target(%dma_start3A_82 : memref<10112x128xf32, #tpu.memory_space<vmem_shared>>) offsets(%dma_start3A_79 : memref<128xi32, #tpu.memory_space<vmem>>) semaphore(%run_scoped3A_76 : memref<!tpu.dma_semaphore, #tpu.memory_space<semaphore_mem>>) {add = true}
      %dma_wait3A_83 = arith.constant 0 : i32
      %dma_wait3A_84 = tpu.memref_slice %arg9[%run_scoped3A_62, %dma_wait3A_83] : memref<40x128xi32, #tpu.memory_space<vmem>> -> memref<1x128xi32, #tpu.memory_space<vmem>>
      %dma_wait3A_85 = tpu.memref_squeeze %dma_wait3A_84 : memref<1x128xi32, #tpu.memory_space<vmem>> -> memref<128xi32, #tpu.memory_space<vmem>>
      %dma_wait3A_86 = arith.constant 0 : i32
      %dma_wait3A_87 = arith.constant 0 : i32
      %dma_wait3A_88 = tpu.memref_slice %arg7[%dma_wait3A_86, %dma_wait3A_87] : memref<10112x128xf32, #tpu.memory_space<vmem_shared>> -> memref<10112x128xf32, #tpu.memory_space<vmem_shared>>
      tpu.wait_indirect_dma semaphore(%run_scoped3A_76 : memref<!tpu.dma_semaphore, #tpu.memory_space<semaphore_mem>>) src(%arg10 : memref<128x128xf32, #tpu.memory_space<vmem>>) dst(%dma_wait3A_88 : memref<10112x128xf32, #tpu.memory_space<vmem_shared>>)
      tpu.yield
    }) : () -> ()
    %dma_wait3A_63 = arith.constant 39 : i32
    %dma_wait3A_64 = arith.constant 0 : i32
    %dma_wait3A_65 = tpu.memref_slice %arg8[%dma_wait3A_63, %dma_wait3A_64] : memref<40x128xi32, #tpu.memory_space<vmem>> -> memref<1x128xi32, #tpu.memory_space<vmem>>
    %dma_wait3A_66 = tpu.memref_squeeze %dma_wait3A_65 : memref<1x128xi32, #tpu.memory_space<vmem>> -> memref<128xi32, #tpu.memory_space<vmem>>
    %dma_wait3A_67 = arith.constant 0 : i32
    %dma_wait3A_68 = arith.constant 0 : i32
    %dma_wait3A_69 = tpu.memref_slice %arg2[%dma_wait3A_67, %dma_wait3A_68] : memref<10000x128xf32, #tpu.memory_space<hbm>> -> memref<10000x128xf32, #tpu.memory_space<hbm>>
    tpu.wait_indirect_dma semaphore(%arg13 : memref<!tpu.dma_semaphore, #tpu.memory_space<semaphore_mem>>) src(%dma_wait3A_69 : memref<10000x128xf32, #tpu.memory_space<hbm>>) dst(%arg11 : memref<128x128xf32, #tpu.memory_space<vmem>>)
    %run_scoped3A_70 = arith.constant 39 : i32
    "tpu.region"() ({
      %run_scoped3A_76 = tpu.sem_alloc : memref<!tpu.dma_semaphore, #tpu.memory_space<semaphore_mem>>
      %dma_start3A_77 = arith.constant 0 : i32
      %dma_start3A_78 = tpu.memref_slice %arg9[%run_scoped3A_70, %dma_start3A_77] : memref<40x128xi32, #tpu.memory_space<vmem>> -> memref<1x128xi32, #tpu.memory_space<vmem>>
      %dma_start3A_79 = tpu.memref_squeeze %dma_start3A_78 : memref<1x128xi32, #tpu.memory_space<vmem>> -> memref<128xi32, #tpu.memory_space<vmem>>
      %dma_start3A_80 = arith.constant 0 : i32
      %dma_start3A_81 = arith.constant 0 : i32
      %dma_start3A_82 = tpu.memref_slice %arg7[%dma_start3A_80, %dma_start3A_81] : memref<10112x128xf32, #tpu.memory_space<vmem_shared>> -> memref<10112x128xf32, #tpu.memory_space<vmem_shared>>
      tpu.enqueue_indirect_dma source(%arg11 : memref<128x128xf32, #tpu.memory_space<vmem>>) target(%dma_start3A_82 : memref<10112x128xf32, #tpu.memory_space<vmem_shared>>) offsets(%dma_start3A_79 : memref<128xi32, #tpu.memory_space<vmem>>) semaphore(%run_scoped3A_76 : memref<!tpu.dma_semaphore, #tpu.memory_space<semaphore_mem>>) {add = true}
      %dma_wait3A_83 = arith.constant 0 : i32
      %dma_wait3A_84 = tpu.memref_slice %arg9[%run_scoped3A_70, %dma_wait3A_83] : memref<40x128xi32, #tpu.memory_space<vmem>> -> memref<1x128xi32, #tpu.memory_space<vmem>>
      %dma_wait3A_85 = tpu.memref_squeeze %dma_wait3A_84 : memref<1x128xi32, #tpu.memory_space<vmem>> -> memref<128xi32, #tpu.memory_space<vmem>>
      %dma_wait3A_86 = arith.constant 0 : i32
      %dma_wait3A_87 = arith.constant 0 : i32
      %dma_wait3A_88 = tpu.memref_slice %arg7[%dma_wait3A_86, %dma_wait3A_87] : memref<10112x128xf32, #tpu.memory_space<vmem_shared>> -> memref<10112x128xf32, #tpu.memory_space<vmem_shared>>
      tpu.wait_indirect_dma semaphore(%run_scoped3A_76 : memref<!tpu.dma_semaphore, #tpu.memory_space<semaphore_mem>>) src(%arg11 : memref<128x128xf32, #tpu.memory_space<vmem>>) dst(%dma_wait3A_88 : memref<10112x128xf32, #tpu.memory_space<vmem_shared>>)
      tpu.yield
    }) : () -> ()
    %barrier3A_71 = arith.constant 0 : index
    tpu.barrier barrier_id(%barrier3A_71)
    %mul3A_72 = arith.constant 632 : i32
    %mul3A_73 = arith.muli %arg1, %mul3A_72 : i32
    %mul3A_74 = arith.constant 632 : i32
    %mul3A_75 = arith.muli %arg1, %mul3A_74 : i32
    "tpu.region"() ({
      %run_scoped3A_76 = tpu.sem_alloc : memref<!tpu.dma_semaphore, #tpu.memory_space<semaphore_mem>>
      %dma_start3A_77 = arith.constant 0 : i32
      %dma_start3A_78 = tpu.memref_slice %arg6[%arg0, %mul3A_75, %dma_start3A_77] : memref<2x10112x128xf32, #tpu.memory_space<hbm>> -> memref<1x632x128xf32, #tpu.memory_space<hbm>>
      %dma_start3A_79 = tpu.memref_squeeze %dma_start3A_78 : memref<1x632x128xf32, #tpu.memory_space<hbm>> -> memref<632x128xf32, #tpu.memory_space<hbm>>
      %dma_start3A_80 = arith.constant 0 : i32
      %dma_start3A_81 = tpu.memref_slice %arg7[%mul3A_73, %dma_start3A_80] : memref<10112x128xf32, #tpu.memory_space<vmem_shared>> -> memref<632x128xf32, #tpu.memory_space<vmem_shared>>
      tpu.enqueue_dma source(%dma_start3A_81 : memref<632x128xf32, #tpu.memory_space<vmem_shared>>) target(%dma_start3A_79 : memref<632x128xf32, #tpu.memory_space<hbm>>) target_semaphore(%run_scoped3A_76 : memref<!tpu.dma_semaphore, #tpu.memory_space<semaphore_mem>>)
      %dma_wait3A_82 = arith.constant 0 : i32
      %dma_wait3A_83 = tpu.memref_slice %arg6[%arg0, %mul3A_75, %dma_wait3A_82] : memref<2x10112x128xf32, #tpu.memory_space<hbm>> -> memref<1x632x128xf32, #tpu.memory_space<hbm>>
      %dma_wait3A_84 = tpu.memref_squeeze %dma_wait3A_83 : memref<1x632x128xf32, #tpu.memory_space<hbm>> -> memref<632x128xf32, #tpu.memory_space<hbm>>
      %dma_wait3A_85 = arith.constant 0 : i32
      %dma_wait3A_86 = tpu.memref_slice %arg7[%mul3A_73, %dma_wait3A_85] : memref<10112x128xf32, #tpu.memory_space<vmem_shared>> -> memref<632x128xf32, #tpu.memory_space<vmem_shared>>
      tpu.wait_dma2 semaphore(%run_scoped3A_76 : memref<!tpu.dma_semaphore, #tpu.memory_space<semaphore_mem>>) src(%dma_wait3A_86 : memref<632x128xf32, #tpu.memory_space<vmem_shared>>) dst(%dma_wait3A_84 : memref<632x128xf32, #tpu.memory_space<hbm>>)
      tpu.yield
    }) : () -> ()
    return
  }
}

#map = affine_map<(d0, d1) -> (0, 0)>
#map1 = affine_map<(d0, d1) -> (0, 0, 0)>
module attributes {stable_mosaic.version = 14 : i64} {
  func.func @_segsum_body(%arg0: i32, %arg1: i32, %arg2: memref<10000x128xf32, #tpu.memory_space<hbm>>, %arg3: memref<32x80x128xi32, #tpu.memory_space<hbm>>, %arg4: memref<32x80x128xi32, #tpu.memory_space<hbm>>, %arg5: memref<632x128xf32, #tpu.memory_space<hbm>>, %arg6: memref<2x10112x128xf32, #tpu.memory_space<hbm>>, %arg7: memref<10112x128xf32, #tpu.memory_space<vmem_shared>>, %arg8: memref<40x128xi32, #tpu.memory_space<vmem>>, %arg9: memref<40x128xi32, #tpu.memory_space<vmem>>, %arg10: memref<128x128xf32, #tpu.memory_space<vmem>>, %arg11: memref<128x128xf32, #tpu.memory_space<vmem>>, %arg12: memref<!tpu.dma_semaphore, #tpu.memory_space<semaphore_mem>>, %arg13: memref<!tpu.dma_semaphore, #tpu.memory_space<semaphore_mem>>, %arg14: memref<!tpu.dma_semaphore, #tpu.memory_space<semaphore_mem>>, %arg15: memref<!tpu.dma_semaphore, #tpu.memory_space<semaphore_mem>>) attributes {dimension_semantics = [#tpu.dimension_semantics<core_parallel>, #tpu.dimension_semantics<subcore_parallel>], iteration_bounds = array<i64: 2, 16>, scalar_prefetch = 0 : i64, scratch_operands = 9 : i64, tpu.core_type = #tpu.core_type<sc_vector_subcore>, window_params = [{transform_indices = #map}, {transform_indices = #map1}, {transform_indices = #map1}, {transform_indices = #map}, {transform_indices = #map1}]} {
    %mul3A = arith.constant 2 : i32
    %mul3A_0 = arith.muli %arg1, %mul3A : i32
    %add3A = arith.addi %mul3A_0, %arg0 : i32
    %mul3A_1 = arith.constant 632 : i32
    %mul3A_2 = arith.muli %arg1, %mul3A_1 : i32
    "tpu.region"() ({
      %run_scoped3A_76 = tpu.sem_alloc : memref<!tpu.dma_semaphore, #tpu.memory_space<semaphore_mem>>
      %dma_start3A_77 = arith.constant 0 : i32
      %dma_start3A_78 = tpu.memref_slice %arg7[%mul3A_2, %dma_start3A_77] : memref<10112x128xf32, #tpu.memory_space<vmem_shared>> -> memref<632x128xf32, #tpu.memory_space<vmem_shared>>
      tpu.enqueue_dma source(%arg5 : memref<632x128xf32, #tpu.memory_space<hbm>>) target(%dma_start3A_78 : memref<632x128xf32, #tpu.memory_space<vmem_shared>>) target_semaphore(%run_scoped3A_76 : memref<!tpu.dma_semaphore, #tpu.memory_space<semaphore_mem>>)
      %dma_wait3A_79 = arith.constant 0 : i32
      %dma_wait3A_80 = tpu.memref_slice %arg7[%mul3A_2, %dma_wait3A_79] : memref<10112x128xf32, #tpu.memory_space<vmem_shared>> -> memref<632x128xf32, #tpu.memory_space<vmem_shared>>
      tpu.wait_dma2 semaphore(%run_scoped3A_76 : memref<!tpu.dma_semaphore, #tpu.memory_space<semaphore_mem>>) src(%arg5 : memref<632x128xf32, #tpu.memory_space<hbm>>) dst(%dma_wait3A_80 : memref<632x128xf32, #tpu.memory_space<vmem_shared>>)
      tpu.yield
    }) : () -> ()
    %barrier3A = arith.constant 0 : index
    tpu.barrier barrier_id(%barrier3A)
    "tpu.region"() ({
      %run_scoped3A_76 = tpu.sem_alloc : memref<!tpu.dma_semaphore, #tpu.memory_space<semaphore_mem>>
      %dma_start3A_77 = arith.constant 0 : i32
      %dma_start3A_78 = arith.constant 0 : i32
      %dma_start3A_79 = tpu.memref_slice %arg3[%add3A, %dma_start3A_77, %dma_start3A_78] : memref<32x80x128xi32, #tpu.memory_space<hbm>> -> memref<1x40x128xi32, #tpu.memory_space<hbm>>
      %dma_start3A_80 = tpu.memref_squeeze %dma_start3A_79 : memref<1x40x128xi32, #tpu.memory_space<hbm>> -> memref<40x128xi32, #tpu.memory_space<hbm>>
      %dma_start3A_81 = arith.constant 0 : i32
      %dma_start3A_82 = arith.constant 0 : i32
      %dma_start3A_83 = tpu.memref_slice %arg3[%add3A, %dma_start3A_81, %dma_start3A_82] : memref<32x80x128xi32, #tpu.memory_space<hbm>> -> memref<1x40x128xi32, #tpu.memory_space<hbm>>
      %dma_start3A_84 = tpu.memref_squeeze %dma_start3A_83 : memref<1x40x128xi32, #tpu.memory_space<hbm>> -> memref<40x128xi32, #tpu.memory_space<hbm>>
      tpu.enqueue_dma source(%dma_start3A_84 : memref<40x128xi32, #tpu.memory_space<hbm>>) target(%arg8 : memref<40x128xi32, #tpu.memory_space<vmem>>) target_semaphore(%run_scoped3A_76 : memref<!tpu.dma_semaphore, #tpu.memory_space<semaphore_mem>>)
      %dma_wait3A_85 = arith.constant 0 : i32
      %dma_wait3A_86 = arith.constant 0 : i32
      %dma_wait3A_87 = tpu.memref_slice %arg3[%add3A, %dma_wait3A_85, %dma_wait3A_86] : memref<32x80x128xi32, #tpu.memory_space<hbm>> -> memref<1x40x128xi32, #tpu.memory_space<hbm>>
      %dma_wait3A_88 = tpu.memref_squeeze %dma_wait3A_87 : memref<1x40x128xi32, #tpu.memory_space<hbm>> -> memref<40x128xi32, #tpu.memory_space<hbm>>
      %dma_wait3A_89 = arith.constant 0 : i32
      %dma_wait3A_90 = arith.constant 0 : i32
      %dma_wait3A_91 = tpu.memref_slice %arg3[%add3A, %dma_wait3A_89, %dma_wait3A_90] : memref<32x80x128xi32, #tpu.memory_space<hbm>> -> memref<1x40x128xi32, #tpu.memory_space<hbm>>
      %dma_wait3A_92 = tpu.memref_squeeze %dma_wait3A_91 : memref<1x40x128xi32, #tpu.memory_space<hbm>> -> memref<40x128xi32, #tpu.memory_space<hbm>>
      tpu.wait_dma2 semaphore(%run_scoped3A_76 : memref<!tpu.dma_semaphore, #tpu.memory_space<semaphore_mem>>) src(%dma_wait3A_92 : memref<40x128xi32, #tpu.memory_space<hbm>>) dst(%arg8 : memref<40x128xi32, #tpu.memory_space<vmem>>)
      tpu.yield
    }) : () -> ()
    "tpu.region"() ({
      %run_scoped3A_76 = tpu.sem_alloc : memref<!tpu.dma_semaphore, #tpu.memory_space<semaphore_mem>>
      %dma_start3A_77 = arith.constant 0 : i32
      %dma_start3A_78 = arith.constant 0 : i32
      %dma_start3A_79 = tpu.memref_slice %arg4[%add3A, %dma_start3A_77, %dma_start3A_78] : memref<32x80x128xi32, #tpu.memory_space<hbm>> -> memref<1x40x128xi32, #tpu.memory_space<hbm>>
      %dma_start3A_80 = tpu.memref_squeeze %dma_start3A_79 : memref<1x40x128xi32, #tpu.memory_space<hbm>> -> memref<40x128xi32, #tpu.memory_space<hbm>>
      %dma_start3A_81 = arith.constant 0 : i32
      %dma_start3A_82 = arith.constant 0 : i32
      %dma_start3A_83 = tpu.memref_slice %arg4[%add3A, %dma_start3A_81, %dma_start3A_82] : memref<32x80x128xi32, #tpu.memory_space<hbm>> -> memref<1x40x128xi32, #tpu.memory_space<hbm>>
      %dma_start3A_84 = tpu.memref_squeeze %dma_start3A_83 : memref<1x40x128xi32, #tpu.memory_space<hbm>> -> memref<40x128xi32, #tpu.memory_space<hbm>>
      tpu.enqueue_dma source(%dma_start3A_84 : memref<40x128xi32, #tpu.memory_space<hbm>>) target(%arg9 : memref<40x128xi32, #tpu.memory_space<vmem>>) target_semaphore(%run_scoped3A_76 : memref<!tpu.dma_semaphore, #tpu.memory_space<semaphore_mem>>)
      %dma_wait3A_85 = arith.constant 0 : i32
      %dma_wait3A_86 = arith.constant 0 : i32
      %dma_wait3A_87 = tpu.memref_slice %arg4[%add3A, %dma_wait3A_85, %dma_wait3A_86] : memref<32x80x128xi32, #tpu.memory_space<hbm>> -> memref<1x40x128xi32, #tpu.memory_space<hbm>>
      %dma_wait3A_88 = tpu.memref_squeeze %dma_wait3A_87 : memref<1x40x128xi32, #tpu.memory_space<hbm>> -> memref<40x128xi32, #tpu.memory_space<hbm>>
      %dma_wait3A_89 = arith.constant 0 : i32
      %dma_wait3A_90 = arith.constant 0 : i32
      %dma_wait3A_91 = tpu.memref_slice %arg4[%add3A, %dma_wait3A_89, %dma_wait3A_90] : memref<32x80x128xi32, #tpu.memory_space<hbm>> -> memref<1x40x128xi32, #tpu.memory_space<hbm>>
      %dma_wait3A_92 = tpu.memref_squeeze %dma_wait3A_91 : memref<1x40x128xi32, #tpu.memory_space<hbm>> -> memref<40x128xi32, #tpu.memory_space<hbm>>
      tpu.wait_dma2 semaphore(%run_scoped3A_76 : memref<!tpu.dma_semaphore, #tpu.memory_space<semaphore_mem>>) src(%dma_wait3A_92 : memref<40x128xi32, #tpu.memory_space<hbm>>) dst(%arg9 : memref<40x128xi32, #tpu.memory_space<vmem>>)
      tpu.yield
    }) : () -> ()
    %dma_start3A = arith.constant 0 : i32
    %dma_start3A_3 = arith.constant 0 : i32
    %dma_start3A_4 = tpu.memref_slice %arg8[%dma_start3A, %dma_start3A_3] : memref<40x128xi32, #tpu.memory_space<vmem>> -> memref<1x128xi32, #tpu.memory_space<vmem>>
    %dma_start3A_5 = tpu.memref_squeeze %dma_start3A_4 : memref<1x128xi32, #tpu.memory_space<vmem>> -> memref<128xi32, #tpu.memory_space<vmem>>
    %dma_start3A_6 = arith.constant 0 : i32
    %dma_start3A_7 = arith.constant 0 : i32
    %dma_start3A_8 = tpu.memref_slice %arg2[%dma_start3A_6, %dma_start3A_7] : memref<10000x128xf32, #tpu.memory_space<hbm>> -> memref<10000x128xf32, #tpu.memory_space<hbm>>
    tpu.enqueue_indirect_dma source(%dma_start3A_8 : memref<10000x128xf32, #tpu.memory_space<hbm>>) target(%arg10 : memref<128x128xf32, #tpu.memory_space<vmem>>) offsets(%dma_start3A_5 : memref<128xi32, #tpu.memory_space<vmem>>) semaphore(%arg12 : memref<!tpu.dma_semaphore, #tpu.memory_space<semaphore_mem>>)
    %scan3A = arith.constant 0 : i32
    %scan3A_9 = arith.constant 0 : i32
    %scan3A_10 = arith.constant 19 : i32
    %scan3A_11 = arith.addi %scan3A_9, %scan3A_10 : i32
    %scan3A_12 = arith.constant 1 : i32
    scf.for %scan3A_76 = %scan3A_9 to %scan3A_11 step %scan3A_12  : i32 {
      %mul3A_77 = arith.constant 2 : i32
      %mul3A_78 = arith.muli %scan3A_76, %mul3A_77 : i32
      %add3A_79 = arith.constant 1 : i32
      %add3A_80 = arith.addi %mul3A_78, %add3A_79 : i32
      %dma_start3A_81 = arith.constant 0 : i32
      %dma_start3A_82 = tpu.memref_slice %arg8[%add3A_80, %dma_start3A_81] : memref<40x128xi32, #tpu.memory_space<vmem>> -> memref<1x128xi32, #tpu.memory_space<vmem>>
      %dma_start3A_83 = tpu.memref_squeeze %dma_start3A_82 : memref<1x128xi32, #tpu.memory_space<vmem>> -> memref<128xi32, #tpu.memory_space<vmem>>
      %dma_start3A_84 = arith.constant 0 : i32
      %dma_start3A_85 = arith.constant 0 : i32
      %dma_start3A_86 = tpu.memref_slice %arg2[%dma_start3A_84, %dma_start3A_85] : memref<10000x128xf32, #tpu.memory_space<hbm>> -> memref<10000x128xf32, #tpu.memory_space<hbm>>
      tpu.enqueue_indirect_dma source(%dma_start3A_86 : memref<10000x128xf32, #tpu.memory_space<hbm>>) target(%arg11 : memref<128x128xf32, #tpu.memory_space<vmem>>) offsets(%dma_start3A_83 : memref<128xi32, #tpu.memory_space<vmem>>) semaphore(%arg13 : memref<!tpu.dma_semaphore, #tpu.memory_space<semaphore_mem>>)
      %dma_wait3A_87 = arith.constant 0 : i32
      %dma_wait3A_88 = tpu.memref_slice %arg8[%mul3A_78, %dma_wait3A_87] : memref<40x128xi32, #tpu.memory_space<vmem>> -> memref<1x128xi32, #tpu.memory_space<vmem>>
      %dma_wait3A_89 = tpu.memref_squeeze %dma_wait3A_88 : memref<1x128xi32, #tpu.memory_space<vmem>> -> memref<128xi32, #tpu.memory_space<vmem>>
      %dma_wait3A_90 = arith.constant 0 : i32
      %dma_wait3A_91 = arith.constant 0 : i32
      %dma_wait3A_92 = tpu.memref_slice %arg2[%dma_wait3A_90, %dma_wait3A_91] : memref<10000x128xf32, #tpu.memory_space<hbm>> -> memref<10000x128xf32, #tpu.memory_space<hbm>>
      tpu.wait_indirect_dma semaphore(%arg12 : memref<!tpu.dma_semaphore, #tpu.memory_space<semaphore_mem>>) src(%dma_wait3A_92 : memref<10000x128xf32, #tpu.memory_space<hbm>>) dst(%arg10 : memref<128x128xf32, #tpu.memory_space<vmem>>)
      "tpu.region"() ({
        %run_scoped3A_111 = tpu.sem_alloc : memref<!tpu.dma_semaphore, #tpu.memory_space<semaphore_mem>>
        %dma_start3A_112 = arith.constant 0 : i32
        %dma_start3A_113 = tpu.memref_slice %arg9[%mul3A_78, %dma_start3A_112] : memref<40x128xi32, #tpu.memory_space<vmem>> -> memref<1x128xi32, #tpu.memory_space<vmem>>
        %dma_start3A_114 = tpu.memref_squeeze %dma_start3A_113 : memref<1x128xi32, #tpu.memory_space<vmem>> -> memref<128xi32, #tpu.memory_space<vmem>>
        %dma_start3A_115 = arith.constant 0 : i32
        %dma_start3A_116 = arith.constant 0 : i32
        %dma_start3A_117 = tpu.memref_slice %arg7[%dma_start3A_115, %dma_start3A_116] : memref<10112x128xf32, #tpu.memory_space<vmem_shared>> -> memref<10112x128xf32, #tpu.memory_space<vmem_shared>>
        tpu.enqueue_indirect_dma source(%arg10 : memref<128x128xf32, #tpu.memory_space<vmem>>) target(%dma_start3A_117 : memref<10112x128xf32, #tpu.memory_space<vmem_shared>>) offsets(%dma_start3A_114 : memref<128xi32, #tpu.memory_space<vmem>>) semaphore(%run_scoped3A_111 : memref<!tpu.dma_semaphore, #tpu.memory_space<semaphore_mem>>) {add = true}
        %dma_wait3A_118 = arith.constant 0 : i32
        %dma_wait3A_119 = tpu.memref_slice %arg9[%mul3A_78, %dma_wait3A_118] : memref<40x128xi32, #tpu.memory_space<vmem>> -> memref<1x128xi32, #tpu.memory_space<vmem>>
        %dma_wait3A_120 = tpu.memref_squeeze %dma_wait3A_119 : memref<1x128xi32, #tpu.memory_space<vmem>> -> memref<128xi32, #tpu.memory_space<vmem>>
        %dma_wait3A_121 = arith.constant 0 : i32
        %dma_wait3A_122 = arith.constant 0 : i32
        %dma_wait3A_123 = tpu.memref_slice %arg7[%dma_wait3A_121, %dma_wait3A_122] : memref<10112x128xf32, #tpu.memory_space<vmem_shared>> -> memref<10112x128xf32, #tpu.memory_space<vmem_shared>>
        tpu.wait_indirect_dma semaphore(%run_scoped3A_111 : memref<!tpu.dma_semaphore, #tpu.memory_space<semaphore_mem>>) src(%arg10 : memref<128x128xf32, #tpu.memory_space<vmem>>) dst(%dma_wait3A_123 : memref<10112x128xf32, #tpu.memory_space<vmem_shared>>)
        tpu.yield
      }) : () -> ()
      %add3A_93 = arith.constant 2 : i32
      %add3A_94 = arith.addi %mul3A_78, %add3A_93 : i32
      %dma_start3A_95 = arith.constant 0 : i32
      %dma_start3A_96 = tpu.memref_slice %arg8[%add3A_94, %dma_start3A_95] : memref<40x128xi32, #tpu.memory_space<vmem>> -> memref<1x128xi32, #tpu.memory_space<vmem>>
      %dma_start3A_97 = tpu.memref_squeeze %dma_start3A_96 : memref<1x128xi32, #tpu.memory_space<vmem>> -> memref<128xi32, #tpu.memory_space<vmem>>
      %dma_start3A_98 = arith.constant 0 : i32
      %dma_start3A_99 = arith.constant 0 : i32
      %dma_start3A_100 = tpu.memref_slice %arg2[%dma_start3A_98, %dma_start3A_99] : memref<10000x128xf32, #tpu.memory_space<hbm>> -> memref<10000x128xf32, #tpu.memory_space<hbm>>
      tpu.enqueue_indirect_dma source(%dma_start3A_100 : memref<10000x128xf32, #tpu.memory_space<hbm>>) target(%arg10 : memref<128x128xf32, #tpu.memory_space<vmem>>) offsets(%dma_start3A_97 : memref<128xi32, #tpu.memory_space<vmem>>) semaphore(%arg12 : memref<!tpu.dma_semaphore, #tpu.memory_space<semaphore_mem>>)
      %add3A_101 = arith.constant 1 : i32
      %add3A_102 = arith.addi %mul3A_78, %add3A_101 : i32
      %dma_wait3A_103 = arith.constant 0 : i32
      %dma_wait3A_104 = tpu.memref_slice %arg8[%add3A_102, %dma_wait3A_103] : memref<40x128xi32, #tpu.memory_space<vmem>> -> memref<1x128xi32, #tpu.memory_space<vmem>>
      %dma_wait3A_105 = tpu.memref_squeeze %dma_wait3A_104 : memref<1x128xi32, #tpu.memory_space<vmem>> -> memref<128xi32, #tpu.memory_space<vmem>>
      %dma_wait3A_106 = arith.constant 0 : i32
      %dma_wait3A_107 = arith.constant 0 : i32
      %dma_wait3A_108 = tpu.memref_slice %arg2[%dma_wait3A_106, %dma_wait3A_107] : memref<10000x128xf32, #tpu.memory_space<hbm>> -> memref<10000x128xf32, #tpu.memory_space<hbm>>
      tpu.wait_indirect_dma semaphore(%arg13 : memref<!tpu.dma_semaphore, #tpu.memory_space<semaphore_mem>>) src(%dma_wait3A_108 : memref<10000x128xf32, #tpu.memory_space<hbm>>) dst(%arg11 : memref<128x128xf32, #tpu.memory_space<vmem>>)
      %add3A_109 = arith.constant 1 : i32
      %add3A_110 = arith.addi %mul3A_78, %add3A_109 : i32
      "tpu.region"() ({
        %run_scoped3A_111 = tpu.sem_alloc : memref<!tpu.dma_semaphore, #tpu.memory_space<semaphore_mem>>
        %dma_start3A_112 = arith.constant 0 : i32
        %dma_start3A_113 = tpu.memref_slice %arg9[%add3A_110, %dma_start3A_112] : memref<40x128xi32, #tpu.memory_space<vmem>> -> memref<1x128xi32, #tpu.memory_space<vmem>>
        %dma_start3A_114 = tpu.memref_squeeze %dma_start3A_113 : memref<1x128xi32, #tpu.memory_space<vmem>> -> memref<128xi32, #tpu.memory_space<vmem>>
        %dma_start3A_115 = arith.constant 0 : i32
        %dma_start3A_116 = arith.constant 0 : i32
        %dma_start3A_117 = tpu.memref_slice %arg7[%dma_start3A_115, %dma_start3A_116] : memref<10112x128xf32, #tpu.memory_space<vmem_shared>> -> memref<10112x128xf32, #tpu.memory_space<vmem_shared>>
        tpu.enqueue_indirect_dma source(%arg11 : memref<128x128xf32, #tpu.memory_space<vmem>>) target(%dma_start3A_117 : memref<10112x128xf32, #tpu.memory_space<vmem_shared>>) offsets(%dma_start3A_114 : memref<128xi32, #tpu.memory_space<vmem>>) semaphore(%run_scoped3A_111 : memref<!tpu.dma_semaphore, #tpu.memory_space<semaphore_mem>>) {add = true}
        %dma_wait3A_118 = arith.constant 0 : i32
        %dma_wait3A_119 = tpu.memref_slice %arg9[%add3A_110, %dma_wait3A_118] : memref<40x128xi32, #tpu.memory_space<vmem>> -> memref<1x128xi32, #tpu.memory_space<vmem>>
        %dma_wait3A_120 = tpu.memref_squeeze %dma_wait3A_119 : memref<1x128xi32, #tpu.memory_space<vmem>> -> memref<128xi32, #tpu.memory_space<vmem>>
        %dma_wait3A_121 = arith.constant 0 : i32
        %dma_wait3A_122 = arith.constant 0 : i32
        %dma_wait3A_123 = tpu.memref_slice %arg7[%dma_wait3A_121, %dma_wait3A_122] : memref<10112x128xf32, #tpu.memory_space<vmem_shared>> -> memref<10112x128xf32, #tpu.memory_space<vmem_shared>>
        tpu.wait_indirect_dma semaphore(%run_scoped3A_111 : memref<!tpu.dma_semaphore, #tpu.memory_space<semaphore_mem>>) src(%arg11 : memref<128x128xf32, #tpu.memory_space<vmem>>) dst(%dma_wait3A_123 : memref<10112x128xf32, #tpu.memory_space<vmem_shared>>)
        tpu.yield
      }) : () -> ()
    }
    %scan3A_13 = arith.constant 19 : i32
    %dma_start3A_14 = arith.constant 39 : i32
    %dma_start3A_15 = arith.constant 0 : i32
    %dma_start3A_16 = tpu.memref_slice %arg8[%dma_start3A_14, %dma_start3A_15] : memref<40x128xi32, #tpu.memory_space<vmem>> -> memref<1x128xi32, #tpu.memory_space<vmem>>
    %dma_start3A_17 = tpu.memref_squeeze %dma_start3A_16 : memref<1x128xi32, #tpu.memory_space<vmem>> -> memref<128xi32, #tpu.memory_space<vmem>>
    %dma_start3A_18 = arith.constant 0 : i32
    %dma_start3A_19 = arith.constant 0 : i32
    %dma_start3A_20 = tpu.memref_slice %arg2[%dma_start3A_18, %dma_start3A_19] : memref<10000x128xf32, #tpu.memory_space<hbm>> -> memref<10000x128xf32, #tpu.memory_space<hbm>>
    tpu.enqueue_indirect_dma source(%dma_start3A_20 : memref<10000x128xf32, #tpu.memory_space<hbm>>) target(%arg11 : memref<128x128xf32, #tpu.memory_space<vmem>>) offsets(%dma_start3A_17 : memref<128xi32, #tpu.memory_space<vmem>>) semaphore(%arg13 : memref<!tpu.dma_semaphore, #tpu.memory_space<semaphore_mem>>)
    %dma_wait3A = arith.constant 38 : i32
    %dma_wait3A_21 = arith.constant 0 : i32
    %dma_wait3A_22 = tpu.memref_slice %arg8[%dma_wait3A, %dma_wait3A_21] : memref<40x128xi32, #tpu.memory_space<vmem>> -> memref<1x128xi32, #tpu.memory_space<vmem>>
    %dma_wait3A_23 = tpu.memref_squeeze %dma_wait3A_22 : memref<1x128xi32, #tpu.memory_space<vmem>> -> memref<128xi32, #tpu.memory_space<vmem>>
    %dma_wait3A_24 = arith.constant 0 : i32
    %dma_wait3A_25 = arith.constant 0 : i32
    %dma_wait3A_26 = tpu.memref_slice %arg2[%dma_wait3A_24, %dma_wait3A_25] : memref<10000x128xf32, #tpu.memory_space<hbm>> -> memref<10000x128xf32, #tpu.memory_space<hbm>>
    tpu.wait_indirect_dma semaphore(%arg12 : memref<!tpu.dma_semaphore, #tpu.memory_space<semaphore_mem>>) src(%dma_wait3A_26 : memref<10000x128xf32, #tpu.memory_space<hbm>>) dst(%arg10 : memref<128x128xf32, #tpu.memory_space<vmem>>)
    %run_scoped3A = arith.constant 38 : i32
    "tpu.region"() ({
      %run_scoped3A_76 = tpu.sem_alloc : memref<!tpu.dma_semaphore, #tpu.memory_space<semaphore_mem>>
      %dma_start3A_77 = arith.constant 0 : i32
      %dma_start3A_78 = tpu.memref_slice %arg9[%run_scoped3A, %dma_start3A_77] : memref<40x128xi32, #tpu.memory_space<vmem>> -> memref<1x128xi32, #tpu.memory_space<vmem>>
      %dma_start3A_79 = tpu.memref_squeeze %dma_start3A_78 : memref<1x128xi32, #tpu.memory_space<vmem>> -> memref<128xi32, #tpu.memory_space<vmem>>
      %dma_start3A_80 = arith.constant 0 : i32
      %dma_start3A_81 = arith.constant 0 : i32
      %dma_start3A_82 = tpu.memref_slice %arg7[%dma_start3A_80, %dma_start3A_81] : memref<10112x128xf32, #tpu.memory_space<vmem_shared>> -> memref<10112x128xf32, #tpu.memory_space<vmem_shared>>
      tpu.enqueue_indirect_dma source(%arg10 : memref<128x128xf32, #tpu.memory_space<vmem>>) target(%dma_start3A_82 : memref<10112x128xf32, #tpu.memory_space<vmem_shared>>) offsets(%dma_start3A_79 : memref<128xi32, #tpu.memory_space<vmem>>) semaphore(%run_scoped3A_76 : memref<!tpu.dma_semaphore, #tpu.memory_space<semaphore_mem>>) {add = true}
      %dma_wait3A_83 = arith.constant 0 : i32
      %dma_wait3A_84 = tpu.memref_slice %arg9[%run_scoped3A, %dma_wait3A_83] : memref<40x128xi32, #tpu.memory_space<vmem>> -> memref<1x128xi32, #tpu.memory_space<vmem>>
      %dma_wait3A_85 = tpu.memref_squeeze %dma_wait3A_84 : memref<1x128xi32, #tpu.memory_space<vmem>> -> memref<128xi32, #tpu.memory_space<vmem>>
      %dma_wait3A_86 = arith.constant 0 : i32
      %dma_wait3A_87 = arith.constant 0 : i32
      %dma_wait3A_88 = tpu.memref_slice %arg7[%dma_wait3A_86, %dma_wait3A_87] : memref<10112x128xf32, #tpu.memory_space<vmem_shared>> -> memref<10112x128xf32, #tpu.memory_space<vmem_shared>>
      tpu.wait_indirect_dma semaphore(%run_scoped3A_76 : memref<!tpu.dma_semaphore, #tpu.memory_space<semaphore_mem>>) src(%arg10 : memref<128x128xf32, #tpu.memory_space<vmem>>) dst(%dma_wait3A_88 : memref<10112x128xf32, #tpu.memory_space<vmem_shared>>)
      tpu.yield
    }) : () -> ()
    %dma_wait3A_27 = arith.constant 39 : i32
    %dma_wait3A_28 = arith.constant 0 : i32
    %dma_wait3A_29 = tpu.memref_slice %arg8[%dma_wait3A_27, %dma_wait3A_28] : memref<40x128xi32, #tpu.memory_space<vmem>> -> memref<1x128xi32, #tpu.memory_space<vmem>>
    %dma_wait3A_30 = tpu.memref_squeeze %dma_wait3A_29 : memref<1x128xi32, #tpu.memory_space<vmem>> -> memref<128xi32, #tpu.memory_space<vmem>>
    %dma_wait3A_31 = arith.constant 0 : i32
    %dma_wait3A_32 = arith.constant 0 : i32
    %dma_wait3A_33 = tpu.memref_slice %arg2[%dma_wait3A_31, %dma_wait3A_32] : memref<10000x128xf32, #tpu.memory_space<hbm>> -> memref<10000x128xf32, #tpu.memory_space<hbm>>
    tpu.wait_indirect_dma semaphore(%arg13 : memref<!tpu.dma_semaphore, #tpu.memory_space<semaphore_mem>>) src(%dma_wait3A_33 : memref<10000x128xf32, #tpu.memory_space<hbm>>) dst(%arg11 : memref<128x128xf32, #tpu.memory_space<vmem>>)
    %run_scoped3A_34 = arith.constant 39 : i32
    "tpu.region"() ({
      %run_scoped3A_76 = tpu.sem_alloc : memref<!tpu.dma_semaphore, #tpu.memory_space<semaphore_mem>>
      %dma_start3A_77 = arith.constant 0 : i32
      %dma_start3A_78 = tpu.memref_slice %arg9[%run_scoped3A_34, %dma_start3A_77] : memref<40x128xi32, #tpu.memory_space<vmem>> -> memref<1x128xi32, #tpu.memory_space<vmem>>
      %dma_start3A_79 = tpu.memref_squeeze %dma_start3A_78 : memref<1x128xi32, #tpu.memory_space<vmem>> -> memref<128xi32, #tpu.memory_space<vmem>>
      %dma_start3A_80 = arith.constant 0 : i32
      %dma_start3A_81 = arith.constant 0 : i32
      %dma_start3A_82 = tpu.memref_slice %arg7[%dma_start3A_80, %dma_start3A_81] : memref<10112x128xf32, #tpu.memory_space<vmem_shared>> -> memref<10112x128xf32, #tpu.memory_space<vmem_shared>>
      tpu.enqueue_indirect_dma source(%arg11 : memref<128x128xf32, #tpu.memory_space<vmem>>) target(%dma_start3A_82 : memref<10112x128xf32, #tpu.memory_space<vmem_shared>>) offsets(%dma_start3A_79 : memref<128xi32, #tpu.memory_space<vmem>>) semaphore(%run_scoped3A_76 : memref<!tpu.dma_semaphore, #tpu.memory_space<semaphore_mem>>) {add = true}
      %dma_wait3A_83 = arith.constant 0 : i32
      %dma_wait3A_84 = tpu.memref_slice %arg9[%run_scoped3A_34, %dma_wait3A_83] : memref<40x128xi32, #tpu.memory_space<vmem>> -> memref<1x128xi32, #tpu.memory_space<vmem>>
      %dma_wait3A_85 = tpu.memref_squeeze %dma_wait3A_84 : memref<1x128xi32, #tpu.memory_space<vmem>> -> memref<128xi32, #tpu.memory_space<vmem>>
      %dma_wait3A_86 = arith.constant 0 : i32
      %dma_wait3A_87 = arith.constant 0 : i32
      %dma_wait3A_88 = tpu.memref_slice %arg7[%dma_wait3A_86, %dma_wait3A_87] : memref<10112x128xf32, #tpu.memory_space<vmem_shared>> -> memref<10112x128xf32, #tpu.memory_space<vmem_shared>>
      tpu.wait_indirect_dma semaphore(%run_scoped3A_76 : memref<!tpu.dma_semaphore, #tpu.memory_space<semaphore_mem>>) src(%arg11 : memref<128x128xf32, #tpu.memory_space<vmem>>) dst(%dma_wait3A_88 : memref<10112x128xf32, #tpu.memory_space<vmem_shared>>)
      tpu.yield
    }) : () -> ()
    "tpu.region"() ({
      %run_scoped3A_76 = tpu.sem_alloc : memref<!tpu.dma_semaphore, #tpu.memory_space<semaphore_mem>>
      %dma_start3A_77 = arith.constant 40 : i32
      %dma_start3A_78 = arith.constant 0 : i32
      %dma_start3A_79 = tpu.memref_slice %arg3[%add3A, %dma_start3A_77, %dma_start3A_78] : memref<32x80x128xi32, #tpu.memory_space<hbm>> -> memref<1x40x128xi32, #tpu.memory_space<hbm>>
      %dma_start3A_80 = tpu.memref_squeeze %dma_start3A_79 : memref<1x40x128xi32, #tpu.memory_space<hbm>> -> memref<40x128xi32, #tpu.memory_space<hbm>>
      %dma_start3A_81 = arith.constant 40 : i32
      %dma_start3A_82 = arith.constant 0 : i32
      %dma_start3A_83 = tpu.memref_slice %arg3[%add3A, %dma_start3A_81, %dma_start3A_82] : memref<32x80x128xi32, #tpu.memory_space<hbm>> -> memref<1x40x128xi32, #tpu.memory_space<hbm>>
      %dma_start3A_84 = tpu.memref_squeeze %dma_start3A_83 : memref<1x40x128xi32, #tpu.memory_space<hbm>> -> memref<40x128xi32, #tpu.memory_space<hbm>>
      tpu.enqueue_dma source(%dma_start3A_84 : memref<40x128xi32, #tpu.memory_space<hbm>>) target(%arg8 : memref<40x128xi32, #tpu.memory_space<vmem>>) target_semaphore(%run_scoped3A_76 : memref<!tpu.dma_semaphore, #tpu.memory_space<semaphore_mem>>)
      %dma_wait3A_85 = arith.constant 40 : i32
      %dma_wait3A_86 = arith.constant 0 : i32
      %dma_wait3A_87 = tpu.memref_slice %arg3[%add3A, %dma_wait3A_85, %dma_wait3A_86] : memref<32x80x128xi32, #tpu.memory_space<hbm>> -> memref<1x40x128xi32, #tpu.memory_space<hbm>>
      %dma_wait3A_88 = tpu.memref_squeeze %dma_wait3A_87 : memref<1x40x128xi32, #tpu.memory_space<hbm>> -> memref<40x128xi32, #tpu.memory_space<hbm>>
      %dma_wait3A_89 = arith.constant 40 : i32
      %dma_wait3A_90 = arith.constant 0 : i32
      %dma_wait3A_91 = tpu.memref_slice %arg3[%add3A, %dma_wait3A_89, %dma_wait3A_90] : memref<32x80x128xi32, #tpu.memory_space<hbm>> -> memref<1x40x128xi32, #tpu.memory_space<hbm>>
      %dma_wait3A_92 = tpu.memref_squeeze %dma_wait3A_91 : memref<1x40x128xi32, #tpu.memory_space<hbm>> -> memref<40x128xi32, #tpu.memory_space<hbm>>
      tpu.wait_dma2 semaphore(%run_scoped3A_76 : memref<!tpu.dma_semaphore, #tpu.memory_space<semaphore_mem>>) src(%dma_wait3A_92 : memref<40x128xi32, #tpu.memory_space<hbm>>) dst(%arg8 : memref<40x128xi32, #tpu.memory_space<vmem>>)
      tpu.yield
    }) : () -> ()
    "tpu.region"() ({
      %run_scoped3A_76 = tpu.sem_alloc : memref<!tpu.dma_semaphore, #tpu.memory_space<semaphore_mem>>
      %dma_start3A_77 = arith.constant 40 : i32
      %dma_start3A_78 = arith.constant 0 : i32
      %dma_start3A_79 = tpu.memref_slice %arg4[%add3A, %dma_start3A_77, %dma_start3A_78] : memref<32x80x128xi32, #tpu.memory_space<hbm>> -> memref<1x40x128xi32, #tpu.memory_space<hbm>>
      %dma_start3A_80 = tpu.memref_squeeze %dma_start3A_79 : memref<1x40x128xi32, #tpu.memory_space<hbm>> -> memref<40x128xi32, #tpu.memory_space<hbm>>
      %dma_start3A_81 = arith.constant 40 : i32
      %dma_start3A_82 = arith.constant 0 : i32
      %dma_start3A_83 = tpu.memref_slice %arg4[%add3A, %dma_start3A_81, %dma_start3A_82] : memref<32x80x128xi32, #tpu.memory_space<hbm>> -> memref<1x40x128xi32, #tpu.memory_space<hbm>>
      %dma_start3A_84 = tpu.memref_squeeze %dma_start3A_83 : memref<1x40x128xi32, #tpu.memory_space<hbm>> -> memref<40x128xi32, #tpu.memory_space<hbm>>
      tpu.enqueue_dma source(%dma_start3A_84 : memref<40x128xi32, #tpu.memory_space<hbm>>) target(%arg9 : memref<40x128xi32, #tpu.memory_space<vmem>>) target_semaphore(%run_scoped3A_76 : memref<!tpu.dma_semaphore, #tpu.memory_space<semaphore_mem>>)
      %dma_wait3A_85 = arith.constant 40 : i32
      %dma_wait3A_86 = arith.constant 0 : i32
      %dma_wait3A_87 = tpu.memref_slice %arg4[%add3A, %dma_wait3A_85, %dma_wait3A_86] : memref<32x80x128xi32, #tpu.memory_space<hbm>> -> memref<1x40x128xi32, #tpu.memory_space<hbm>>
      %dma_wait3A_88 = tpu.memref_squeeze %dma_wait3A_87 : memref<1x40x128xi32, #tpu.memory_space<hbm>> -> memref<40x128xi32, #tpu.memory_space<hbm>>
      %dma_wait3A_89 = arith.constant 40 : i32
      %dma_wait3A_90 = arith.constant 0 : i32
      %dma_wait3A_91 = tpu.memref_slice %arg4[%add3A, %dma_wait3A_89, %dma_wait3A_90] : memref<32x80x128xi32, #tpu.memory_space<hbm>> -> memref<1x40x128xi32, #tpu.memory_space<hbm>>
      %dma_wait3A_92 = tpu.memref_squeeze %dma_wait3A_91 : memref<1x40x128xi32, #tpu.memory_space<hbm>> -> memref<40x128xi32, #tpu.memory_space<hbm>>
      tpu.wait_dma2 semaphore(%run_scoped3A_76 : memref<!tpu.dma_semaphore, #tpu.memory_space<semaphore_mem>>) src(%dma_wait3A_92 : memref<40x128xi32, #tpu.memory_space<hbm>>) dst(%arg9 : memref<40x128xi32, #tpu.memory_space<vmem>>)
      tpu.yield
    }) : () -> ()
    %dma_start3A_35 = arith.constant 0 : i32
    %dma_start3A_36 = arith.constant 0 : i32
    %dma_start3A_37 = tpu.memref_slice %arg8[%dma_start3A_35, %dma_start3A_36] : memref<40x128xi32, #tpu.memory_space<vmem>> -> memref<1x128xi32, #tpu.memory_space<vmem>>
    %dma_start3A_38 = tpu.memref_squeeze %dma_start3A_37 : memref<1x128xi32, #tpu.memory_space<vmem>> -> memref<128xi32, #tpu.memory_space<vmem>>
    %dma_start3A_39 = arith.constant 0 : i32
    %dma_start3A_40 = arith.constant 0 : i32
    %dma_start3A_41 = tpu.memref_slice %arg2[%dma_start3A_39, %dma_start3A_40] : memref<10000x128xf32, #tpu.memory_space<hbm>> -> memref<10000x128xf32, #tpu.memory_space<hbm>>
    tpu.enqueue_indirect_dma source(%dma_start3A_41 : memref<10000x128xf32, #tpu.memory_space<hbm>>) target(%arg10 : memref<128x128xf32, #tpu.memory_space<vmem>>) offsets(%dma_start3A_38 : memref<128xi32, #tpu.memory_space<vmem>>) semaphore(%arg12 : memref<!tpu.dma_semaphore, #tpu.memory_space<semaphore_mem>>)
    %scan3A_42 = arith.constant 0 : i32
    %scan3A_43 = arith.constant 0 : i32
    %scan3A_44 = arith.constant 19 : i32
    %scan3A_45 = arith.addi %scan3A_43, %scan3A_44 : i32
    %scan3A_46 = arith.constant 1 : i32
    scf.for %scan3A_76 = %scan3A_43 to %scan3A_45 step %scan3A_46  : i32 {
      %mul3A_77 = arith.constant 2 : i32
      %mul3A_78 = arith.muli %scan3A_76, %mul3A_77 : i32
      %add3A_79 = arith.constant 1 : i32
      %add3A_80 = arith.addi %mul3A_78, %add3A_79 : i32
      %dma_start3A_81 = arith.constant 0 : i32
      %dma_start3A_82 = tpu.memref_slice %arg8[%add3A_80, %dma_start3A_81] : memref<40x128xi32, #tpu.memory_space<vmem>> -> memref<1x128xi32, #tpu.memory_space<vmem>>
      %dma_start3A_83 = tpu.memref_squeeze %dma_start3A_82 : memref<1x128xi32, #tpu.memory_space<vmem>> -> memref<128xi32, #tpu.memory_space<vmem>>
      %dma_start3A_84 = arith.constant 0 : i32
      %dma_start3A_85 = arith.constant 0 : i32
      %dma_start3A_86 = tpu.memref_slice %arg2[%dma_start3A_84, %dma_start3A_85] : memref<10000x128xf32, #tpu.memory_space<hbm>> -> memref<10000x128xf32, #tpu.memory_space<hbm>>
      tpu.enqueue_indirect_dma source(%dma_start3A_86 : memref<10000x128xf32, #tpu.memory_space<hbm>>) target(%arg11 : memref<128x128xf32, #tpu.memory_space<vmem>>) offsets(%dma_start3A_83 : memref<128xi32, #tpu.memory_space<vmem>>) semaphore(%arg13 : memref<!tpu.dma_semaphore, #tpu.memory_space<semaphore_mem>>)
      %dma_wait3A_87 = arith.constant 0 : i32
      %dma_wait3A_88 = tpu.memref_slice %arg8[%mul3A_78, %dma_wait3A_87] : memref<40x128xi32, #tpu.memory_space<vmem>> -> memref<1x128xi32, #tpu.memory_space<vmem>>
      %dma_wait3A_89 = tpu.memref_squeeze %dma_wait3A_88 : memref<1x128xi32, #tpu.memory_space<vmem>> -> memref<128xi32, #tpu.memory_space<vmem>>
      %dma_wait3A_90 = arith.constant 0 : i32
      %dma_wait3A_91 = arith.constant 0 : i32
      %dma_wait3A_92 = tpu.memref_slice %arg2[%dma_wait3A_90, %dma_wait3A_91] : memref<10000x128xf32, #tpu.memory_space<hbm>> -> memref<10000x128xf32, #tpu.memory_space<hbm>>
      tpu.wait_indirect_dma semaphore(%arg12 : memref<!tpu.dma_semaphore, #tpu.memory_space<semaphore_mem>>) src(%dma_wait3A_92 : memref<10000x128xf32, #tpu.memory_space<hbm>>) dst(%arg10 : memref<128x128xf32, #tpu.memory_space<vmem>>)
      "tpu.region"() ({
        %run_scoped3A_111 = tpu.sem_alloc : memref<!tpu.dma_semaphore, #tpu.memory_space<semaphore_mem>>
        %dma_start3A_112 = arith.constant 0 : i32
        %dma_start3A_113 = tpu.memref_slice %arg9[%mul3A_78, %dma_start3A_112] : memref<40x128xi32, #tpu.memory_space<vmem>> -> memref<1x128xi32, #tpu.memory_space<vmem>>
        %dma_start3A_114 = tpu.memref_squeeze %dma_start3A_113 : memref<1x128xi32, #tpu.memory_space<vmem>> -> memref<128xi32, #tpu.memory_space<vmem>>
        %dma_start3A_115 = arith.constant 0 : i32
        %dma_start3A_116 = arith.constant 0 : i32
        %dma_start3A_117 = tpu.memref_slice %arg7[%dma_start3A_115, %dma_start3A_116] : memref<10112x128xf32, #tpu.memory_space<vmem_shared>> -> memref<10112x128xf32, #tpu.memory_space<vmem_shared>>
        tpu.enqueue_indirect_dma source(%arg10 : memref<128x128xf32, #tpu.memory_space<vmem>>) target(%dma_start3A_117 : memref<10112x128xf32, #tpu.memory_space<vmem_shared>>) offsets(%dma_start3A_114 : memref<128xi32, #tpu.memory_space<vmem>>) semaphore(%run_scoped3A_111 : memref<!tpu.dma_semaphore, #tpu.memory_space<semaphore_mem>>) {add = true}
        %dma_wait3A_118 = arith.constant 0 : i32
        %dma_wait3A_119 = tpu.memref_slice %arg9[%mul3A_78, %dma_wait3A_118] : memref<40x128xi32, #tpu.memory_space<vmem>> -> memref<1x128xi32, #tpu.memory_space<vmem>>
        %dma_wait3A_120 = tpu.memref_squeeze %dma_wait3A_119 : memref<1x128xi32, #tpu.memory_space<vmem>> -> memref<128xi32, #tpu.memory_space<vmem>>
        %dma_wait3A_121 = arith.constant 0 : i32
        %dma_wait3A_122 = arith.constant 0 : i32
        %dma_wait3A_123 = tpu.memref_slice %arg7[%dma_wait3A_121, %dma_wait3A_122] : memref<10112x128xf32, #tpu.memory_space<vmem_shared>> -> memref<10112x128xf32, #tpu.memory_space<vmem_shared>>
        tpu.wait_indirect_dma semaphore(%run_scoped3A_111 : memref<!tpu.dma_semaphore, #tpu.memory_space<semaphore_mem>>) src(%arg10 : memref<128x128xf32, #tpu.memory_space<vmem>>) dst(%dma_wait3A_123 : memref<10112x128xf32, #tpu.memory_space<vmem_shared>>)
        tpu.yield
      }) : () -> ()
      %add3A_93 = arith.constant 2 : i32
      %add3A_94 = arith.addi %mul3A_78, %add3A_93 : i32
      %dma_start3A_95 = arith.constant 0 : i32
      %dma_start3A_96 = tpu.memref_slice %arg8[%add3A_94, %dma_start3A_95] : memref<40x128xi32, #tpu.memory_space<vmem>> -> memref<1x128xi32, #tpu.memory_space<vmem>>
      %dma_start3A_97 = tpu.memref_squeeze %dma_start3A_96 : memref<1x128xi32, #tpu.memory_space<vmem>> -> memref<128xi32, #tpu.memory_space<vmem>>
      %dma_start3A_98 = arith.constant 0 : i32
      %dma_start3A_99 = arith.constant 0 : i32
      %dma_start3A_100 = tpu.memref_slice %arg2[%dma_start3A_98, %dma_start3A_99] : memref<10000x128xf32, #tpu.memory_space<hbm>> -> memref<10000x128xf32, #tpu.memory_space<hbm>>
      tpu.enqueue_indirect_dma source(%dma_start3A_100 : memref<10000x128xf32, #tpu.memory_space<hbm>>) target(%arg10 : memref<128x128xf32, #tpu.memory_space<vmem>>) offsets(%dma_start3A_97 : memref<128xi32, #tpu.memory_space<vmem>>) semaphore(%arg12 : memref<!tpu.dma_semaphore, #tpu.memory_space<semaphore_mem>>)
      %add3A_101 = arith.constant 1 : i32
      %add3A_102 = arith.addi %mul3A_78, %add3A_101 : i32
      %dma_wait3A_103 = arith.constant 0 : i32
      %dma_wait3A_104 = tpu.memref_slice %arg8[%add3A_102, %dma_wait3A_103] : memref<40x128xi32, #tpu.memory_space<vmem>> -> memref<1x128xi32, #tpu.memory_space<vmem>>
      %dma_wait3A_105 = tpu.memref_squeeze %dma_wait3A_104 : memref<1x128xi32, #tpu.memory_space<vmem>> -> memref<128xi32, #tpu.memory_space<vmem>>
      %dma_wait3A_106 = arith.constant 0 : i32
      %dma_wait3A_107 = arith.constant 0 : i32
      %dma_wait3A_108 = tpu.memref_slice %arg2[%dma_wait3A_106, %dma_wait3A_107] : memref<10000x128xf32, #tpu.memory_space<hbm>> -> memref<10000x128xf32, #tpu.memory_space<hbm>>
      tpu.wait_indirect_dma semaphore(%arg13 : memref<!tpu.dma_semaphore, #tpu.memory_space<semaphore_mem>>) src(%dma_wait3A_108 : memref<10000x128xf32, #tpu.memory_space<hbm>>) dst(%arg11 : memref<128x128xf32, #tpu.memory_space<vmem>>)
      %add3A_109 = arith.constant 1 : i32
      %add3A_110 = arith.addi %mul3A_78, %add3A_109 : i32
      "tpu.region"() ({
        %run_scoped3A_111 = tpu.sem_alloc : memref<!tpu.dma_semaphore, #tpu.memory_space<semaphore_mem>>
        %dma_start3A_112 = arith.constant 0 : i32
        %dma_start3A_113 = tpu.memref_slice %arg9[%add3A_110, %dma_start3A_112] : memref<40x128xi32, #tpu.memory_space<vmem>> -> memref<1x128xi32, #tpu.memory_space<vmem>>
        %dma_start3A_114 = tpu.memref_squeeze %dma_start3A_113 : memref<1x128xi32, #tpu.memory_space<vmem>> -> memref<128xi32, #tpu.memory_space<vmem>>
        %dma_start3A_115 = arith.constant 0 : i32
        %dma_start3A_116 = arith.constant 0 : i32
        %dma_start3A_117 = tpu.memref_slice %arg7[%dma_start3A_115, %dma_start3A_116] : memref<10112x128xf32, #tpu.memory_space<vmem_shared>> -> memref<10112x128xf32, #tpu.memory_space<vmem_shared>>
        tpu.enqueue_indirect_dma source(%arg11 : memref<128x128xf32, #tpu.memory_space<vmem>>) target(%dma_start3A_117 : memref<10112x128xf32, #tpu.memory_space<vmem_shared>>) offsets(%dma_start3A_114 : memref<128xi32, #tpu.memory_space<vmem>>) semaphore(%run_scoped3A_111 : memref<!tpu.dma_semaphore, #tpu.memory_space<semaphore_mem>>) {add = true}
        %dma_wait3A_118 = arith.constant 0 : i32
        %dma_wait3A_119 = tpu.memref_slice %arg9[%add3A_110, %dma_wait3A_118] : memref<40x128xi32, #tpu.memory_space<vmem>> -> memref<1x128xi32, #tpu.memory_space<vmem>>
        %dma_wait3A_120 = tpu.memref_squeeze %dma_wait3A_119 : memref<1x128xi32, #tpu.memory_space<vmem>> -> memref<128xi32, #tpu.memory_space<vmem>>
        %dma_wait3A_121 = arith.constant 0 : i32
        %dma_wait3A_122 = arith.constant 0 : i32
        %dma_wait3A_123 = tpu.memref_slice %arg7[%dma_wait3A_121, %dma_wait3A_122] : memref<10112x128xf32, #tpu.memory_space<vmem_shared>> -> memref<10112x128xf32, #tpu.memory_space<vmem_shared>>
        tpu.wait_indirect_dma semaphore(%run_scoped3A_111 : memref<!tpu.dma_semaphore, #tpu.memory_space<semaphore_mem>>) src(%arg11 : memref<128x128xf32, #tpu.memory_space<vmem>>) dst(%dma_wait3A_123 : memref<10112x128xf32, #tpu.memory_space<vmem_shared>>)
        tpu.yield
      }) : () -> ()
    }
    %scan3A_47 = arith.constant 19 : i32
    %dma_start3A_48 = arith.constant 39 : i32
    %dma_start3A_49 = arith.constant 0 : i32
    %dma_start3A_50 = tpu.memref_slice %arg8[%dma_start3A_48, %dma_start3A_49] : memref<40x128xi32, #tpu.memory_space<vmem>> -> memref<1x128xi32, #tpu.memory_space<vmem>>
    %dma_start3A_51 = tpu.memref_squeeze %dma_start3A_50 : memref<1x128xi32, #tpu.memory_space<vmem>> -> memref<128xi32, #tpu.memory_space<vmem>>
    %dma_start3A_52 = arith.constant 0 : i32
    %dma_start3A_53 = arith.constant 0 : i32
    %dma_start3A_54 = tpu.memref_slice %arg2[%dma_start3A_52, %dma_start3A_53] : memref<10000x128xf32, #tpu.memory_space<hbm>> -> memref<10000x128xf32, #tpu.memory_space<hbm>>
    tpu.enqueue_indirect_dma source(%dma_start3A_54 : memref<10000x128xf32, #tpu.memory_space<hbm>>) target(%arg11 : memref<128x128xf32, #tpu.memory_space<vmem>>) offsets(%dma_start3A_51 : memref<128xi32, #tpu.memory_space<vmem>>) semaphore(%arg13 : memref<!tpu.dma_semaphore, #tpu.memory_space<semaphore_mem>>)
    %dma_wait3A_55 = arith.constant 38 : i32
    %dma_wait3A_56 = arith.constant 0 : i32
    %dma_wait3A_57 = tpu.memref_slice %arg8[%dma_wait3A_55, %dma_wait3A_56] : memref<40x128xi32, #tpu.memory_space<vmem>> -> memref<1x128xi32, #tpu.memory_space<vmem>>
    %dma_wait3A_58 = tpu.memref_squeeze %dma_wait3A_57 : memref<1x128xi32, #tpu.memory_space<vmem>> -> memref<128xi32, #tpu.memory_space<vmem>>
    %dma_wait3A_59 = arith.constant 0 : i32
    %dma_wait3A_60 = arith.constant 0 : i32
    %dma_wait3A_61 = tpu.memref_slice %arg2[%dma_wait3A_59, %dma_wait3A_60] : memref<10000x128xf32, #tpu.memory_space<hbm>> -> memref<10000x128xf32, #tpu.memory_space<hbm>>
    tpu.wait_indirect_dma semaphore(%arg12 : memref<!tpu.dma_semaphore, #tpu.memory_space<semaphore_mem>>) src(%dma_wait3A_61 : memref<10000x128xf32, #tpu.memory_space<hbm>>) dst(%arg10 : memref<128x128xf32, #tpu.memory_space<vmem>>)
    %run_scoped3A_62 = arith.constant 38 : i32
    "tpu.region"() ({
      %run_scoped3A_76 = tpu.sem_alloc : memref<!tpu.dma_semaphore, #tpu.memory_space<semaphore_mem>>
      %dma_start3A_77 = arith.constant 0 : i32
      %dma_start3A_78 = tpu.memref_slice %arg9[%run_scoped3A_62, %dma_start3A_77] : memref<40x128xi32, #tpu.memory_space<vmem>> -> memref<1x128xi32, #tpu.memory_space<vmem>>
      %dma_start3A_79 = tpu.memref_squeeze %dma_start3A_78 : memref<1x128xi32, #tpu.memory_space<vmem>> -> memref<128xi32, #tpu.memory_space<vmem>>
      %dma_start3A_80 = arith.constant 0 : i32
      %dma_start3A_81 = arith.constant 0 : i32
      %dma_start3A_82 = tpu.memref_slice %arg7[%dma_start3A_80, %dma_start3A_81] : memref<10112x128xf32, #tpu.memory_space<vmem_shared>> -> memref<10112x128xf32, #tpu.memory_space<vmem_shared>>
      tpu.enqueue_indirect_dma source(%arg10 : memref<128x128xf32, #tpu.memory_space<vmem>>) target(%dma_start3A_82 : memref<10112x128xf32, #tpu.memory_space<vmem_shared>>) offsets(%dma_start3A_79 : memref<128xi32, #tpu.memory_space<vmem>>) semaphore(%run_scoped3A_76 : memref<!tpu.dma_semaphore, #tpu.memory_space<semaphore_mem>>) {add = true}
      %dma_wait3A_83 = arith.constant 0 : i32
      %dma_wait3A_84 = tpu.memref_slice %arg9[%run_scoped3A_62, %dma_wait3A_83] : memref<40x128xi32, #tpu.memory_space<vmem>> -> memref<1x128xi32, #tpu.memory_space<vmem>>
      %dma_wait3A_85 = tpu.memref_squeeze %dma_wait3A_84 : memref<1x128xi32, #tpu.memory_space<vmem>> -> memref<128xi32, #tpu.memory_space<vmem>>
      %dma_wait3A_86 = arith.constant 0 : i32
      %dma_wait3A_87 = arith.constant 0 : i32
      %dma_wait3A_88 = tpu.memref_slice %arg7[%dma_wait3A_86, %dma_wait3A_87] : memref<10112x128xf32, #tpu.memory_space<vmem_shared>> -> memref<10112x128xf32, #tpu.memory_space<vmem_shared>>
      tpu.wait_indirect_dma semaphore(%run_scoped3A_76 : memref<!tpu.dma_semaphore, #tpu.memory_space<semaphore_mem>>) src(%arg10 : memref<128x128xf32, #tpu.memory_space<vmem>>) dst(%dma_wait3A_88 : memref<10112x128xf32, #tpu.memory_space<vmem_shared>>)
      tpu.yield
    }) : () -> ()
    %dma_wait3A_63 = arith.constant 39 : i32
    %dma_wait3A_64 = arith.constant 0 : i32
    %dma_wait3A_65 = tpu.memref_slice %arg8[%dma_wait3A_63, %dma_wait3A_64] : memref<40x128xi32, #tpu.memory_space<vmem>> -> memref<1x128xi32, #tpu.memory_space<vmem>>
    %dma_wait3A_66 = tpu.memref_squeeze %dma_wait3A_65 : memref<1x128xi32, #tpu.memory_space<vmem>> -> memref<128xi32, #tpu.memory_space<vmem>>
    %dma_wait3A_67 = arith.constant 0 : i32
    %dma_wait3A_68 = arith.constant 0 : i32
    %dma_wait3A_69 = tpu.memref_slice %arg2[%dma_wait3A_67, %dma_wait3A_68] : memref<10000x128xf32, #tpu.memory_space<hbm>> -> memref<10000x128xf32, #tpu.memory_space<hbm>>
    tpu.wait_indirect_dma semaphore(%arg13 : memref<!tpu.dma_semaphore, #tpu.memory_space<semaphore_mem>>) src(%dma_wait3A_69 : memref<10000x128xf32, #tpu.memory_space<hbm>>) dst(%arg11 : memref<128x128xf32, #tpu.memory_space<vmem>>)
    %run_scoped3A_70 = arith.constant 39 : i32
    "tpu.region"() ({
      %run_scoped3A_76 = tpu.sem_alloc : memref<!tpu.dma_semaphore, #tpu.memory_space<semaphore_mem>>
      %dma_start3A_77 = arith.constant 0 : i32
      %dma_start3A_78 = tpu.memref_slice %arg9[%run_scoped3A_70, %dma_start3A_77] : memref<40x128xi32, #tpu.memory_space<vmem>> -> memref<1x128xi32, #tpu.memory_space<vmem>>
      %dma_start3A_79 = tpu.memref_squeeze %dma_start3A_78 : memref<1x128xi32, #tpu.memory_space<vmem>> -> memref<128xi32, #tpu.memory_space<vmem>>
      %dma_start3A_80 = arith.constant 0 : i32
      %dma_start3A_81 = arith.constant 0 : i32
      %dma_start3A_82 = tpu.memref_slice %arg7[%dma_start3A_80, %dma_start3A_81] : memref<10112x128xf32, #tpu.memory_space<vmem_shared>> -> memref<10112x128xf32, #tpu.memory_space<vmem_shared>>
      tpu.enqueue_indirect_dma source(%arg11 : memref<128x128xf32, #tpu.memory_space<vmem>>) target(%dma_start3A_82 : memref<10112x128xf32, #tpu.memory_space<vmem_shared>>) offsets(%dma_start3A_79 : memref<128xi32, #tpu.memory_space<vmem>>) semaphore(%run_scoped3A_76 : memref<!tpu.dma_semaphore, #tpu.memory_space<semaphore_mem>>) {add = true}
      %dma_wait3A_83 = arith.constant 0 : i32
      %dma_wait3A_84 = tpu.memref_slice %arg9[%run_scoped3A_70, %dma_wait3A_83] : memref<40x128xi32, #tpu.memory_space<vmem>> -> memref<1x128xi32, #tpu.memory_space<vmem>>
      %dma_wait3A_85 = tpu.memref_squeeze %dma_wait3A_84 : memref<1x128xi32, #tpu.memory_space<vmem>> -> memref<128xi32, #tpu.memory_space<vmem>>
      %dma_wait3A_86 = arith.constant 0 : i32
      %dma_wait3A_87 = arith.constant 0 : i32
      %dma_wait3A_88 = tpu.memref_slice %arg7[%dma_wait3A_86, %dma_wait3A_87] : memref<10112x128xf32, #tpu.memory_space<vmem_shared>> -> memref<10112x128xf32, #tpu.memory_space<vmem_shared>>
      tpu.wait_indirect_dma semaphore(%run_scoped3A_76 : memref<!tpu.dma_semaphore, #tpu.memory_space<semaphore_mem>>) src(%arg11 : memref<128x128xf32, #tpu.memory_space<vmem>>) dst(%dma_wait3A_88 : memref<10112x128xf32, #tpu.memory_space<vmem_shared>>)
      tpu.yield
    }) : () -> ()
    %barrier3A_71 = arith.constant 0 : index
    tpu.barrier barrier_id(%barrier3A_71)
    %mul3A_72 = arith.constant 632 : i32
    %mul3A_73 = arith.muli %arg1, %mul3A_72 : i32
    %mul3A_74 = arith.constant 632 : i32
    %mul3A_75 = arith.muli %arg1, %mul3A_74 : i32
    "tpu.region"() ({
      %run_scoped3A_76 = tpu.sem_alloc : memref<!tpu.dma_semaphore, #tpu.memory_space<semaphore_mem>>
      %dma_start3A_77 = arith.constant 0 : i32
      %dma_start3A_78 = tpu.memref_slice %arg6[%arg0, %mul3A_75, %dma_start3A_77] : memref<2x10112x128xf32, #tpu.memory_space<hbm>> -> memref<1x632x128xf32, #tpu.memory_space<hbm>>
      %dma_start3A_79 = tpu.memref_squeeze %dma_start3A_78 : memref<1x632x128xf32, #tpu.memory_space<hbm>> -> memref<632x128xf32, #tpu.memory_space<hbm>>
      %dma_start3A_80 = arith.constant 0 : i32
      %dma_start3A_81 = tpu.memref_slice %arg7[%mul3A_73, %dma_start3A_80] : memref<10112x128xf32, #tpu.memory_space<vmem_shared>> -> memref<632x128xf32, #tpu.memory_space<vmem_shared>>
      tpu.enqueue_dma source(%dma_start3A_81 : memref<632x128xf32, #tpu.memory_space<vmem_shared>>) target(%dma_start3A_79 : memref<632x128xf32, #tpu.memory_space<hbm>>) target_semaphore(%run_scoped3A_76 : memref<!tpu.dma_semaphore, #tpu.memory_space<semaphore_mem>>)
      %dma_wait3A_82 = arith.constant 0 : i32
      %dma_wait3A_83 = tpu.memref_slice %arg6[%arg0, %mul3A_75, %dma_wait3A_82] : memref<2x10112x128xf32, #tpu.memory_space<hbm>> -> memref<1x632x128xf32, #tpu.memory_space<hbm>>
      %dma_wait3A_84 = tpu.memref_squeeze %dma_wait3A_83 : memref<1x632x128xf32, #tpu.memory_space<hbm>> -> memref<632x128xf32, #tpu.memory_space<hbm>>
      %dma_wait3A_85 = arith.constant 0 : i32
      %dma_wait3A_86 = tpu.memref_slice %arg7[%mul3A_73, %dma_wait3A_85] : memref<10112x128xf32, #tpu.memory_space<vmem_shared>> -> memref<632x128xf32, #tpu.memory_space<vmem_shared>>
      tpu.wait_dma2 semaphore(%run_scoped3A_76 : memref<!tpu.dma_semaphore, #tpu.memory_space<semaphore_mem>>) src(%dma_wait3A_86 : memref<632x128xf32, #tpu.memory_space<vmem_shared>>) dst(%dma_wait3A_84 : memref<632x128xf32, #tpu.memory_space<hbm>>)
      tpu.yield
    }) : () -> ()
    return
  }
}

#map = affine_map<(d0, d1) -> (0, 0)>
#map1 = affine_map<(d0, d1) -> (0, 0, 0)>
module attributes {stable_mosaic.version = 14 : i64} {
  func.func @_segsum_body(%arg0: i32, %arg1: i32, %arg2: memref<10000x128xf32, #tpu.memory_space<hbm>>, %arg3: memref<32x80x128xi32, #tpu.memory_space<hbm>>, %arg4: memref<32x80x128xi32, #tpu.memory_space<hbm>>, %arg5: memref<632x128xf32, #tpu.memory_space<hbm>>, %arg6: memref<2x10112x128xf32, #tpu.memory_space<hbm>>, %arg7: memref<10112x128xf32, #tpu.memory_space<vmem_shared>>, %arg8: memref<40x128xi32, #tpu.memory_space<vmem>>, %arg9: memref<40x128xi32, #tpu.memory_space<vmem>>, %arg10: memref<128x128xf32, #tpu.memory_space<vmem>>, %arg11: memref<128x128xf32, #tpu.memory_space<vmem>>, %arg12: memref<!tpu.dma_semaphore, #tpu.memory_space<semaphore_mem>>, %arg13: memref<!tpu.dma_semaphore, #tpu.memory_space<semaphore_mem>>, %arg14: memref<!tpu.dma_semaphore, #tpu.memory_space<semaphore_mem>>, %arg15: memref<!tpu.dma_semaphore, #tpu.memory_space<semaphore_mem>>) attributes {dimension_semantics = [#tpu.dimension_semantics<core_parallel>, #tpu.dimension_semantics<subcore_parallel>], iteration_bounds = array<i64: 2, 16>, scalar_prefetch = 0 : i64, scratch_operands = 9 : i64, tpu.core_type = #tpu.core_type<sc_vector_subcore>, window_params = [{transform_indices = #map}, {transform_indices = #map1}, {transform_indices = #map1}, {transform_indices = #map}, {transform_indices = #map1}]} {
    %mul3A = arith.constant 2 : i32
    %mul3A_0 = arith.muli %arg1, %mul3A : i32
    %add3A = arith.addi %mul3A_0, %arg0 : i32
    %mul3A_1 = arith.constant 632 : i32
    %mul3A_2 = arith.muli %arg1, %mul3A_1 : i32
    "tpu.region"() ({
      %run_scoped3A_76 = tpu.sem_alloc : memref<!tpu.dma_semaphore, #tpu.memory_space<semaphore_mem>>
      %dma_start3A_77 = arith.constant 0 : i32
      %dma_start3A_78 = tpu.memref_slice %arg7[%mul3A_2, %dma_start3A_77] : memref<10112x128xf32, #tpu.memory_space<vmem_shared>> -> memref<632x128xf32, #tpu.memory_space<vmem_shared>>
      tpu.enqueue_dma source(%arg5 : memref<632x128xf32, #tpu.memory_space<hbm>>) target(%dma_start3A_78 : memref<632x128xf32, #tpu.memory_space<vmem_shared>>) target_semaphore(%run_scoped3A_76 : memref<!tpu.dma_semaphore, #tpu.memory_space<semaphore_mem>>)
      %dma_wait3A_79 = arith.constant 0 : i32
      %dma_wait3A_80 = tpu.memref_slice %arg7[%mul3A_2, %dma_wait3A_79] : memref<10112x128xf32, #tpu.memory_space<vmem_shared>> -> memref<632x128xf32, #tpu.memory_space<vmem_shared>>
      tpu.wait_dma2 semaphore(%run_scoped3A_76 : memref<!tpu.dma_semaphore, #tpu.memory_space<semaphore_mem>>) src(%arg5 : memref<632x128xf32, #tpu.memory_space<hbm>>) dst(%dma_wait3A_80 : memref<632x128xf32, #tpu.memory_space<vmem_shared>>)
      tpu.yield
    }) : () -> ()
    %barrier3A = arith.constant 0 : index
    tpu.barrier barrier_id(%barrier3A)
    "tpu.region"() ({
      %run_scoped3A_76 = tpu.sem_alloc : memref<!tpu.dma_semaphore, #tpu.memory_space<semaphore_mem>>
      %dma_start3A_77 = arith.constant 0 : i32
      %dma_start3A_78 = arith.constant 0 : i32
      %dma_start3A_79 = tpu.memref_slice %arg3[%add3A, %dma_start3A_77, %dma_start3A_78] : memref<32x80x128xi32, #tpu.memory_space<hbm>> -> memref<1x40x128xi32, #tpu.memory_space<hbm>>
      %dma_start3A_80 = tpu.memref_squeeze %dma_start3A_79 : memref<1x40x128xi32, #tpu.memory_space<hbm>> -> memref<40x128xi32, #tpu.memory_space<hbm>>
      %dma_start3A_81 = arith.constant 0 : i32
      %dma_start3A_82 = arith.constant 0 : i32
      %dma_start3A_83 = tpu.memref_slice %arg3[%add3A, %dma_start3A_81, %dma_start3A_82] : memref<32x80x128xi32, #tpu.memory_space<hbm>> -> memref<1x40x128xi32, #tpu.memory_space<hbm>>
      %dma_start3A_84 = tpu.memref_squeeze %dma_start3A_83 : memref<1x40x128xi32, #tpu.memory_space<hbm>> -> memref<40x128xi32, #tpu.memory_space<hbm>>
      tpu.enqueue_dma source(%dma_start3A_84 : memref<40x128xi32, #tpu.memory_space<hbm>>) target(%arg8 : memref<40x128xi32, #tpu.memory_space<vmem>>) target_semaphore(%run_scoped3A_76 : memref<!tpu.dma_semaphore, #tpu.memory_space<semaphore_mem>>)
      %dma_wait3A_85 = arith.constant 0 : i32
      %dma_wait3A_86 = arith.constant 0 : i32
      %dma_wait3A_87 = tpu.memref_slice %arg3[%add3A, %dma_wait3A_85, %dma_wait3A_86] : memref<32x80x128xi32, #tpu.memory_space<hbm>> -> memref<1x40x128xi32, #tpu.memory_space<hbm>>
      %dma_wait3A_88 = tpu.memref_squeeze %dma_wait3A_87 : memref<1x40x128xi32, #tpu.memory_space<hbm>> -> memref<40x128xi32, #tpu.memory_space<hbm>>
      %dma_wait3A_89 = arith.constant 0 : i32
      %dma_wait3A_90 = arith.constant 0 : i32
      %dma_wait3A_91 = tpu.memref_slice %arg3[%add3A, %dma_wait3A_89, %dma_wait3A_90] : memref<32x80x128xi32, #tpu.memory_space<hbm>> -> memref<1x40x128xi32, #tpu.memory_space<hbm>>
      %dma_wait3A_92 = tpu.memref_squeeze %dma_wait3A_91 : memref<1x40x128xi32, #tpu.memory_space<hbm>> -> memref<40x128xi32, #tpu.memory_space<hbm>>
      tpu.wait_dma2 semaphore(%run_scoped3A_76 : memref<!tpu.dma_semaphore, #tpu.memory_space<semaphore_mem>>) src(%dma_wait3A_92 : memref<40x128xi32, #tpu.memory_space<hbm>>) dst(%arg8 : memref<40x128xi32, #tpu.memory_space<vmem>>)
      tpu.yield
    }) : () -> ()
    "tpu.region"() ({
      %run_scoped3A_76 = tpu.sem_alloc : memref<!tpu.dma_semaphore, #tpu.memory_space<semaphore_mem>>
      %dma_start3A_77 = arith.constant 0 : i32
      %dma_start3A_78 = arith.constant 0 : i32
      %dma_start3A_79 = tpu.memref_slice %arg4[%add3A, %dma_start3A_77, %dma_start3A_78] : memref<32x80x128xi32, #tpu.memory_space<hbm>> -> memref<1x40x128xi32, #tpu.memory_space<hbm>>
      %dma_start3A_80 = tpu.memref_squeeze %dma_start3A_79 : memref<1x40x128xi32, #tpu.memory_space<hbm>> -> memref<40x128xi32, #tpu.memory_space<hbm>>
      %dma_start3A_81 = arith.constant 0 : i32
      %dma_start3A_82 = arith.constant 0 : i32
      %dma_start3A_83 = tpu.memref_slice %arg4[%add3A, %dma_start3A_81, %dma_start3A_82] : memref<32x80x128xi32, #tpu.memory_space<hbm>> -> memref<1x40x128xi32, #tpu.memory_space<hbm>>
      %dma_start3A_84 = tpu.memref_squeeze %dma_start3A_83 : memref<1x40x128xi32, #tpu.memory_space<hbm>> -> memref<40x128xi32, #tpu.memory_space<hbm>>
      tpu.enqueue_dma source(%dma_start3A_84 : memref<40x128xi32, #tpu.memory_space<hbm>>) target(%arg9 : memref<40x128xi32, #tpu.memory_space<vmem>>) target_semaphore(%run_scoped3A_76 : memref<!tpu.dma_semaphore, #tpu.memory_space<semaphore_mem>>)
      %dma_wait3A_85 = arith.constant 0 : i32
      %dma_wait3A_86 = arith.constant 0 : i32
      %dma_wait3A_87 = tpu.memref_slice %arg4[%add3A, %dma_wait3A_85, %dma_wait3A_86] : memref<32x80x128xi32, #tpu.memory_space<hbm>> -> memref<1x40x128xi32, #tpu.memory_space<hbm>>
      %dma_wait3A_88 = tpu.memref_squeeze %dma_wait3A_87 : memref<1x40x128xi32, #tpu.memory_space<hbm>> -> memref<40x128xi32, #tpu.memory_space<hbm>>
      %dma_wait3A_89 = arith.constant 0 : i32
      %dma_wait3A_90 = arith.constant 0 : i32
      %dma_wait3A_91 = tpu.memref_slice %arg4[%add3A, %dma_wait3A_89, %dma_wait3A_90] : memref<32x80x128xi32, #tpu.memory_space<hbm>> -> memref<1x40x128xi32, #tpu.memory_space<hbm>>
      %dma_wait3A_92 = tpu.memref_squeeze %dma_wait3A_91 : memref<1x40x128xi32, #tpu.memory_space<hbm>> -> memref<40x128xi32, #tpu.memory_space<hbm>>
      tpu.wait_dma2 semaphore(%run_scoped3A_76 : memref<!tpu.dma_semaphore, #tpu.memory_space<semaphore_mem>>) src(%dma_wait3A_92 : memref<40x128xi32, #tpu.memory_space<hbm>>) dst(%arg9 : memref<40x128xi32, #tpu.memory_space<vmem>>)
      tpu.yield
    }) : () -> ()
    %dma_start3A = arith.constant 0 : i32
    %dma_start3A_3 = arith.constant 0 : i32
    %dma_start3A_4 = tpu.memref_slice %arg8[%dma_start3A, %dma_start3A_3] : memref<40x128xi32, #tpu.memory_space<vmem>> -> memref<1x128xi32, #tpu.memory_space<vmem>>
    %dma_start3A_5 = tpu.memref_squeeze %dma_start3A_4 : memref<1x128xi32, #tpu.memory_space<vmem>> -> memref<128xi32, #tpu.memory_space<vmem>>
    %dma_start3A_6 = arith.constant 0 : i32
    %dma_start3A_7 = arith.constant 0 : i32
    %dma_start3A_8 = tpu.memref_slice %arg2[%dma_start3A_6, %dma_start3A_7] : memref<10000x128xf32, #tpu.memory_space<hbm>> -> memref<10000x128xf32, #tpu.memory_space<hbm>>
    tpu.enqueue_indirect_dma source(%dma_start3A_8 : memref<10000x128xf32, #tpu.memory_space<hbm>>) target(%arg10 : memref<128x128xf32, #tpu.memory_space<vmem>>) offsets(%dma_start3A_5 : memref<128xi32, #tpu.memory_space<vmem>>) semaphore(%arg12 : memref<!tpu.dma_semaphore, #tpu.memory_space<semaphore_mem>>)
    %scan3A = arith.constant 0 : i32
    %scan3A_9 = arith.constant 0 : i32
    %scan3A_10 = arith.constant 19 : i32
    %scan3A_11 = arith.addi %scan3A_9, %scan3A_10 : i32
    %scan3A_12 = arith.constant 1 : i32
    scf.for %scan3A_76 = %scan3A_9 to %scan3A_11 step %scan3A_12  : i32 {
      %mul3A_77 = arith.constant 2 : i32
      %mul3A_78 = arith.muli %scan3A_76, %mul3A_77 : i32
      %add3A_79 = arith.constant 1 : i32
      %add3A_80 = arith.addi %mul3A_78, %add3A_79 : i32
      %dma_start3A_81 = arith.constant 0 : i32
      %dma_start3A_82 = tpu.memref_slice %arg8[%add3A_80, %dma_start3A_81] : memref<40x128xi32, #tpu.memory_space<vmem>> -> memref<1x128xi32, #tpu.memory_space<vmem>>
      %dma_start3A_83 = tpu.memref_squeeze %dma_start3A_82 : memref<1x128xi32, #tpu.memory_space<vmem>> -> memref<128xi32, #tpu.memory_space<vmem>>
      %dma_start3A_84 = arith.constant 0 : i32
      %dma_start3A_85 = arith.constant 0 : i32
      %dma_start3A_86 = tpu.memref_slice %arg2[%dma_start3A_84, %dma_start3A_85] : memref<10000x128xf32, #tpu.memory_space<hbm>> -> memref<10000x128xf32, #tpu.memory_space<hbm>>
      tpu.enqueue_indirect_dma source(%dma_start3A_86 : memref<10000x128xf32, #tpu.memory_space<hbm>>) target(%arg11 : memref<128x128xf32, #tpu.memory_space<vmem>>) offsets(%dma_start3A_83 : memref<128xi32, #tpu.memory_space<vmem>>) semaphore(%arg13 : memref<!tpu.dma_semaphore, #tpu.memory_space<semaphore_mem>>)
      %dma_wait3A_87 = arith.constant 0 : i32
      %dma_wait3A_88 = tpu.memref_slice %arg8[%mul3A_78, %dma_wait3A_87] : memref<40x128xi32, #tpu.memory_space<vmem>> -> memref<1x128xi32, #tpu.memory_space<vmem>>
      %dma_wait3A_89 = tpu.memref_squeeze %dma_wait3A_88 : memref<1x128xi32, #tpu.memory_space<vmem>> -> memref<128xi32, #tpu.memory_space<vmem>>
      %dma_wait3A_90 = arith.constant 0 : i32
      %dma_wait3A_91 = arith.constant 0 : i32
      %dma_wait3A_92 = tpu.memref_slice %arg2[%dma_wait3A_90, %dma_wait3A_91] : memref<10000x128xf32, #tpu.memory_space<hbm>> -> memref<10000x128xf32, #tpu.memory_space<hbm>>
      tpu.wait_indirect_dma semaphore(%arg12 : memref<!tpu.dma_semaphore, #tpu.memory_space<semaphore_mem>>) src(%dma_wait3A_92 : memref<10000x128xf32, #tpu.memory_space<hbm>>) dst(%arg10 : memref<128x128xf32, #tpu.memory_space<vmem>>)
      "tpu.region"() ({
        %run_scoped3A_111 = tpu.sem_alloc : memref<!tpu.dma_semaphore, #tpu.memory_space<semaphore_mem>>
        %dma_start3A_112 = arith.constant 0 : i32
        %dma_start3A_113 = tpu.memref_slice %arg9[%mul3A_78, %dma_start3A_112] : memref<40x128xi32, #tpu.memory_space<vmem>> -> memref<1x128xi32, #tpu.memory_space<vmem>>
        %dma_start3A_114 = tpu.memref_squeeze %dma_start3A_113 : memref<1x128xi32, #tpu.memory_space<vmem>> -> memref<128xi32, #tpu.memory_space<vmem>>
        %dma_start3A_115 = arith.constant 0 : i32
        %dma_start3A_116 = arith.constant 0 : i32
        %dma_start3A_117 = tpu.memref_slice %arg7[%dma_start3A_115, %dma_start3A_116] : memref<10112x128xf32, #tpu.memory_space<vmem_shared>> -> memref<10112x128xf32, #tpu.memory_space<vmem_shared>>
        tpu.enqueue_indirect_dma source(%arg10 : memref<128x128xf32, #tpu.memory_space<vmem>>) target(%dma_start3A_117 : memref<10112x128xf32, #tpu.memory_space<vmem_shared>>) offsets(%dma_start3A_114 : memref<128xi32, #tpu.memory_space<vmem>>) semaphore(%run_scoped3A_111 : memref<!tpu.dma_semaphore, #tpu.memory_space<semaphore_mem>>) {add = true}
        %dma_wait3A_118 = arith.constant 0 : i32
        %dma_wait3A_119 = tpu.memref_slice %arg9[%mul3A_78, %dma_wait3A_118] : memref<40x128xi32, #tpu.memory_space<vmem>> -> memref<1x128xi32, #tpu.memory_space<vmem>>
        %dma_wait3A_120 = tpu.memref_squeeze %dma_wait3A_119 : memref<1x128xi32, #tpu.memory_space<vmem>> -> memref<128xi32, #tpu.memory_space<vmem>>
        %dma_wait3A_121 = arith.constant 0 : i32
        %dma_wait3A_122 = arith.constant 0 : i32
        %dma_wait3A_123 = tpu.memref_slice %arg7[%dma_wait3A_121, %dma_wait3A_122] : memref<10112x128xf32, #tpu.memory_space<vmem_shared>> -> memref<10112x128xf32, #tpu.memory_space<vmem_shared>>
        tpu.wait_indirect_dma semaphore(%run_scoped3A_111 : memref<!tpu.dma_semaphore, #tpu.memory_space<semaphore_mem>>) src(%arg10 : memref<128x128xf32, #tpu.memory_space<vmem>>) dst(%dma_wait3A_123 : memref<10112x128xf32, #tpu.memory_space<vmem_shared>>)
        tpu.yield
      }) : () -> ()
      %add3A_93 = arith.constant 2 : i32
      %add3A_94 = arith.addi %mul3A_78, %add3A_93 : i32
      %dma_start3A_95 = arith.constant 0 : i32
      %dma_start3A_96 = tpu.memref_slice %arg8[%add3A_94, %dma_start3A_95] : memref<40x128xi32, #tpu.memory_space<vmem>> -> memref<1x128xi32, #tpu.memory_space<vmem>>
      %dma_start3A_97 = tpu.memref_squeeze %dma_start3A_96 : memref<1x128xi32, #tpu.memory_space<vmem>> -> memref<128xi32, #tpu.memory_space<vmem>>
      %dma_start3A_98 = arith.constant 0 : i32
      %dma_start3A_99 = arith.constant 0 : i32
      %dma_start3A_100 = tpu.memref_slice %arg2[%dma_start3A_98, %dma_start3A_99] : memref<10000x128xf32, #tpu.memory_space<hbm>> -> memref<10000x128xf32, #tpu.memory_space<hbm>>
      tpu.enqueue_indirect_dma source(%dma_start3A_100 : memref<10000x128xf32, #tpu.memory_space<hbm>>) target(%arg10 : memref<128x128xf32, #tpu.memory_space<vmem>>) offsets(%dma_start3A_97 : memref<128xi32, #tpu.memory_space<vmem>>) semaphore(%arg12 : memref<!tpu.dma_semaphore, #tpu.memory_space<semaphore_mem>>)
      %add3A_101 = arith.constant 1 : i32
      %add3A_102 = arith.addi %mul3A_78, %add3A_101 : i32
      %dma_wait3A_103 = arith.constant 0 : i32
      %dma_wait3A_104 = tpu.memref_slice %arg8[%add3A_102, %dma_wait3A_103] : memref<40x128xi32, #tpu.memory_space<vmem>> -> memref<1x128xi32, #tpu.memory_space<vmem>>
      %dma_wait3A_105 = tpu.memref_squeeze %dma_wait3A_104 : memref<1x128xi32, #tpu.memory_space<vmem>> -> memref<128xi32, #tpu.memory_space<vmem>>
      %dma_wait3A_106 = arith.constant 0 : i32
      %dma_wait3A_107 = arith.constant 0 : i32
      %dma_wait3A_108 = tpu.memref_slice %arg2[%dma_wait3A_106, %dma_wait3A_107] : memref<10000x128xf32, #tpu.memory_space<hbm>> -> memref<10000x128xf32, #tpu.memory_space<hbm>>
      tpu.wait_indirect_dma semaphore(%arg13 : memref<!tpu.dma_semaphore, #tpu.memory_space<semaphore_mem>>) src(%dma_wait3A_108 : memref<10000x128xf32, #tpu.memory_space<hbm>>) dst(%arg11 : memref<128x128xf32, #tpu.memory_space<vmem>>)
      %add3A_109 = arith.constant 1 : i32
      %add3A_110 = arith.addi %mul3A_78, %add3A_109 : i32
      "tpu.region"() ({
        %run_scoped3A_111 = tpu.sem_alloc : memref<!tpu.dma_semaphore, #tpu.memory_space<semaphore_mem>>
        %dma_start3A_112 = arith.constant 0 : i32
        %dma_start3A_113 = tpu.memref_slice %arg9[%add3A_110, %dma_start3A_112] : memref<40x128xi32, #tpu.memory_space<vmem>> -> memref<1x128xi32, #tpu.memory_space<vmem>>
        %dma_start3A_114 = tpu.memref_squeeze %dma_start3A_113 : memref<1x128xi32, #tpu.memory_space<vmem>> -> memref<128xi32, #tpu.memory_space<vmem>>
        %dma_start3A_115 = arith.constant 0 : i32
        %dma_start3A_116 = arith.constant 0 : i32
        %dma_start3A_117 = tpu.memref_slice %arg7[%dma_start3A_115, %dma_start3A_116] : memref<10112x128xf32, #tpu.memory_space<vmem_shared>> -> memref<10112x128xf32, #tpu.memory_space<vmem_shared>>
        tpu.enqueue_indirect_dma source(%arg11 : memref<128x128xf32, #tpu.memory_space<vmem>>) target(%dma_start3A_117 : memref<10112x128xf32, #tpu.memory_space<vmem_shared>>) offsets(%dma_start3A_114 : memref<128xi32, #tpu.memory_space<vmem>>) semaphore(%run_scoped3A_111 : memref<!tpu.dma_semaphore, #tpu.memory_space<semaphore_mem>>) {add = true}
        %dma_wait3A_118 = arith.constant 0 : i32
        %dma_wait3A_119 = tpu.memref_slice %arg9[%add3A_110, %dma_wait3A_118] : memref<40x128xi32, #tpu.memory_space<vmem>> -> memref<1x128xi32, #tpu.memory_space<vmem>>
        %dma_wait3A_120 = tpu.memref_squeeze %dma_wait3A_119 : memref<1x128xi32, #tpu.memory_space<vmem>> -> memref<128xi32, #tpu.memory_space<vmem>>
        %dma_wait3A_121 = arith.constant 0 : i32
        %dma_wait3A_122 = arith.constant 0 : i32
        %dma_wait3A_123 = tpu.memref_slice %arg7[%dma_wait3A_121, %dma_wait3A_122] : memref<10112x128xf32, #tpu.memory_space<vmem_shared>> -> memref<10112x128xf32, #tpu.memory_space<vmem_shared>>
        tpu.wait_indirect_dma semaphore(%run_scoped3A_111 : memref<!tpu.dma_semaphore, #tpu.memory_space<semaphore_mem>>) src(%arg11 : memref<128x128xf32, #tpu.memory_space<vmem>>) dst(%dma_wait3A_123 : memref<10112x128xf32, #tpu.memory_space<vmem_shared>>)
        tpu.yield
      }) : () -> ()
    }
    %scan3A_13 = arith.constant 19 : i32
    %dma_start3A_14 = arith.constant 39 : i32
    %dma_start3A_15 = arith.constant 0 : i32
    %dma_start3A_16 = tpu.memref_slice %arg8[%dma_start3A_14, %dma_start3A_15] : memref<40x128xi32, #tpu.memory_space<vmem>> -> memref<1x128xi32, #tpu.memory_space<vmem>>
    %dma_start3A_17 = tpu.memref_squeeze %dma_start3A_16 : memref<1x128xi32, #tpu.memory_space<vmem>> -> memref<128xi32, #tpu.memory_space<vmem>>
    %dma_start3A_18 = arith.constant 0 : i32
    %dma_start3A_19 = arith.constant 0 : i32
    %dma_start3A_20 = tpu.memref_slice %arg2[%dma_start3A_18, %dma_start3A_19] : memref<10000x128xf32, #tpu.memory_space<hbm>> -> memref<10000x128xf32, #tpu.memory_space<hbm>>
    tpu.enqueue_indirect_dma source(%dma_start3A_20 : memref<10000x128xf32, #tpu.memory_space<hbm>>) target(%arg11 : memref<128x128xf32, #tpu.memory_space<vmem>>) offsets(%dma_start3A_17 : memref<128xi32, #tpu.memory_space<vmem>>) semaphore(%arg13 : memref<!tpu.dma_semaphore, #tpu.memory_space<semaphore_mem>>)
    %dma_wait3A = arith.constant 38 : i32
    %dma_wait3A_21 = arith.constant 0 : i32
    %dma_wait3A_22 = tpu.memref_slice %arg8[%dma_wait3A, %dma_wait3A_21] : memref<40x128xi32, #tpu.memory_space<vmem>> -> memref<1x128xi32, #tpu.memory_space<vmem>>
    %dma_wait3A_23 = tpu.memref_squeeze %dma_wait3A_22 : memref<1x128xi32, #tpu.memory_space<vmem>> -> memref<128xi32, #tpu.memory_space<vmem>>
    %dma_wait3A_24 = arith.constant 0 : i32
    %dma_wait3A_25 = arith.constant 0 : i32
    %dma_wait3A_26 = tpu.memref_slice %arg2[%dma_wait3A_24, %dma_wait3A_25] : memref<10000x128xf32, #tpu.memory_space<hbm>> -> memref<10000x128xf32, #tpu.memory_space<hbm>>
    tpu.wait_indirect_dma semaphore(%arg12 : memref<!tpu.dma_semaphore, #tpu.memory_space<semaphore_mem>>) src(%dma_wait3A_26 : memref<10000x128xf32, #tpu.memory_space<hbm>>) dst(%arg10 : memref<128x128xf32, #tpu.memory_space<vmem>>)
    %run_scoped3A = arith.constant 38 : i32
    "tpu.region"() ({
      %run_scoped3A_76 = tpu.sem_alloc : memref<!tpu.dma_semaphore, #tpu.memory_space<semaphore_mem>>
      %dma_start3A_77 = arith.constant 0 : i32
      %dma_start3A_78 = tpu.memref_slice %arg9[%run_scoped3A, %dma_start3A_77] : memref<40x128xi32, #tpu.memory_space<vmem>> -> memref<1x128xi32, #tpu.memory_space<vmem>>
      %dma_start3A_79 = tpu.memref_squeeze %dma_start3A_78 : memref<1x128xi32, #tpu.memory_space<vmem>> -> memref<128xi32, #tpu.memory_space<vmem>>
      %dma_start3A_80 = arith.constant 0 : i32
      %dma_start3A_81 = arith.constant 0 : i32
      %dma_start3A_82 = tpu.memref_slice %arg7[%dma_start3A_80, %dma_start3A_81] : memref<10112x128xf32, #tpu.memory_space<vmem_shared>> -> memref<10112x128xf32, #tpu.memory_space<vmem_shared>>
      tpu.enqueue_indirect_dma source(%arg10 : memref<128x128xf32, #tpu.memory_space<vmem>>) target(%dma_start3A_82 : memref<10112x128xf32, #tpu.memory_space<vmem_shared>>) offsets(%dma_start3A_79 : memref<128xi32, #tpu.memory_space<vmem>>) semaphore(%run_scoped3A_76 : memref<!tpu.dma_semaphore, #tpu.memory_space<semaphore_mem>>) {add = true}
      %dma_wait3A_83 = arith.constant 0 : i32
      %dma_wait3A_84 = tpu.memref_slice %arg9[%run_scoped3A, %dma_wait3A_83] : memref<40x128xi32, #tpu.memory_space<vmem>> -> memref<1x128xi32, #tpu.memory_space<vmem>>
      %dma_wait3A_85 = tpu.memref_squeeze %dma_wait3A_84 : memref<1x128xi32, #tpu.memory_space<vmem>> -> memref<128xi32, #tpu.memory_space<vmem>>
      %dma_wait3A_86 = arith.constant 0 : i32
      %dma_wait3A_87 = arith.constant 0 : i32
      %dma_wait3A_88 = tpu.memref_slice %arg7[%dma_wait3A_86, %dma_wait3A_87] : memref<10112x128xf32, #tpu.memory_space<vmem_shared>> -> memref<10112x128xf32, #tpu.memory_space<vmem_shared>>
      tpu.wait_indirect_dma semaphore(%run_scoped3A_76 : memref<!tpu.dma_semaphore, #tpu.memory_space<semaphore_mem>>) src(%arg10 : memref<128x128xf32, #tpu.memory_space<vmem>>) dst(%dma_wait3A_88 : memref<10112x128xf32, #tpu.memory_space<vmem_shared>>)
      tpu.yield
    }) : () -> ()
    %dma_wait3A_27 = arith.constant 39 : i32
    %dma_wait3A_28 = arith.constant 0 : i32
    %dma_wait3A_29 = tpu.memref_slice %arg8[%dma_wait3A_27, %dma_wait3A_28] : memref<40x128xi32, #tpu.memory_space<vmem>> -> memref<1x128xi32, #tpu.memory_space<vmem>>
    %dma_wait3A_30 = tpu.memref_squeeze %dma_wait3A_29 : memref<1x128xi32, #tpu.memory_space<vmem>> -> memref<128xi32, #tpu.memory_space<vmem>>
    %dma_wait3A_31 = arith.constant 0 : i32
    %dma_wait3A_32 = arith.constant 0 : i32
    %dma_wait3A_33 = tpu.memref_slice %arg2[%dma_wait3A_31, %dma_wait3A_32] : memref<10000x128xf32, #tpu.memory_space<hbm>> -> memref<10000x128xf32, #tpu.memory_space<hbm>>
    tpu.wait_indirect_dma semaphore(%arg13 : memref<!tpu.dma_semaphore, #tpu.memory_space<semaphore_mem>>) src(%dma_wait3A_33 : memref<10000x128xf32, #tpu.memory_space<hbm>>) dst(%arg11 : memref<128x128xf32, #tpu.memory_space<vmem>>)
    %run_scoped3A_34 = arith.constant 39 : i32
    "tpu.region"() ({
      %run_scoped3A_76 = tpu.sem_alloc : memref<!tpu.dma_semaphore, #tpu.memory_space<semaphore_mem>>
      %dma_start3A_77 = arith.constant 0 : i32
      %dma_start3A_78 = tpu.memref_slice %arg9[%run_scoped3A_34, %dma_start3A_77] : memref<40x128xi32, #tpu.memory_space<vmem>> -> memref<1x128xi32, #tpu.memory_space<vmem>>
      %dma_start3A_79 = tpu.memref_squeeze %dma_start3A_78 : memref<1x128xi32, #tpu.memory_space<vmem>> -> memref<128xi32, #tpu.memory_space<vmem>>
      %dma_start3A_80 = arith.constant 0 : i32
      %dma_start3A_81 = arith.constant 0 : i32
      %dma_start3A_82 = tpu.memref_slice %arg7[%dma_start3A_80, %dma_start3A_81] : memref<10112x128xf32, #tpu.memory_space<vmem_shared>> -> memref<10112x128xf32, #tpu.memory_space<vmem_shared>>
      tpu.enqueue_indirect_dma source(%arg11 : memref<128x128xf32, #tpu.memory_space<vmem>>) target(%dma_start3A_82 : memref<10112x128xf32, #tpu.memory_space<vmem_shared>>) offsets(%dma_start3A_79 : memref<128xi32, #tpu.memory_space<vmem>>) semaphore(%run_scoped3A_76 : memref<!tpu.dma_semaphore, #tpu.memory_space<semaphore_mem>>) {add = true}
      %dma_wait3A_83 = arith.constant 0 : i32
      %dma_wait3A_84 = tpu.memref_slice %arg9[%run_scoped3A_34, %dma_wait3A_83] : memref<40x128xi32, #tpu.memory_space<vmem>> -> memref<1x128xi32, #tpu.memory_space<vmem>>
      %dma_wait3A_85 = tpu.memref_squeeze %dma_wait3A_84 : memref<1x128xi32, #tpu.memory_space<vmem>> -> memref<128xi32, #tpu.memory_space<vmem>>
      %dma_wait3A_86 = arith.constant 0 : i32
      %dma_wait3A_87 = arith.constant 0 : i32
      %dma_wait3A_88 = tpu.memref_slice %arg7[%dma_wait3A_86, %dma_wait3A_87] : memref<10112x128xf32, #tpu.memory_space<vmem_shared>> -> memref<10112x128xf32, #tpu.memory_space<vmem_shared>>
      tpu.wait_indirect_dma semaphore(%run_scoped3A_76 : memref<!tpu.dma_semaphore, #tpu.memory_space<semaphore_mem>>) src(%arg11 : memref<128x128xf32, #tpu.memory_space<vmem>>) dst(%dma_wait3A_88 : memref<10112x128xf32, #tpu.memory_space<vmem_shared>>)
      tpu.yield
    }) : () -> ()
    "tpu.region"() ({
      %run_scoped3A_76 = tpu.sem_alloc : memref<!tpu.dma_semaphore, #tpu.memory_space<semaphore_mem>>
      %dma_start3A_77 = arith.constant 40 : i32
      %dma_start3A_78 = arith.constant 0 : i32
      %dma_start3A_79 = tpu.memref_slice %arg3[%add3A, %dma_start3A_77, %dma_start3A_78] : memref<32x80x128xi32, #tpu.memory_space<hbm>> -> memref<1x40x128xi32, #tpu.memory_space<hbm>>
      %dma_start3A_80 = tpu.memref_squeeze %dma_start3A_79 : memref<1x40x128xi32, #tpu.memory_space<hbm>> -> memref<40x128xi32, #tpu.memory_space<hbm>>
      %dma_start3A_81 = arith.constant 40 : i32
      %dma_start3A_82 = arith.constant 0 : i32
      %dma_start3A_83 = tpu.memref_slice %arg3[%add3A, %dma_start3A_81, %dma_start3A_82] : memref<32x80x128xi32, #tpu.memory_space<hbm>> -> memref<1x40x128xi32, #tpu.memory_space<hbm>>
      %dma_start3A_84 = tpu.memref_squeeze %dma_start3A_83 : memref<1x40x128xi32, #tpu.memory_space<hbm>> -> memref<40x128xi32, #tpu.memory_space<hbm>>
      tpu.enqueue_dma source(%dma_start3A_84 : memref<40x128xi32, #tpu.memory_space<hbm>>) target(%arg8 : memref<40x128xi32, #tpu.memory_space<vmem>>) target_semaphore(%run_scoped3A_76 : memref<!tpu.dma_semaphore, #tpu.memory_space<semaphore_mem>>)
      %dma_wait3A_85 = arith.constant 40 : i32
      %dma_wait3A_86 = arith.constant 0 : i32
      %dma_wait3A_87 = tpu.memref_slice %arg3[%add3A, %dma_wait3A_85, %dma_wait3A_86] : memref<32x80x128xi32, #tpu.memory_space<hbm>> -> memref<1x40x128xi32, #tpu.memory_space<hbm>>
      %dma_wait3A_88 = tpu.memref_squeeze %dma_wait3A_87 : memref<1x40x128xi32, #tpu.memory_space<hbm>> -> memref<40x128xi32, #tpu.memory_space<hbm>>
      %dma_wait3A_89 = arith.constant 40 : i32
      %dma_wait3A_90 = arith.constant 0 : i32
      %dma_wait3A_91 = tpu.memref_slice %arg3[%add3A, %dma_wait3A_89, %dma_wait3A_90] : memref<32x80x128xi32, #tpu.memory_space<hbm>> -> memref<1x40x128xi32, #tpu.memory_space<hbm>>
      %dma_wait3A_92 = tpu.memref_squeeze %dma_wait3A_91 : memref<1x40x128xi32, #tpu.memory_space<hbm>> -> memref<40x128xi32, #tpu.memory_space<hbm>>
      tpu.wait_dma2 semaphore(%run_scoped3A_76 : memref<!tpu.dma_semaphore, #tpu.memory_space<semaphore_mem>>) src(%dma_wait3A_92 : memref<40x128xi32, #tpu.memory_space<hbm>>) dst(%arg8 : memref<40x128xi32, #tpu.memory_space<vmem>>)
      tpu.yield
    }) : () -> ()
    "tpu.region"() ({
      %run_scoped3A_76 = tpu.sem_alloc : memref<!tpu.dma_semaphore, #tpu.memory_space<semaphore_mem>>
      %dma_start3A_77 = arith.constant 40 : i32
      %dma_start3A_78 = arith.constant 0 : i32
      %dma_start3A_79 = tpu.memref_slice %arg4[%add3A, %dma_start3A_77, %dma_start3A_78] : memref<32x80x128xi32, #tpu.memory_space<hbm>> -> memref<1x40x128xi32, #tpu.memory_space<hbm>>
      %dma_start3A_80 = tpu.memref_squeeze %dma_start3A_79 : memref<1x40x128xi32, #tpu.memory_space<hbm>> -> memref<40x128xi32, #tpu.memory_space<hbm>>
      %dma_start3A_81 = arith.constant 40 : i32
      %dma_start3A_82 = arith.constant 0 : i32
      %dma_start3A_83 = tpu.memref_slice %arg4[%add3A, %dma_start3A_81, %dma_start3A_82] : memref<32x80x128xi32, #tpu.memory_space<hbm>> -> memref<1x40x128xi32, #tpu.memory_space<hbm>>
      %dma_start3A_84 = tpu.memref_squeeze %dma_start3A_83 : memref<1x40x128xi32, #tpu.memory_space<hbm>> -> memref<40x128xi32, #tpu.memory_space<hbm>>
      tpu.enqueue_dma source(%dma_start3A_84 : memref<40x128xi32, #tpu.memory_space<hbm>>) target(%arg9 : memref<40x128xi32, #tpu.memory_space<vmem>>) target_semaphore(%run_scoped3A_76 : memref<!tpu.dma_semaphore, #tpu.memory_space<semaphore_mem>>)
      %dma_wait3A_85 = arith.constant 40 : i32
      %dma_wait3A_86 = arith.constant 0 : i32
      %dma_wait3A_87 = tpu.memref_slice %arg4[%add3A, %dma_wait3A_85, %dma_wait3A_86] : memref<32x80x128xi32, #tpu.memory_space<hbm>> -> memref<1x40x128xi32, #tpu.memory_space<hbm>>
      %dma_wait3A_88 = tpu.memref_squeeze %dma_wait3A_87 : memref<1x40x128xi32, #tpu.memory_space<hbm>> -> memref<40x128xi32, #tpu.memory_space<hbm>>
      %dma_wait3A_89 = arith.constant 40 : i32
      %dma_wait3A_90 = arith.constant 0 : i32
      %dma_wait3A_91 = tpu.memref_slice %arg4[%add3A, %dma_wait3A_89, %dma_wait3A_90] : memref<32x80x128xi32, #tpu.memory_space<hbm>> -> memref<1x40x128xi32, #tpu.memory_space<hbm>>
      %dma_wait3A_92 = tpu.memref_squeeze %dma_wait3A_91 : memref<1x40x128xi32, #tpu.memory_space<hbm>> -> memref<40x128xi32, #tpu.memory_space<hbm>>
      tpu.wait_dma2 semaphore(%run_scoped3A_76 : memref<!tpu.dma_semaphore, #tpu.memory_space<semaphore_mem>>) src(%dma_wait3A_92 : memref<40x128xi32, #tpu.memory_space<hbm>>) dst(%arg9 : memref<40x128xi32, #tpu.memory_space<vmem>>)
      tpu.yield
    }) : () -> ()
    %dma_start3A_35 = arith.constant 0 : i32
    %dma_start3A_36 = arith.constant 0 : i32
    %dma_start3A_37 = tpu.memref_slice %arg8[%dma_start3A_35, %dma_start3A_36] : memref<40x128xi32, #tpu.memory_space<vmem>> -> memref<1x128xi32, #tpu.memory_space<vmem>>
    %dma_start3A_38 = tpu.memref_squeeze %dma_start3A_37 : memref<1x128xi32, #tpu.memory_space<vmem>> -> memref<128xi32, #tpu.memory_space<vmem>>
    %dma_start3A_39 = arith.constant 0 : i32
    %dma_start3A_40 = arith.constant 0 : i32
    %dma_start3A_41 = tpu.memref_slice %arg2[%dma_start3A_39, %dma_start3A_40] : memref<10000x128xf32, #tpu.memory_space<hbm>> -> memref<10000x128xf32, #tpu.memory_space<hbm>>
    tpu.enqueue_indirect_dma source(%dma_start3A_41 : memref<10000x128xf32, #tpu.memory_space<hbm>>) target(%arg10 : memref<128x128xf32, #tpu.memory_space<vmem>>) offsets(%dma_start3A_38 : memref<128xi32, #tpu.memory_space<vmem>>) semaphore(%arg12 : memref<!tpu.dma_semaphore, #tpu.memory_space<semaphore_mem>>)
    %scan3A_42 = arith.constant 0 : i32
    %scan3A_43 = arith.constant 0 : i32
    %scan3A_44 = arith.constant 19 : i32
    %scan3A_45 = arith.addi %scan3A_43, %scan3A_44 : i32
    %scan3A_46 = arith.constant 1 : i32
    scf.for %scan3A_76 = %scan3A_43 to %scan3A_45 step %scan3A_46  : i32 {
      %mul3A_77 = arith.constant 2 : i32
      %mul3A_78 = arith.muli %scan3A_76, %mul3A_77 : i32
      %add3A_79 = arith.constant 1 : i32
      %add3A_80 = arith.addi %mul3A_78, %add3A_79 : i32
      %dma_start3A_81 = arith.constant 0 : i32
      %dma_start3A_82 = tpu.memref_slice %arg8[%add3A_80, %dma_start3A_81] : memref<40x128xi32, #tpu.memory_space<vmem>> -> memref<1x128xi32, #tpu.memory_space<vmem>>
      %dma_start3A_83 = tpu.memref_squeeze %dma_start3A_82 : memref<1x128xi32, #tpu.memory_space<vmem>> -> memref<128xi32, #tpu.memory_space<vmem>>
      %dma_start3A_84 = arith.constant 0 : i32
      %dma_start3A_85 = arith.constant 0 : i32
      %dma_start3A_86 = tpu.memref_slice %arg2[%dma_start3A_84, %dma_start3A_85] : memref<10000x128xf32, #tpu.memory_space<hbm>> -> memref<10000x128xf32, #tpu.memory_space<hbm>>
      tpu.enqueue_indirect_dma source(%dma_start3A_86 : memref<10000x128xf32, #tpu.memory_space<hbm>>) target(%arg11 : memref<128x128xf32, #tpu.memory_space<vmem>>) offsets(%dma_start3A_83 : memref<128xi32, #tpu.memory_space<vmem>>) semaphore(%arg13 : memref<!tpu.dma_semaphore, #tpu.memory_space<semaphore_mem>>)
      %dma_wait3A_87 = arith.constant 0 : i32
      %dma_wait3A_88 = tpu.memref_slice %arg8[%mul3A_78, %dma_wait3A_87] : memref<40x128xi32, #tpu.memory_space<vmem>> -> memref<1x128xi32, #tpu.memory_space<vmem>>
      %dma_wait3A_89 = tpu.memref_squeeze %dma_wait3A_88 : memref<1x128xi32, #tpu.memory_space<vmem>> -> memref<128xi32, #tpu.memory_space<vmem>>
      %dma_wait3A_90 = arith.constant 0 : i32
      %dma_wait3A_91 = arith.constant 0 : i32
      %dma_wait3A_92 = tpu.memref_slice %arg2[%dma_wait3A_90, %dma_wait3A_91] : memref<10000x128xf32, #tpu.memory_space<hbm>> -> memref<10000x128xf32, #tpu.memory_space<hbm>>
      tpu.wait_indirect_dma semaphore(%arg12 : memref<!tpu.dma_semaphore, #tpu.memory_space<semaphore_mem>>) src(%dma_wait3A_92 : memref<10000x128xf32, #tpu.memory_space<hbm>>) dst(%arg10 : memref<128x128xf32, #tpu.memory_space<vmem>>)
      "tpu.region"() ({
        %run_scoped3A_111 = tpu.sem_alloc : memref<!tpu.dma_semaphore, #tpu.memory_space<semaphore_mem>>
        %dma_start3A_112 = arith.constant 0 : i32
        %dma_start3A_113 = tpu.memref_slice %arg9[%mul3A_78, %dma_start3A_112] : memref<40x128xi32, #tpu.memory_space<vmem>> -> memref<1x128xi32, #tpu.memory_space<vmem>>
        %dma_start3A_114 = tpu.memref_squeeze %dma_start3A_113 : memref<1x128xi32, #tpu.memory_space<vmem>> -> memref<128xi32, #tpu.memory_space<vmem>>
        %dma_start3A_115 = arith.constant 0 : i32
        %dma_start3A_116 = arith.constant 0 : i32
        %dma_start3A_117 = tpu.memref_slice %arg7[%dma_start3A_115, %dma_start3A_116] : memref<10112x128xf32, #tpu.memory_space<vmem_shared>> -> memref<10112x128xf32, #tpu.memory_space<vmem_shared>>
        tpu.enqueue_indirect_dma source(%arg10 : memref<128x128xf32, #tpu.memory_space<vmem>>) target(%dma_start3A_117 : memref<10112x128xf32, #tpu.memory_space<vmem_shared>>) offsets(%dma_start3A_114 : memref<128xi32, #tpu.memory_space<vmem>>) semaphore(%run_scoped3A_111 : memref<!tpu.dma_semaphore, #tpu.memory_space<semaphore_mem>>) {add = true}
        %dma_wait3A_118 = arith.constant 0 : i32
        %dma_wait3A_119 = tpu.memref_slice %arg9[%mul3A_78, %dma_wait3A_118] : memref<40x128xi32, #tpu.memory_space<vmem>> -> memref<1x128xi32, #tpu.memory_space<vmem>>
        %dma_wait3A_120 = tpu.memref_squeeze %dma_wait3A_119 : memref<1x128xi32, #tpu.memory_space<vmem>> -> memref<128xi32, #tpu.memory_space<vmem>>
        %dma_wait3A_121 = arith.constant 0 : i32
        %dma_wait3A_122 = arith.constant 0 : i32
        %dma_wait3A_123 = tpu.memref_slice %arg7[%dma_wait3A_121, %dma_wait3A_122] : memref<10112x128xf32, #tpu.memory_space<vmem_shared>> -> memref<10112x128xf32, #tpu.memory_space<vmem_shared>>
        tpu.wait_indirect_dma semaphore(%run_scoped3A_111 : memref<!tpu.dma_semaphore, #tpu.memory_space<semaphore_mem>>) src(%arg10 : memref<128x128xf32, #tpu.memory_space<vmem>>) dst(%dma_wait3A_123 : memref<10112x128xf32, #tpu.memory_space<vmem_shared>>)
        tpu.yield
      }) : () -> ()
      %add3A_93 = arith.constant 2 : i32
      %add3A_94 = arith.addi %mul3A_78, %add3A_93 : i32
      %dma_start3A_95 = arith.constant 0 : i32
      %dma_start3A_96 = tpu.memref_slice %arg8[%add3A_94, %dma_start3A_95] : memref<40x128xi32, #tpu.memory_space<vmem>> -> memref<1x128xi32, #tpu.memory_space<vmem>>
      %dma_start3A_97 = tpu.memref_squeeze %dma_start3A_96 : memref<1x128xi32, #tpu.memory_space<vmem>> -> memref<128xi32, #tpu.memory_space<vmem>>
      %dma_start3A_98 = arith.constant 0 : i32
      %dma_start3A_99 = arith.constant 0 : i32
      %dma_start3A_100 = tpu.memref_slice %arg2[%dma_start3A_98, %dma_start3A_99] : memref<10000x128xf32, #tpu.memory_space<hbm>> -> memref<10000x128xf32, #tpu.memory_space<hbm>>
      tpu.enqueue_indirect_dma source(%dma_start3A_100 : memref<10000x128xf32, #tpu.memory_space<hbm>>) target(%arg10 : memref<128x128xf32, #tpu.memory_space<vmem>>) offsets(%dma_start3A_97 : memref<128xi32, #tpu.memory_space<vmem>>) semaphore(%arg12 : memref<!tpu.dma_semaphore, #tpu.memory_space<semaphore_mem>>)
      %add3A_101 = arith.constant 1 : i32
      %add3A_102 = arith.addi %mul3A_78, %add3A_101 : i32
      %dma_wait3A_103 = arith.constant 0 : i32
      %dma_wait3A_104 = tpu.memref_slice %arg8[%add3A_102, %dma_wait3A_103] : memref<40x128xi32, #tpu.memory_space<vmem>> -> memref<1x128xi32, #tpu.memory_space<vmem>>
      %dma_wait3A_105 = tpu.memref_squeeze %dma_wait3A_104 : memref<1x128xi32, #tpu.memory_space<vmem>> -> memref<128xi32, #tpu.memory_space<vmem>>
      %dma_wait3A_106 = arith.constant 0 : i32
      %dma_wait3A_107 = arith.constant 0 : i32
      %dma_wait3A_108 = tpu.memref_slice %arg2[%dma_wait3A_106, %dma_wait3A_107] : memref<10000x128xf32, #tpu.memory_space<hbm>> -> memref<10000x128xf32, #tpu.memory_space<hbm>>
      tpu.wait_indirect_dma semaphore(%arg13 : memref<!tpu.dma_semaphore, #tpu.memory_space<semaphore_mem>>) src(%dma_wait3A_108 : memref<10000x128xf32, #tpu.memory_space<hbm>>) dst(%arg11 : memref<128x128xf32, #tpu.memory_space<vmem>>)
      %add3A_109 = arith.constant 1 : i32
      %add3A_110 = arith.addi %mul3A_78, %add3A_109 : i32
      "tpu.region"() ({
        %run_scoped3A_111 = tpu.sem_alloc : memref<!tpu.dma_semaphore, #tpu.memory_space<semaphore_mem>>
        %dma_start3A_112 = arith.constant 0 : i32
        %dma_start3A_113 = tpu.memref_slice %arg9[%add3A_110, %dma_start3A_112] : memref<40x128xi32, #tpu.memory_space<vmem>> -> memref<1x128xi32, #tpu.memory_space<vmem>>
        %dma_start3A_114 = tpu.memref_squeeze %dma_start3A_113 : memref<1x128xi32, #tpu.memory_space<vmem>> -> memref<128xi32, #tpu.memory_space<vmem>>
        %dma_start3A_115 = arith.constant 0 : i32
        %dma_start3A_116 = arith.constant 0 : i32
        %dma_start3A_117 = tpu.memref_slice %arg7[%dma_start3A_115, %dma_start3A_116] : memref<10112x128xf32, #tpu.memory_space<vmem_shared>> -> memref<10112x128xf32, #tpu.memory_space<vmem_shared>>
        tpu.enqueue_indirect_dma source(%arg11 : memref<128x128xf32, #tpu.memory_space<vmem>>) target(%dma_start3A_117 : memref<10112x128xf32, #tpu.memory_space<vmem_shared>>) offsets(%dma_start3A_114 : memref<128xi32, #tpu.memory_space<vmem>>) semaphore(%run_scoped3A_111 : memref<!tpu.dma_semaphore, #tpu.memory_space<semaphore_mem>>) {add = true}
        %dma_wait3A_118 = arith.constant 0 : i32
        %dma_wait3A_119 = tpu.memref_slice %arg9[%add3A_110, %dma_wait3A_118] : memref<40x128xi32, #tpu.memory_space<vmem>> -> memref<1x128xi32, #tpu.memory_space<vmem>>
        %dma_wait3A_120 = tpu.memref_squeeze %dma_wait3A_119 : memref<1x128xi32, #tpu.memory_space<vmem>> -> memref<128xi32, #tpu.memory_space<vmem>>
        %dma_wait3A_121 = arith.constant 0 : i32
        %dma_wait3A_122 = arith.constant 0 : i32
        %dma_wait3A_123 = tpu.memref_slice %arg7[%dma_wait3A_121, %dma_wait3A_122] : memref<10112x128xf32, #tpu.memory_space<vmem_shared>> -> memref<10112x128xf32, #tpu.memory_space<vmem_shared>>
        tpu.wait_indirect_dma semaphore(%run_scoped3A_111 : memref<!tpu.dma_semaphore, #tpu.memory_space<semaphore_mem>>) src(%arg11 : memref<128x128xf32, #tpu.memory_space<vmem>>) dst(%dma_wait3A_123 : memref<10112x128xf32, #tpu.memory_space<vmem_shared>>)
        tpu.yield
      }) : () -> ()
    }
    %scan3A_47 = arith.constant 19 : i32
    %dma_start3A_48 = arith.constant 39 : i32
    %dma_start3A_49 = arith.constant 0 : i32
    %dma_start3A_50 = tpu.memref_slice %arg8[%dma_start3A_48, %dma_start3A_49] : memref<40x128xi32, #tpu.memory_space<vmem>> -> memref<1x128xi32, #tpu.memory_space<vmem>>
    %dma_start3A_51 = tpu.memref_squeeze %dma_start3A_50 : memref<1x128xi32, #tpu.memory_space<vmem>> -> memref<128xi32, #tpu.memory_space<vmem>>
    %dma_start3A_52 = arith.constant 0 : i32
    %dma_start3A_53 = arith.constant 0 : i32
    %dma_start3A_54 = tpu.memref_slice %arg2[%dma_start3A_52, %dma_start3A_53] : memref<10000x128xf32, #tpu.memory_space<hbm>> -> memref<10000x128xf32, #tpu.memory_space<hbm>>
    tpu.enqueue_indirect_dma source(%dma_start3A_54 : memref<10000x128xf32, #tpu.memory_space<hbm>>) target(%arg11 : memref<128x128xf32, #tpu.memory_space<vmem>>) offsets(%dma_start3A_51 : memref<128xi32, #tpu.memory_space<vmem>>) semaphore(%arg13 : memref<!tpu.dma_semaphore, #tpu.memory_space<semaphore_mem>>)
    %dma_wait3A_55 = arith.constant 38 : i32
    %dma_wait3A_56 = arith.constant 0 : i32
    %dma_wait3A_57 = tpu.memref_slice %arg8[%dma_wait3A_55, %dma_wait3A_56] : memref<40x128xi32, #tpu.memory_space<vmem>> -> memref<1x128xi32, #tpu.memory_space<vmem>>
    %dma_wait3A_58 = tpu.memref_squeeze %dma_wait3A_57 : memref<1x128xi32, #tpu.memory_space<vmem>> -> memref<128xi32, #tpu.memory_space<vmem>>
    %dma_wait3A_59 = arith.constant 0 : i32
    %dma_wait3A_60 = arith.constant 0 : i32
    %dma_wait3A_61 = tpu.memref_slice %arg2[%dma_wait3A_59, %dma_wait3A_60] : memref<10000x128xf32, #tpu.memory_space<hbm>> -> memref<10000x128xf32, #tpu.memory_space<hbm>>
    tpu.wait_indirect_dma semaphore(%arg12 : memref<!tpu.dma_semaphore, #tpu.memory_space<semaphore_mem>>) src(%dma_wait3A_61 : memref<10000x128xf32, #tpu.memory_space<hbm>>) dst(%arg10 : memref<128x128xf32, #tpu.memory_space<vmem>>)
    %run_scoped3A_62 = arith.constant 38 : i32
    "tpu.region"() ({
      %run_scoped3A_76 = tpu.sem_alloc : memref<!tpu.dma_semaphore, #tpu.memory_space<semaphore_mem>>
      %dma_start3A_77 = arith.constant 0 : i32
      %dma_start3A_78 = tpu.memref_slice %arg9[%run_scoped3A_62, %dma_start3A_77] : memref<40x128xi32, #tpu.memory_space<vmem>> -> memref<1x128xi32, #tpu.memory_space<vmem>>
      %dma_start3A_79 = tpu.memref_squeeze %dma_start3A_78 : memref<1x128xi32, #tpu.memory_space<vmem>> -> memref<128xi32, #tpu.memory_space<vmem>>
      %dma_start3A_80 = arith.constant 0 : i32
      %dma_start3A_81 = arith.constant 0 : i32
      %dma_start3A_82 = tpu.memref_slice %arg7[%dma_start3A_80, %dma_start3A_81] : memref<10112x128xf32, #tpu.memory_space<vmem_shared>> -> memref<10112x128xf32, #tpu.memory_space<vmem_shared>>
      tpu.enqueue_indirect_dma source(%arg10 : memref<128x128xf32, #tpu.memory_space<vmem>>) target(%dma_start3A_82 : memref<10112x128xf32, #tpu.memory_space<vmem_shared>>) offsets(%dma_start3A_79 : memref<128xi32, #tpu.memory_space<vmem>>) semaphore(%run_scoped3A_76 : memref<!tpu.dma_semaphore, #tpu.memory_space<semaphore_mem>>) {add = true}
      %dma_wait3A_83 = arith.constant 0 : i32
      %dma_wait3A_84 = tpu.memref_slice %arg9[%run_scoped3A_62, %dma_wait3A_83] : memref<40x128xi32, #tpu.memory_space<vmem>> -> memref<1x128xi32, #tpu.memory_space<vmem>>
      %dma_wait3A_85 = tpu.memref_squeeze %dma_wait3A_84 : memref<1x128xi32, #tpu.memory_space<vmem>> -> memref<128xi32, #tpu.memory_space<vmem>>
      %dma_wait3A_86 = arith.constant 0 : i32
      %dma_wait3A_87 = arith.constant 0 : i32
      %dma_wait3A_88 = tpu.memref_slice %arg7[%dma_wait3A_86, %dma_wait3A_87] : memref<10112x128xf32, #tpu.memory_space<vmem_shared>> -> memref<10112x128xf32, #tpu.memory_space<vmem_shared>>
      tpu.wait_indirect_dma semaphore(%run_scoped3A_76 : memref<!tpu.dma_semaphore, #tpu.memory_space<semaphore_mem>>) src(%arg10 : memref<128x128xf32, #tpu.memory_space<vmem>>) dst(%dma_wait3A_88 : memref<10112x128xf32, #tpu.memory_space<vmem_shared>>)
      tpu.yield
    }) : () -> ()
    %dma_wait3A_63 = arith.constant 39 : i32
    %dma_wait3A_64 = arith.constant 0 : i32
    %dma_wait3A_65 = tpu.memref_slice %arg8[%dma_wait3A_63, %dma_wait3A_64] : memref<40x128xi32, #tpu.memory_space<vmem>> -> memref<1x128xi32, #tpu.memory_space<vmem>>
    %dma_wait3A_66 = tpu.memref_squeeze %dma_wait3A_65 : memref<1x128xi32, #tpu.memory_space<vmem>> -> memref<128xi32, #tpu.memory_space<vmem>>
    %dma_wait3A_67 = arith.constant 0 : i32
    %dma_wait3A_68 = arith.constant 0 : i32
    %dma_wait3A_69 = tpu.memref_slice %arg2[%dma_wait3A_67, %dma_wait3A_68] : memref<10000x128xf32, #tpu.memory_space<hbm>> -> memref<10000x128xf32, #tpu.memory_space<hbm>>
    tpu.wait_indirect_dma semaphore(%arg13 : memref<!tpu.dma_semaphore, #tpu.memory_space<semaphore_mem>>) src(%dma_wait3A_69 : memref<10000x128xf32, #tpu.memory_space<hbm>>) dst(%arg11 : memref<128x128xf32, #tpu.memory_space<vmem>>)
    %run_scoped3A_70 = arith.constant 39 : i32
    "tpu.region"() ({
      %run_scoped3A_76 = tpu.sem_alloc : memref<!tpu.dma_semaphore, #tpu.memory_space<semaphore_mem>>
      %dma_start3A_77 = arith.constant 0 : i32
      %dma_start3A_78 = tpu.memref_slice %arg9[%run_scoped3A_70, %dma_start3A_77] : memref<40x128xi32, #tpu.memory_space<vmem>> -> memref<1x128xi32, #tpu.memory_space<vmem>>
      %dma_start3A_79 = tpu.memref_squeeze %dma_start3A_78 : memref<1x128xi32, #tpu.memory_space<vmem>> -> memref<128xi32, #tpu.memory_space<vmem>>
      %dma_start3A_80 = arith.constant 0 : i32
      %dma_start3A_81 = arith.constant 0 : i32
      %dma_start3A_82 = tpu.memref_slice %arg7[%dma_start3A_80, %dma_start3A_81] : memref<10112x128xf32, #tpu.memory_space<vmem_shared>> -> memref<10112x128xf32, #tpu.memory_space<vmem_shared>>
      tpu.enqueue_indirect_dma source(%arg11 : memref<128x128xf32, #tpu.memory_space<vmem>>) target(%dma_start3A_82 : memref<10112x128xf32, #tpu.memory_space<vmem_shared>>) offsets(%dma_start3A_79 : memref<128xi32, #tpu.memory_space<vmem>>) semaphore(%run_scoped3A_76 : memref<!tpu.dma_semaphore, #tpu.memory_space<semaphore_mem>>) {add = true}
      %dma_wait3A_83 = arith.constant 0 : i32
      %dma_wait3A_84 = tpu.memref_slice %arg9[%run_scoped3A_70, %dma_wait3A_83] : memref<40x128xi32, #tpu.memory_space<vmem>> -> memref<1x128xi32, #tpu.memory_space<vmem>>
      %dma_wait3A_85 = tpu.memref_squeeze %dma_wait3A_84 : memref<1x128xi32, #tpu.memory_space<vmem>> -> memref<128xi32, #tpu.memory_space<vmem>>
      %dma_wait3A_86 = arith.constant 0 : i32
      %dma_wait3A_87 = arith.constant 0 : i32
      %dma_wait3A_88 = tpu.memref_slice %arg7[%dma_wait3A_86, %dma_wait3A_87] : memref<10112x128xf32, #tpu.memory_space<vmem_shared>> -> memref<10112x128xf32, #tpu.memory_space<vmem_shared>>
      tpu.wait_indirect_dma semaphore(%run_scoped3A_76 : memref<!tpu.dma_semaphore, #tpu.memory_space<semaphore_mem>>) src(%arg11 : memref<128x128xf32, #tpu.memory_space<vmem>>) dst(%dma_wait3A_88 : memref<10112x128xf32, #tpu.memory_space<vmem_shared>>)
      tpu.yield
    }) : () -> ()
    %barrier3A_71 = arith.constant 0 : index
    tpu.barrier barrier_id(%barrier3A_71)
    %mul3A_72 = arith.constant 632 : i32
    %mul3A_73 = arith.muli %arg1, %mul3A_72 : i32
    %mul3A_74 = arith.constant 632 : i32
    %mul3A_75 = arith.muli %arg1, %mul3A_74 : i32
    "tpu.region"() ({
      %run_scoped3A_76 = tpu.sem_alloc : memref<!tpu.dma_semaphore, #tpu.memory_space<semaphore_mem>>
      %dma_start3A_77 = arith.constant 0 : i32
      %dma_start3A_78 = tpu.memref_slice %arg6[%arg0, %mul3A_75, %dma_start3A_77] : memref<2x10112x128xf32, #tpu.memory_space<hbm>> -> memref<1x632x128xf32, #tpu.memory_space<hbm>>
      %dma_start3A_79 = tpu.memref_squeeze %dma_start3A_78 : memref<1x632x128xf32, #tpu.memory_space<hbm>> -> memref<632x128xf32, #tpu.memory_space<hbm>>
      %dma_start3A_80 = arith.constant 0 : i32
      %dma_start3A_81 = tpu.memref_slice %arg7[%mul3A_73, %dma_start3A_80] : memref<10112x128xf32, #tpu.memory_space<vmem_shared>> -> memref<632x128xf32, #tpu.memory_space<vmem_shared>>
      tpu.enqueue_dma source(%dma_start3A_81 : memref<632x128xf32, #tpu.memory_space<vmem_shared>>) target(%dma_start3A_79 : memref<632x128xf32, #tpu.memory_space<hbm>>) target_semaphore(%run_scoped3A_76 : memref<!tpu.dma_semaphore, #tpu.memory_space<semaphore_mem>>)
      %dma_wait3A_82 = arith.constant 0 : i32
      %dma_wait3A_83 = tpu.memref_slice %arg6[%arg0, %mul3A_75, %dma_wait3A_82] : memref<2x10112x128xf32, #tpu.memory_space<hbm>> -> memref<1x632x128xf32, #tpu.memory_space<hbm>>
      %dma_wait3A_84 = tpu.memref_squeeze %dma_wait3A_83 : memref<1x632x128xf32, #tpu.memory_space<hbm>> -> memref<632x128xf32, #tpu.memory_space<hbm>>
      %dma_wait3A_85 = arith.constant 0 : i32
      %dma_wait3A_86 = tpu.memref_slice %arg7[%mul3A_73, %dma_wait3A_85] : memref<10112x128xf32, #tpu.memory_space<vmem_shared>> -> memref<632x128xf32, #tpu.memory_space<vmem_shared>>
      tpu.wait_dma2 semaphore(%run_scoped3A_76 : memref<!tpu.dma_semaphore, #tpu.memory_space<semaphore_mem>>) src(%dma_wait3A_86 : memref<632x128xf32, #tpu.memory_space<vmem_shared>>) dst(%dma_wait3A_84 : memref<632x128xf32, #tpu.memory_space<hbm>>)
      tpu.yield
    }) : () -> ()
    return
  }
}

#map = affine_map<(d0, d1) -> (0, 0)>
#map1 = affine_map<(d0, d1) -> (0, 0, 0)>
module attributes {stable_mosaic.version = 14 : i64} {
  func.func @_segsum_body(%arg0: i32, %arg1: i32, %arg2: memref<10000x128xf32, #tpu.memory_space<hbm>>, %arg3: memref<32x80x128xi32, #tpu.memory_space<hbm>>, %arg4: memref<32x80x128xi32, #tpu.memory_space<hbm>>, %arg5: memref<632x128xf32, #tpu.memory_space<hbm>>, %arg6: memref<2x10112x128xf32, #tpu.memory_space<hbm>>, %arg7: memref<10112x128xf32, #tpu.memory_space<vmem_shared>>, %arg8: memref<40x128xi32, #tpu.memory_space<vmem>>, %arg9: memref<40x128xi32, #tpu.memory_space<vmem>>, %arg10: memref<128x128xf32, #tpu.memory_space<vmem>>, %arg11: memref<128x128xf32, #tpu.memory_space<vmem>>, %arg12: memref<!tpu.dma_semaphore, #tpu.memory_space<semaphore_mem>>, %arg13: memref<!tpu.dma_semaphore, #tpu.memory_space<semaphore_mem>>, %arg14: memref<!tpu.dma_semaphore, #tpu.memory_space<semaphore_mem>>, %arg15: memref<!tpu.dma_semaphore, #tpu.memory_space<semaphore_mem>>) attributes {dimension_semantics = [#tpu.dimension_semantics<core_parallel>, #tpu.dimension_semantics<subcore_parallel>], iteration_bounds = array<i64: 2, 16>, scalar_prefetch = 0 : i64, scratch_operands = 9 : i64, tpu.core_type = #tpu.core_type<sc_vector_subcore>, window_params = [{transform_indices = #map}, {transform_indices = #map1}, {transform_indices = #map1}, {transform_indices = #map}, {transform_indices = #map1}]} {
    %mul3A = arith.constant 2 : i32
    %mul3A_0 = arith.muli %arg1, %mul3A : i32
    %add3A = arith.addi %mul3A_0, %arg0 : i32
    %mul3A_1 = arith.constant 632 : i32
    %mul3A_2 = arith.muli %arg1, %mul3A_1 : i32
    "tpu.region"() ({
      %run_scoped3A_76 = tpu.sem_alloc : memref<!tpu.dma_semaphore, #tpu.memory_space<semaphore_mem>>
      %dma_start3A_77 = arith.constant 0 : i32
      %dma_start3A_78 = tpu.memref_slice %arg7[%mul3A_2, %dma_start3A_77] : memref<10112x128xf32, #tpu.memory_space<vmem_shared>> -> memref<632x128xf32, #tpu.memory_space<vmem_shared>>
      tpu.enqueue_dma source(%arg5 : memref<632x128xf32, #tpu.memory_space<hbm>>) target(%dma_start3A_78 : memref<632x128xf32, #tpu.memory_space<vmem_shared>>) target_semaphore(%run_scoped3A_76 : memref<!tpu.dma_semaphore, #tpu.memory_space<semaphore_mem>>)
      %dma_wait3A_79 = arith.constant 0 : i32
      %dma_wait3A_80 = tpu.memref_slice %arg7[%mul3A_2, %dma_wait3A_79] : memref<10112x128xf32, #tpu.memory_space<vmem_shared>> -> memref<632x128xf32, #tpu.memory_space<vmem_shared>>
      tpu.wait_dma2 semaphore(%run_scoped3A_76 : memref<!tpu.dma_semaphore, #tpu.memory_space<semaphore_mem>>) src(%arg5 : memref<632x128xf32, #tpu.memory_space<hbm>>) dst(%dma_wait3A_80 : memref<632x128xf32, #tpu.memory_space<vmem_shared>>)
      tpu.yield
    }) : () -> ()
    %barrier3A = arith.constant 0 : index
    tpu.barrier barrier_id(%barrier3A)
    "tpu.region"() ({
      %run_scoped3A_76 = tpu.sem_alloc : memref<!tpu.dma_semaphore, #tpu.memory_space<semaphore_mem>>
      %dma_start3A_77 = arith.constant 0 : i32
      %dma_start3A_78 = arith.constant 0 : i32
      %dma_start3A_79 = tpu.memref_slice %arg3[%add3A, %dma_start3A_77, %dma_start3A_78] : memref<32x80x128xi32, #tpu.memory_space<hbm>> -> memref<1x40x128xi32, #tpu.memory_space<hbm>>
      %dma_start3A_80 = tpu.memref_squeeze %dma_start3A_79 : memref<1x40x128xi32, #tpu.memory_space<hbm>> -> memref<40x128xi32, #tpu.memory_space<hbm>>
      %dma_start3A_81 = arith.constant 0 : i32
      %dma_start3A_82 = arith.constant 0 : i32
      %dma_start3A_83 = tpu.memref_slice %arg3[%add3A, %dma_start3A_81, %dma_start3A_82] : memref<32x80x128xi32, #tpu.memory_space<hbm>> -> memref<1x40x128xi32, #tpu.memory_space<hbm>>
      %dma_start3A_84 = tpu.memref_squeeze %dma_start3A_83 : memref<1x40x128xi32, #tpu.memory_space<hbm>> -> memref<40x128xi32, #tpu.memory_space<hbm>>
      tpu.enqueue_dma source(%dma_start3A_84 : memref<40x128xi32, #tpu.memory_space<hbm>>) target(%arg8 : memref<40x128xi32, #tpu.memory_space<vmem>>) target_semaphore(%run_scoped3A_76 : memref<!tpu.dma_semaphore, #tpu.memory_space<semaphore_mem>>)
      %dma_wait3A_85 = arith.constant 0 : i32
      %dma_wait3A_86 = arith.constant 0 : i32
      %dma_wait3A_87 = tpu.memref_slice %arg3[%add3A, %dma_wait3A_85, %dma_wait3A_86] : memref<32x80x128xi32, #tpu.memory_space<hbm>> -> memref<1x40x128xi32, #tpu.memory_space<hbm>>
      %dma_wait3A_88 = tpu.memref_squeeze %dma_wait3A_87 : memref<1x40x128xi32, #tpu.memory_space<hbm>> -> memref<40x128xi32, #tpu.memory_space<hbm>>
      %dma_wait3A_89 = arith.constant 0 : i32
      %dma_wait3A_90 = arith.constant 0 : i32
      %dma_wait3A_91 = tpu.memref_slice %arg3[%add3A, %dma_wait3A_89, %dma_wait3A_90] : memref<32x80x128xi32, #tpu.memory_space<hbm>> -> memref<1x40x128xi32, #tpu.memory_space<hbm>>
      %dma_wait3A_92 = tpu.memref_squeeze %dma_wait3A_91 : memref<1x40x128xi32, #tpu.memory_space<hbm>> -> memref<40x128xi32, #tpu.memory_space<hbm>>
      tpu.wait_dma2 semaphore(%run_scoped3A_76 : memref<!tpu.dma_semaphore, #tpu.memory_space<semaphore_mem>>) src(%dma_wait3A_92 : memref<40x128xi32, #tpu.memory_space<hbm>>) dst(%arg8 : memref<40x128xi32, #tpu.memory_space<vmem>>)
      tpu.yield
    }) : () -> ()
    "tpu.region"() ({
      %run_scoped3A_76 = tpu.sem_alloc : memref<!tpu.dma_semaphore, #tpu.memory_space<semaphore_mem>>
      %dma_start3A_77 = arith.constant 0 : i32
      %dma_start3A_78 = arith.constant 0 : i32
      %dma_start3A_79 = tpu.memref_slice %arg4[%add3A, %dma_start3A_77, %dma_start3A_78] : memref<32x80x128xi32, #tpu.memory_space<hbm>> -> memref<1x40x128xi32, #tpu.memory_space<hbm>>
      %dma_start3A_80 = tpu.memref_squeeze %dma_start3A_79 : memref<1x40x128xi32, #tpu.memory_space<hbm>> -> memref<40x128xi32, #tpu.memory_space<hbm>>
      %dma_start3A_81 = arith.constant 0 : i32
      %dma_start3A_82 = arith.constant 0 : i32
      %dma_start3A_83 = tpu.memref_slice %arg4[%add3A, %dma_start3A_81, %dma_start3A_82] : memref<32x80x128xi32, #tpu.memory_space<hbm>> -> memref<1x40x128xi32, #tpu.memory_space<hbm>>
      %dma_start3A_84 = tpu.memref_squeeze %dma_start3A_83 : memref<1x40x128xi32, #tpu.memory_space<hbm>> -> memref<40x128xi32, #tpu.memory_space<hbm>>
      tpu.enqueue_dma source(%dma_start3A_84 : memref<40x128xi32, #tpu.memory_space<hbm>>) target(%arg9 : memref<40x128xi32, #tpu.memory_space<vmem>>) target_semaphore(%run_scoped3A_76 : memref<!tpu.dma_semaphore, #tpu.memory_space<semaphore_mem>>)
      %dma_wait3A_85 = arith.constant 0 : i32
      %dma_wait3A_86 = arith.constant 0 : i32
      %dma_wait3A_87 = tpu.memref_slice %arg4[%add3A, %dma_wait3A_85, %dma_wait3A_86] : memref<32x80x128xi32, #tpu.memory_space<hbm>> -> memref<1x40x128xi32, #tpu.memory_space<hbm>>
      %dma_wait3A_88 = tpu.memref_squeeze %dma_wait3A_87 : memref<1x40x128xi32, #tpu.memory_space<hbm>> -> memref<40x128xi32, #tpu.memory_space<hbm>>
      %dma_wait3A_89 = arith.constant 0 : i32
      %dma_wait3A_90 = arith.constant 0 : i32
      %dma_wait3A_91 = tpu.memref_slice %arg4[%add3A, %dma_wait3A_89, %dma_wait3A_90] : memref<32x80x128xi32, #tpu.memory_space<hbm>> -> memref<1x40x128xi32, #tpu.memory_space<hbm>>
      %dma_wait3A_92 = tpu.memref_squeeze %dma_wait3A_91 : memref<1x40x128xi32, #tpu.memory_space<hbm>> -> memref<40x128xi32, #tpu.memory_space<hbm>>
      tpu.wait_dma2 semaphore(%run_scoped3A_76 : memref<!tpu.dma_semaphore, #tpu.memory_space<semaphore_mem>>) src(%dma_wait3A_92 : memref<40x128xi32, #tpu.memory_space<hbm>>) dst(%arg9 : memref<40x128xi32, #tpu.memory_space<vmem>>)
      tpu.yield
    }) : () -> ()
    %dma_start3A = arith.constant 0 : i32
    %dma_start3A_3 = arith.constant 0 : i32
    %dma_start3A_4 = tpu.memref_slice %arg8[%dma_start3A, %dma_start3A_3] : memref<40x128xi32, #tpu.memory_space<vmem>> -> memref<1x128xi32, #tpu.memory_space<vmem>>
    %dma_start3A_5 = tpu.memref_squeeze %dma_start3A_4 : memref<1x128xi32, #tpu.memory_space<vmem>> -> memref<128xi32, #tpu.memory_space<vmem>>
    %dma_start3A_6 = arith.constant 0 : i32
    %dma_start3A_7 = arith.constant 0 : i32
    %dma_start3A_8 = tpu.memref_slice %arg2[%dma_start3A_6, %dma_start3A_7] : memref<10000x128xf32, #tpu.memory_space<hbm>> -> memref<10000x128xf32, #tpu.memory_space<hbm>>
    tpu.enqueue_indirect_dma source(%dma_start3A_8 : memref<10000x128xf32, #tpu.memory_space<hbm>>) target(%arg10 : memref<128x128xf32, #tpu.memory_space<vmem>>) offsets(%dma_start3A_5 : memref<128xi32, #tpu.memory_space<vmem>>) semaphore(%arg12 : memref<!tpu.dma_semaphore, #tpu.memory_space<semaphore_mem>>)
    %scan3A = arith.constant 0 : i32
    %scan3A_9 = arith.constant 0 : i32
    %scan3A_10 = arith.constant 19 : i32
    %scan3A_11 = arith.addi %scan3A_9, %scan3A_10 : i32
    %scan3A_12 = arith.constant 1 : i32
    scf.for %scan3A_76 = %scan3A_9 to %scan3A_11 step %scan3A_12  : i32 {
      %mul3A_77 = arith.constant 2 : i32
      %mul3A_78 = arith.muli %scan3A_76, %mul3A_77 : i32
      %add3A_79 = arith.constant 1 : i32
      %add3A_80 = arith.addi %mul3A_78, %add3A_79 : i32
      %dma_start3A_81 = arith.constant 0 : i32
      %dma_start3A_82 = tpu.memref_slice %arg8[%add3A_80, %dma_start3A_81] : memref<40x128xi32, #tpu.memory_space<vmem>> -> memref<1x128xi32, #tpu.memory_space<vmem>>
      %dma_start3A_83 = tpu.memref_squeeze %dma_start3A_82 : memref<1x128xi32, #tpu.memory_space<vmem>> -> memref<128xi32, #tpu.memory_space<vmem>>
      %dma_start3A_84 = arith.constant 0 : i32
      %dma_start3A_85 = arith.constant 0 : i32
      %dma_start3A_86 = tpu.memref_slice %arg2[%dma_start3A_84, %dma_start3A_85] : memref<10000x128xf32, #tpu.memory_space<hbm>> -> memref<10000x128xf32, #tpu.memory_space<hbm>>
      tpu.enqueue_indirect_dma source(%dma_start3A_86 : memref<10000x128xf32, #tpu.memory_space<hbm>>) target(%arg11 : memref<128x128xf32, #tpu.memory_space<vmem>>) offsets(%dma_start3A_83 : memref<128xi32, #tpu.memory_space<vmem>>) semaphore(%arg13 : memref<!tpu.dma_semaphore, #tpu.memory_space<semaphore_mem>>)
      %dma_wait3A_87 = arith.constant 0 : i32
      %dma_wait3A_88 = tpu.memref_slice %arg8[%mul3A_78, %dma_wait3A_87] : memref<40x128xi32, #tpu.memory_space<vmem>> -> memref<1x128xi32, #tpu.memory_space<vmem>>
      %dma_wait3A_89 = tpu.memref_squeeze %dma_wait3A_88 : memref<1x128xi32, #tpu.memory_space<vmem>> -> memref<128xi32, #tpu.memory_space<vmem>>
      %dma_wait3A_90 = arith.constant 0 : i32
      %dma_wait3A_91 = arith.constant 0 : i32
      %dma_wait3A_92 = tpu.memref_slice %arg2[%dma_wait3A_90, %dma_wait3A_91] : memref<10000x128xf32, #tpu.memory_space<hbm>> -> memref<10000x128xf32, #tpu.memory_space<hbm>>
      tpu.wait_indirect_dma semaphore(%arg12 : memref<!tpu.dma_semaphore, #tpu.memory_space<semaphore_mem>>) src(%dma_wait3A_92 : memref<10000x128xf32, #tpu.memory_space<hbm>>) dst(%arg10 : memref<128x128xf32, #tpu.memory_space<vmem>>)
      "tpu.region"() ({
        %run_scoped3A_111 = tpu.sem_alloc : memref<!tpu.dma_semaphore, #tpu.memory_space<semaphore_mem>>
        %dma_start3A_112 = arith.constant 0 : i32
        %dma_start3A_113 = tpu.memref_slice %arg9[%mul3A_78, %dma_start3A_112] : memref<40x128xi32, #tpu.memory_space<vmem>> -> memref<1x128xi32, #tpu.memory_space<vmem>>
        %dma_start3A_114 = tpu.memref_squeeze %dma_start3A_113 : memref<1x128xi32, #tpu.memory_space<vmem>> -> memref<128xi32, #tpu.memory_space<vmem>>
        %dma_start3A_115 = arith.constant 0 : i32
        %dma_start3A_116 = arith.constant 0 : i32
        %dma_start3A_117 = tpu.memref_slice %arg7[%dma_start3A_115, %dma_start3A_116] : memref<10112x128xf32, #tpu.memory_space<vmem_shared>> -> memref<10112x128xf32, #tpu.memory_space<vmem_shared>>
        tpu.enqueue_indirect_dma source(%arg10 : memref<128x128xf32, #tpu.memory_space<vmem>>) target(%dma_start3A_117 : memref<10112x128xf32, #tpu.memory_space<vmem_shared>>) offsets(%dma_start3A_114 : memref<128xi32, #tpu.memory_space<vmem>>) semaphore(%run_scoped3A_111 : memref<!tpu.dma_semaphore, #tpu.memory_space<semaphore_mem>>) {add = true}
        %dma_wait3A_118 = arith.constant 0 : i32
        %dma_wait3A_119 = tpu.memref_slice %arg9[%mul3A_78, %dma_wait3A_118] : memref<40x128xi32, #tpu.memory_space<vmem>> -> memref<1x128xi32, #tpu.memory_space<vmem>>
        %dma_wait3A_120 = tpu.memref_squeeze %dma_wait3A_119 : memref<1x128xi32, #tpu.memory_space<vmem>> -> memref<128xi32, #tpu.memory_space<vmem>>
        %dma_wait3A_121 = arith.constant 0 : i32
        %dma_wait3A_122 = arith.constant 0 : i32
        %dma_wait3A_123 = tpu.memref_slice %arg7[%dma_wait3A_121, %dma_wait3A_122] : memref<10112x128xf32, #tpu.memory_space<vmem_shared>> -> memref<10112x128xf32, #tpu.memory_space<vmem_shared>>
        tpu.wait_indirect_dma semaphore(%run_scoped3A_111 : memref<!tpu.dma_semaphore, #tpu.memory_space<semaphore_mem>>) src(%arg10 : memref<128x128xf32, #tpu.memory_space<vmem>>) dst(%dma_wait3A_123 : memref<10112x128xf32, #tpu.memory_space<vmem_shared>>)
        tpu.yield
      }) : () -> ()
      %add3A_93 = arith.constant 2 : i32
      %add3A_94 = arith.addi %mul3A_78, %add3A_93 : i32
      %dma_start3A_95 = arith.constant 0 : i32
      %dma_start3A_96 = tpu.memref_slice %arg8[%add3A_94, %dma_start3A_95] : memref<40x128xi32, #tpu.memory_space<vmem>> -> memref<1x128xi32, #tpu.memory_space<vmem>>
      %dma_start3A_97 = tpu.memref_squeeze %dma_start3A_96 : memref<1x128xi32, #tpu.memory_space<vmem>> -> memref<128xi32, #tpu.memory_space<vmem>>
      %dma_start3A_98 = arith.constant 0 : i32
      %dma_start3A_99 = arith.constant 0 : i32
      %dma_start3A_100 = tpu.memref_slice %arg2[%dma_start3A_98, %dma_start3A_99] : memref<10000x128xf32, #tpu.memory_space<hbm>> -> memref<10000x128xf32, #tpu.memory_space<hbm>>
      tpu.enqueue_indirect_dma source(%dma_start3A_100 : memref<10000x128xf32, #tpu.memory_space<hbm>>) target(%arg10 : memref<128x128xf32, #tpu.memory_space<vmem>>) offsets(%dma_start3A_97 : memref<128xi32, #tpu.memory_space<vmem>>) semaphore(%arg12 : memref<!tpu.dma_semaphore, #tpu.memory_space<semaphore_mem>>)
      %add3A_101 = arith.constant 1 : i32
      %add3A_102 = arith.addi %mul3A_78, %add3A_101 : i32
      %dma_wait3A_103 = arith.constant 0 : i32
      %dma_wait3A_104 = tpu.memref_slice %arg8[%add3A_102, %dma_wait3A_103] : memref<40x128xi32, #tpu.memory_space<vmem>> -> memref<1x128xi32, #tpu.memory_space<vmem>>
      %dma_wait3A_105 = tpu.memref_squeeze %dma_wait3A_104 : memref<1x128xi32, #tpu.memory_space<vmem>> -> memref<128xi32, #tpu.memory_space<vmem>>
      %dma_wait3A_106 = arith.constant 0 : i32
      %dma_wait3A_107 = arith.constant 0 : i32
      %dma_wait3A_108 = tpu.memref_slice %arg2[%dma_wait3A_106, %dma_wait3A_107] : memref<10000x128xf32, #tpu.memory_space<hbm>> -> memref<10000x128xf32, #tpu.memory_space<hbm>>
      tpu.wait_indirect_dma semaphore(%arg13 : memref<!tpu.dma_semaphore, #tpu.memory_space<semaphore_mem>>) src(%dma_wait3A_108 : memref<10000x128xf32, #tpu.memory_space<hbm>>) dst(%arg11 : memref<128x128xf32, #tpu.memory_space<vmem>>)
      %add3A_109 = arith.constant 1 : i32
      %add3A_110 = arith.addi %mul3A_78, %add3A_109 : i32
      "tpu.region"() ({
        %run_scoped3A_111 = tpu.sem_alloc : memref<!tpu.dma_semaphore, #tpu.memory_space<semaphore_mem>>
        %dma_start3A_112 = arith.constant 0 : i32
        %dma_start3A_113 = tpu.memref_slice %arg9[%add3A_110, %dma_start3A_112] : memref<40x128xi32, #tpu.memory_space<vmem>> -> memref<1x128xi32, #tpu.memory_space<vmem>>
        %dma_start3A_114 = tpu.memref_squeeze %dma_start3A_113 : memref<1x128xi32, #tpu.memory_space<vmem>> -> memref<128xi32, #tpu.memory_space<vmem>>
        %dma_start3A_115 = arith.constant 0 : i32
        %dma_start3A_116 = arith.constant 0 : i32
        %dma_start3A_117 = tpu.memref_slice %arg7[%dma_start3A_115, %dma_start3A_116] : memref<10112x128xf32, #tpu.memory_space<vmem_shared>> -> memref<10112x128xf32, #tpu.memory_space<vmem_shared>>
        tpu.enqueue_indirect_dma source(%arg11 : memref<128x128xf32, #tpu.memory_space<vmem>>) target(%dma_start3A_117 : memref<10112x128xf32, #tpu.memory_space<vmem_shared>>) offsets(%dma_start3A_114 : memref<128xi32, #tpu.memory_space<vmem>>) semaphore(%run_scoped3A_111 : memref<!tpu.dma_semaphore, #tpu.memory_space<semaphore_mem>>) {add = true}
        %dma_wait3A_118 = arith.constant 0 : i32
        %dma_wait3A_119 = tpu.memref_slice %arg9[%add3A_110, %dma_wait3A_118] : memref<40x128xi32, #tpu.memory_space<vmem>> -> memref<1x128xi32, #tpu.memory_space<vmem>>
        %dma_wait3A_120 = tpu.memref_squeeze %dma_wait3A_119 : memref<1x128xi32, #tpu.memory_space<vmem>> -> memref<128xi32, #tpu.memory_space<vmem>>
        %dma_wait3A_121 = arith.constant 0 : i32
        %dma_wait3A_122 = arith.constant 0 : i32
        %dma_wait3A_123 = tpu.memref_slice %arg7[%dma_wait3A_121, %dma_wait3A_122] : memref<10112x128xf32, #tpu.memory_space<vmem_shared>> -> memref<10112x128xf32, #tpu.memory_space<vmem_shared>>
        tpu.wait_indirect_dma semaphore(%run_scoped3A_111 : memref<!tpu.dma_semaphore, #tpu.memory_space<semaphore_mem>>) src(%arg11 : memref<128x128xf32, #tpu.memory_space<vmem>>) dst(%dma_wait3A_123 : memref<10112x128xf32, #tpu.memory_space<vmem_shared>>)
        tpu.yield
      }) : () -> ()
    }
    %scan3A_13 = arith.constant 19 : i32
    %dma_start3A_14 = arith.constant 39 : i32
    %dma_start3A_15 = arith.constant 0 : i32
    %dma_start3A_16 = tpu.memref_slice %arg8[%dma_start3A_14, %dma_start3A_15] : memref<40x128xi32, #tpu.memory_space<vmem>> -> memref<1x128xi32, #tpu.memory_space<vmem>>
    %dma_start3A_17 = tpu.memref_squeeze %dma_start3A_16 : memref<1x128xi32, #tpu.memory_space<vmem>> -> memref<128xi32, #tpu.memory_space<vmem>>
    %dma_start3A_18 = arith.constant 0 : i32
    %dma_start3A_19 = arith.constant 0 : i32
    %dma_start3A_20 = tpu.memref_slice %arg2[%dma_start3A_18, %dma_start3A_19] : memref<10000x128xf32, #tpu.memory_space<hbm>> -> memref<10000x128xf32, #tpu.memory_space<hbm>>
    tpu.enqueue_indirect_dma source(%dma_start3A_20 : memref<10000x128xf32, #tpu.memory_space<hbm>>) target(%arg11 : memref<128x128xf32, #tpu.memory_space<vmem>>) offsets(%dma_start3A_17 : memref<128xi32, #tpu.memory_space<vmem>>) semaphore(%arg13 : memref<!tpu.dma_semaphore, #tpu.memory_space<semaphore_mem>>)
    %dma_wait3A = arith.constant 38 : i32
    %dma_wait3A_21 = arith.constant 0 : i32
    %dma_wait3A_22 = tpu.memref_slice %arg8[%dma_wait3A, %dma_wait3A_21] : memref<40x128xi32, #tpu.memory_space<vmem>> -> memref<1x128xi32, #tpu.memory_space<vmem>>
    %dma_wait3A_23 = tpu.memref_squeeze %dma_wait3A_22 : memref<1x128xi32, #tpu.memory_space<vmem>> -> memref<128xi32, #tpu.memory_space<vmem>>
    %dma_wait3A_24 = arith.constant 0 : i32
    %dma_wait3A_25 = arith.constant 0 : i32
    %dma_wait3A_26 = tpu.memref_slice %arg2[%dma_wait3A_24, %dma_wait3A_25] : memref<10000x128xf32, #tpu.memory_space<hbm>> -> memref<10000x128xf32, #tpu.memory_space<hbm>>
    tpu.wait_indirect_dma semaphore(%arg12 : memref<!tpu.dma_semaphore, #tpu.memory_space<semaphore_mem>>) src(%dma_wait3A_26 : memref<10000x128xf32, #tpu.memory_space<hbm>>) dst(%arg10 : memref<128x128xf32, #tpu.memory_space<vmem>>)
    %run_scoped3A = arith.constant 38 : i32
    "tpu.region"() ({
      %run_scoped3A_76 = tpu.sem_alloc : memref<!tpu.dma_semaphore, #tpu.memory_space<semaphore_mem>>
      %dma_start3A_77 = arith.constant 0 : i32
      %dma_start3A_78 = tpu.memref_slice %arg9[%run_scoped3A, %dma_start3A_77] : memref<40x128xi32, #tpu.memory_space<vmem>> -> memref<1x128xi32, #tpu.memory_space<vmem>>
      %dma_start3A_79 = tpu.memref_squeeze %dma_start3A_78 : memref<1x128xi32, #tpu.memory_space<vmem>> -> memref<128xi32, #tpu.memory_space<vmem>>
      %dma_start3A_80 = arith.constant 0 : i32
      %dma_start3A_81 = arith.constant 0 : i32
      %dma_start3A_82 = tpu.memref_slice %arg7[%dma_start3A_80, %dma_start3A_81] : memref<10112x128xf32, #tpu.memory_space<vmem_shared>> -> memref<10112x128xf32, #tpu.memory_space<vmem_shared>>
      tpu.enqueue_indirect_dma source(%arg10 : memref<128x128xf32, #tpu.memory_space<vmem>>) target(%dma_start3A_82 : memref<10112x128xf32, #tpu.memory_space<vmem_shared>>) offsets(%dma_start3A_79 : memref<128xi32, #tpu.memory_space<vmem>>) semaphore(%run_scoped3A_76 : memref<!tpu.dma_semaphore, #tpu.memory_space<semaphore_mem>>) {add = true}
      %dma_wait3A_83 = arith.constant 0 : i32
      %dma_wait3A_84 = tpu.memref_slice %arg9[%run_scoped3A, %dma_wait3A_83] : memref<40x128xi32, #tpu.memory_space<vmem>> -> memref<1x128xi32, #tpu.memory_space<vmem>>
      %dma_wait3A_85 = tpu.memref_squeeze %dma_wait3A_84 : memref<1x128xi32, #tpu.memory_space<vmem>> -> memref<128xi32, #tpu.memory_space<vmem>>
      %dma_wait3A_86 = arith.constant 0 : i32
      %dma_wait3A_87 = arith.constant 0 : i32
      %dma_wait3A_88 = tpu.memref_slice %arg7[%dma_wait3A_86, %dma_wait3A_87] : memref<10112x128xf32, #tpu.memory_space<vmem_shared>> -> memref<10112x128xf32, #tpu.memory_space<vmem_shared>>
      tpu.wait_indirect_dma semaphore(%run_scoped3A_76 : memref<!tpu.dma_semaphore, #tpu.memory_space<semaphore_mem>>) src(%arg10 : memref<128x128xf32, #tpu.memory_space<vmem>>) dst(%dma_wait3A_88 : memref<10112x128xf32, #tpu.memory_space<vmem_shared>>)
      tpu.yield
    }) : () -> ()
    %dma_wait3A_27 = arith.constant 39 : i32
    %dma_wait3A_28 = arith.constant 0 : i32
    %dma_wait3A_29 = tpu.memref_slice %arg8[%dma_wait3A_27, %dma_wait3A_28] : memref<40x128xi32, #tpu.memory_space<vmem>> -> memref<1x128xi32, #tpu.memory_space<vmem>>
    %dma_wait3A_30 = tpu.memref_squeeze %dma_wait3A_29 : memref<1x128xi32, #tpu.memory_space<vmem>> -> memref<128xi32, #tpu.memory_space<vmem>>
    %dma_wait3A_31 = arith.constant 0 : i32
    %dma_wait3A_32 = arith.constant 0 : i32
    %dma_wait3A_33 = tpu.memref_slice %arg2[%dma_wait3A_31, %dma_wait3A_32] : memref<10000x128xf32, #tpu.memory_space<hbm>> -> memref<10000x128xf32, #tpu.memory_space<hbm>>
    tpu.wait_indirect_dma semaphore(%arg13 : memref<!tpu.dma_semaphore, #tpu.memory_space<semaphore_mem>>) src(%dma_wait3A_33 : memref<10000x128xf32, #tpu.memory_space<hbm>>) dst(%arg11 : memref<128x128xf32, #tpu.memory_space<vmem>>)
    %run_scoped3A_34 = arith.constant 39 : i32
    "tpu.region"() ({
      %run_scoped3A_76 = tpu.sem_alloc : memref<!tpu.dma_semaphore, #tpu.memory_space<semaphore_mem>>
      %dma_start3A_77 = arith.constant 0 : i32
      %dma_start3A_78 = tpu.memref_slice %arg9[%run_scoped3A_34, %dma_start3A_77] : memref<40x128xi32, #tpu.memory_space<vmem>> -> memref<1x128xi32, #tpu.memory_space<vmem>>
      %dma_start3A_79 = tpu.memref_squeeze %dma_start3A_78 : memref<1x128xi32, #tpu.memory_space<vmem>> -> memref<128xi32, #tpu.memory_space<vmem>>
      %dma_start3A_80 = arith.constant 0 : i32
      %dma_start3A_81 = arith.constant 0 : i32
      %dma_start3A_82 = tpu.memref_slice %arg7[%dma_start3A_80, %dma_start3A_81] : memref<10112x128xf32, #tpu.memory_space<vmem_shared>> -> memref<10112x128xf32, #tpu.memory_space<vmem_shared>>
      tpu.enqueue_indirect_dma source(%arg11 : memref<128x128xf32, #tpu.memory_space<vmem>>) target(%dma_start3A_82 : memref<10112x128xf32, #tpu.memory_space<vmem_shared>>) offsets(%dma_start3A_79 : memref<128xi32, #tpu.memory_space<vmem>>) semaphore(%run_scoped3A_76 : memref<!tpu.dma_semaphore, #tpu.memory_space<semaphore_mem>>) {add = true}
      %dma_wait3A_83 = arith.constant 0 : i32
      %dma_wait3A_84 = tpu.memref_slice %arg9[%run_scoped3A_34, %dma_wait3A_83] : memref<40x128xi32, #tpu.memory_space<vmem>> -> memref<1x128xi32, #tpu.memory_space<vmem>>
      %dma_wait3A_85 = tpu.memref_squeeze %dma_wait3A_84 : memref<1x128xi32, #tpu.memory_space<vmem>> -> memref<128xi32, #tpu.memory_space<vmem>>
      %dma_wait3A_86 = arith.constant 0 : i32
      %dma_wait3A_87 = arith.constant 0 : i32
      %dma_wait3A_88 = tpu.memref_slice %arg7[%dma_wait3A_86, %dma_wait3A_87] : memref<10112x128xf32, #tpu.memory_space<vmem_shared>> -> memref<10112x128xf32, #tpu.memory_space<vmem_shared>>
      tpu.wait_indirect_dma semaphore(%run_scoped3A_76 : memref<!tpu.dma_semaphore, #tpu.memory_space<semaphore_mem>>) src(%arg11 : memref<128x128xf32, #tpu.memory_space<vmem>>) dst(%dma_wait3A_88 : memref<10112x128xf32, #tpu.memory_space<vmem_shared>>)
      tpu.yield
    }) : () -> ()
    "tpu.region"() ({
      %run_scoped3A_76 = tpu.sem_alloc : memref<!tpu.dma_semaphore, #tpu.memory_space<semaphore_mem>>
      %dma_start3A_77 = arith.constant 40 : i32
      %dma_start3A_78 = arith.constant 0 : i32
      %dma_start3A_79 = tpu.memref_slice %arg3[%add3A, %dma_start3A_77, %dma_start3A_78] : memref<32x80x128xi32, #tpu.memory_space<hbm>> -> memref<1x40x128xi32, #tpu.memory_space<hbm>>
      %dma_start3A_80 = tpu.memref_squeeze %dma_start3A_79 : memref<1x40x128xi32, #tpu.memory_space<hbm>> -> memref<40x128xi32, #tpu.memory_space<hbm>>
      %dma_start3A_81 = arith.constant 40 : i32
      %dma_start3A_82 = arith.constant 0 : i32
      %dma_start3A_83 = tpu.memref_slice %arg3[%add3A, %dma_start3A_81, %dma_start3A_82] : memref<32x80x128xi32, #tpu.memory_space<hbm>> -> memref<1x40x128xi32, #tpu.memory_space<hbm>>
      %dma_start3A_84 = tpu.memref_squeeze %dma_start3A_83 : memref<1x40x128xi32, #tpu.memory_space<hbm>> -> memref<40x128xi32, #tpu.memory_space<hbm>>
      tpu.enqueue_dma source(%dma_start3A_84 : memref<40x128xi32, #tpu.memory_space<hbm>>) target(%arg8 : memref<40x128xi32, #tpu.memory_space<vmem>>) target_semaphore(%run_scoped3A_76 : memref<!tpu.dma_semaphore, #tpu.memory_space<semaphore_mem>>)
      %dma_wait3A_85 = arith.constant 40 : i32
      %dma_wait3A_86 = arith.constant 0 : i32
      %dma_wait3A_87 = tpu.memref_slice %arg3[%add3A, %dma_wait3A_85, %dma_wait3A_86] : memref<32x80x128xi32, #tpu.memory_space<hbm>> -> memref<1x40x128xi32, #tpu.memory_space<hbm>>
      %dma_wait3A_88 = tpu.memref_squeeze %dma_wait3A_87 : memref<1x40x128xi32, #tpu.memory_space<hbm>> -> memref<40x128xi32, #tpu.memory_space<hbm>>
      %dma_wait3A_89 = arith.constant 40 : i32
      %dma_wait3A_90 = arith.constant 0 : i32
      %dma_wait3A_91 = tpu.memref_slice %arg3[%add3A, %dma_wait3A_89, %dma_wait3A_90] : memref<32x80x128xi32, #tpu.memory_space<hbm>> -> memref<1x40x128xi32, #tpu.memory_space<hbm>>
      %dma_wait3A_92 = tpu.memref_squeeze %dma_wait3A_91 : memref<1x40x128xi32, #tpu.memory_space<hbm>> -> memref<40x128xi32, #tpu.memory_space<hbm>>
      tpu.wait_dma2 semaphore(%run_scoped3A_76 : memref<!tpu.dma_semaphore, #tpu.memory_space<semaphore_mem>>) src(%dma_wait3A_92 : memref<40x128xi32, #tpu.memory_space<hbm>>) dst(%arg8 : memref<40x128xi32, #tpu.memory_space<vmem>>)
      tpu.yield
    }) : () -> ()
    "tpu.region"() ({
      %run_scoped3A_76 = tpu.sem_alloc : memref<!tpu.dma_semaphore, #tpu.memory_space<semaphore_mem>>
      %dma_start3A_77 = arith.constant 40 : i32
      %dma_start3A_78 = arith.constant 0 : i32
      %dma_start3A_79 = tpu.memref_slice %arg4[%add3A, %dma_start3A_77, %dma_start3A_78] : memref<32x80x128xi32, #tpu.memory_space<hbm>> -> memref<1x40x128xi32, #tpu.memory_space<hbm>>
      %dma_start3A_80 = tpu.memref_squeeze %dma_start3A_79 : memref<1x40x128xi32, #tpu.memory_space<hbm>> -> memref<40x128xi32, #tpu.memory_space<hbm>>
      %dma_start3A_81 = arith.constant 40 : i32
      %dma_start3A_82 = arith.constant 0 : i32
      %dma_start3A_83 = tpu.memref_slice %arg4[%add3A, %dma_start3A_81, %dma_start3A_82] : memref<32x80x128xi32, #tpu.memory_space<hbm>> -> memref<1x40x128xi32, #tpu.memory_space<hbm>>
      %dma_start3A_84 = tpu.memref_squeeze %dma_start3A_83 : memref<1x40x128xi32, #tpu.memory_space<hbm>> -> memref<40x128xi32, #tpu.memory_space<hbm>>
      tpu.enqueue_dma source(%dma_start3A_84 : memref<40x128xi32, #tpu.memory_space<hbm>>) target(%arg9 : memref<40x128xi32, #tpu.memory_space<vmem>>) target_semaphore(%run_scoped3A_76 : memref<!tpu.dma_semaphore, #tpu.memory_space<semaphore_mem>>)
      %dma_wait3A_85 = arith.constant 40 : i32
      %dma_wait3A_86 = arith.constant 0 : i32
      %dma_wait3A_87 = tpu.memref_slice %arg4[%add3A, %dma_wait3A_85, %dma_wait3A_86] : memref<32x80x128xi32, #tpu.memory_space<hbm>> -> memref<1x40x128xi32, #tpu.memory_space<hbm>>
      %dma_wait3A_88 = tpu.memref_squeeze %dma_wait3A_87 : memref<1x40x128xi32, #tpu.memory_space<hbm>> -> memref<40x128xi32, #tpu.memory_space<hbm>>
      %dma_wait3A_89 = arith.constant 40 : i32
      %dma_wait3A_90 = arith.constant 0 : i32
      %dma_wait3A_91 = tpu.memref_slice %arg4[%add3A, %dma_wait3A_89, %dma_wait3A_90] : memref<32x80x128xi32, #tpu.memory_space<hbm>> -> memref<1x40x128xi32, #tpu.memory_space<hbm>>
      %dma_wait3A_92 = tpu.memref_squeeze %dma_wait3A_91 : memref<1x40x128xi32, #tpu.memory_space<hbm>> -> memref<40x128xi32, #tpu.memory_space<hbm>>
      tpu.wait_dma2 semaphore(%run_scoped3A_76 : memref<!tpu.dma_semaphore, #tpu.memory_space<semaphore_mem>>) src(%dma_wait3A_92 : memref<40x128xi32, #tpu.memory_space<hbm>>) dst(%arg9 : memref<40x128xi32, #tpu.memory_space<vmem>>)
      tpu.yield
    }) : () -> ()
    %dma_start3A_35 = arith.constant 0 : i32
    %dma_start3A_36 = arith.constant 0 : i32
    %dma_start3A_37 = tpu.memref_slice %arg8[%dma_start3A_35, %dma_start3A_36] : memref<40x128xi32, #tpu.memory_space<vmem>> -> memref<1x128xi32, #tpu.memory_space<vmem>>
    %dma_start3A_38 = tpu.memref_squeeze %dma_start3A_37 : memref<1x128xi32, #tpu.memory_space<vmem>> -> memref<128xi32, #tpu.memory_space<vmem>>
    %dma_start3A_39 = arith.constant 0 : i32
    %dma_start3A_40 = arith.constant 0 : i32
    %dma_start3A_41 = tpu.memref_slice %arg2[%dma_start3A_39, %dma_start3A_40] : memref<10000x128xf32, #tpu.memory_space<hbm>> -> memref<10000x128xf32, #tpu.memory_space<hbm>>
    tpu.enqueue_indirect_dma source(%dma_start3A_41 : memref<10000x128xf32, #tpu.memory_space<hbm>>) target(%arg10 : memref<128x128xf32, #tpu.memory_space<vmem>>) offsets(%dma_start3A_38 : memref<128xi32, #tpu.memory_space<vmem>>) semaphore(%arg12 : memref<!tpu.dma_semaphore, #tpu.memory_space<semaphore_mem>>)
    %scan3A_42 = arith.constant 0 : i32
    %scan3A_43 = arith.constant 0 : i32
    %scan3A_44 = arith.constant 19 : i32
    %scan3A_45 = arith.addi %scan3A_43, %scan3A_44 : i32
    %scan3A_46 = arith.constant 1 : i32
    scf.for %scan3A_76 = %scan3A_43 to %scan3A_45 step %scan3A_46  : i32 {
      %mul3A_77 = arith.constant 2 : i32
      %mul3A_78 = arith.muli %scan3A_76, %mul3A_77 : i32
      %add3A_79 = arith.constant 1 : i32
      %add3A_80 = arith.addi %mul3A_78, %add3A_79 : i32
      %dma_start3A_81 = arith.constant 0 : i32
      %dma_start3A_82 = tpu.memref_slice %arg8[%add3A_80, %dma_start3A_81] : memref<40x128xi32, #tpu.memory_space<vmem>> -> memref<1x128xi32, #tpu.memory_space<vmem>>
      %dma_start3A_83 = tpu.memref_squeeze %dma_start3A_82 : memref<1x128xi32, #tpu.memory_space<vmem>> -> memref<128xi32, #tpu.memory_space<vmem>>
      %dma_start3A_84 = arith.constant 0 : i32
      %dma_start3A_85 = arith.constant 0 : i32
      %dma_start3A_86 = tpu.memref_slice %arg2[%dma_start3A_84, %dma_start3A_85] : memref<10000x128xf32, #tpu.memory_space<hbm>> -> memref<10000x128xf32, #tpu.memory_space<hbm>>
      tpu.enqueue_indirect_dma source(%dma_start3A_86 : memref<10000x128xf32, #tpu.memory_space<hbm>>) target(%arg11 : memref<128x128xf32, #tpu.memory_space<vmem>>) offsets(%dma_start3A_83 : memref<128xi32, #tpu.memory_space<vmem>>) semaphore(%arg13 : memref<!tpu.dma_semaphore, #tpu.memory_space<semaphore_mem>>)
      %dma_wait3A_87 = arith.constant 0 : i32
      %dma_wait3A_88 = tpu.memref_slice %arg8[%mul3A_78, %dma_wait3A_87] : memref<40x128xi32, #tpu.memory_space<vmem>> -> memref<1x128xi32, #tpu.memory_space<vmem>>
      %dma_wait3A_89 = tpu.memref_squeeze %dma_wait3A_88 : memref<1x128xi32, #tpu.memory_space<vmem>> -> memref<128xi32, #tpu.memory_space<vmem>>
      %dma_wait3A_90 = arith.constant 0 : i32
      %dma_wait3A_91 = arith.constant 0 : i32
      %dma_wait3A_92 = tpu.memref_slice %arg2[%dma_wait3A_90, %dma_wait3A_91] : memref<10000x128xf32, #tpu.memory_space<hbm>> -> memref<10000x128xf32, #tpu.memory_space<hbm>>
      tpu.wait_indirect_dma semaphore(%arg12 : memref<!tpu.dma_semaphore, #tpu.memory_space<semaphore_mem>>) src(%dma_wait3A_92 : memref<10000x128xf32, #tpu.memory_space<hbm>>) dst(%arg10 : memref<128x128xf32, #tpu.memory_space<vmem>>)
      "tpu.region"() ({
        %run_scoped3A_111 = tpu.sem_alloc : memref<!tpu.dma_semaphore, #tpu.memory_space<semaphore_mem>>
        %dma_start3A_112 = arith.constant 0 : i32
        %dma_start3A_113 = tpu.memref_slice %arg9[%mul3A_78, %dma_start3A_112] : memref<40x128xi32, #tpu.memory_space<vmem>> -> memref<1x128xi32, #tpu.memory_space<vmem>>
        %dma_start3A_114 = tpu.memref_squeeze %dma_start3A_113 : memref<1x128xi32, #tpu.memory_space<vmem>> -> memref<128xi32, #tpu.memory_space<vmem>>
        %dma_start3A_115 = arith.constant 0 : i32
        %dma_start3A_116 = arith.constant 0 : i32
        %dma_start3A_117 = tpu.memref_slice %arg7[%dma_start3A_115, %dma_start3A_116] : memref<10112x128xf32, #tpu.memory_space<vmem_shared>> -> memref<10112x128xf32, #tpu.memory_space<vmem_shared>>
        tpu.enqueue_indirect_dma source(%arg10 : memref<128x128xf32, #tpu.memory_space<vmem>>) target(%dma_start3A_117 : memref<10112x128xf32, #tpu.memory_space<vmem_shared>>) offsets(%dma_start3A_114 : memref<128xi32, #tpu.memory_space<vmem>>) semaphore(%run_scoped3A_111 : memref<!tpu.dma_semaphore, #tpu.memory_space<semaphore_mem>>) {add = true}
        %dma_wait3A_118 = arith.constant 0 : i32
        %dma_wait3A_119 = tpu.memref_slice %arg9[%mul3A_78, %dma_wait3A_118] : memref<40x128xi32, #tpu.memory_space<vmem>> -> memref<1x128xi32, #tpu.memory_space<vmem>>
        %dma_wait3A_120 = tpu.memref_squeeze %dma_wait3A_119 : memref<1x128xi32, #tpu.memory_space<vmem>> -> memref<128xi32, #tpu.memory_space<vmem>>
        %dma_wait3A_121 = arith.constant 0 : i32
        %dma_wait3A_122 = arith.constant 0 : i32
        %dma_wait3A_123 = tpu.memref_slice %arg7[%dma_wait3A_121, %dma_wait3A_122] : memref<10112x128xf32, #tpu.memory_space<vmem_shared>> -> memref<10112x128xf32, #tpu.memory_space<vmem_shared>>
        tpu.wait_indirect_dma semaphore(%run_scoped3A_111 : memref<!tpu.dma_semaphore, #tpu.memory_space<semaphore_mem>>) src(%arg10 : memref<128x128xf32, #tpu.memory_space<vmem>>) dst(%dma_wait3A_123 : memref<10112x128xf32, #tpu.memory_space<vmem_shared>>)
        tpu.yield
      }) : () -> ()
      %add3A_93 = arith.constant 2 : i32
      %add3A_94 = arith.addi %mul3A_78, %add3A_93 : i32
      %dma_start3A_95 = arith.constant 0 : i32
      %dma_start3A_96 = tpu.memref_slice %arg8[%add3A_94, %dma_start3A_95] : memref<40x128xi32, #tpu.memory_space<vmem>> -> memref<1x128xi32, #tpu.memory_space<vmem>>
      %dma_start3A_97 = tpu.memref_squeeze %dma_start3A_96 : memref<1x128xi32, #tpu.memory_space<vmem>> -> memref<128xi32, #tpu.memory_space<vmem>>
      %dma_start3A_98 = arith.constant 0 : i32
      %dma_start3A_99 = arith.constant 0 : i32
      %dma_start3A_100 = tpu.memref_slice %arg2[%dma_start3A_98, %dma_start3A_99] : memref<10000x128xf32, #tpu.memory_space<hbm>> -> memref<10000x128xf32, #tpu.memory_space<hbm>>
      tpu.enqueue_indirect_dma source(%dma_start3A_100 : memref<10000x128xf32, #tpu.memory_space<hbm>>) target(%arg10 : memref<128x128xf32, #tpu.memory_space<vmem>>) offsets(%dma_start3A_97 : memref<128xi32, #tpu.memory_space<vmem>>) semaphore(%arg12 : memref<!tpu.dma_semaphore, #tpu.memory_space<semaphore_mem>>)
      %add3A_101 = arith.constant 1 : i32
      %add3A_102 = arith.addi %mul3A_78, %add3A_101 : i32
      %dma_wait3A_103 = arith.constant 0 : i32
      %dma_wait3A_104 = tpu.memref_slice %arg8[%add3A_102, %dma_wait3A_103] : memref<40x128xi32, #tpu.memory_space<vmem>> -> memref<1x128xi32, #tpu.memory_space<vmem>>
      %dma_wait3A_105 = tpu.memref_squeeze %dma_wait3A_104 : memref<1x128xi32, #tpu.memory_space<vmem>> -> memref<128xi32, #tpu.memory_space<vmem>>
      %dma_wait3A_106 = arith.constant 0 : i32
      %dma_wait3A_107 = arith.constant 0 : i32
      %dma_wait3A_108 = tpu.memref_slice %arg2[%dma_wait3A_106, %dma_wait3A_107] : memref<10000x128xf32, #tpu.memory_space<hbm>> -> memref<10000x128xf32, #tpu.memory_space<hbm>>
      tpu.wait_indirect_dma semaphore(%arg13 : memref<!tpu.dma_semaphore, #tpu.memory_space<semaphore_mem>>) src(%dma_wait3A_108 : memref<10000x128xf32, #tpu.memory_space<hbm>>) dst(%arg11 : memref<128x128xf32, #tpu.memory_space<vmem>>)
      %add3A_109 = arith.constant 1 : i32
      %add3A_110 = arith.addi %mul3A_78, %add3A_109 : i32
      "tpu.region"() ({
        %run_scoped3A_111 = tpu.sem_alloc : memref<!tpu.dma_semaphore, #tpu.memory_space<semaphore_mem>>
        %dma_start3A_112 = arith.constant 0 : i32
        %dma_start3A_113 = tpu.memref_slice %arg9[%add3A_110, %dma_start3A_112] : memref<40x128xi32, #tpu.memory_space<vmem>> -> memref<1x128xi32, #tpu.memory_space<vmem>>
        %dma_start3A_114 = tpu.memref_squeeze %dma_start3A_113 : memref<1x128xi32, #tpu.memory_space<vmem>> -> memref<128xi32, #tpu.memory_space<vmem>>
        %dma_start3A_115 = arith.constant 0 : i32
        %dma_start3A_116 = arith.constant 0 : i32
        %dma_start3A_117 = tpu.memref_slice %arg7[%dma_start3A_115, %dma_start3A_116] : memref<10112x128xf32, #tpu.memory_space<vmem_shared>> -> memref<10112x128xf32, #tpu.memory_space<vmem_shared>>
        tpu.enqueue_indirect_dma source(%arg11 : memref<128x128xf32, #tpu.memory_space<vmem>>) target(%dma_start3A_117 : memref<10112x128xf32, #tpu.memory_space<vmem_shared>>) offsets(%dma_start3A_114 : memref<128xi32, #tpu.memory_space<vmem>>) semaphore(%run_scoped3A_111 : memref<!tpu.dma_semaphore, #tpu.memory_space<semaphore_mem>>) {add = true}
        %dma_wait3A_118 = arith.constant 0 : i32
        %dma_wait3A_119 = tpu.memref_slice %arg9[%add3A_110, %dma_wait3A_118] : memref<40x128xi32, #tpu.memory_space<vmem>> -> memref<1x128xi32, #tpu.memory_space<vmem>>
        %dma_wait3A_120 = tpu.memref_squeeze %dma_wait3A_119 : memref<1x128xi32, #tpu.memory_space<vmem>> -> memref<128xi32, #tpu.memory_space<vmem>>
        %dma_wait3A_121 = arith.constant 0 : i32
        %dma_wait3A_122 = arith.constant 0 : i32
        %dma_wait3A_123 = tpu.memref_slice %arg7[%dma_wait3A_121, %dma_wait3A_122] : memref<10112x128xf32, #tpu.memory_space<vmem_shared>> -> memref<10112x128xf32, #tpu.memory_space<vmem_shared>>
        tpu.wait_indirect_dma semaphore(%run_scoped3A_111 : memref<!tpu.dma_semaphore, #tpu.memory_space<semaphore_mem>>) src(%arg11 : memref<128x128xf32, #tpu.memory_space<vmem>>) dst(%dma_wait3A_123 : memref<10112x128xf32, #tpu.memory_space<vmem_shared>>)
        tpu.yield
      }) : () -> ()
    }
    %scan3A_47 = arith.constant 19 : i32
    %dma_start3A_48 = arith.constant 39 : i32
    %dma_start3A_49 = arith.constant 0 : i32
    %dma_start3A_50 = tpu.memref_slice %arg8[%dma_start3A_48, %dma_start3A_49] : memref<40x128xi32, #tpu.memory_space<vmem>> -> memref<1x128xi32, #tpu.memory_space<vmem>>
    %dma_start3A_51 = tpu.memref_squeeze %dma_start3A_50 : memref<1x128xi32, #tpu.memory_space<vmem>> -> memref<128xi32, #tpu.memory_space<vmem>>
    %dma_start3A_52 = arith.constant 0 : i32
    %dma_start3A_53 = arith.constant 0 : i32
    %dma_start3A_54 = tpu.memref_slice %arg2[%dma_start3A_52, %dma_start3A_53] : memref<10000x128xf32, #tpu.memory_space<hbm>> -> memref<10000x128xf32, #tpu.memory_space<hbm>>
    tpu.enqueue_indirect_dma source(%dma_start3A_54 : memref<10000x128xf32, #tpu.memory_space<hbm>>) target(%arg11 : memref<128x128xf32, #tpu.memory_space<vmem>>) offsets(%dma_start3A_51 : memref<128xi32, #tpu.memory_space<vmem>>) semaphore(%arg13 : memref<!tpu.dma_semaphore, #tpu.memory_space<semaphore_mem>>)
    %dma_wait3A_55 = arith.constant 38 : i32
    %dma_wait3A_56 = arith.constant 0 : i32
    %dma_wait3A_57 = tpu.memref_slice %arg8[%dma_wait3A_55, %dma_wait3A_56] : memref<40x128xi32, #tpu.memory_space<vmem>> -> memref<1x128xi32, #tpu.memory_space<vmem>>
    %dma_wait3A_58 = tpu.memref_squeeze %dma_wait3A_57 : memref<1x128xi32, #tpu.memory_space<vmem>> -> memref<128xi32, #tpu.memory_space<vmem>>
    %dma_wait3A_59 = arith.constant 0 : i32
    %dma_wait3A_60 = arith.constant 0 : i32
    %dma_wait3A_61 = tpu.memref_slice %arg2[%dma_wait3A_59, %dma_wait3A_60] : memref<10000x128xf32, #tpu.memory_space<hbm>> -> memref<10000x128xf32, #tpu.memory_space<hbm>>
    tpu.wait_indirect_dma semaphore(%arg12 : memref<!tpu.dma_semaphore, #tpu.memory_space<semaphore_mem>>) src(%dma_wait3A_61 : memref<10000x128xf32, #tpu.memory_space<hbm>>) dst(%arg10 : memref<128x128xf32, #tpu.memory_space<vmem>>)
    %run_scoped3A_62 = arith.constant 38 : i32
    "tpu.region"() ({
      %run_scoped3A_76 = tpu.sem_alloc : memref<!tpu.dma_semaphore, #tpu.memory_space<semaphore_mem>>
      %dma_start3A_77 = arith.constant 0 : i32
      %dma_start3A_78 = tpu.memref_slice %arg9[%run_scoped3A_62, %dma_start3A_77] : memref<40x128xi32, #tpu.memory_space<vmem>> -> memref<1x128xi32, #tpu.memory_space<vmem>>
      %dma_start3A_79 = tpu.memref_squeeze %dma_start3A_78 : memref<1x128xi32, #tpu.memory_space<vmem>> -> memref<128xi32, #tpu.memory_space<vmem>>
      %dma_start3A_80 = arith.constant 0 : i32
      %dma_start3A_81 = arith.constant 0 : i32
      %dma_start3A_82 = tpu.memref_slice %arg7[%dma_start3A_80, %dma_start3A_81] : memref<10112x128xf32, #tpu.memory_space<vmem_shared>> -> memref<10112x128xf32, #tpu.memory_space<vmem_shared>>
      tpu.enqueue_indirect_dma source(%arg10 : memref<128x128xf32, #tpu.memory_space<vmem>>) target(%dma_start3A_82 : memref<10112x128xf32, #tpu.memory_space<vmem_shared>>) offsets(%dma_start3A_79 : memref<128xi32, #tpu.memory_space<vmem>>) semaphore(%run_scoped3A_76 : memref<!tpu.dma_semaphore, #tpu.memory_space<semaphore_mem>>) {add = true}
      %dma_wait3A_83 = arith.constant 0 : i32
      %dma_wait3A_84 = tpu.memref_slice %arg9[%run_scoped3A_62, %dma_wait3A_83] : memref<40x128xi32, #tpu.memory_space<vmem>> -> memref<1x128xi32, #tpu.memory_space<vmem>>
      %dma_wait3A_85 = tpu.memref_squeeze %dma_wait3A_84 : memref<1x128xi32, #tpu.memory_space<vmem>> -> memref<128xi32, #tpu.memory_space<vmem>>
      %dma_wait3A_86 = arith.constant 0 : i32
      %dma_wait3A_87 = arith.constant 0 : i32
      %dma_wait3A_88 = tpu.memref_slice %arg7[%dma_wait3A_86, %dma_wait3A_87] : memref<10112x128xf32, #tpu.memory_space<vmem_shared>> -> memref<10112x128xf32, #tpu.memory_space<vmem_shared>>
      tpu.wait_indirect_dma semaphore(%run_scoped3A_76 : memref<!tpu.dma_semaphore, #tpu.memory_space<semaphore_mem>>) src(%arg10 : memref<128x128xf32, #tpu.memory_space<vmem>>) dst(%dma_wait3A_88 : memref<10112x128xf32, #tpu.memory_space<vmem_shared>>)
      tpu.yield
    }) : () -> ()
    %dma_wait3A_63 = arith.constant 39 : i32
    %dma_wait3A_64 = arith.constant 0 : i32
    %dma_wait3A_65 = tpu.memref_slice %arg8[%dma_wait3A_63, %dma_wait3A_64] : memref<40x128xi32, #tpu.memory_space<vmem>> -> memref<1x128xi32, #tpu.memory_space<vmem>>
    %dma_wait3A_66 = tpu.memref_squeeze %dma_wait3A_65 : memref<1x128xi32, #tpu.memory_space<vmem>> -> memref<128xi32, #tpu.memory_space<vmem>>
    %dma_wait3A_67 = arith.constant 0 : i32
    %dma_wait3A_68 = arith.constant 0 : i32
    %dma_wait3A_69 = tpu.memref_slice %arg2[%dma_wait3A_67, %dma_wait3A_68] : memref<10000x128xf32, #tpu.memory_space<hbm>> -> memref<10000x128xf32, #tpu.memory_space<hbm>>
    tpu.wait_indirect_dma semaphore(%arg13 : memref<!tpu.dma_semaphore, #tpu.memory_space<semaphore_mem>>) src(%dma_wait3A_69 : memref<10000x128xf32, #tpu.memory_space<hbm>>) dst(%arg11 : memref<128x128xf32, #tpu.memory_space<vmem>>)
    %run_scoped3A_70 = arith.constant 39 : i32
    "tpu.region"() ({
      %run_scoped3A_76 = tpu.sem_alloc : memref<!tpu.dma_semaphore, #tpu.memory_space<semaphore_mem>>
      %dma_start3A_77 = arith.constant 0 : i32
      %dma_start3A_78 = tpu.memref_slice %arg9[%run_scoped3A_70, %dma_start3A_77] : memref<40x128xi32, #tpu.memory_space<vmem>> -> memref<1x128xi32, #tpu.memory_space<vmem>>
      %dma_start3A_79 = tpu.memref_squeeze %dma_start3A_78 : memref<1x128xi32, #tpu.memory_space<vmem>> -> memref<128xi32, #tpu.memory_space<vmem>>
      %dma_start3A_80 = arith.constant 0 : i32
      %dma_start3A_81 = arith.constant 0 : i32
      %dma_start3A_82 = tpu.memref_slice %arg7[%dma_start3A_80, %dma_start3A_81] : memref<10112x128xf32, #tpu.memory_space<vmem_shared>> -> memref<10112x128xf32, #tpu.memory_space<vmem_shared>>
      tpu.enqueue_indirect_dma source(%arg11 : memref<128x128xf32, #tpu.memory_space<vmem>>) target(%dma_start3A_82 : memref<10112x128xf32, #tpu.memory_space<vmem_shared>>) offsets(%dma_start3A_79 : memref<128xi32, #tpu.memory_space<vmem>>) semaphore(%run_scoped3A_76 : memref<!tpu.dma_semaphore, #tpu.memory_space<semaphore_mem>>) {add = true}
      %dma_wait3A_83 = arith.constant 0 : i32
      %dma_wait3A_84 = tpu.memref_slice %arg9[%run_scoped3A_70, %dma_wait3A_83] : memref<40x128xi32, #tpu.memory_space<vmem>> -> memref<1x128xi32, #tpu.memory_space<vmem>>
      %dma_wait3A_85 = tpu.memref_squeeze %dma_wait3A_84 : memref<1x128xi32, #tpu.memory_space<vmem>> -> memref<128xi32, #tpu.memory_space<vmem>>
      %dma_wait3A_86 = arith.constant 0 : i32
      %dma_wait3A_87 = arith.constant 0 : i32
      %dma_wait3A_88 = tpu.memref_slice %arg7[%dma_wait3A_86, %dma_wait3A_87] : memref<10112x128xf32, #tpu.memory_space<vmem_shared>> -> memref<10112x128xf32, #tpu.memory_space<vmem_shared>>
      tpu.wait_indirect_dma semaphore(%run_scoped3A_76 : memref<!tpu.dma_semaphore, #tpu.memory_space<semaphore_mem>>) src(%arg11 : memref<128x128xf32, #tpu.memory_space<vmem>>) dst(%dma_wait3A_88 : memref<10112x128xf32, #tpu.memory_space<vmem_shared>>)
      tpu.yield
    }) : () -> ()
    %barrier3A_71 = arith.constant 0 : index
    tpu.barrier barrier_id(%barrier3A_71)
    %mul3A_72 = arith.constant 632 : i32
    %mul3A_73 = arith.muli %arg1, %mul3A_72 : i32
    %mul3A_74 = arith.constant 632 : i32
    %mul3A_75 = arith.muli %arg1, %mul3A_74 : i32
    "tpu.region"() ({
      %run_scoped3A_76 = tpu.sem_alloc : memref<!tpu.dma_semaphore, #tpu.memory_space<semaphore_mem>>
      %dma_start3A_77 = arith.constant 0 : i32
      %dma_start3A_78 = tpu.memref_slice %arg6[%arg0, %mul3A_75, %dma_start3A_77] : memref<2x10112x128xf32, #tpu.memory_space<hbm>> -> memref<1x632x128xf32, #tpu.memory_space<hbm>>
      %dma_start3A_79 = tpu.memref_squeeze %dma_start3A_78 : memref<1x632x128xf32, #tpu.memory_space<hbm>> -> memref<632x128xf32, #tpu.memory_space<hbm>>
      %dma_start3A_80 = arith.constant 0 : i32
      %dma_start3A_81 = tpu.memref_slice %arg7[%mul3A_73, %dma_start3A_80] : memref<10112x128xf32, #tpu.memory_space<vmem_shared>> -> memref<632x128xf32, #tpu.memory_space<vmem_shared>>
      tpu.enqueue_dma source(%dma_start3A_81 : memref<632x128xf32, #tpu.memory_space<vmem_shared>>) target(%dma_start3A_79 : memref<632x128xf32, #tpu.memory_space<hbm>>) target_semaphore(%run_scoped3A_76 : memref<!tpu.dma_semaphore, #tpu.memory_space<semaphore_mem>>)
      %dma_wait3A_82 = arith.constant 0 : i32
      %dma_wait3A_83 = tpu.memref_slice %arg6[%arg0, %mul3A_75, %dma_wait3A_82] : memref<2x10112x128xf32, #tpu.memory_space<hbm>> -> memref<1x632x128xf32, #tpu.memory_space<hbm>>
      %dma_wait3A_84 = tpu.memref_squeeze %dma_wait3A_83 : memref<1x632x128xf32, #tpu.memory_space<hbm>> -> memref<632x128xf32, #tpu.memory_space<hbm>>
      %dma_wait3A_85 = arith.constant 0 : i32
      %dma_wait3A_86 = tpu.memref_slice %arg7[%mul3A_73, %dma_wait3A_85] : memref<10112x128xf32, #tpu.memory_space<vmem_shared>> -> memref<632x128xf32, #tpu.memory_space<vmem_shared>>
      tpu.wait_dma2 semaphore(%run_scoped3A_76 : memref<!tpu.dma_semaphore, #tpu.memory_space<semaphore_mem>>) src(%dma_wait3A_86 : memref<632x128xf32, #tpu.memory_space<vmem_shared>>) dst(%dma_wait3A_84 : memref<632x128xf32, #tpu.memory_space<hbm>>)
      tpu.yield
    }) : () -> ()
    return
  }
}

#map = affine_map<(d0, d1) -> (0, 0)>
#map1 = affine_map<(d0, d1) -> (0, 0, 0)>
module attributes {stable_mosaic.version = 14 : i64} {
  func.func @_segsum_body(%arg0: i32, %arg1: i32, %arg2: memref<10000x128xf32, #tpu.memory_space<hbm>>, %arg3: memref<32x80x128xi32, #tpu.memory_space<hbm>>, %arg4: memref<32x80x128xi32, #tpu.memory_space<hbm>>, %arg5: memref<632x128xf32, #tpu.memory_space<hbm>>, %arg6: memref<2x10112x128xf32, #tpu.memory_space<hbm>>, %arg7: memref<10112x128xf32, #tpu.memory_space<vmem_shared>>, %arg8: memref<40x128xi32, #tpu.memory_space<vmem>>, %arg9: memref<40x128xi32, #tpu.memory_space<vmem>>, %arg10: memref<128x128xf32, #tpu.memory_space<vmem>>, %arg11: memref<128x128xf32, #tpu.memory_space<vmem>>, %arg12: memref<!tpu.dma_semaphore, #tpu.memory_space<semaphore_mem>>, %arg13: memref<!tpu.dma_semaphore, #tpu.memory_space<semaphore_mem>>, %arg14: memref<!tpu.dma_semaphore, #tpu.memory_space<semaphore_mem>>, %arg15: memref<!tpu.dma_semaphore, #tpu.memory_space<semaphore_mem>>) attributes {dimension_semantics = [#tpu.dimension_semantics<core_parallel>, #tpu.dimension_semantics<subcore_parallel>], iteration_bounds = array<i64: 2, 16>, scalar_prefetch = 0 : i64, scratch_operands = 9 : i64, tpu.core_type = #tpu.core_type<sc_vector_subcore>, window_params = [{transform_indices = #map}, {transform_indices = #map1}, {transform_indices = #map1}, {transform_indices = #map}, {transform_indices = #map1}]} {
    %mul3A = arith.constant 2 : i32
    %mul3A_0 = arith.muli %arg1, %mul3A : i32
    %add3A = arith.addi %mul3A_0, %arg0 : i32
    %mul3A_1 = arith.constant 632 : i32
    %mul3A_2 = arith.muli %arg1, %mul3A_1 : i32
    "tpu.region"() ({
      %run_scoped3A_76 = tpu.sem_alloc : memref<!tpu.dma_semaphore, #tpu.memory_space<semaphore_mem>>
      %dma_start3A_77 = arith.constant 0 : i32
      %dma_start3A_78 = tpu.memref_slice %arg7[%mul3A_2, %dma_start3A_77] : memref<10112x128xf32, #tpu.memory_space<vmem_shared>> -> memref<632x128xf32, #tpu.memory_space<vmem_shared>>
      tpu.enqueue_dma source(%arg5 : memref<632x128xf32, #tpu.memory_space<hbm>>) target(%dma_start3A_78 : memref<632x128xf32, #tpu.memory_space<vmem_shared>>) target_semaphore(%run_scoped3A_76 : memref<!tpu.dma_semaphore, #tpu.memory_space<semaphore_mem>>)
      %dma_wait3A_79 = arith.constant 0 : i32
      %dma_wait3A_80 = tpu.memref_slice %arg7[%mul3A_2, %dma_wait3A_79] : memref<10112x128xf32, #tpu.memory_space<vmem_shared>> -> memref<632x128xf32, #tpu.memory_space<vmem_shared>>
      tpu.wait_dma2 semaphore(%run_scoped3A_76 : memref<!tpu.dma_semaphore, #tpu.memory_space<semaphore_mem>>) src(%arg5 : memref<632x128xf32, #tpu.memory_space<hbm>>) dst(%dma_wait3A_80 : memref<632x128xf32, #tpu.memory_space<vmem_shared>>)
      tpu.yield
    }) : () -> ()
    %barrier3A = arith.constant 0 : index
    tpu.barrier barrier_id(%barrier3A)
    "tpu.region"() ({
      %run_scoped3A_76 = tpu.sem_alloc : memref<!tpu.dma_semaphore, #tpu.memory_space<semaphore_mem>>
      %dma_start3A_77 = arith.constant 0 : i32
      %dma_start3A_78 = arith.constant 0 : i32
      %dma_start3A_79 = tpu.memref_slice %arg3[%add3A, %dma_start3A_77, %dma_start3A_78] : memref<32x80x128xi32, #tpu.memory_space<hbm>> -> memref<1x40x128xi32, #tpu.memory_space<hbm>>
      %dma_start3A_80 = tpu.memref_squeeze %dma_start3A_79 : memref<1x40x128xi32, #tpu.memory_space<hbm>> -> memref<40x128xi32, #tpu.memory_space<hbm>>
      %dma_start3A_81 = arith.constant 0 : i32
      %dma_start3A_82 = arith.constant 0 : i32
      %dma_start3A_83 = tpu.memref_slice %arg3[%add3A, %dma_start3A_81, %dma_start3A_82] : memref<32x80x128xi32, #tpu.memory_space<hbm>> -> memref<1x40x128xi32, #tpu.memory_space<hbm>>
      %dma_start3A_84 = tpu.memref_squeeze %dma_start3A_83 : memref<1x40x128xi32, #tpu.memory_space<hbm>> -> memref<40x128xi32, #tpu.memory_space<hbm>>
      tpu.enqueue_dma source(%dma_start3A_84 : memref<40x128xi32, #tpu.memory_space<hbm>>) target(%arg8 : memref<40x128xi32, #tpu.memory_space<vmem>>) target_semaphore(%run_scoped3A_76 : memref<!tpu.dma_semaphore, #tpu.memory_space<semaphore_mem>>)
      %dma_wait3A_85 = arith.constant 0 : i32
      %dma_wait3A_86 = arith.constant 0 : i32
      %dma_wait3A_87 = tpu.memref_slice %arg3[%add3A, %dma_wait3A_85, %dma_wait3A_86] : memref<32x80x128xi32, #tpu.memory_space<hbm>> -> memref<1x40x128xi32, #tpu.memory_space<hbm>>
      %dma_wait3A_88 = tpu.memref_squeeze %dma_wait3A_87 : memref<1x40x128xi32, #tpu.memory_space<hbm>> -> memref<40x128xi32, #tpu.memory_space<hbm>>
      %dma_wait3A_89 = arith.constant 0 : i32
      %dma_wait3A_90 = arith.constant 0 : i32
      %dma_wait3A_91 = tpu.memref_slice %arg3[%add3A, %dma_wait3A_89, %dma_wait3A_90] : memref<32x80x128xi32, #tpu.memory_space<hbm>> -> memref<1x40x128xi32, #tpu.memory_space<hbm>>
      %dma_wait3A_92 = tpu.memref_squeeze %dma_wait3A_91 : memref<1x40x128xi32, #tpu.memory_space<hbm>> -> memref<40x128xi32, #tpu.memory_space<hbm>>
      tpu.wait_dma2 semaphore(%run_scoped3A_76 : memref<!tpu.dma_semaphore, #tpu.memory_space<semaphore_mem>>) src(%dma_wait3A_92 : memref<40x128xi32, #tpu.memory_space<hbm>>) dst(%arg8 : memref<40x128xi32, #tpu.memory_space<vmem>>)
      tpu.yield
    }) : () -> ()
    "tpu.region"() ({
      %run_scoped3A_76 = tpu.sem_alloc : memref<!tpu.dma_semaphore, #tpu.memory_space<semaphore_mem>>
      %dma_start3A_77 = arith.constant 0 : i32
      %dma_start3A_78 = arith.constant 0 : i32
      %dma_start3A_79 = tpu.memref_slice %arg4[%add3A, %dma_start3A_77, %dma_start3A_78] : memref<32x80x128xi32, #tpu.memory_space<hbm>> -> memref<1x40x128xi32, #tpu.memory_space<hbm>>
      %dma_start3A_80 = tpu.memref_squeeze %dma_start3A_79 : memref<1x40x128xi32, #tpu.memory_space<hbm>> -> memref<40x128xi32, #tpu.memory_space<hbm>>
      %dma_start3A_81 = arith.constant 0 : i32
      %dma_start3A_82 = arith.constant 0 : i32
      %dma_start3A_83 = tpu.memref_slice %arg4[%add3A, %dma_start3A_81, %dma_start3A_82] : memref<32x80x128xi32, #tpu.memory_space<hbm>> -> memref<1x40x128xi32, #tpu.memory_space<hbm>>
      %dma_start3A_84 = tpu.memref_squeeze %dma_start3A_83 : memref<1x40x128xi32, #tpu.memory_space<hbm>> -> memref<40x128xi32, #tpu.memory_space<hbm>>
      tpu.enqueue_dma source(%dma_start3A_84 : memref<40x128xi32, #tpu.memory_space<hbm>>) target(%arg9 : memref<40x128xi32, #tpu.memory_space<vmem>>) target_semaphore(%run_scoped3A_76 : memref<!tpu.dma_semaphore, #tpu.memory_space<semaphore_mem>>)
      %dma_wait3A_85 = arith.constant 0 : i32
      %dma_wait3A_86 = arith.constant 0 : i32
      %dma_wait3A_87 = tpu.memref_slice %arg4[%add3A, %dma_wait3A_85, %dma_wait3A_86] : memref<32x80x128xi32, #tpu.memory_space<hbm>> -> memref<1x40x128xi32, #tpu.memory_space<hbm>>
      %dma_wait3A_88 = tpu.memref_squeeze %dma_wait3A_87 : memref<1x40x128xi32, #tpu.memory_space<hbm>> -> memref<40x128xi32, #tpu.memory_space<hbm>>
      %dma_wait3A_89 = arith.constant 0 : i32
      %dma_wait3A_90 = arith.constant 0 : i32
      %dma_wait3A_91 = tpu.memref_slice %arg4[%add3A, %dma_wait3A_89, %dma_wait3A_90] : memref<32x80x128xi32, #tpu.memory_space<hbm>> -> memref<1x40x128xi32, #tpu.memory_space<hbm>>
      %dma_wait3A_92 = tpu.memref_squeeze %dma_wait3A_91 : memref<1x40x128xi32, #tpu.memory_space<hbm>> -> memref<40x128xi32, #tpu.memory_space<hbm>>
      tpu.wait_dma2 semaphore(%run_scoped3A_76 : memref<!tpu.dma_semaphore, #tpu.memory_space<semaphore_mem>>) src(%dma_wait3A_92 : memref<40x128xi32, #tpu.memory_space<hbm>>) dst(%arg9 : memref<40x128xi32, #tpu.memory_space<vmem>>)
      tpu.yield
    }) : () -> ()
    %dma_start3A = arith.constant 0 : i32
    %dma_start3A_3 = arith.constant 0 : i32
    %dma_start3A_4 = tpu.memref_slice %arg8[%dma_start3A, %dma_start3A_3] : memref<40x128xi32, #tpu.memory_space<vmem>> -> memref<1x128xi32, #tpu.memory_space<vmem>>
    %dma_start3A_5 = tpu.memref_squeeze %dma_start3A_4 : memref<1x128xi32, #tpu.memory_space<vmem>> -> memref<128xi32, #tpu.memory_space<vmem>>
    %dma_start3A_6 = arith.constant 0 : i32
    %dma_start3A_7 = arith.constant 0 : i32
    %dma_start3A_8 = tpu.memref_slice %arg2[%dma_start3A_6, %dma_start3A_7] : memref<10000x128xf32, #tpu.memory_space<hbm>> -> memref<10000x128xf32, #tpu.memory_space<hbm>>
    tpu.enqueue_indirect_dma source(%dma_start3A_8 : memref<10000x128xf32, #tpu.memory_space<hbm>>) target(%arg10 : memref<128x128xf32, #tpu.memory_space<vmem>>) offsets(%dma_start3A_5 : memref<128xi32, #tpu.memory_space<vmem>>) semaphore(%arg12 : memref<!tpu.dma_semaphore, #tpu.memory_space<semaphore_mem>>)
    %scan3A = arith.constant 0 : i32
    %scan3A_9 = arith.constant 0 : i32
    %scan3A_10 = arith.constant 19 : i32
    %scan3A_11 = arith.addi %scan3A_9, %scan3A_10 : i32
    %scan3A_12 = arith.constant 1 : i32
    scf.for %scan3A_76 = %scan3A_9 to %scan3A_11 step %scan3A_12  : i32 {
      %mul3A_77 = arith.constant 2 : i32
      %mul3A_78 = arith.muli %scan3A_76, %mul3A_77 : i32
      %add3A_79 = arith.constant 1 : i32
      %add3A_80 = arith.addi %mul3A_78, %add3A_79 : i32
      %dma_start3A_81 = arith.constant 0 : i32
      %dma_start3A_82 = tpu.memref_slice %arg8[%add3A_80, %dma_start3A_81] : memref<40x128xi32, #tpu.memory_space<vmem>> -> memref<1x128xi32, #tpu.memory_space<vmem>>
      %dma_start3A_83 = tpu.memref_squeeze %dma_start3A_82 : memref<1x128xi32, #tpu.memory_space<vmem>> -> memref<128xi32, #tpu.memory_space<vmem>>
      %dma_start3A_84 = arith.constant 0 : i32
      %dma_start3A_85 = arith.constant 0 : i32
      %dma_start3A_86 = tpu.memref_slice %arg2[%dma_start3A_84, %dma_start3A_85] : memref<10000x128xf32, #tpu.memory_space<hbm>> -> memref<10000x128xf32, #tpu.memory_space<hbm>>
      tpu.enqueue_indirect_dma source(%dma_start3A_86 : memref<10000x128xf32, #tpu.memory_space<hbm>>) target(%arg11 : memref<128x128xf32, #tpu.memory_space<vmem>>) offsets(%dma_start3A_83 : memref<128xi32, #tpu.memory_space<vmem>>) semaphore(%arg13 : memref<!tpu.dma_semaphore, #tpu.memory_space<semaphore_mem>>)
      %dma_wait3A_87 = arith.constant 0 : i32
      %dma_wait3A_88 = tpu.memref_slice %arg8[%mul3A_78, %dma_wait3A_87] : memref<40x128xi32, #tpu.memory_space<vmem>> -> memref<1x128xi32, #tpu.memory_space<vmem>>
      %dma_wait3A_89 = tpu.memref_squeeze %dma_wait3A_88 : memref<1x128xi32, #tpu.memory_space<vmem>> -> memref<128xi32, #tpu.memory_space<vmem>>
      %dma_wait3A_90 = arith.constant 0 : i32
      %dma_wait3A_91 = arith.constant 0 : i32
      %dma_wait3A_92 = tpu.memref_slice %arg2[%dma_wait3A_90, %dma_wait3A_91] : memref<10000x128xf32, #tpu.memory_space<hbm>> -> memref<10000x128xf32, #tpu.memory_space<hbm>>
      tpu.wait_indirect_dma semaphore(%arg12 : memref<!tpu.dma_semaphore, #tpu.memory_space<semaphore_mem>>) src(%dma_wait3A_92 : memref<10000x128xf32, #tpu.memory_space<hbm>>) dst(%arg10 : memref<128x128xf32, #tpu.memory_space<vmem>>)
      "tpu.region"() ({
        %run_scoped3A_111 = tpu.sem_alloc : memref<!tpu.dma_semaphore, #tpu.memory_space<semaphore_mem>>
        %dma_start3A_112 = arith.constant 0 : i32
        %dma_start3A_113 = tpu.memref_slice %arg9[%mul3A_78, %dma_start3A_112] : memref<40x128xi32, #tpu.memory_space<vmem>> -> memref<1x128xi32, #tpu.memory_space<vmem>>
        %dma_start3A_114 = tpu.memref_squeeze %dma_start3A_113 : memref<1x128xi32, #tpu.memory_space<vmem>> -> memref<128xi32, #tpu.memory_space<vmem>>
        %dma_start3A_115 = arith.constant 0 : i32
        %dma_start3A_116 = arith.constant 0 : i32
        %dma_start3A_117 = tpu.memref_slice %arg7[%dma_start3A_115, %dma_start3A_116] : memref<10112x128xf32, #tpu.memory_space<vmem_shared>> -> memref<10112x128xf32, #tpu.memory_space<vmem_shared>>
        tpu.enqueue_indirect_dma source(%arg10 : memref<128x128xf32, #tpu.memory_space<vmem>>) target(%dma_start3A_117 : memref<10112x128xf32, #tpu.memory_space<vmem_shared>>) offsets(%dma_start3A_114 : memref<128xi32, #tpu.memory_space<vmem>>) semaphore(%run_scoped3A_111 : memref<!tpu.dma_semaphore, #tpu.memory_space<semaphore_mem>>) {add = true}
        %dma_wait3A_118 = arith.constant 0 : i32
        %dma_wait3A_119 = tpu.memref_slice %arg9[%mul3A_78, %dma_wait3A_118] : memref<40x128xi32, #tpu.memory_space<vmem>> -> memref<1x128xi32, #tpu.memory_space<vmem>>
        %dma_wait3A_120 = tpu.memref_squeeze %dma_wait3A_119 : memref<1x128xi32, #tpu.memory_space<vmem>> -> memref<128xi32, #tpu.memory_space<vmem>>
        %dma_wait3A_121 = arith.constant 0 : i32
        %dma_wait3A_122 = arith.constant 0 : i32
        %dma_wait3A_123 = tpu.memref_slice %arg7[%dma_wait3A_121, %dma_wait3A_122] : memref<10112x128xf32, #tpu.memory_space<vmem_shared>> -> memref<10112x128xf32, #tpu.memory_space<vmem_shared>>
        tpu.wait_indirect_dma semaphore(%run_scoped3A_111 : memref<!tpu.dma_semaphore, #tpu.memory_space<semaphore_mem>>) src(%arg10 : memref<128x128xf32, #tpu.memory_space<vmem>>) dst(%dma_wait3A_123 : memref<10112x128xf32, #tpu.memory_space<vmem_shared>>)
        tpu.yield
      }) : () -> ()
      %add3A_93 = arith.constant 2 : i32
      %add3A_94 = arith.addi %mul3A_78, %add3A_93 : i32
      %dma_start3A_95 = arith.constant 0 : i32
      %dma_start3A_96 = tpu.memref_slice %arg8[%add3A_94, %dma_start3A_95] : memref<40x128xi32, #tpu.memory_space<vmem>> -> memref<1x128xi32, #tpu.memory_space<vmem>>
      %dma_start3A_97 = tpu.memref_squeeze %dma_start3A_96 : memref<1x128xi32, #tpu.memory_space<vmem>> -> memref<128xi32, #tpu.memory_space<vmem>>
      %dma_start3A_98 = arith.constant 0 : i32
      %dma_start3A_99 = arith.constant 0 : i32
      %dma_start3A_100 = tpu.memref_slice %arg2[%dma_start3A_98, %dma_start3A_99] : memref<10000x128xf32, #tpu.memory_space<hbm>> -> memref<10000x128xf32, #tpu.memory_space<hbm>>
      tpu.enqueue_indirect_dma source(%dma_start3A_100 : memref<10000x128xf32, #tpu.memory_space<hbm>>) target(%arg10 : memref<128x128xf32, #tpu.memory_space<vmem>>) offsets(%dma_start3A_97 : memref<128xi32, #tpu.memory_space<vmem>>) semaphore(%arg12 : memref<!tpu.dma_semaphore, #tpu.memory_space<semaphore_mem>>)
      %add3A_101 = arith.constant 1 : i32
      %add3A_102 = arith.addi %mul3A_78, %add3A_101 : i32
      %dma_wait3A_103 = arith.constant 0 : i32
      %dma_wait3A_104 = tpu.memref_slice %arg8[%add3A_102, %dma_wait3A_103] : memref<40x128xi32, #tpu.memory_space<vmem>> -> memref<1x128xi32, #tpu.memory_space<vmem>>
      %dma_wait3A_105 = tpu.memref_squeeze %dma_wait3A_104 : memref<1x128xi32, #tpu.memory_space<vmem>> -> memref<128xi32, #tpu.memory_space<vmem>>
      %dma_wait3A_106 = arith.constant 0 : i32
      %dma_wait3A_107 = arith.constant 0 : i32
      %dma_wait3A_108 = tpu.memref_slice %arg2[%dma_wait3A_106, %dma_wait3A_107] : memref<10000x128xf32, #tpu.memory_space<hbm>> -> memref<10000x128xf32, #tpu.memory_space<hbm>>
      tpu.wait_indirect_dma semaphore(%arg13 : memref<!tpu.dma_semaphore, #tpu.memory_space<semaphore_mem>>) src(%dma_wait3A_108 : memref<10000x128xf32, #tpu.memory_space<hbm>>) dst(%arg11 : memref<128x128xf32, #tpu.memory_space<vmem>>)
      %add3A_109 = arith.constant 1 : i32
      %add3A_110 = arith.addi %mul3A_78, %add3A_109 : i32
      "tpu.region"() ({
        %run_scoped3A_111 = tpu.sem_alloc : memref<!tpu.dma_semaphore, #tpu.memory_space<semaphore_mem>>
        %dma_start3A_112 = arith.constant 0 : i32
        %dma_start3A_113 = tpu.memref_slice %arg9[%add3A_110, %dma_start3A_112] : memref<40x128xi32, #tpu.memory_space<vmem>> -> memref<1x128xi32, #tpu.memory_space<vmem>>
        %dma_start3A_114 = tpu.memref_squeeze %dma_start3A_113 : memref<1x128xi32, #tpu.memory_space<vmem>> -> memref<128xi32, #tpu.memory_space<vmem>>
        %dma_start3A_115 = arith.constant 0 : i32
        %dma_start3A_116 = arith.constant 0 : i32
        %dma_start3A_117 = tpu.memref_slice %arg7[%dma_start3A_115, %dma_start3A_116] : memref<10112x128xf32, #tpu.memory_space<vmem_shared>> -> memref<10112x128xf32, #tpu.memory_space<vmem_shared>>
        tpu.enqueue_indirect_dma source(%arg11 : memref<128x128xf32, #tpu.memory_space<vmem>>) target(%dma_start3A_117 : memref<10112x128xf32, #tpu.memory_space<vmem_shared>>) offsets(%dma_start3A_114 : memref<128xi32, #tpu.memory_space<vmem>>) semaphore(%run_scoped3A_111 : memref<!tpu.dma_semaphore, #tpu.memory_space<semaphore_mem>>) {add = true}
        %dma_wait3A_118 = arith.constant 0 : i32
        %dma_wait3A_119 = tpu.memref_slice %arg9[%add3A_110, %dma_wait3A_118] : memref<40x128xi32, #tpu.memory_space<vmem>> -> memref<1x128xi32, #tpu.memory_space<vmem>>
        %dma_wait3A_120 = tpu.memref_squeeze %dma_wait3A_119 : memref<1x128xi32, #tpu.memory_space<vmem>> -> memref<128xi32, #tpu.memory_space<vmem>>
        %dma_wait3A_121 = arith.constant 0 : i32
        %dma_wait3A_122 = arith.constant 0 : i32
        %dma_wait3A_123 = tpu.memref_slice %arg7[%dma_wait3A_121, %dma_wait3A_122] : memref<10112x128xf32, #tpu.memory_space<vmem_shared>> -> memref<10112x128xf32, #tpu.memory_space<vmem_shared>>
        tpu.wait_indirect_dma semaphore(%run_scoped3A_111 : memref<!tpu.dma_semaphore, #tpu.memory_space<semaphore_mem>>) src(%arg11 : memref<128x128xf32, #tpu.memory_space<vmem>>) dst(%dma_wait3A_123 : memref<10112x128xf32, #tpu.memory_space<vmem_shared>>)
        tpu.yield
      }) : () -> ()
    }
    %scan3A_13 = arith.constant 19 : i32
    %dma_start3A_14 = arith.constant 39 : i32
    %dma_start3A_15 = arith.constant 0 : i32
    %dma_start3A_16 = tpu.memref_slice %arg8[%dma_start3A_14, %dma_start3A_15] : memref<40x128xi32, #tpu.memory_space<vmem>> -> memref<1x128xi32, #tpu.memory_space<vmem>>
    %dma_start3A_17 = tpu.memref_squeeze %dma_start3A_16 : memref<1x128xi32, #tpu.memory_space<vmem>> -> memref<128xi32, #tpu.memory_space<vmem>>
    %dma_start3A_18 = arith.constant 0 : i32
    %dma_start3A_19 = arith.constant 0 : i32
    %dma_start3A_20 = tpu.memref_slice %arg2[%dma_start3A_18, %dma_start3A_19] : memref<10000x128xf32, #tpu.memory_space<hbm>> -> memref<10000x128xf32, #tpu.memory_space<hbm>>
    tpu.enqueue_indirect_dma source(%dma_start3A_20 : memref<10000x128xf32, #tpu.memory_space<hbm>>) target(%arg11 : memref<128x128xf32, #tpu.memory_space<vmem>>) offsets(%dma_start3A_17 : memref<128xi32, #tpu.memory_space<vmem>>) semaphore(%arg13 : memref<!tpu.dma_semaphore, #tpu.memory_space<semaphore_mem>>)
    %dma_wait3A = arith.constant 38 : i32
    %dma_wait3A_21 = arith.constant 0 : i32
    %dma_wait3A_22 = tpu.memref_slice %arg8[%dma_wait3A, %dma_wait3A_21] : memref<40x128xi32, #tpu.memory_space<vmem>> -> memref<1x128xi32, #tpu.memory_space<vmem>>
    %dma_wait3A_23 = tpu.memref_squeeze %dma_wait3A_22 : memref<1x128xi32, #tpu.memory_space<vmem>> -> memref<128xi32, #tpu.memory_space<vmem>>
    %dma_wait3A_24 = arith.constant 0 : i32
    %dma_wait3A_25 = arith.constant 0 : i32
    %dma_wait3A_26 = tpu.memref_slice %arg2[%dma_wait3A_24, %dma_wait3A_25] : memref<10000x128xf32, #tpu.memory_space<hbm>> -> memref<10000x128xf32, #tpu.memory_space<hbm>>
    tpu.wait_indirect_dma semaphore(%arg12 : memref<!tpu.dma_semaphore, #tpu.memory_space<semaphore_mem>>) src(%dma_wait3A_26 : memref<10000x128xf32, #tpu.memory_space<hbm>>) dst(%arg10 : memref<128x128xf32, #tpu.memory_space<vmem>>)
    %run_scoped3A = arith.constant 38 : i32
    "tpu.region"() ({
      %run_scoped3A_76 = tpu.sem_alloc : memref<!tpu.dma_semaphore, #tpu.memory_space<semaphore_mem>>
      %dma_start3A_77 = arith.constant 0 : i32
      %dma_start3A_78 = tpu.memref_slice %arg9[%run_scoped3A, %dma_start3A_77] : memref<40x128xi32, #tpu.memory_space<vmem>> -> memref<1x128xi32, #tpu.memory_space<vmem>>
      %dma_start3A_79 = tpu.memref_squeeze %dma_start3A_78 : memref<1x128xi32, #tpu.memory_space<vmem>> -> memref<128xi32, #tpu.memory_space<vmem>>
      %dma_start3A_80 = arith.constant 0 : i32
      %dma_start3A_81 = arith.constant 0 : i32
      %dma_start3A_82 = tpu.memref_slice %arg7[%dma_start3A_80, %dma_start3A_81] : memref<10112x128xf32, #tpu.memory_space<vmem_shared>> -> memref<10112x128xf32, #tpu.memory_space<vmem_shared>>
      tpu.enqueue_indirect_dma source(%arg10 : memref<128x128xf32, #tpu.memory_space<vmem>>) target(%dma_start3A_82 : memref<10112x128xf32, #tpu.memory_space<vmem_shared>>) offsets(%dma_start3A_79 : memref<128xi32, #tpu.memory_space<vmem>>) semaphore(%run_scoped3A_76 : memref<!tpu.dma_semaphore, #tpu.memory_space<semaphore_mem>>) {add = true}
      %dma_wait3A_83 = arith.constant 0 : i32
      %dma_wait3A_84 = tpu.memref_slice %arg9[%run_scoped3A, %dma_wait3A_83] : memref<40x128xi32, #tpu.memory_space<vmem>> -> memref<1x128xi32, #tpu.memory_space<vmem>>
      %dma_wait3A_85 = tpu.memref_squeeze %dma_wait3A_84 : memref<1x128xi32, #tpu.memory_space<vmem>> -> memref<128xi32, #tpu.memory_space<vmem>>
      %dma_wait3A_86 = arith.constant 0 : i32
      %dma_wait3A_87 = arith.constant 0 : i32
      %dma_wait3A_88 = tpu.memref_slice %arg7[%dma_wait3A_86, %dma_wait3A_87] : memref<10112x128xf32, #tpu.memory_space<vmem_shared>> -> memref<10112x128xf32, #tpu.memory_space<vmem_shared>>
      tpu.wait_indirect_dma semaphore(%run_scoped3A_76 : memref<!tpu.dma_semaphore, #tpu.memory_space<semaphore_mem>>) src(%arg10 : memref<128x128xf32, #tpu.memory_space<vmem>>) dst(%dma_wait3A_88 : memref<10112x128xf32, #tpu.memory_space<vmem_shared>>)
      tpu.yield
    }) : () -> ()
    %dma_wait3A_27 = arith.constant 39 : i32
    %dma_wait3A_28 = arith.constant 0 : i32
    %dma_wait3A_29 = tpu.memref_slice %arg8[%dma_wait3A_27, %dma_wait3A_28] : memref<40x128xi32, #tpu.memory_space<vmem>> -> memref<1x128xi32, #tpu.memory_space<vmem>>
    %dma_wait3A_30 = tpu.memref_squeeze %dma_wait3A_29 : memref<1x128xi32, #tpu.memory_space<vmem>> -> memref<128xi32, #tpu.memory_space<vmem>>
    %dma_wait3A_31 = arith.constant 0 : i32
    %dma_wait3A_32 = arith.constant 0 : i32
    %dma_wait3A_33 = tpu.memref_slice %arg2[%dma_wait3A_31, %dma_wait3A_32] : memref<10000x128xf32, #tpu.memory_space<hbm>> -> memref<10000x128xf32, #tpu.memory_space<hbm>>
    tpu.wait_indirect_dma semaphore(%arg13 : memref<!tpu.dma_semaphore, #tpu.memory_space<semaphore_mem>>) src(%dma_wait3A_33 : memref<10000x128xf32, #tpu.memory_space<hbm>>) dst(%arg11 : memref<128x128xf32, #tpu.memory_space<vmem>>)
    %run_scoped3A_34 = arith.constant 39 : i32
    "tpu.region"() ({
      %run_scoped3A_76 = tpu.sem_alloc : memref<!tpu.dma_semaphore, #tpu.memory_space<semaphore_mem>>
      %dma_start3A_77 = arith.constant 0 : i32
      %dma_start3A_78 = tpu.memref_slice %arg9[%run_scoped3A_34, %dma_start3A_77] : memref<40x128xi32, #tpu.memory_space<vmem>> -> memref<1x128xi32, #tpu.memory_space<vmem>>
      %dma_start3A_79 = tpu.memref_squeeze %dma_start3A_78 : memref<1x128xi32, #tpu.memory_space<vmem>> -> memref<128xi32, #tpu.memory_space<vmem>>
      %dma_start3A_80 = arith.constant 0 : i32
      %dma_start3A_81 = arith.constant 0 : i32
      %dma_start3A_82 = tpu.memref_slice %arg7[%dma_start3A_80, %dma_start3A_81] : memref<10112x128xf32, #tpu.memory_space<vmem_shared>> -> memref<10112x128xf32, #tpu.memory_space<vmem_shared>>
      tpu.enqueue_indirect_dma source(%arg11 : memref<128x128xf32, #tpu.memory_space<vmem>>) target(%dma_start3A_82 : memref<10112x128xf32, #tpu.memory_space<vmem_shared>>) offsets(%dma_start3A_79 : memref<128xi32, #tpu.memory_space<vmem>>) semaphore(%run_scoped3A_76 : memref<!tpu.dma_semaphore, #tpu.memory_space<semaphore_mem>>) {add = true}
      %dma_wait3A_83 = arith.constant 0 : i32
      %dma_wait3A_84 = tpu.memref_slice %arg9[%run_scoped3A_34, %dma_wait3A_83] : memref<40x128xi32, #tpu.memory_space<vmem>> -> memref<1x128xi32, #tpu.memory_space<vmem>>
      %dma_wait3A_85 = tpu.memref_squeeze %dma_wait3A_84 : memref<1x128xi32, #tpu.memory_space<vmem>> -> memref<128xi32, #tpu.memory_space<vmem>>
      %dma_wait3A_86 = arith.constant 0 : i32
      %dma_wait3A_87 = arith.constant 0 : i32
      %dma_wait3A_88 = tpu.memref_slice %arg7[%dma_wait3A_86, %dma_wait3A_87] : memref<10112x128xf32, #tpu.memory_space<vmem_shared>> -> memref<10112x128xf32, #tpu.memory_space<vmem_shared>>
      tpu.wait_indirect_dma semaphore(%run_scoped3A_76 : memref<!tpu.dma_semaphore, #tpu.memory_space<semaphore_mem>>) src(%arg11 : memref<128x128xf32, #tpu.memory_space<vmem>>) dst(%dma_wait3A_88 : memref<10112x128xf32, #tpu.memory_space<vmem_shared>>)
      tpu.yield
    }) : () -> ()
    "tpu.region"() ({
      %run_scoped3A_76 = tpu.sem_alloc : memref<!tpu.dma_semaphore, #tpu.memory_space<semaphore_mem>>
      %dma_start3A_77 = arith.constant 40 : i32
      %dma_start3A_78 = arith.constant 0 : i32
      %dma_start3A_79 = tpu.memref_slice %arg3[%add3A, %dma_start3A_77, %dma_start3A_78] : memref<32x80x128xi32, #tpu.memory_space<hbm>> -> memref<1x40x128xi32, #tpu.memory_space<hbm>>
      %dma_start3A_80 = tpu.memref_squeeze %dma_start3A_79 : memref<1x40x128xi32, #tpu.memory_space<hbm>> -> memref<40x128xi32, #tpu.memory_space<hbm>>
      %dma_start3A_81 = arith.constant 40 : i32
      %dma_start3A_82 = arith.constant 0 : i32
      %dma_start3A_83 = tpu.memref_slice %arg3[%add3A, %dma_start3A_81, %dma_start3A_82] : memref<32x80x128xi32, #tpu.memory_space<hbm>> -> memref<1x40x128xi32, #tpu.memory_space<hbm>>
      %dma_start3A_84 = tpu.memref_squeeze %dma_start3A_83 : memref<1x40x128xi32, #tpu.memory_space<hbm>> -> memref<40x128xi32, #tpu.memory_space<hbm>>
      tpu.enqueue_dma source(%dma_start3A_84 : memref<40x128xi32, #tpu.memory_space<hbm>>) target(%arg8 : memref<40x128xi32, #tpu.memory_space<vmem>>) target_semaphore(%run_scoped3A_76 : memref<!tpu.dma_semaphore, #tpu.memory_space<semaphore_mem>>)
      %dma_wait3A_85 = arith.constant 40 : i32
      %dma_wait3A_86 = arith.constant 0 : i32
      %dma_wait3A_87 = tpu.memref_slice %arg3[%add3A, %dma_wait3A_85, %dma_wait3A_86] : memref<32x80x128xi32, #tpu.memory_space<hbm>> -> memref<1x40x128xi32, #tpu.memory_space<hbm>>
      %dma_wait3A_88 = tpu.memref_squeeze %dma_wait3A_87 : memref<1x40x128xi32, #tpu.memory_space<hbm>> -> memref<40x128xi32, #tpu.memory_space<hbm>>
      %dma_wait3A_89 = arith.constant 40 : i32
      %dma_wait3A_90 = arith.constant 0 : i32
      %dma_wait3A_91 = tpu.memref_slice %arg3[%add3A, %dma_wait3A_89, %dma_wait3A_90] : memref<32x80x128xi32, #tpu.memory_space<hbm>> -> memref<1x40x128xi32, #tpu.memory_space<hbm>>
      %dma_wait3A_92 = tpu.memref_squeeze %dma_wait3A_91 : memref<1x40x128xi32, #tpu.memory_space<hbm>> -> memref<40x128xi32, #tpu.memory_space<hbm>>
      tpu.wait_dma2 semaphore(%run_scoped3A_76 : memref<!tpu.dma_semaphore, #tpu.memory_space<semaphore_mem>>) src(%dma_wait3A_92 : memref<40x128xi32, #tpu.memory_space<hbm>>) dst(%arg8 : memref<40x128xi32, #tpu.memory_space<vmem>>)
      tpu.yield
    }) : () -> ()
    "tpu.region"() ({
      %run_scoped3A_76 = tpu.sem_alloc : memref<!tpu.dma_semaphore, #tpu.memory_space<semaphore_mem>>
      %dma_start3A_77 = arith.constant 40 : i32
      %dma_start3A_78 = arith.constant 0 : i32
      %dma_start3A_79 = tpu.memref_slice %arg4[%add3A, %dma_start3A_77, %dma_start3A_78] : memref<32x80x128xi32, #tpu.memory_space<hbm>> -> memref<1x40x128xi32, #tpu.memory_space<hbm>>
      %dma_start3A_80 = tpu.memref_squeeze %dma_start3A_79 : memref<1x40x128xi32, #tpu.memory_space<hbm>> -> memref<40x128xi32, #tpu.memory_space<hbm>>
      %dma_start3A_81 = arith.constant 40 : i32
      %dma_start3A_82 = arith.constant 0 : i32
      %dma_start3A_83 = tpu.memref_slice %arg4[%add3A, %dma_start3A_81, %dma_start3A_82] : memref<32x80x128xi32, #tpu.memory_space<hbm>> -> memref<1x40x128xi32, #tpu.memory_space<hbm>>
      %dma_start3A_84 = tpu.memref_squeeze %dma_start3A_83 : memref<1x40x128xi32, #tpu.memory_space<hbm>> -> memref<40x128xi32, #tpu.memory_space<hbm>>
      tpu.enqueue_dma source(%dma_start3A_84 : memref<40x128xi32, #tpu.memory_space<hbm>>) target(%arg9 : memref<40x128xi32, #tpu.memory_space<vmem>>) target_semaphore(%run_scoped3A_76 : memref<!tpu.dma_semaphore, #tpu.memory_space<semaphore_mem>>)
      %dma_wait3A_85 = arith.constant 40 : i32
      %dma_wait3A_86 = arith.constant 0 : i32
      %dma_wait3A_87 = tpu.memref_slice %arg4[%add3A, %dma_wait3A_85, %dma_wait3A_86] : memref<32x80x128xi32, #tpu.memory_space<hbm>> -> memref<1x40x128xi32, #tpu.memory_space<hbm>>
      %dma_wait3A_88 = tpu.memref_squeeze %dma_wait3A_87 : memref<1x40x128xi32, #tpu.memory_space<hbm>> -> memref<40x128xi32, #tpu.memory_space<hbm>>
      %dma_wait3A_89 = arith.constant 40 : i32
      %dma_wait3A_90 = arith.constant 0 : i32
      %dma_wait3A_91 = tpu.memref_slice %arg4[%add3A, %dma_wait3A_89, %dma_wait3A_90] : memref<32x80x128xi32, #tpu.memory_space<hbm>> -> memref<1x40x128xi32, #tpu.memory_space<hbm>>
      %dma_wait3A_92 = tpu.memref_squeeze %dma_wait3A_91 : memref<1x40x128xi32, #tpu.memory_space<hbm>> -> memref<40x128xi32, #tpu.memory_space<hbm>>
      tpu.wait_dma2 semaphore(%run_scoped3A_76 : memref<!tpu.dma_semaphore, #tpu.memory_space<semaphore_mem>>) src(%dma_wait3A_92 : memref<40x128xi32, #tpu.memory_space<hbm>>) dst(%arg9 : memref<40x128xi32, #tpu.memory_space<vmem>>)
      tpu.yield
    }) : () -> ()
    %dma_start3A_35 = arith.constant 0 : i32
    %dma_start3A_36 = arith.constant 0 : i32
    %dma_start3A_37 = tpu.memref_slice %arg8[%dma_start3A_35, %dma_start3A_36] : memref<40x128xi32, #tpu.memory_space<vmem>> -> memref<1x128xi32, #tpu.memory_space<vmem>>
    %dma_start3A_38 = tpu.memref_squeeze %dma_start3A_37 : memref<1x128xi32, #tpu.memory_space<vmem>> -> memref<128xi32, #tpu.memory_space<vmem>>
    %dma_start3A_39 = arith.constant 0 : i32
    %dma_start3A_40 = arith.constant 0 : i32
    %dma_start3A_41 = tpu.memref_slice %arg2[%dma_start3A_39, %dma_start3A_40] : memref<10000x128xf32, #tpu.memory_space<hbm>> -> memref<10000x128xf32, #tpu.memory_space<hbm>>
    tpu.enqueue_indirect_dma source(%dma_start3A_41 : memref<10000x128xf32, #tpu.memory_space<hbm>>) target(%arg10 : memref<128x128xf32, #tpu.memory_space<vmem>>) offsets(%dma_start3A_38 : memref<128xi32, #tpu.memory_space<vmem>>) semaphore(%arg12 : memref<!tpu.dma_semaphore, #tpu.memory_space<semaphore_mem>>)
    %scan3A_42 = arith.constant 0 : i32
    %scan3A_43 = arith.constant 0 : i32
    %scan3A_44 = arith.constant 19 : i32
    %scan3A_45 = arith.addi %scan3A_43, %scan3A_44 : i32
    %scan3A_46 = arith.constant 1 : i32
    scf.for %scan3A_76 = %scan3A_43 to %scan3A_45 step %scan3A_46  : i32 {
      %mul3A_77 = arith.constant 2 : i32
      %mul3A_78 = arith.muli %scan3A_76, %mul3A_77 : i32
      %add3A_79 = arith.constant 1 : i32
      %add3A_80 = arith.addi %mul3A_78, %add3A_79 : i32
      %dma_start3A_81 = arith.constant 0 : i32
      %dma_start3A_82 = tpu.memref_slice %arg8[%add3A_80, %dma_start3A_81] : memref<40x128xi32, #tpu.memory_space<vmem>> -> memref<1x128xi32, #tpu.memory_space<vmem>>
      %dma_start3A_83 = tpu.memref_squeeze %dma_start3A_82 : memref<1x128xi32, #tpu.memory_space<vmem>> -> memref<128xi32, #tpu.memory_space<vmem>>
      %dma_start3A_84 = arith.constant 0 : i32
      %dma_start3A_85 = arith.constant 0 : i32
      %dma_start3A_86 = tpu.memref_slice %arg2[%dma_start3A_84, %dma_start3A_85] : memref<10000x128xf32, #tpu.memory_space<hbm>> -> memref<10000x128xf32, #tpu.memory_space<hbm>>
      tpu.enqueue_indirect_dma source(%dma_start3A_86 : memref<10000x128xf32, #tpu.memory_space<hbm>>) target(%arg11 : memref<128x128xf32, #tpu.memory_space<vmem>>) offsets(%dma_start3A_83 : memref<128xi32, #tpu.memory_space<vmem>>) semaphore(%arg13 : memref<!tpu.dma_semaphore, #tpu.memory_space<semaphore_mem>>)
      %dma_wait3A_87 = arith.constant 0 : i32
      %dma_wait3A_88 = tpu.memref_slice %arg8[%mul3A_78, %dma_wait3A_87] : memref<40x128xi32, #tpu.memory_space<vmem>> -> memref<1x128xi32, #tpu.memory_space<vmem>>
      %dma_wait3A_89 = tpu.memref_squeeze %dma_wait3A_88 : memref<1x128xi32, #tpu.memory_space<vmem>> -> memref<128xi32, #tpu.memory_space<vmem>>
      %dma_wait3A_90 = arith.constant 0 : i32
      %dma_wait3A_91 = arith.constant 0 : i32
      %dma_wait3A_92 = tpu.memref_slice %arg2[%dma_wait3A_90, %dma_wait3A_91] : memref<10000x128xf32, #tpu.memory_space<hbm>> -> memref<10000x128xf32, #tpu.memory_space<hbm>>
      tpu.wait_indirect_dma semaphore(%arg12 : memref<!tpu.dma_semaphore, #tpu.memory_space<semaphore_mem>>) src(%dma_wait3A_92 : memref<10000x128xf32, #tpu.memory_space<hbm>>) dst(%arg10 : memref<128x128xf32, #tpu.memory_space<vmem>>)
      "tpu.region"() ({
        %run_scoped3A_111 = tpu.sem_alloc : memref<!tpu.dma_semaphore, #tpu.memory_space<semaphore_mem>>
        %dma_start3A_112 = arith.constant 0 : i32
        %dma_start3A_113 = tpu.memref_slice %arg9[%mul3A_78, %dma_start3A_112] : memref<40x128xi32, #tpu.memory_space<vmem>> -> memref<1x128xi32, #tpu.memory_space<vmem>>
        %dma_start3A_114 = tpu.memref_squeeze %dma_start3A_113 : memref<1x128xi32, #tpu.memory_space<vmem>> -> memref<128xi32, #tpu.memory_space<vmem>>
        %dma_start3A_115 = arith.constant 0 : i32
        %dma_start3A_116 = arith.constant 0 : i32
        %dma_start3A_117 = tpu.memref_slice %arg7[%dma_start3A_115, %dma_start3A_116] : memref<10112x128xf32, #tpu.memory_space<vmem_shared>> -> memref<10112x128xf32, #tpu.memory_space<vmem_shared>>
        tpu.enqueue_indirect_dma source(%arg10 : memref<128x128xf32, #tpu.memory_space<vmem>>) target(%dma_start3A_117 : memref<10112x128xf32, #tpu.memory_space<vmem_shared>>) offsets(%dma_start3A_114 : memref<128xi32, #tpu.memory_space<vmem>>) semaphore(%run_scoped3A_111 : memref<!tpu.dma_semaphore, #tpu.memory_space<semaphore_mem>>) {add = true}
        %dma_wait3A_118 = arith.constant 0 : i32
        %dma_wait3A_119 = tpu.memref_slice %arg9[%mul3A_78, %dma_wait3A_118] : memref<40x128xi32, #tpu.memory_space<vmem>> -> memref<1x128xi32, #tpu.memory_space<vmem>>
        %dma_wait3A_120 = tpu.memref_squeeze %dma_wait3A_119 : memref<1x128xi32, #tpu.memory_space<vmem>> -> memref<128xi32, #tpu.memory_space<vmem>>
        %dma_wait3A_121 = arith.constant 0 : i32
        %dma_wait3A_122 = arith.constant 0 : i32
        %dma_wait3A_123 = tpu.memref_slice %arg7[%dma_wait3A_121, %dma_wait3A_122] : memref<10112x128xf32, #tpu.memory_space<vmem_shared>> -> memref<10112x128xf32, #tpu.memory_space<vmem_shared>>
        tpu.wait_indirect_dma semaphore(%run_scoped3A_111 : memref<!tpu.dma_semaphore, #tpu.memory_space<semaphore_mem>>) src(%arg10 : memref<128x128xf32, #tpu.memory_space<vmem>>) dst(%dma_wait3A_123 : memref<10112x128xf32, #tpu.memory_space<vmem_shared>>)
        tpu.yield
      }) : () -> ()
      %add3A_93 = arith.constant 2 : i32
      %add3A_94 = arith.addi %mul3A_78, %add3A_93 : i32
      %dma_start3A_95 = arith.constant 0 : i32
      %dma_start3A_96 = tpu.memref_slice %arg8[%add3A_94, %dma_start3A_95] : memref<40x128xi32, #tpu.memory_space<vmem>> -> memref<1x128xi32, #tpu.memory_space<vmem>>
      %dma_start3A_97 = tpu.memref_squeeze %dma_start3A_96 : memref<1x128xi32, #tpu.memory_space<vmem>> -> memref<128xi32, #tpu.memory_space<vmem>>
      %dma_start3A_98 = arith.constant 0 : i32
      %dma_start3A_99 = arith.constant 0 : i32
      %dma_start3A_100 = tpu.memref_slice %arg2[%dma_start3A_98, %dma_start3A_99] : memref<10000x128xf32, #tpu.memory_space<hbm>> -> memref<10000x128xf32, #tpu.memory_space<hbm>>
      tpu.enqueue_indirect_dma source(%dma_start3A_100 : memref<10000x128xf32, #tpu.memory_space<hbm>>) target(%arg10 : memref<128x128xf32, #tpu.memory_space<vmem>>) offsets(%dma_start3A_97 : memref<128xi32, #tpu.memory_space<vmem>>) semaphore(%arg12 : memref<!tpu.dma_semaphore, #tpu.memory_space<semaphore_mem>>)
      %add3A_101 = arith.constant 1 : i32
      %add3A_102 = arith.addi %mul3A_78, %add3A_101 : i32
      %dma_wait3A_103 = arith.constant 0 : i32
      %dma_wait3A_104 = tpu.memref_slice %arg8[%add3A_102, %dma_wait3A_103] : memref<40x128xi32, #tpu.memory_space<vmem>> -> memref<1x128xi32, #tpu.memory_space<vmem>>
      %dma_wait3A_105 = tpu.memref_squeeze %dma_wait3A_104 : memref<1x128xi32, #tpu.memory_space<vmem>> -> memref<128xi32, #tpu.memory_space<vmem>>
      %dma_wait3A_106 = arith.constant 0 : i32
      %dma_wait3A_107 = arith.constant 0 : i32
      %dma_wait3A_108 = tpu.memref_slice %arg2[%dma_wait3A_106, %dma_wait3A_107] : memref<10000x128xf32, #tpu.memory_space<hbm>> -> memref<10000x128xf32, #tpu.memory_space<hbm>>
      tpu.wait_indirect_dma semaphore(%arg13 : memref<!tpu.dma_semaphore, #tpu.memory_space<semaphore_mem>>) src(%dma_wait3A_108 : memref<10000x128xf32, #tpu.memory_space<hbm>>) dst(%arg11 : memref<128x128xf32, #tpu.memory_space<vmem>>)
      %add3A_109 = arith.constant 1 : i32
      %add3A_110 = arith.addi %mul3A_78, %add3A_109 : i32
      "tpu.region"() ({
        %run_scoped3A_111 = tpu.sem_alloc : memref<!tpu.dma_semaphore, #tpu.memory_space<semaphore_mem>>
        %dma_start3A_112 = arith.constant 0 : i32
        %dma_start3A_113 = tpu.memref_slice %arg9[%add3A_110, %dma_start3A_112] : memref<40x128xi32, #tpu.memory_space<vmem>> -> memref<1x128xi32, #tpu.memory_space<vmem>>
        %dma_start3A_114 = tpu.memref_squeeze %dma_start3A_113 : memref<1x128xi32, #tpu.memory_space<vmem>> -> memref<128xi32, #tpu.memory_space<vmem>>
        %dma_start3A_115 = arith.constant 0 : i32
        %dma_start3A_116 = arith.constant 0 : i32
        %dma_start3A_117 = tpu.memref_slice %arg7[%dma_start3A_115, %dma_start3A_116] : memref<10112x128xf32, #tpu.memory_space<vmem_shared>> -> memref<10112x128xf32, #tpu.memory_space<vmem_shared>>
        tpu.enqueue_indirect_dma source(%arg11 : memref<128x128xf32, #tpu.memory_space<vmem>>) target(%dma_start3A_117 : memref<10112x128xf32, #tpu.memory_space<vmem_shared>>) offsets(%dma_start3A_114 : memref<128xi32, #tpu.memory_space<vmem>>) semaphore(%run_scoped3A_111 : memref<!tpu.dma_semaphore, #tpu.memory_space<semaphore_mem>>) {add = true}
        %dma_wait3A_118 = arith.constant 0 : i32
        %dma_wait3A_119 = tpu.memref_slice %arg9[%add3A_110, %dma_wait3A_118] : memref<40x128xi32, #tpu.memory_space<vmem>> -> memref<1x128xi32, #tpu.memory_space<vmem>>
        %dma_wait3A_120 = tpu.memref_squeeze %dma_wait3A_119 : memref<1x128xi32, #tpu.memory_space<vmem>> -> memref<128xi32, #tpu.memory_space<vmem>>
        %dma_wait3A_121 = arith.constant 0 : i32
        %dma_wait3A_122 = arith.constant 0 : i32
        %dma_wait3A_123 = tpu.memref_slice %arg7[%dma_wait3A_121, %dma_wait3A_122] : memref<10112x128xf32, #tpu.memory_space<vmem_shared>> -> memref<10112x128xf32, #tpu.memory_space<vmem_shared>>
        tpu.wait_indirect_dma semaphore(%run_scoped3A_111 : memref<!tpu.dma_semaphore, #tpu.memory_space<semaphore_mem>>) src(%arg11 : memref<128x128xf32, #tpu.memory_space<vmem>>) dst(%dma_wait3A_123 : memref<10112x128xf32, #tpu.memory_space<vmem_shared>>)
        tpu.yield
      }) : () -> ()
    }
    %scan3A_47 = arith.constant 19 : i32
    %dma_start3A_48 = arith.constant 39 : i32
    %dma_start3A_49 = arith.constant 0 : i32
    %dma_start3A_50 = tpu.memref_slice %arg8[%dma_start3A_48, %dma_start3A_49] : memref<40x128xi32, #tpu.memory_space<vmem>> -> memref<1x128xi32, #tpu.memory_space<vmem>>
    %dma_start3A_51 = tpu.memref_squeeze %dma_start3A_50 : memref<1x128xi32, #tpu.memory_space<vmem>> -> memref<128xi32, #tpu.memory_space<vmem>>
    %dma_start3A_52 = arith.constant 0 : i32
    %dma_start3A_53 = arith.constant 0 : i32
    %dma_start3A_54 = tpu.memref_slice %arg2[%dma_start3A_52, %dma_start3A_53] : memref<10000x128xf32, #tpu.memory_space<hbm>> -> memref<10000x128xf32, #tpu.memory_space<hbm>>
    tpu.enqueue_indirect_dma source(%dma_start3A_54 : memref<10000x128xf32, #tpu.memory_space<hbm>>) target(%arg11 : memref<128x128xf32, #tpu.memory_space<vmem>>) offsets(%dma_start3A_51 : memref<128xi32, #tpu.memory_space<vmem>>) semaphore(%arg13 : memref<!tpu.dma_semaphore, #tpu.memory_space<semaphore_mem>>)
    %dma_wait3A_55 = arith.constant 38 : i32
    %dma_wait3A_56 = arith.constant 0 : i32
    %dma_wait3A_57 = tpu.memref_slice %arg8[%dma_wait3A_55, %dma_wait3A_56] : memref<40x128xi32, #tpu.memory_space<vmem>> -> memref<1x128xi32, #tpu.memory_space<vmem>>
    %dma_wait3A_58 = tpu.memref_squeeze %dma_wait3A_57 : memref<1x128xi32, #tpu.memory_space<vmem>> -> memref<128xi32, #tpu.memory_space<vmem>>
    %dma_wait3A_59 = arith.constant 0 : i32
    %dma_wait3A_60 = arith.constant 0 : i32
    %dma_wait3A_61 = tpu.memref_slice %arg2[%dma_wait3A_59, %dma_wait3A_60] : memref<10000x128xf32, #tpu.memory_space<hbm>> -> memref<10000x128xf32, #tpu.memory_space<hbm>>
    tpu.wait_indirect_dma semaphore(%arg12 : memref<!tpu.dma_semaphore, #tpu.memory_space<semaphore_mem>>) src(%dma_wait3A_61 : memref<10000x128xf32, #tpu.memory_space<hbm>>) dst(%arg10 : memref<128x128xf32, #tpu.memory_space<vmem>>)
    %run_scoped3A_62 = arith.constant 38 : i32
    "tpu.region"() ({
      %run_scoped3A_76 = tpu.sem_alloc : memref<!tpu.dma_semaphore, #tpu.memory_space<semaphore_mem>>
      %dma_start3A_77 = arith.constant 0 : i32
      %dma_start3A_78 = tpu.memref_slice %arg9[%run_scoped3A_62, %dma_start3A_77] : memref<40x128xi32, #tpu.memory_space<vmem>> -> memref<1x128xi32, #tpu.memory_space<vmem>>
      %dma_start3A_79 = tpu.memref_squeeze %dma_start3A_78 : memref<1x128xi32, #tpu.memory_space<vmem>> -> memref<128xi32, #tpu.memory_space<vmem>>
      %dma_start3A_80 = arith.constant 0 : i32
      %dma_start3A_81 = arith.constant 0 : i32
      %dma_start3A_82 = tpu.memref_slice %arg7[%dma_start3A_80, %dma_start3A_81] : memref<10112x128xf32, #tpu.memory_space<vmem_shared>> -> memref<10112x128xf32, #tpu.memory_space<vmem_shared>>
      tpu.enqueue_indirect_dma source(%arg10 : memref<128x128xf32, #tpu.memory_space<vmem>>) target(%dma_start3A_82 : memref<10112x128xf32, #tpu.memory_space<vmem_shared>>) offsets(%dma_start3A_79 : memref<128xi32, #tpu.memory_space<vmem>>) semaphore(%run_scoped3A_76 : memref<!tpu.dma_semaphore, #tpu.memory_space<semaphore_mem>>) {add = true}
      %dma_wait3A_83 = arith.constant 0 : i32
      %dma_wait3A_84 = tpu.memref_slice %arg9[%run_scoped3A_62, %dma_wait3A_83] : memref<40x128xi32, #tpu.memory_space<vmem>> -> memref<1x128xi32, #tpu.memory_space<vmem>>
      %dma_wait3A_85 = tpu.memref_squeeze %dma_wait3A_84 : memref<1x128xi32, #tpu.memory_space<vmem>> -> memref<128xi32, #tpu.memory_space<vmem>>
      %dma_wait3A_86 = arith.constant 0 : i32
      %dma_wait3A_87 = arith.constant 0 : i32
      %dma_wait3A_88 = tpu.memref_slice %arg7[%dma_wait3A_86, %dma_wait3A_87] : memref<10112x128xf32, #tpu.memory_space<vmem_shared>> -> memref<10112x128xf32, #tpu.memory_space<vmem_shared>>
      tpu.wait_indirect_dma semaphore(%run_scoped3A_76 : memref<!tpu.dma_semaphore, #tpu.memory_space<semaphore_mem>>) src(%arg10 : memref<128x128xf32, #tpu.memory_space<vmem>>) dst(%dma_wait3A_88 : memref<10112x128xf32, #tpu.memory_space<vmem_shared>>)
      tpu.yield
    }) : () -> ()
    %dma_wait3A_63 = arith.constant 39 : i32
    %dma_wait3A_64 = arith.constant 0 : i32
    %dma_wait3A_65 = tpu.memref_slice %arg8[%dma_wait3A_63, %dma_wait3A_64] : memref<40x128xi32, #tpu.memory_space<vmem>> -> memref<1x128xi32, #tpu.memory_space<vmem>>
    %dma_wait3A_66 = tpu.memref_squeeze %dma_wait3A_65 : memref<1x128xi32, #tpu.memory_space<vmem>> -> memref<128xi32, #tpu.memory_space<vmem>>
    %dma_wait3A_67 = arith.constant 0 : i32
    %dma_wait3A_68 = arith.constant 0 : i32
    %dma_wait3A_69 = tpu.memref_slice %arg2[%dma_wait3A_67, %dma_wait3A_68] : memref<10000x128xf32, #tpu.memory_space<hbm>> -> memref<10000x128xf32, #tpu.memory_space<hbm>>
    tpu.wait_indirect_dma semaphore(%arg13 : memref<!tpu.dma_semaphore, #tpu.memory_space<semaphore_mem>>) src(%dma_wait3A_69 : memref<10000x128xf32, #tpu.memory_space<hbm>>) dst(%arg11 : memref<128x128xf32, #tpu.memory_space<vmem>>)
    %run_scoped3A_70 = arith.constant 39 : i32
    "tpu.region"() ({
      %run_scoped3A_76 = tpu.sem_alloc : memref<!tpu.dma_semaphore, #tpu.memory_space<semaphore_mem>>
      %dma_start3A_77 = arith.constant 0 : i32
      %dma_start3A_78 = tpu.memref_slice %arg9[%run_scoped3A_70, %dma_start3A_77] : memref<40x128xi32, #tpu.memory_space<vmem>> -> memref<1x128xi32, #tpu.memory_space<vmem>>
      %dma_start3A_79 = tpu.memref_squeeze %dma_start3A_78 : memref<1x128xi32, #tpu.memory_space<vmem>> -> memref<128xi32, #tpu.memory_space<vmem>>
      %dma_start3A_80 = arith.constant 0 : i32
      %dma_start3A_81 = arith.constant 0 : i32
      %dma_start3A_82 = tpu.memref_slice %arg7[%dma_start3A_80, %dma_start3A_81] : memref<10112x128xf32, #tpu.memory_space<vmem_shared>> -> memref<10112x128xf32, #tpu.memory_space<vmem_shared>>
      tpu.enqueue_indirect_dma source(%arg11 : memref<128x128xf32, #tpu.memory_space<vmem>>) target(%dma_start3A_82 : memref<10112x128xf32, #tpu.memory_space<vmem_shared>>) offsets(%dma_start3A_79 : memref<128xi32, #tpu.memory_space<vmem>>) semaphore(%run_scoped3A_76 : memref<!tpu.dma_semaphore, #tpu.memory_space<semaphore_mem>>) {add = true}
      %dma_wait3A_83 = arith.constant 0 : i32
      %dma_wait3A_84 = tpu.memref_slice %arg9[%run_scoped3A_70, %dma_wait3A_83] : memref<40x128xi32, #tpu.memory_space<vmem>> -> memref<1x128xi32, #tpu.memory_space<vmem>>
      %dma_wait3A_85 = tpu.memref_squeeze %dma_wait3A_84 : memref<1x128xi32, #tpu.memory_space<vmem>> -> memref<128xi32, #tpu.memory_space<vmem>>
      %dma_wait3A_86 = arith.constant 0 : i32
      %dma_wait3A_87 = arith.constant 0 : i32
      %dma_wait3A_88 = tpu.memref_slice %arg7[%dma_wait3A_86, %dma_wait3A_87] : memref<10112x128xf32, #tpu.memory_space<vmem_shared>> -> memref<10112x128xf32, #tpu.memory_space<vmem_shared>>
      tpu.wait_indirect_dma semaphore(%run_scoped3A_76 : memref<!tpu.dma_semaphore, #tpu.memory_space<semaphore_mem>>) src(%arg11 : memref<128x128xf32, #tpu.memory_space<vmem>>) dst(%dma_wait3A_88 : memref<10112x128xf32, #tpu.memory_space<vmem_shared>>)
      tpu.yield
    }) : () -> ()
    %barrier3A_71 = arith.constant 0 : index
    tpu.barrier barrier_id(%barrier3A_71)
    %mul3A_72 = arith.constant 632 : i32
    %mul3A_73 = arith.muli %arg1, %mul3A_72 : i32
    %mul3A_74 = arith.constant 632 : i32
    %mul3A_75 = arith.muli %arg1, %mul3A_74 : i32
    "tpu.region"() ({
      %run_scoped3A_76 = tpu.sem_alloc : memref<!tpu.dma_semaphore, #tpu.memory_space<semaphore_mem>>
      %dma_start3A_77 = arith.constant 0 : i32
      %dma_start3A_78 = tpu.memref_slice %arg6[%arg0, %mul3A_75, %dma_start3A_77] : memref<2x10112x128xf32, #tpu.memory_space<hbm>> -> memref<1x632x128xf32, #tpu.memory_space<hbm>>
      %dma_start3A_79 = tpu.memref_squeeze %dma_start3A_78 : memref<1x632x128xf32, #tpu.memory_space<hbm>> -> memref<632x128xf32, #tpu.memory_space<hbm>>
      %dma_start3A_80 = arith.constant 0 : i32
      %dma_start3A_81 = tpu.memref_slice %arg7[%mul3A_73, %dma_start3A_80] : memref<10112x128xf32, #tpu.memory_space<vmem_shared>> -> memref<632x128xf32, #tpu.memory_space<vmem_shared>>
      tpu.enqueue_dma source(%dma_start3A_81 : memref<632x128xf32, #tpu.memory_space<vmem_shared>>) target(%dma_start3A_79 : memref<632x128xf32, #tpu.memory_space<hbm>>) target_semaphore(%run_scoped3A_76 : memref<!tpu.dma_semaphore, #tpu.memory_space<semaphore_mem>>)
      %dma_wait3A_82 = arith.constant 0 : i32
      %dma_wait3A_83 = tpu.memref_slice %arg6[%arg0, %mul3A_75, %dma_wait3A_82] : memref<2x10112x128xf32, #tpu.memory_space<hbm>> -> memref<1x632x128xf32, #tpu.memory_space<hbm>>
      %dma_wait3A_84 = tpu.memref_squeeze %dma_wait3A_83 : memref<1x632x128xf32, #tpu.memory_space<hbm>> -> memref<632x128xf32, #tpu.memory_space<hbm>>
      %dma_wait3A_85 = arith.constant 0 : i32
      %dma_wait3A_86 = tpu.memref_slice %arg7[%mul3A_73, %dma_wait3A_85] : memref<10112x128xf32, #tpu.memory_space<vmem_shared>> -> memref<632x128xf32, #tpu.memory_space<vmem_shared>>
      tpu.wait_dma2 semaphore(%run_scoped3A_76 : memref<!tpu.dma_semaphore, #tpu.memory_space<semaphore_mem>>) src(%dma_wait3A_86 : memref<632x128xf32, #tpu.memory_space<vmem_shared>>) dst(%dma_wait3A_84 : memref<632x128xf32, #tpu.memory_space<hbm>>)
      tpu.yield
    }) : () -> ()
    return
  }
}

#map = affine_map<(d0, d1) -> (0, 0)>
#map1 = affine_map<(d0, d1) -> (0, 0, 0)>
module attributes {stable_mosaic.version = 14 : i64} {
  func.func @_segsum_body(%arg0: i32, %arg1: i32, %arg2: memref<10000x128xf32, #tpu.memory_space<hbm>>, %arg3: memref<32x80x128xi32, #tpu.memory_space<hbm>>, %arg4: memref<32x80x128xi32, #tpu.memory_space<hbm>>, %arg5: memref<632x128xf32, #tpu.memory_space<hbm>>, %arg6: memref<2x10112x128xf32, #tpu.memory_space<hbm>>, %arg7: memref<10112x128xf32, #tpu.memory_space<vmem_shared>>, %arg8: memref<40x128xi32, #tpu.memory_space<vmem>>, %arg9: memref<40x128xi32, #tpu.memory_space<vmem>>, %arg10: memref<128x128xf32, #tpu.memory_space<vmem>>, %arg11: memref<128x128xf32, #tpu.memory_space<vmem>>, %arg12: memref<!tpu.dma_semaphore, #tpu.memory_space<semaphore_mem>>, %arg13: memref<!tpu.dma_semaphore, #tpu.memory_space<semaphore_mem>>, %arg14: memref<!tpu.dma_semaphore, #tpu.memory_space<semaphore_mem>>, %arg15: memref<!tpu.dma_semaphore, #tpu.memory_space<semaphore_mem>>) attributes {dimension_semantics = [#tpu.dimension_semantics<core_parallel>, #tpu.dimension_semantics<subcore_parallel>], iteration_bounds = array<i64: 2, 16>, scalar_prefetch = 0 : i64, scratch_operands = 9 : i64, tpu.core_type = #tpu.core_type<sc_vector_subcore>, window_params = [{transform_indices = #map}, {transform_indices = #map1}, {transform_indices = #map1}, {transform_indices = #map}, {transform_indices = #map1}]} {
    %mul3A = arith.constant 2 : i32
    %mul3A_0 = arith.muli %arg1, %mul3A : i32
    %add3A = arith.addi %mul3A_0, %arg0 : i32
    %mul3A_1 = arith.constant 632 : i32
    %mul3A_2 = arith.muli %arg1, %mul3A_1 : i32
    "tpu.region"() ({
      %run_scoped3A_76 = tpu.sem_alloc : memref<!tpu.dma_semaphore, #tpu.memory_space<semaphore_mem>>
      %dma_start3A_77 = arith.constant 0 : i32
      %dma_start3A_78 = tpu.memref_slice %arg7[%mul3A_2, %dma_start3A_77] : memref<10112x128xf32, #tpu.memory_space<vmem_shared>> -> memref<632x128xf32, #tpu.memory_space<vmem_shared>>
      tpu.enqueue_dma source(%arg5 : memref<632x128xf32, #tpu.memory_space<hbm>>) target(%dma_start3A_78 : memref<632x128xf32, #tpu.memory_space<vmem_shared>>) target_semaphore(%run_scoped3A_76 : memref<!tpu.dma_semaphore, #tpu.memory_space<semaphore_mem>>)
      %dma_wait3A_79 = arith.constant 0 : i32
      %dma_wait3A_80 = tpu.memref_slice %arg7[%mul3A_2, %dma_wait3A_79] : memref<10112x128xf32, #tpu.memory_space<vmem_shared>> -> memref<632x128xf32, #tpu.memory_space<vmem_shared>>
      tpu.wait_dma2 semaphore(%run_scoped3A_76 : memref<!tpu.dma_semaphore, #tpu.memory_space<semaphore_mem>>) src(%arg5 : memref<632x128xf32, #tpu.memory_space<hbm>>) dst(%dma_wait3A_80 : memref<632x128xf32, #tpu.memory_space<vmem_shared>>)
      tpu.yield
    }) : () -> ()
    %barrier3A = arith.constant 0 : index
    tpu.barrier barrier_id(%barrier3A)
    "tpu.region"() ({
      %run_scoped3A_76 = tpu.sem_alloc : memref<!tpu.dma_semaphore, #tpu.memory_space<semaphore_mem>>
      %dma_start3A_77 = arith.constant 0 : i32
      %dma_start3A_78 = arith.constant 0 : i32
      %dma_start3A_79 = tpu.memref_slice %arg3[%add3A, %dma_start3A_77, %dma_start3A_78] : memref<32x80x128xi32, #tpu.memory_space<hbm>> -> memref<1x40x128xi32, #tpu.memory_space<hbm>>
      %dma_start3A_80 = tpu.memref_squeeze %dma_start3A_79 : memref<1x40x128xi32, #tpu.memory_space<hbm>> -> memref<40x128xi32, #tpu.memory_space<hbm>>
      %dma_start3A_81 = arith.constant 0 : i32
      %dma_start3A_82 = arith.constant 0 : i32
      %dma_start3A_83 = tpu.memref_slice %arg3[%add3A, %dma_start3A_81, %dma_start3A_82] : memref<32x80x128xi32, #tpu.memory_space<hbm>> -> memref<1x40x128xi32, #tpu.memory_space<hbm>>
      %dma_start3A_84 = tpu.memref_squeeze %dma_start3A_83 : memref<1x40x128xi32, #tpu.memory_space<hbm>> -> memref<40x128xi32, #tpu.memory_space<hbm>>
      tpu.enqueue_dma source(%dma_start3A_84 : memref<40x128xi32, #tpu.memory_space<hbm>>) target(%arg8 : memref<40x128xi32, #tpu.memory_space<vmem>>) target_semaphore(%run_scoped3A_76 : memref<!tpu.dma_semaphore, #tpu.memory_space<semaphore_mem>>)
      %dma_wait3A_85 = arith.constant 0 : i32
      %dma_wait3A_86 = arith.constant 0 : i32
      %dma_wait3A_87 = tpu.memref_slice %arg3[%add3A, %dma_wait3A_85, %dma_wait3A_86] : memref<32x80x128xi32, #tpu.memory_space<hbm>> -> memref<1x40x128xi32, #tpu.memory_space<hbm>>
      %dma_wait3A_88 = tpu.memref_squeeze %dma_wait3A_87 : memref<1x40x128xi32, #tpu.memory_space<hbm>> -> memref<40x128xi32, #tpu.memory_space<hbm>>
      %dma_wait3A_89 = arith.constant 0 : i32
      %dma_wait3A_90 = arith.constant 0 : i32
      %dma_wait3A_91 = tpu.memref_slice %arg3[%add3A, %dma_wait3A_89, %dma_wait3A_90] : memref<32x80x128xi32, #tpu.memory_space<hbm>> -> memref<1x40x128xi32, #tpu.memory_space<hbm>>
      %dma_wait3A_92 = tpu.memref_squeeze %dma_wait3A_91 : memref<1x40x128xi32, #tpu.memory_space<hbm>> -> memref<40x128xi32, #tpu.memory_space<hbm>>
      tpu.wait_dma2 semaphore(%run_scoped3A_76 : memref<!tpu.dma_semaphore, #tpu.memory_space<semaphore_mem>>) src(%dma_wait3A_92 : memref<40x128xi32, #tpu.memory_space<hbm>>) dst(%arg8 : memref<40x128xi32, #tpu.memory_space<vmem>>)
      tpu.yield
    }) : () -> ()
    "tpu.region"() ({
      %run_scoped3A_76 = tpu.sem_alloc : memref<!tpu.dma_semaphore, #tpu.memory_space<semaphore_mem>>
      %dma_start3A_77 = arith.constant 0 : i32
      %dma_start3A_78 = arith.constant 0 : i32
      %dma_start3A_79 = tpu.memref_slice %arg4[%add3A, %dma_start3A_77, %dma_start3A_78] : memref<32x80x128xi32, #tpu.memory_space<hbm>> -> memref<1x40x128xi32, #tpu.memory_space<hbm>>
      %dma_start3A_80 = tpu.memref_squeeze %dma_start3A_79 : memref<1x40x128xi32, #tpu.memory_space<hbm>> -> memref<40x128xi32, #tpu.memory_space<hbm>>
      %dma_start3A_81 = arith.constant 0 : i32
      %dma_start3A_82 = arith.constant 0 : i32
      %dma_start3A_83 = tpu.memref_slice %arg4[%add3A, %dma_start3A_81, %dma_start3A_82] : memref<32x80x128xi32, #tpu.memory_space<hbm>> -> memref<1x40x128xi32, #tpu.memory_space<hbm>>
      %dma_start3A_84 = tpu.memref_squeeze %dma_start3A_83 : memref<1x40x128xi32, #tpu.memory_space<hbm>> -> memref<40x128xi32, #tpu.memory_space<hbm>>
      tpu.enqueue_dma source(%dma_start3A_84 : memref<40x128xi32, #tpu.memory_space<hbm>>) target(%arg9 : memref<40x128xi32, #tpu.memory_space<vmem>>) target_semaphore(%run_scoped3A_76 : memref<!tpu.dma_semaphore, #tpu.memory_space<semaphore_mem>>)
      %dma_wait3A_85 = arith.constant 0 : i32
      %dma_wait3A_86 = arith.constant 0 : i32
      %dma_wait3A_87 = tpu.memref_slice %arg4[%add3A, %dma_wait3A_85, %dma_wait3A_86] : memref<32x80x128xi32, #tpu.memory_space<hbm>> -> memref<1x40x128xi32, #tpu.memory_space<hbm>>
      %dma_wait3A_88 = tpu.memref_squeeze %dma_wait3A_87 : memref<1x40x128xi32, #tpu.memory_space<hbm>> -> memref<40x128xi32, #tpu.memory_space<hbm>>
      %dma_wait3A_89 = arith.constant 0 : i32
      %dma_wait3A_90 = arith.constant 0 : i32
      %dma_wait3A_91 = tpu.memref_slice %arg4[%add3A, %dma_wait3A_89, %dma_wait3A_90] : memref<32x80x128xi32, #tpu.memory_space<hbm>> -> memref<1x40x128xi32, #tpu.memory_space<hbm>>
      %dma_wait3A_92 = tpu.memref_squeeze %dma_wait3A_91 : memref<1x40x128xi32, #tpu.memory_space<hbm>> -> memref<40x128xi32, #tpu.memory_space<hbm>>
      tpu.wait_dma2 semaphore(%run_scoped3A_76 : memref<!tpu.dma_semaphore, #tpu.memory_space<semaphore_mem>>) src(%dma_wait3A_92 : memref<40x128xi32, #tpu.memory_space<hbm>>) dst(%arg9 : memref<40x128xi32, #tpu.memory_space<vmem>>)
      tpu.yield
    }) : () -> ()
    %dma_start3A = arith.constant 0 : i32
    %dma_start3A_3 = arith.constant 0 : i32
    %dma_start3A_4 = tpu.memref_slice %arg8[%dma_start3A, %dma_start3A_3] : memref<40x128xi32, #tpu.memory_space<vmem>> -> memref<1x128xi32, #tpu.memory_space<vmem>>
    %dma_start3A_5 = tpu.memref_squeeze %dma_start3A_4 : memref<1x128xi32, #tpu.memory_space<vmem>> -> memref<128xi32, #tpu.memory_space<vmem>>
    %dma_start3A_6 = arith.constant 0 : i32
    %dma_start3A_7 = arith.constant 0 : i32
    %dma_start3A_8 = tpu.memref_slice %arg2[%dma_start3A_6, %dma_start3A_7] : memref<10000x128xf32, #tpu.memory_space<hbm>> -> memref<10000x128xf32, #tpu.memory_space<hbm>>
    tpu.enqueue_indirect_dma source(%dma_start3A_8 : memref<10000x128xf32, #tpu.memory_space<hbm>>) target(%arg10 : memref<128x128xf32, #tpu.memory_space<vmem>>) offsets(%dma_start3A_5 : memref<128xi32, #tpu.memory_space<vmem>>) semaphore(%arg12 : memref<!tpu.dma_semaphore, #tpu.memory_space<semaphore_mem>>)
    %scan3A = arith.constant 0 : i32
    %scan3A_9 = arith.constant 0 : i32
    %scan3A_10 = arith.constant 19 : i32
    %scan3A_11 = arith.addi %scan3A_9, %scan3A_10 : i32
    %scan3A_12 = arith.constant 1 : i32
    scf.for %scan3A_76 = %scan3A_9 to %scan3A_11 step %scan3A_12  : i32 {
      %mul3A_77 = arith.constant 2 : i32
      %mul3A_78 = arith.muli %scan3A_76, %mul3A_77 : i32
      %add3A_79 = arith.constant 1 : i32
      %add3A_80 = arith.addi %mul3A_78, %add3A_79 : i32
      %dma_start3A_81 = arith.constant 0 : i32
      %dma_start3A_82 = tpu.memref_slice %arg8[%add3A_80, %dma_start3A_81] : memref<40x128xi32, #tpu.memory_space<vmem>> -> memref<1x128xi32, #tpu.memory_space<vmem>>
      %dma_start3A_83 = tpu.memref_squeeze %dma_start3A_82 : memref<1x128xi32, #tpu.memory_space<vmem>> -> memref<128xi32, #tpu.memory_space<vmem>>
      %dma_start3A_84 = arith.constant 0 : i32
      %dma_start3A_85 = arith.constant 0 : i32
      %dma_start3A_86 = tpu.memref_slice %arg2[%dma_start3A_84, %dma_start3A_85] : memref<10000x128xf32, #tpu.memory_space<hbm>> -> memref<10000x128xf32, #tpu.memory_space<hbm>>
      tpu.enqueue_indirect_dma source(%dma_start3A_86 : memref<10000x128xf32, #tpu.memory_space<hbm>>) target(%arg11 : memref<128x128xf32, #tpu.memory_space<vmem>>) offsets(%dma_start3A_83 : memref<128xi32, #tpu.memory_space<vmem>>) semaphore(%arg13 : memref<!tpu.dma_semaphore, #tpu.memory_space<semaphore_mem>>)
      %dma_wait3A_87 = arith.constant 0 : i32
      %dma_wait3A_88 = tpu.memref_slice %arg8[%mul3A_78, %dma_wait3A_87] : memref<40x128xi32, #tpu.memory_space<vmem>> -> memref<1x128xi32, #tpu.memory_space<vmem>>
      %dma_wait3A_89 = tpu.memref_squeeze %dma_wait3A_88 : memref<1x128xi32, #tpu.memory_space<vmem>> -> memref<128xi32, #tpu.memory_space<vmem>>
      %dma_wait3A_90 = arith.constant 0 : i32
      %dma_wait3A_91 = arith.constant 0 : i32
      %dma_wait3A_92 = tpu.memref_slice %arg2[%dma_wait3A_90, %dma_wait3A_91] : memref<10000x128xf32, #tpu.memory_space<hbm>> -> memref<10000x128xf32, #tpu.memory_space<hbm>>
      tpu.wait_indirect_dma semaphore(%arg12 : memref<!tpu.dma_semaphore, #tpu.memory_space<semaphore_mem>>) src(%dma_wait3A_92 : memref<10000x128xf32, #tpu.memory_space<hbm>>) dst(%arg10 : memref<128x128xf32, #tpu.memory_space<vmem>>)
      "tpu.region"() ({
        %run_scoped3A_111 = tpu.sem_alloc : memref<!tpu.dma_semaphore, #tpu.memory_space<semaphore_mem>>
        %dma_start3A_112 = arith.constant 0 : i32
        %dma_start3A_113 = tpu.memref_slice %arg9[%mul3A_78, %dma_start3A_112] : memref<40x128xi32, #tpu.memory_space<vmem>> -> memref<1x128xi32, #tpu.memory_space<vmem>>
        %dma_start3A_114 = tpu.memref_squeeze %dma_start3A_113 : memref<1x128xi32, #tpu.memory_space<vmem>> -> memref<128xi32, #tpu.memory_space<vmem>>
        %dma_start3A_115 = arith.constant 0 : i32
        %dma_start3A_116 = arith.constant 0 : i32
        %dma_start3A_117 = tpu.memref_slice %arg7[%dma_start3A_115, %dma_start3A_116] : memref<10112x128xf32, #tpu.memory_space<vmem_shared>> -> memref<10112x128xf32, #tpu.memory_space<vmem_shared>>
        tpu.enqueue_indirect_dma source(%arg10 : memref<128x128xf32, #tpu.memory_space<vmem>>) target(%dma_start3A_117 : memref<10112x128xf32, #tpu.memory_space<vmem_shared>>) offsets(%dma_start3A_114 : memref<128xi32, #tpu.memory_space<vmem>>) semaphore(%run_scoped3A_111 : memref<!tpu.dma_semaphore, #tpu.memory_space<semaphore_mem>>) {add = true}
        %dma_wait3A_118 = arith.constant 0 : i32
        %dma_wait3A_119 = tpu.memref_slice %arg9[%mul3A_78, %dma_wait3A_118] : memref<40x128xi32, #tpu.memory_space<vmem>> -> memref<1x128xi32, #tpu.memory_space<vmem>>
        %dma_wait3A_120 = tpu.memref_squeeze %dma_wait3A_119 : memref<1x128xi32, #tpu.memory_space<vmem>> -> memref<128xi32, #tpu.memory_space<vmem>>
        %dma_wait3A_121 = arith.constant 0 : i32
        %dma_wait3A_122 = arith.constant 0 : i32
        %dma_wait3A_123 = tpu.memref_slice %arg7[%dma_wait3A_121, %dma_wait3A_122] : memref<10112x128xf32, #tpu.memory_space<vmem_shared>> -> memref<10112x128xf32, #tpu.memory_space<vmem_shared>>
        tpu.wait_indirect_dma semaphore(%run_scoped3A_111 : memref<!tpu.dma_semaphore, #tpu.memory_space<semaphore_mem>>) src(%arg10 : memref<128x128xf32, #tpu.memory_space<vmem>>) dst(%dma_wait3A_123 : memref<10112x128xf32, #tpu.memory_space<vmem_shared>>)
        tpu.yield
      }) : () -> ()
      %add3A_93 = arith.constant 2 : i32
      %add3A_94 = arith.addi %mul3A_78, %add3A_93 : i32
      %dma_start3A_95 = arith.constant 0 : i32
      %dma_start3A_96 = tpu.memref_slice %arg8[%add3A_94, %dma_start3A_95] : memref<40x128xi32, #tpu.memory_space<vmem>> -> memref<1x128xi32, #tpu.memory_space<vmem>>
      %dma_start3A_97 = tpu.memref_squeeze %dma_start3A_96 : memref<1x128xi32, #tpu.memory_space<vmem>> -> memref<128xi32, #tpu.memory_space<vmem>>
      %dma_start3A_98 = arith.constant 0 : i32
      %dma_start3A_99 = arith.constant 0 : i32
      %dma_start3A_100 = tpu.memref_slice %arg2[%dma_start3A_98, %dma_start3A_99] : memref<10000x128xf32, #tpu.memory_space<hbm>> -> memref<10000x128xf32, #tpu.memory_space<hbm>>
      tpu.enqueue_indirect_dma source(%dma_start3A_100 : memref<10000x128xf32, #tpu.memory_space<hbm>>) target(%arg10 : memref<128x128xf32, #tpu.memory_space<vmem>>) offsets(%dma_start3A_97 : memref<128xi32, #tpu.memory_space<vmem>>) semaphore(%arg12 : memref<!tpu.dma_semaphore, #tpu.memory_space<semaphore_mem>>)
      %add3A_101 = arith.constant 1 : i32
      %add3A_102 = arith.addi %mul3A_78, %add3A_101 : i32
      %dma_wait3A_103 = arith.constant 0 : i32
      %dma_wait3A_104 = tpu.memref_slice %arg8[%add3A_102, %dma_wait3A_103] : memref<40x128xi32, #tpu.memory_space<vmem>> -> memref<1x128xi32, #tpu.memory_space<vmem>>
      %dma_wait3A_105 = tpu.memref_squeeze %dma_wait3A_104 : memref<1x128xi32, #tpu.memory_space<vmem>> -> memref<128xi32, #tpu.memory_space<vmem>>
      %dma_wait3A_106 = arith.constant 0 : i32
      %dma_wait3A_107 = arith.constant 0 : i32
      %dma_wait3A_108 = tpu.memref_slice %arg2[%dma_wait3A_106, %dma_wait3A_107] : memref<10000x128xf32, #tpu.memory_space<hbm>> -> memref<10000x128xf32, #tpu.memory_space<hbm>>
      tpu.wait_indirect_dma semaphore(%arg13 : memref<!tpu.dma_semaphore, #tpu.memory_space<semaphore_mem>>) src(%dma_wait3A_108 : memref<10000x128xf32, #tpu.memory_space<hbm>>) dst(%arg11 : memref<128x128xf32, #tpu.memory_space<vmem>>)
      %add3A_109 = arith.constant 1 : i32
      %add3A_110 = arith.addi %mul3A_78, %add3A_109 : i32
      "tpu.region"() ({
        %run_scoped3A_111 = tpu.sem_alloc : memref<!tpu.dma_semaphore, #tpu.memory_space<semaphore_mem>>
        %dma_start3A_112 = arith.constant 0 : i32
        %dma_start3A_113 = tpu.memref_slice %arg9[%add3A_110, %dma_start3A_112] : memref<40x128xi32, #tpu.memory_space<vmem>> -> memref<1x128xi32, #tpu.memory_space<vmem>>
        %dma_start3A_114 = tpu.memref_squeeze %dma_start3A_113 : memref<1x128xi32, #tpu.memory_space<vmem>> -> memref<128xi32, #tpu.memory_space<vmem>>
        %dma_start3A_115 = arith.constant 0 : i32
        %dma_start3A_116 = arith.constant 0 : i32
        %dma_start3A_117 = tpu.memref_slice %arg7[%dma_start3A_115, %dma_start3A_116] : memref<10112x128xf32, #tpu.memory_space<vmem_shared>> -> memref<10112x128xf32, #tpu.memory_space<vmem_shared>>
        tpu.enqueue_indirect_dma source(%arg11 : memref<128x128xf32, #tpu.memory_space<vmem>>) target(%dma_start3A_117 : memref<10112x128xf32, #tpu.memory_space<vmem_shared>>) offsets(%dma_start3A_114 : memref<128xi32, #tpu.memory_space<vmem>>) semaphore(%run_scoped3A_111 : memref<!tpu.dma_semaphore, #tpu.memory_space<semaphore_mem>>) {add = true}
        %dma_wait3A_118 = arith.constant 0 : i32
        %dma_wait3A_119 = tpu.memref_slice %arg9[%add3A_110, %dma_wait3A_118] : memref<40x128xi32, #tpu.memory_space<vmem>> -> memref<1x128xi32, #tpu.memory_space<vmem>>
        %dma_wait3A_120 = tpu.memref_squeeze %dma_wait3A_119 : memref<1x128xi32, #tpu.memory_space<vmem>> -> memref<128xi32, #tpu.memory_space<vmem>>
        %dma_wait3A_121 = arith.constant 0 : i32
        %dma_wait3A_122 = arith.constant 0 : i32
        %dma_wait3A_123 = tpu.memref_slice %arg7[%dma_wait3A_121, %dma_wait3A_122] : memref<10112x128xf32, #tpu.memory_space<vmem_shared>> -> memref<10112x128xf32, #tpu.memory_space<vmem_shared>>
        tpu.wait_indirect_dma semaphore(%run_scoped3A_111 : memref<!tpu.dma_semaphore, #tpu.memory_space<semaphore_mem>>) src(%arg11 : memref<128x128xf32, #tpu.memory_space<vmem>>) dst(%dma_wait3A_123 : memref<10112x128xf32, #tpu.memory_space<vmem_shared>>)
        tpu.yield
      }) : () -> ()
    }
    %scan3A_13 = arith.constant 19 : i32
    %dma_start3A_14 = arith.constant 39 : i32
    %dma_start3A_15 = arith.constant 0 : i32
    %dma_start3A_16 = tpu.memref_slice %arg8[%dma_start3A_14, %dma_start3A_15] : memref<40x128xi32, #tpu.memory_space<vmem>> -> memref<1x128xi32, #tpu.memory_space<vmem>>
    %dma_start3A_17 = tpu.memref_squeeze %dma_start3A_16 : memref<1x128xi32, #tpu.memory_space<vmem>> -> memref<128xi32, #tpu.memory_space<vmem>>
    %dma_start3A_18 = arith.constant 0 : i32
    %dma_start3A_19 = arith.constant 0 : i32
    %dma_start3A_20 = tpu.memref_slice %arg2[%dma_start3A_18, %dma_start3A_19] : memref<10000x128xf32, #tpu.memory_space<hbm>> -> memref<10000x128xf32, #tpu.memory_space<hbm>>
    tpu.enqueue_indirect_dma source(%dma_start3A_20 : memref<10000x128xf32, #tpu.memory_space<hbm>>) target(%arg11 : memref<128x128xf32, #tpu.memory_space<vmem>>) offsets(%dma_start3A_17 : memref<128xi32, #tpu.memory_space<vmem>>) semaphore(%arg13 : memref<!tpu.dma_semaphore, #tpu.memory_space<semaphore_mem>>)
    %dma_wait3A = arith.constant 38 : i32
    %dma_wait3A_21 = arith.constant 0 : i32
    %dma_wait3A_22 = tpu.memref_slice %arg8[%dma_wait3A, %dma_wait3A_21] : memref<40x128xi32, #tpu.memory_space<vmem>> -> memref<1x128xi32, #tpu.memory_space<vmem>>
    %dma_wait3A_23 = tpu.memref_squeeze %dma_wait3A_22 : memref<1x128xi32, #tpu.memory_space<vmem>> -> memref<128xi32, #tpu.memory_space<vmem>>
    %dma_wait3A_24 = arith.constant 0 : i32
    %dma_wait3A_25 = arith.constant 0 : i32
    %dma_wait3A_26 = tpu.memref_slice %arg2[%dma_wait3A_24, %dma_wait3A_25] : memref<10000x128xf32, #tpu.memory_space<hbm>> -> memref<10000x128xf32, #tpu.memory_space<hbm>>
    tpu.wait_indirect_dma semaphore(%arg12 : memref<!tpu.dma_semaphore, #tpu.memory_space<semaphore_mem>>) src(%dma_wait3A_26 : memref<10000x128xf32, #tpu.memory_space<hbm>>) dst(%arg10 : memref<128x128xf32, #tpu.memory_space<vmem>>)
    %run_scoped3A = arith.constant 38 : i32
    "tpu.region"() ({
      %run_scoped3A_76 = tpu.sem_alloc : memref<!tpu.dma_semaphore, #tpu.memory_space<semaphore_mem>>
      %dma_start3A_77 = arith.constant 0 : i32
      %dma_start3A_78 = tpu.memref_slice %arg9[%run_scoped3A, %dma_start3A_77] : memref<40x128xi32, #tpu.memory_space<vmem>> -> memref<1x128xi32, #tpu.memory_space<vmem>>
      %dma_start3A_79 = tpu.memref_squeeze %dma_start3A_78 : memref<1x128xi32, #tpu.memory_space<vmem>> -> memref<128xi32, #tpu.memory_space<vmem>>
      %dma_start3A_80 = arith.constant 0 : i32
      %dma_start3A_81 = arith.constant 0 : i32
      %dma_start3A_82 = tpu.memref_slice %arg7[%dma_start3A_80, %dma_start3A_81] : memref<10112x128xf32, #tpu.memory_space<vmem_shared>> -> memref<10112x128xf32, #tpu.memory_space<vmem_shared>>
      tpu.enqueue_indirect_dma source(%arg10 : memref<128x128xf32, #tpu.memory_space<vmem>>) target(%dma_start3A_82 : memref<10112x128xf32, #tpu.memory_space<vmem_shared>>) offsets(%dma_start3A_79 : memref<128xi32, #tpu.memory_space<vmem>>) semaphore(%run_scoped3A_76 : memref<!tpu.dma_semaphore, #tpu.memory_space<semaphore_mem>>) {add = true}
      %dma_wait3A_83 = arith.constant 0 : i32
      %dma_wait3A_84 = tpu.memref_slice %arg9[%run_scoped3A, %dma_wait3A_83] : memref<40x128xi32, #tpu.memory_space<vmem>> -> memref<1x128xi32, #tpu.memory_space<vmem>>
      %dma_wait3A_85 = tpu.memref_squeeze %dma_wait3A_84 : memref<1x128xi32, #tpu.memory_space<vmem>> -> memref<128xi32, #tpu.memory_space<vmem>>
      %dma_wait3A_86 = arith.constant 0 : i32
      %dma_wait3A_87 = arith.constant 0 : i32
      %dma_wait3A_88 = tpu.memref_slice %arg7[%dma_wait3A_86, %dma_wait3A_87] : memref<10112x128xf32, #tpu.memory_space<vmem_shared>> -> memref<10112x128xf32, #tpu.memory_space<vmem_shared>>
      tpu.wait_indirect_dma semaphore(%run_scoped3A_76 : memref<!tpu.dma_semaphore, #tpu.memory_space<semaphore_mem>>) src(%arg10 : memref<128x128xf32, #tpu.memory_space<vmem>>) dst(%dma_wait3A_88 : memref<10112x128xf32, #tpu.memory_space<vmem_shared>>)
      tpu.yield
    }) : () -> ()
    %dma_wait3A_27 = arith.constant 39 : i32
    %dma_wait3A_28 = arith.constant 0 : i32
    %dma_wait3A_29 = tpu.memref_slice %arg8[%dma_wait3A_27, %dma_wait3A_28] : memref<40x128xi32, #tpu.memory_space<vmem>> -> memref<1x128xi32, #tpu.memory_space<vmem>>
    %dma_wait3A_30 = tpu.memref_squeeze %dma_wait3A_29 : memref<1x128xi32, #tpu.memory_space<vmem>> -> memref<128xi32, #tpu.memory_space<vmem>>
    %dma_wait3A_31 = arith.constant 0 : i32
    %dma_wait3A_32 = arith.constant 0 : i32
    %dma_wait3A_33 = tpu.memref_slice %arg2[%dma_wait3A_31, %dma_wait3A_32] : memref<10000x128xf32, #tpu.memory_space<hbm>> -> memref<10000x128xf32, #tpu.memory_space<hbm>>
    tpu.wait_indirect_dma semaphore(%arg13 : memref<!tpu.dma_semaphore, #tpu.memory_space<semaphore_mem>>) src(%dma_wait3A_33 : memref<10000x128xf32, #tpu.memory_space<hbm>>) dst(%arg11 : memref<128x128xf32, #tpu.memory_space<vmem>>)
    %run_scoped3A_34 = arith.constant 39 : i32
    "tpu.region"() ({
      %run_scoped3A_76 = tpu.sem_alloc : memref<!tpu.dma_semaphore, #tpu.memory_space<semaphore_mem>>
      %dma_start3A_77 = arith.constant 0 : i32
      %dma_start3A_78 = tpu.memref_slice %arg9[%run_scoped3A_34, %dma_start3A_77] : memref<40x128xi32, #tpu.memory_space<vmem>> -> memref<1x128xi32, #tpu.memory_space<vmem>>
      %dma_start3A_79 = tpu.memref_squeeze %dma_start3A_78 : memref<1x128xi32, #tpu.memory_space<vmem>> -> memref<128xi32, #tpu.memory_space<vmem>>
      %dma_start3A_80 = arith.constant 0 : i32
      %dma_start3A_81 = arith.constant 0 : i32
      %dma_start3A_82 = tpu.memref_slice %arg7[%dma_start3A_80, %dma_start3A_81] : memref<10112x128xf32, #tpu.memory_space<vmem_shared>> -> memref<10112x128xf32, #tpu.memory_space<vmem_shared>>
      tpu.enqueue_indirect_dma source(%arg11 : memref<128x128xf32, #tpu.memory_space<vmem>>) target(%dma_start3A_82 : memref<10112x128xf32, #tpu.memory_space<vmem_shared>>) offsets(%dma_start3A_79 : memref<128xi32, #tpu.memory_space<vmem>>) semaphore(%run_scoped3A_76 : memref<!tpu.dma_semaphore, #tpu.memory_space<semaphore_mem>>) {add = true}
      %dma_wait3A_83 = arith.constant 0 : i32
      %dma_wait3A_84 = tpu.memref_slice %arg9[%run_scoped3A_34, %dma_wait3A_83] : memref<40x128xi32, #tpu.memory_space<vmem>> -> memref<1x128xi32, #tpu.memory_space<vmem>>
      %dma_wait3A_85 = tpu.memref_squeeze %dma_wait3A_84 : memref<1x128xi32, #tpu.memory_space<vmem>> -> memref<128xi32, #tpu.memory_space<vmem>>
      %dma_wait3A_86 = arith.constant 0 : i32
      %dma_wait3A_87 = arith.constant 0 : i32
      %dma_wait3A_88 = tpu.memref_slice %arg7[%dma_wait3A_86, %dma_wait3A_87] : memref<10112x128xf32, #tpu.memory_space<vmem_shared>> -> memref<10112x128xf32, #tpu.memory_space<vmem_shared>>
      tpu.wait_indirect_dma semaphore(%run_scoped3A_76 : memref<!tpu.dma_semaphore, #tpu.memory_space<semaphore_mem>>) src(%arg11 : memref<128x128xf32, #tpu.memory_space<vmem>>) dst(%dma_wait3A_88 : memref<10112x128xf32, #tpu.memory_space<vmem_shared>>)
      tpu.yield
    }) : () -> ()
    "tpu.region"() ({
      %run_scoped3A_76 = tpu.sem_alloc : memref<!tpu.dma_semaphore, #tpu.memory_space<semaphore_mem>>
      %dma_start3A_77 = arith.constant 40 : i32
      %dma_start3A_78 = arith.constant 0 : i32
      %dma_start3A_79 = tpu.memref_slice %arg3[%add3A, %dma_start3A_77, %dma_start3A_78] : memref<32x80x128xi32, #tpu.memory_space<hbm>> -> memref<1x40x128xi32, #tpu.memory_space<hbm>>
      %dma_start3A_80 = tpu.memref_squeeze %dma_start3A_79 : memref<1x40x128xi32, #tpu.memory_space<hbm>> -> memref<40x128xi32, #tpu.memory_space<hbm>>
      %dma_start3A_81 = arith.constant 40 : i32
      %dma_start3A_82 = arith.constant 0 : i32
      %dma_start3A_83 = tpu.memref_slice %arg3[%add3A, %dma_start3A_81, %dma_start3A_82] : memref<32x80x128xi32, #tpu.memory_space<hbm>> -> memref<1x40x128xi32, #tpu.memory_space<hbm>>
      %dma_start3A_84 = tpu.memref_squeeze %dma_start3A_83 : memref<1x40x128xi32, #tpu.memory_space<hbm>> -> memref<40x128xi32, #tpu.memory_space<hbm>>
      tpu.enqueue_dma source(%dma_start3A_84 : memref<40x128xi32, #tpu.memory_space<hbm>>) target(%arg8 : memref<40x128xi32, #tpu.memory_space<vmem>>) target_semaphore(%run_scoped3A_76 : memref<!tpu.dma_semaphore, #tpu.memory_space<semaphore_mem>>)
      %dma_wait3A_85 = arith.constant 40 : i32
      %dma_wait3A_86 = arith.constant 0 : i32
      %dma_wait3A_87 = tpu.memref_slice %arg3[%add3A, %dma_wait3A_85, %dma_wait3A_86] : memref<32x80x128xi32, #tpu.memory_space<hbm>> -> memref<1x40x128xi32, #tpu.memory_space<hbm>>
      %dma_wait3A_88 = tpu.memref_squeeze %dma_wait3A_87 : memref<1x40x128xi32, #tpu.memory_space<hbm>> -> memref<40x128xi32, #tpu.memory_space<hbm>>
      %dma_wait3A_89 = arith.constant 40 : i32
      %dma_wait3A_90 = arith.constant 0 : i32
      %dma_wait3A_91 = tpu.memref_slice %arg3[%add3A, %dma_wait3A_89, %dma_wait3A_90] : memref<32x80x128xi32, #tpu.memory_space<hbm>> -> memref<1x40x128xi32, #tpu.memory_space<hbm>>
      %dma_wait3A_92 = tpu.memref_squeeze %dma_wait3A_91 : memref<1x40x128xi32, #tpu.memory_space<hbm>> -> memref<40x128xi32, #tpu.memory_space<hbm>>
      tpu.wait_dma2 semaphore(%run_scoped3A_76 : memref<!tpu.dma_semaphore, #tpu.memory_space<semaphore_mem>>) src(%dma_wait3A_92 : memref<40x128xi32, #tpu.memory_space<hbm>>) dst(%arg8 : memref<40x128xi32, #tpu.memory_space<vmem>>)
      tpu.yield
    }) : () -> ()
    "tpu.region"() ({
      %run_scoped3A_76 = tpu.sem_alloc : memref<!tpu.dma_semaphore, #tpu.memory_space<semaphore_mem>>
      %dma_start3A_77 = arith.constant 40 : i32
      %dma_start3A_78 = arith.constant 0 : i32
      %dma_start3A_79 = tpu.memref_slice %arg4[%add3A, %dma_start3A_77, %dma_start3A_78] : memref<32x80x128xi32, #tpu.memory_space<hbm>> -> memref<1x40x128xi32, #tpu.memory_space<hbm>>
      %dma_start3A_80 = tpu.memref_squeeze %dma_start3A_79 : memref<1x40x128xi32, #tpu.memory_space<hbm>> -> memref<40x128xi32, #tpu.memory_space<hbm>>
      %dma_start3A_81 = arith.constant 40 : i32
      %dma_start3A_82 = arith.constant 0 : i32
      %dma_start3A_83 = tpu.memref_slice %arg4[%add3A, %dma_start3A_81, %dma_start3A_82] : memref<32x80x128xi32, #tpu.memory_space<hbm>> -> memref<1x40x128xi32, #tpu.memory_space<hbm>>
      %dma_start3A_84 = tpu.memref_squeeze %dma_start3A_83 : memref<1x40x128xi32, #tpu.memory_space<hbm>> -> memref<40x128xi32, #tpu.memory_space<hbm>>
      tpu.enqueue_dma source(%dma_start3A_84 : memref<40x128xi32, #tpu.memory_space<hbm>>) target(%arg9 : memref<40x128xi32, #tpu.memory_space<vmem>>) target_semaphore(%run_scoped3A_76 : memref<!tpu.dma_semaphore, #tpu.memory_space<semaphore_mem>>)
      %dma_wait3A_85 = arith.constant 40 : i32
      %dma_wait3A_86 = arith.constant 0 : i32
      %dma_wait3A_87 = tpu.memref_slice %arg4[%add3A, %dma_wait3A_85, %dma_wait3A_86] : memref<32x80x128xi32, #tpu.memory_space<hbm>> -> memref<1x40x128xi32, #tpu.memory_space<hbm>>
      %dma_wait3A_88 = tpu.memref_squeeze %dma_wait3A_87 : memref<1x40x128xi32, #tpu.memory_space<hbm>> -> memref<40x128xi32, #tpu.memory_space<hbm>>
      %dma_wait3A_89 = arith.constant 40 : i32
      %dma_wait3A_90 = arith.constant 0 : i32
      %dma_wait3A_91 = tpu.memref_slice %arg4[%add3A, %dma_wait3A_89, %dma_wait3A_90] : memref<32x80x128xi32, #tpu.memory_space<hbm>> -> memref<1x40x128xi32, #tpu.memory_space<hbm>>
      %dma_wait3A_92 = tpu.memref_squeeze %dma_wait3A_91 : memref<1x40x128xi32, #tpu.memory_space<hbm>> -> memref<40x128xi32, #tpu.memory_space<hbm>>
      tpu.wait_dma2 semaphore(%run_scoped3A_76 : memref<!tpu.dma_semaphore, #tpu.memory_space<semaphore_mem>>) src(%dma_wait3A_92 : memref<40x128xi32, #tpu.memory_space<hbm>>) dst(%arg9 : memref<40x128xi32, #tpu.memory_space<vmem>>)
      tpu.yield
    }) : () -> ()
    %dma_start3A_35 = arith.constant 0 : i32
    %dma_start3A_36 = arith.constant 0 : i32
    %dma_start3A_37 = tpu.memref_slice %arg8[%dma_start3A_35, %dma_start3A_36] : memref<40x128xi32, #tpu.memory_space<vmem>> -> memref<1x128xi32, #tpu.memory_space<vmem>>
    %dma_start3A_38 = tpu.memref_squeeze %dma_start3A_37 : memref<1x128xi32, #tpu.memory_space<vmem>> -> memref<128xi32, #tpu.memory_space<vmem>>
    %dma_start3A_39 = arith.constant 0 : i32
    %dma_start3A_40 = arith.constant 0 : i32
    %dma_start3A_41 = tpu.memref_slice %arg2[%dma_start3A_39, %dma_start3A_40] : memref<10000x128xf32, #tpu.memory_space<hbm>> -> memref<10000x128xf32, #tpu.memory_space<hbm>>
    tpu.enqueue_indirect_dma source(%dma_start3A_41 : memref<10000x128xf32, #tpu.memory_space<hbm>>) target(%arg10 : memref<128x128xf32, #tpu.memory_space<vmem>>) offsets(%dma_start3A_38 : memref<128xi32, #tpu.memory_space<vmem>>) semaphore(%arg12 : memref<!tpu.dma_semaphore, #tpu.memory_space<semaphore_mem>>)
    %scan3A_42 = arith.constant 0 : i32
    %scan3A_43 = arith.constant 0 : i32
    %scan3A_44 = arith.constant 19 : i32
    %scan3A_45 = arith.addi %scan3A_43, %scan3A_44 : i32
    %scan3A_46 = arith.constant 1 : i32
    scf.for %scan3A_76 = %scan3A_43 to %scan3A_45 step %scan3A_46  : i32 {
      %mul3A_77 = arith.constant 2 : i32
      %mul3A_78 = arith.muli %scan3A_76, %mul3A_77 : i32
      %add3A_79 = arith.constant 1 : i32
      %add3A_80 = arith.addi %mul3A_78, %add3A_79 : i32
      %dma_start3A_81 = arith.constant 0 : i32
      %dma_start3A_82 = tpu.memref_slice %arg8[%add3A_80, %dma_start3A_81] : memref<40x128xi32, #tpu.memory_space<vmem>> -> memref<1x128xi32, #tpu.memory_space<vmem>>
      %dma_start3A_83 = tpu.memref_squeeze %dma_start3A_82 : memref<1x128xi32, #tpu.memory_space<vmem>> -> memref<128xi32, #tpu.memory_space<vmem>>
      %dma_start3A_84 = arith.constant 0 : i32
      %dma_start3A_85 = arith.constant 0 : i32
      %dma_start3A_86 = tpu.memref_slice %arg2[%dma_start3A_84, %dma_start3A_85] : memref<10000x128xf32, #tpu.memory_space<hbm>> -> memref<10000x128xf32, #tpu.memory_space<hbm>>
      tpu.enqueue_indirect_dma source(%dma_start3A_86 : memref<10000x128xf32, #tpu.memory_space<hbm>>) target(%arg11 : memref<128x128xf32, #tpu.memory_space<vmem>>) offsets(%dma_start3A_83 : memref<128xi32, #tpu.memory_space<vmem>>) semaphore(%arg13 : memref<!tpu.dma_semaphore, #tpu.memory_space<semaphore_mem>>)
      %dma_wait3A_87 = arith.constant 0 : i32
      %dma_wait3A_88 = tpu.memref_slice %arg8[%mul3A_78, %dma_wait3A_87] : memref<40x128xi32, #tpu.memory_space<vmem>> -> memref<1x128xi32, #tpu.memory_space<vmem>>
      %dma_wait3A_89 = tpu.memref_squeeze %dma_wait3A_88 : memref<1x128xi32, #tpu.memory_space<vmem>> -> memref<128xi32, #tpu.memory_space<vmem>>
      %dma_wait3A_90 = arith.constant 0 : i32
      %dma_wait3A_91 = arith.constant 0 : i32
      %dma_wait3A_92 = tpu.memref_slice %arg2[%dma_wait3A_90, %dma_wait3A_91] : memref<10000x128xf32, #tpu.memory_space<hbm>> -> memref<10000x128xf32, #tpu.memory_space<hbm>>
      tpu.wait_indirect_dma semaphore(%arg12 : memref<!tpu.dma_semaphore, #tpu.memory_space<semaphore_mem>>) src(%dma_wait3A_92 : memref<10000x128xf32, #tpu.memory_space<hbm>>) dst(%arg10 : memref<128x128xf32, #tpu.memory_space<vmem>>)
      "tpu.region"() ({
        %run_scoped3A_111 = tpu.sem_alloc : memref<!tpu.dma_semaphore, #tpu.memory_space<semaphore_mem>>
        %dma_start3A_112 = arith.constant 0 : i32
        %dma_start3A_113 = tpu.memref_slice %arg9[%mul3A_78, %dma_start3A_112] : memref<40x128xi32, #tpu.memory_space<vmem>> -> memref<1x128xi32, #tpu.memory_space<vmem>>
        %dma_start3A_114 = tpu.memref_squeeze %dma_start3A_113 : memref<1x128xi32, #tpu.memory_space<vmem>> -> memref<128xi32, #tpu.memory_space<vmem>>
        %dma_start3A_115 = arith.constant 0 : i32
        %dma_start3A_116 = arith.constant 0 : i32
        %dma_start3A_117 = tpu.memref_slice %arg7[%dma_start3A_115, %dma_start3A_116] : memref<10112x128xf32, #tpu.memory_space<vmem_shared>> -> memref<10112x128xf32, #tpu.memory_space<vmem_shared>>
        tpu.enqueue_indirect_dma source(%arg10 : memref<128x128xf32, #tpu.memory_space<vmem>>) target(%dma_start3A_117 : memref<10112x128xf32, #tpu.memory_space<vmem_shared>>) offsets(%dma_start3A_114 : memref<128xi32, #tpu.memory_space<vmem>>) semaphore(%run_scoped3A_111 : memref<!tpu.dma_semaphore, #tpu.memory_space<semaphore_mem>>) {add = true}
        %dma_wait3A_118 = arith.constant 0 : i32
        %dma_wait3A_119 = tpu.memref_slice %arg9[%mul3A_78, %dma_wait3A_118] : memref<40x128xi32, #tpu.memory_space<vmem>> -> memref<1x128xi32, #tpu.memory_space<vmem>>
        %dma_wait3A_120 = tpu.memref_squeeze %dma_wait3A_119 : memref<1x128xi32, #tpu.memory_space<vmem>> -> memref<128xi32, #tpu.memory_space<vmem>>
        %dma_wait3A_121 = arith.constant 0 : i32
        %dma_wait3A_122 = arith.constant 0 : i32
        %dma_wait3A_123 = tpu.memref_slice %arg7[%dma_wait3A_121, %dma_wait3A_122] : memref<10112x128xf32, #tpu.memory_space<vmem_shared>> -> memref<10112x128xf32, #tpu.memory_space<vmem_shared>>
        tpu.wait_indirect_dma semaphore(%run_scoped3A_111 : memref<!tpu.dma_semaphore, #tpu.memory_space<semaphore_mem>>) src(%arg10 : memref<128x128xf32, #tpu.memory_space<vmem>>) dst(%dma_wait3A_123 : memref<10112x128xf32, #tpu.memory_space<vmem_shared>>)
        tpu.yield
      }) : () -> ()
      %add3A_93 = arith.constant 2 : i32
      %add3A_94 = arith.addi %mul3A_78, %add3A_93 : i32
      %dma_start3A_95 = arith.constant 0 : i32
      %dma_start3A_96 = tpu.memref_slice %arg8[%add3A_94, %dma_start3A_95] : memref<40x128xi32, #tpu.memory_space<vmem>> -> memref<1x128xi32, #tpu.memory_space<vmem>>
      %dma_start3A_97 = tpu.memref_squeeze %dma_start3A_96 : memref<1x128xi32, #tpu.memory_space<vmem>> -> memref<128xi32, #tpu.memory_space<vmem>>
      %dma_start3A_98 = arith.constant 0 : i32
      %dma_start3A_99 = arith.constant 0 : i32
      %dma_start3A_100 = tpu.memref_slice %arg2[%dma_start3A_98, %dma_start3A_99] : memref<10000x128xf32, #tpu.memory_space<hbm>> -> memref<10000x128xf32, #tpu.memory_space<hbm>>
      tpu.enqueue_indirect_dma source(%dma_start3A_100 : memref<10000x128xf32, #tpu.memory_space<hbm>>) target(%arg10 : memref<128x128xf32, #tpu.memory_space<vmem>>) offsets(%dma_start3A_97 : memref<128xi32, #tpu.memory_space<vmem>>) semaphore(%arg12 : memref<!tpu.dma_semaphore, #tpu.memory_space<semaphore_mem>>)
      %add3A_101 = arith.constant 1 : i32
      %add3A_102 = arith.addi %mul3A_78, %add3A_101 : i32
      %dma_wait3A_103 = arith.constant 0 : i32
      %dma_wait3A_104 = tpu.memref_slice %arg8[%add3A_102, %dma_wait3A_103] : memref<40x128xi32, #tpu.memory_space<vmem>> -> memref<1x128xi32, #tpu.memory_space<vmem>>
      %dma_wait3A_105 = tpu.memref_squeeze %dma_wait3A_104 : memref<1x128xi32, #tpu.memory_space<vmem>> -> memref<128xi32, #tpu.memory_space<vmem>>
      %dma_wait3A_106 = arith.constant 0 : i32
      %dma_wait3A_107 = arith.constant 0 : i32
      %dma_wait3A_108 = tpu.memref_slice %arg2[%dma_wait3A_106, %dma_wait3A_107] : memref<10000x128xf32, #tpu.memory_space<hbm>> -> memref<10000x128xf32, #tpu.memory_space<hbm>>
      tpu.wait_indirect_dma semaphore(%arg13 : memref<!tpu.dma_semaphore, #tpu.memory_space<semaphore_mem>>) src(%dma_wait3A_108 : memref<10000x128xf32, #tpu.memory_space<hbm>>) dst(%arg11 : memref<128x128xf32, #tpu.memory_space<vmem>>)
      %add3A_109 = arith.constant 1 : i32
      %add3A_110 = arith.addi %mul3A_78, %add3A_109 : i32
      "tpu.region"() ({
        %run_scoped3A_111 = tpu.sem_alloc : memref<!tpu.dma_semaphore, #tpu.memory_space<semaphore_mem>>
        %dma_start3A_112 = arith.constant 0 : i32
        %dma_start3A_113 = tpu.memref_slice %arg9[%add3A_110, %dma_start3A_112] : memref<40x128xi32, #tpu.memory_space<vmem>> -> memref<1x128xi32, #tpu.memory_space<vmem>>
        %dma_start3A_114 = tpu.memref_squeeze %dma_start3A_113 : memref<1x128xi32, #tpu.memory_space<vmem>> -> memref<128xi32, #tpu.memory_space<vmem>>
        %dma_start3A_115 = arith.constant 0 : i32
        %dma_start3A_116 = arith.constant 0 : i32
        %dma_start3A_117 = tpu.memref_slice %arg7[%dma_start3A_115, %dma_start3A_116] : memref<10112x128xf32, #tpu.memory_space<vmem_shared>> -> memref<10112x128xf32, #tpu.memory_space<vmem_shared>>
        tpu.enqueue_indirect_dma source(%arg11 : memref<128x128xf32, #tpu.memory_space<vmem>>) target(%dma_start3A_117 : memref<10112x128xf32, #tpu.memory_space<vmem_shared>>) offsets(%dma_start3A_114 : memref<128xi32, #tpu.memory_space<vmem>>) semaphore(%run_scoped3A_111 : memref<!tpu.dma_semaphore, #tpu.memory_space<semaphore_mem>>) {add = true}
        %dma_wait3A_118 = arith.constant 0 : i32
        %dma_wait3A_119 = tpu.memref_slice %arg9[%add3A_110, %dma_wait3A_118] : memref<40x128xi32, #tpu.memory_space<vmem>> -> memref<1x128xi32, #tpu.memory_space<vmem>>
        %dma_wait3A_120 = tpu.memref_squeeze %dma_wait3A_119 : memref<1x128xi32, #tpu.memory_space<vmem>> -> memref<128xi32, #tpu.memory_space<vmem>>
        %dma_wait3A_121 = arith.constant 0 : i32
        %dma_wait3A_122 = arith.constant 0 : i32
        %dma_wait3A_123 = tpu.memref_slice %arg7[%dma_wait3A_121, %dma_wait3A_122] : memref<10112x128xf32, #tpu.memory_space<vmem_shared>> -> memref<10112x128xf32, #tpu.memory_space<vmem_shared>>
        tpu.wait_indirect_dma semaphore(%run_scoped3A_111 : memref<!tpu.dma_semaphore, #tpu.memory_space<semaphore_mem>>) src(%arg11 : memref<128x128xf32, #tpu.memory_space<vmem>>) dst(%dma_wait3A_123 : memref<10112x128xf32, #tpu.memory_space<vmem_shared>>)
        tpu.yield
      }) : () -> ()
    }
    %scan3A_47 = arith.constant 19 : i32
    %dma_start3A_48 = arith.constant 39 : i32
    %dma_start3A_49 = arith.constant 0 : i32
    %dma_start3A_50 = tpu.memref_slice %arg8[%dma_start3A_48, %dma_start3A_49] : memref<40x128xi32, #tpu.memory_space<vmem>> -> memref<1x128xi32, #tpu.memory_space<vmem>>
    %dma_start3A_51 = tpu.memref_squeeze %dma_start3A_50 : memref<1x128xi32, #tpu.memory_space<vmem>> -> memref<128xi32, #tpu.memory_space<vmem>>
    %dma_start3A_52 = arith.constant 0 : i32
    %dma_start3A_53 = arith.constant 0 : i32
    %dma_start3A_54 = tpu.memref_slice %arg2[%dma_start3A_52, %dma_start3A_53] : memref<10000x128xf32, #tpu.memory_space<hbm>> -> memref<10000x128xf32, #tpu.memory_space<hbm>>
    tpu.enqueue_indirect_dma source(%dma_start3A_54 : memref<10000x128xf32, #tpu.memory_space<hbm>>) target(%arg11 : memref<128x128xf32, #tpu.memory_space<vmem>>) offsets(%dma_start3A_51 : memref<128xi32, #tpu.memory_space<vmem>>) semaphore(%arg13 : memref<!tpu.dma_semaphore, #tpu.memory_space<semaphore_mem>>)
    %dma_wait3A_55 = arith.constant 38 : i32
    %dma_wait3A_56 = arith.constant 0 : i32
    %dma_wait3A_57 = tpu.memref_slice %arg8[%dma_wait3A_55, %dma_wait3A_56] : memref<40x128xi32, #tpu.memory_space<vmem>> -> memref<1x128xi32, #tpu.memory_space<vmem>>
    %dma_wait3A_58 = tpu.memref_squeeze %dma_wait3A_57 : memref<1x128xi32, #tpu.memory_space<vmem>> -> memref<128xi32, #tpu.memory_space<vmem>>
    %dma_wait3A_59 = arith.constant 0 : i32
    %dma_wait3A_60 = arith.constant 0 : i32
    %dma_wait3A_61 = tpu.memref_slice %arg2[%dma_wait3A_59, %dma_wait3A_60] : memref<10000x128xf32, #tpu.memory_space<hbm>> -> memref<10000x128xf32, #tpu.memory_space<hbm>>
    tpu.wait_indirect_dma semaphore(%arg12 : memref<!tpu.dma_semaphore, #tpu.memory_space<semaphore_mem>>) src(%dma_wait3A_61 : memref<10000x128xf32, #tpu.memory_space<hbm>>) dst(%arg10 : memref<128x128xf32, #tpu.memory_space<vmem>>)
    %run_scoped3A_62 = arith.constant 38 : i32
    "tpu.region"() ({
      %run_scoped3A_76 = tpu.sem_alloc : memref<!tpu.dma_semaphore, #tpu.memory_space<semaphore_mem>>
      %dma_start3A_77 = arith.constant 0 : i32
      %dma_start3A_78 = tpu.memref_slice %arg9[%run_scoped3A_62, %dma_start3A_77] : memref<40x128xi32, #tpu.memory_space<vmem>> -> memref<1x128xi32, #tpu.memory_space<vmem>>
      %dma_start3A_79 = tpu.memref_squeeze %dma_start3A_78 : memref<1x128xi32, #tpu.memory_space<vmem>> -> memref<128xi32, #tpu.memory_space<vmem>>
      %dma_start3A_80 = arith.constant 0 : i32
      %dma_start3A_81 = arith.constant 0 : i32
      %dma_start3A_82 = tpu.memref_slice %arg7[%dma_start3A_80, %dma_start3A_81] : memref<10112x128xf32, #tpu.memory_space<vmem_shared>> -> memref<10112x128xf32, #tpu.memory_space<vmem_shared>>
      tpu.enqueue_indirect_dma source(%arg10 : memref<128x128xf32, #tpu.memory_space<vmem>>) target(%dma_start3A_82 : memref<10112x128xf32, #tpu.memory_space<vmem_shared>>) offsets(%dma_start3A_79 : memref<128xi32, #tpu.memory_space<vmem>>) semaphore(%run_scoped3A_76 : memref<!tpu.dma_semaphore, #tpu.memory_space<semaphore_mem>>) {add = true}
      %dma_wait3A_83 = arith.constant 0 : i32
      %dma_wait3A_84 = tpu.memref_slice %arg9[%run_scoped3A_62, %dma_wait3A_83] : memref<40x128xi32, #tpu.memory_space<vmem>> -> memref<1x128xi32, #tpu.memory_space<vmem>>
      %dma_wait3A_85 = tpu.memref_squeeze %dma_wait3A_84 : memref<1x128xi32, #tpu.memory_space<vmem>> -> memref<128xi32, #tpu.memory_space<vmem>>
      %dma_wait3A_86 = arith.constant 0 : i32
      %dma_wait3A_87 = arith.constant 0 : i32
      %dma_wait3A_88 = tpu.memref_slice %arg7[%dma_wait3A_86, %dma_wait3A_87] : memref<10112x128xf32, #tpu.memory_space<vmem_shared>> -> memref<10112x128xf32, #tpu.memory_space<vmem_shared>>
      tpu.wait_indirect_dma semaphore(%run_scoped3A_76 : memref<!tpu.dma_semaphore, #tpu.memory_space<semaphore_mem>>) src(%arg10 : memref<128x128xf32, #tpu.memory_space<vmem>>) dst(%dma_wait3A_88 : memref<10112x128xf32, #tpu.memory_space<vmem_shared>>)
      tpu.yield
    }) : () -> ()
    %dma_wait3A_63 = arith.constant 39 : i32
    %dma_wait3A_64 = arith.constant 0 : i32
    %dma_wait3A_65 = tpu.memref_slice %arg8[%dma_wait3A_63, %dma_wait3A_64] : memref<40x128xi32, #tpu.memory_space<vmem>> -> memref<1x128xi32, #tpu.memory_space<vmem>>
    %dma_wait3A_66 = tpu.memref_squeeze %dma_wait3A_65 : memref<1x128xi32, #tpu.memory_space<vmem>> -> memref<128xi32, #tpu.memory_space<vmem>>
    %dma_wait3A_67 = arith.constant 0 : i32
    %dma_wait3A_68 = arith.constant 0 : i32
    %dma_wait3A_69 = tpu.memref_slice %arg2[%dma_wait3A_67, %dma_wait3A_68] : memref<10000x128xf32, #tpu.memory_space<hbm>> -> memref<10000x128xf32, #tpu.memory_space<hbm>>
    tpu.wait_indirect_dma semaphore(%arg13 : memref<!tpu.dma_semaphore, #tpu.memory_space<semaphore_mem>>) src(%dma_wait3A_69 : memref<10000x128xf32, #tpu.memory_space<hbm>>) dst(%arg11 : memref<128x128xf32, #tpu.memory_space<vmem>>)
    %run_scoped3A_70 = arith.constant 39 : i32
    "tpu.region"() ({
      %run_scoped3A_76 = tpu.sem_alloc : memref<!tpu.dma_semaphore, #tpu.memory_space<semaphore_mem>>
      %dma_start3A_77 = arith.constant 0 : i32
      %dma_start3A_78 = tpu.memref_slice %arg9[%run_scoped3A_70, %dma_start3A_77] : memref<40x128xi32, #tpu.memory_space<vmem>> -> memref<1x128xi32, #tpu.memory_space<vmem>>
      %dma_start3A_79 = tpu.memref_squeeze %dma_start3A_78 : memref<1x128xi32, #tpu.memory_space<vmem>> -> memref<128xi32, #tpu.memory_space<vmem>>
      %dma_start3A_80 = arith.constant 0 : i32
      %dma_start3A_81 = arith.constant 0 : i32
      %dma_start3A_82 = tpu.memref_slice %arg7[%dma_start3A_80, %dma_start3A_81] : memref<10112x128xf32, #tpu.memory_space<vmem_shared>> -> memref<10112x128xf32, #tpu.memory_space<vmem_shared>>
      tpu.enqueue_indirect_dma source(%arg11 : memref<128x128xf32, #tpu.memory_space<vmem>>) target(%dma_start3A_82 : memref<10112x128xf32, #tpu.memory_space<vmem_shared>>) offsets(%dma_start3A_79 : memref<128xi32, #tpu.memory_space<vmem>>) semaphore(%run_scoped3A_76 : memref<!tpu.dma_semaphore, #tpu.memory_space<semaphore_mem>>) {add = true}
      %dma_wait3A_83 = arith.constant 0 : i32
      %dma_wait3A_84 = tpu.memref_slice %arg9[%run_scoped3A_70, %dma_wait3A_83] : memref<40x128xi32, #tpu.memory_space<vmem>> -> memref<1x128xi32, #tpu.memory_space<vmem>>
      %dma_wait3A_85 = tpu.memref_squeeze %dma_wait3A_84 : memref<1x128xi32, #tpu.memory_space<vmem>> -> memref<128xi32, #tpu.memory_space<vmem>>
      %dma_wait3A_86 = arith.constant 0 : i32
      %dma_wait3A_87 = arith.constant 0 : i32
      %dma_wait3A_88 = tpu.memref_slice %arg7[%dma_wait3A_86, %dma_wait3A_87] : memref<10112x128xf32, #tpu.memory_space<vmem_shared>> -> memref<10112x128xf32, #tpu.memory_space<vmem_shared>>
      tpu.wait_indirect_dma semaphore(%run_scoped3A_76 : memref<!tpu.dma_semaphore, #tpu.memory_space<semaphore_mem>>) src(%arg11 : memref<128x128xf32, #tpu.memory_space<vmem>>) dst(%dma_wait3A_88 : memref<10112x128xf32, #tpu.memory_space<vmem_shared>>)
      tpu.yield
    }) : () -> ()
    %barrier3A_71 = arith.constant 0 : index
    tpu.barrier barrier_id(%barrier3A_71)
    %mul3A_72 = arith.constant 632 : i32
    %mul3A_73 = arith.muli %arg1, %mul3A_72 : i32
    %mul3A_74 = arith.constant 632 : i32
    %mul3A_75 = arith.muli %arg1, %mul3A_74 : i32
    "tpu.region"() ({
      %run_scoped3A_76 = tpu.sem_alloc : memref<!tpu.dma_semaphore, #tpu.memory_space<semaphore_mem>>
      %dma_start3A_77 = arith.constant 0 : i32
      %dma_start3A_78 = tpu.memref_slice %arg6[%arg0, %mul3A_75, %dma_start3A_77] : memref<2x10112x128xf32, #tpu.memory_space<hbm>> -> memref<1x632x128xf32, #tpu.memory_space<hbm>>
      %dma_start3A_79 = tpu.memref_squeeze %dma_start3A_78 : memref<1x632x128xf32, #tpu.memory_space<hbm>> -> memref<632x128xf32, #tpu.memory_space<hbm>>
      %dma_start3A_80 = arith.constant 0 : i32
      %dma_start3A_81 = tpu.memref_slice %arg7[%mul3A_73, %dma_start3A_80] : memref<10112x128xf32, #tpu.memory_space<vmem_shared>> -> memref<632x128xf32, #tpu.memory_space<vmem_shared>>
      tpu.enqueue_dma source(%dma_start3A_81 : memref<632x128xf32, #tpu.memory_space<vmem_shared>>) target(%dma_start3A_79 : memref<632x128xf32, #tpu.memory_space<hbm>>) target_semaphore(%run_scoped3A_76 : memref<!tpu.dma_semaphore, #tpu.memory_space<semaphore_mem>>)
      %dma_wait3A_82 = arith.constant 0 : i32
      %dma_wait3A_83 = tpu.memref_slice %arg6[%arg0, %mul3A_75, %dma_wait3A_82] : memref<2x10112x128xf32, #tpu.memory_space<hbm>> -> memref<1x632x128xf32, #tpu.memory_space<hbm>>
      %dma_wait3A_84 = tpu.memref_squeeze %dma_wait3A_83 : memref<1x632x128xf32, #tpu.memory_space<hbm>> -> memref<632x128xf32, #tpu.memory_space<hbm>>
      %dma_wait3A_85 = arith.constant 0 : i32
      %dma_wait3A_86 = tpu.memref_slice %arg7[%mul3A_73, %dma_wait3A_85] : memref<10112x128xf32, #tpu.memory_space<vmem_shared>> -> memref<632x128xf32, #tpu.memory_space<vmem_shared>>
      tpu.wait_dma2 semaphore(%run_scoped3A_76 : memref<!tpu.dma_semaphore, #tpu.memory_space<semaphore_mem>>) src(%dma_wait3A_86 : memref<632x128xf32, #tpu.memory_space<vmem_shared>>) dst(%dma_wait3A_84 : memref<632x128xf32, #tpu.memory_space<hbm>>)
      tpu.yield
    }) : () -> ()
    return
  }
}

module attributes {stable_mosaic.version = 14 : i64} {
  func.func @_fwd_body(%arg0: i32, %arg1: memref<2x1000x128xf32, #tpu.memory_space<vmem>>, %arg2: memref<128x128xf32, #tpu.memory_space<vmem>>, %arg3: memref<1x128xf32, #tpu.memory_space<vmem>>, %arg4: memref<1000x128xf32, #tpu.memory_space<vmem>>) attributes {dimension_semantics = [#tpu.dimension_semantics<arbitrary>], iteration_bounds = array<i64: 10>, scalar_prefetch = 0 : i64, scratch_operands = 0 : i64, tpu.core_type = #tpu.core_type<tc>, window_params = [{transform_indices = @transform_0, window_bounds = array<i64: 2, 1000, 128>}, {pipeline_mode = #tpu.pipeline_mode<synchronous>, transform_indices = @transform_1, window_bounds = array<i64: 128, 128>}, {pipeline_mode = #tpu.pipeline_mode<synchronous>, transform_indices = @transform_2, window_bounds = array<i64: 1, 128>}, {transform_indices = @transform_3, window_bounds = array<i64: 1000, 128>}]} {
    %get3A = arith.constant 0 : index
    %get3A_0 = arith.constant 0 : index
    %get3A_1 = arith.constant 0 : index
    %get3A_2 = vector.load %arg1[%get3A, %get3A_0, %get3A_1] : memref<2x1000x128xf32, #tpu.memory_space<vmem>>, vector<1x1000x128xf32>
    %get3A_3 = vector.shape_cast %get3A_2 : vector<1x1000x128xf32> to vector<1000x128xf32>
    %get3A_4 = arith.constant 1 : index
    %get3A_5 = arith.constant 0 : index
    %get3A_6 = arith.constant 0 : index
    %get3A_7 = vector.load %arg1[%get3A_4, %get3A_5, %get3A_6] : memref<2x1000x128xf32, #tpu.memory_space<vmem>>, vector<1x1000x128xf32>
    %get3A_8 = vector.shape_cast %get3A_7 : vector<1x1000x128xf32> to vector<1000x128xf32>
    %add3A = arith.addf %get3A_3, %get3A_8 : vector<1000x128xf32>
    %get3A_9 = arith.constant 0 : index
    %get3A_10 = arith.constant 0 : index
    %get3A_11 = vector.load %arg2[%get3A_9, %get3A_10] : memref<128x128xf32, #tpu.memory_space<vmem>>, vector<128x128xf32>
    %dot_general3A = arith.constant dense<0.000000e+00> : vector<1000x128xf32>
    %dot_general3A_12 = tpu.matmul %add3A, %get3A_11, %dot_general3A {dimension_numbers = #tpu.dot_dimension_numbers<[1], [0], [0], [1], [0, 0, 1, 1], [], []>, transpose_lhs_hint = false} : vector<1000x128xf32>, vector<128x128xf32>, vector<1000x128xf32> -> vector<1000x128xf32>
    %get3A_13 = arith.constant 0 : index
    %get3A_14 = arith.constant 0 : index
    %get3A_15 = vector.load %arg3[%get3A_13, %get3A_14] : memref<1x128xf32, #tpu.memory_space<vmem>>, vector<1x128xf32>
    %add3A_16 = vector.broadcast %get3A_15 : vector<1x128xf32> to vector<1000x128xf32>
    %add3A_17 = arith.addf %dot_general3A_12, %add3A_16 : vector<1000x128xf32>
    %max3A = arith.constant 0.000000e+00 : f32
    %max3A_18 = vector.broadcast %max3A : f32 to vector<1000x128xf32>
    %max3A_19 = arith.maximumf %add3A_17, %max3A_18 : vector<1000x128xf32>
    %swap3A = arith.constant 0 : index
    %swap3A_20 = arith.constant 0 : index
    %swap3A_21 = vector.load %arg4[%swap3A, %swap3A_20] : memref<1000x128xf32, #tpu.memory_space<vmem>>, vector<1000x128xf32>
    tpu.vector_store %arg4[%swap3A, %swap3A_20], %max3A_19 {strides = array<i32>} : memref<1000x128xf32, #tpu.memory_space<vmem>>, vector<1000x128xf32>,
    return
  }
  func.func @transform_0(%arg0: i32) -> (i32, i32, i32) {
    %c0_i32 = arith.constant 0 : i32
    %c0_i32_0 = arith.constant 0 : i32
    %c0_i32_1 = arith.constant 0 : i32
    return %c0_i32, %arg0, %c0_i32_0 : i32, i32, i32
  }
  func.func @transform_1(%arg0: i32) -> (i32, i32) {
    %c0_i32 = arith.constant 0 : i32
    %c0_i32_0 = arith.constant 0 : i32
    %c0_i32_1 = arith.constant 0 : i32
    return %c0_i32, %c0_i32_0 : i32, i32
  }
  func.func @transform_2(%arg0: i32) -> (i32, i32) {
    %c0_i32 = arith.constant 0 : i32
    %c0_i32_0 = arith.constant 0 : i32
    %c0_i32_1 = arith.constant 0 : i32
    return %c0_i32, %c0_i32_0 : i32, i32
  }
  func.func @transform_3(%arg0: i32) -> (i32, i32) {
    %c0_i32 = arith.constant 0 : i32
    %c0_i32_0 = arith.constant 0 : i32
    return %arg0, %c0_i32 : i32, i32
  }
}

module attributes {stable_mosaic.version = 14 : i64} {
  func.func @_decoder_body(%arg0: i32, %arg1: memref<1000x128xf32, #tpu.memory_space<vmem>>, %arg2: memref<1000x128xf32, #tpu.memory_space<vmem>>, %arg3: memref<1000x128xf32, #tpu.memory_space<vmem>>, %arg4: memref<1000x128xf32, #tpu.memory_space<vmem>>, %arg5: memref<1x64xi32, #tpu.memory_space<vmem>>, %arg6: memref<1x64xi32, #tpu.memory_space<vmem>>, %arg7: memref<1x512xf32, #tpu.memory_space<vmem>>, %arg8: memref<1024x64xf32, #tpu.memory_space<vmem>>, %arg9: memref<1x64xf32, #tpu.memory_space<vmem>>, %arg10: memref<1x67xf32, #tpu.memory_space<vmem>>, %arg11: memref<1x1xf32, #tpu.memory_space<vmem>>, %arg12: memref<1x1xf32, #tpu.memory_space<vmem>>, %arg13: memref<64x512xf32, #tpu.memory_space<vmem>>, %arg14: memref<64x512xf32, #tpu.memory_space<vmem>>, %arg15: memref<64x512xf32, #tpu.memory_space<vmem>>, %arg16: memref<64x512xf32, #tpu.memory_space<vmem>>) attributes {dimension_semantics = [#tpu.dimension_semantics<arbitrary>], iteration_bounds = array<i64: 11>, scalar_prefetch = 0 : i64, scratch_operands = 2 : i64, tpu.core_type = #tpu.core_type<tc>, window_params = [{transform_indices = @transform_0, window_bounds = array<i64: 1000, 128>}, {transform_indices = @transform_1, window_bounds = array<i64: 1000, 128>}, {transform_indices = @transform_2, window_bounds = array<i64: 1000, 128>}, {transform_indices = @transform_3, window_bounds = array<i64: 1000, 128>}, {pipeline_mode = #tpu.pipeline_mode<synchronous>, transform_indices = @transform_4, window_bounds = array<i64: 1, 64>}, {pipeline_mode = #tpu.pipeline_mode<synchronous>, transform_indices = @transform_5, window_bounds = array<i64: 1, 64>}, {pipeline_mode = #tpu.pipeline_mode<synchronous>, transform_indices = @transform_6, window_bounds = array<i64: 1, 512>}, {pipeline_mode = #tpu.pipeline_mode<synchronous>, transform_indices = @transform_7, window_bounds = array<i64: 1024, 64>}, {pipeline_mode = #tpu.pipeline_mode<synchronous>, transform_indices = @transform_8, window_bounds = array<i64: 1, 64>}, {pipeline_mode = #tpu.pipeline_mode<synchronous>, transform_indices = @transform_9, window_bounds = array<i64: 1, 67>}, {pipeline_mode = #tpu.pipeline_mode<synchronous>, transform_indices = @transform_10, window_bounds = array<i64: 1, 1>}, {pipeline_mode = #tpu.pipeline_mode<synchronous>, transform_indices = @transform_11, window_bounds = array<i64: 1, 1>}, {pipeline_mode = #tpu.pipeline_mode<synchronous>, transform_indices = @transform_12, window_bounds = array<i64: 64, 512>}, {pipeline_mode = #tpu.pipeline_mode<synchronous>, transform_indices = @transform_13, window_bounds = array<i64: 64, 512>}]} {
    %eq3A = arith.constant 0 : i32
    %eq3A_0 = arith.cmpi eq, %arg0, %eq3A : i32
    %convert_element_type3A = arith.extui %eq3A_0 : i1 to i32
    %cond3A = arith.constant 0 : i32
    %cond3A_1 = arith.cmpi ne, %convert_element_type3A, %cond3A : i32
    scf.if %cond3A_1 {
      %broadcast_in_dim3A = arith.constant 0.000000e+00 : f32
      %broadcast_in_dim3A_11 = vector.broadcast %broadcast_in_dim3A : f32 to vector<64x512xf32>
      %swap3A = arith.constant 0 : index
      %swap3A_12 = arith.constant 0 : index
      %swap3A_13 = vector.load %arg15[%swap3A, %swap3A_12] : memref<64x512xf32, #tpu.memory_space<vmem>>, vector<64x512xf32>
      tpu.vector_store %arg15[%swap3A, %swap3A_12], %broadcast_in_dim3A_11 {strides = array<i32>} : memref<64x512xf32, #tpu.memory_space<vmem>>, vector<64x512xf32>,
      %broadcast_in_dim3A_14 = arith.constant 0.000000e+00 : f32
      %broadcast_in_dim3A_15 = vector.broadcast %broadcast_in_dim3A_14 : f32 to vector<64x512xf32>
      %swap3A_16 = arith.constant 0 : index
      %swap3A_17 = arith.constant 0 : index
      %swap3A_18 = vector.load %arg16[%swap3A_16, %swap3A_17] : memref<64x512xf32, #tpu.memory_space<vmem>>, vector<64x512xf32>
      tpu.vector_store %arg16[%swap3A_16, %swap3A_17], %broadcast_in_dim3A_15 {strides = array<i32>} : memref<64x512xf32, #tpu.memory_space<vmem>>, vector<64x512xf32>,
    } else {
    }
    %lt3A = arith.constant 10 : i32
    %lt3A_2 = arith.cmpi slt, %arg0, %lt3A : i32
    %convert_element_type3A_3 = arith.extui %lt3A_2 : i1 to i32
    %cond3A_4 = arith.constant 0 : i32
    %cond3A_5 = arith.cmpi ne, %convert_element_type3A_3, %cond3A_4 : i32
    scf.if %cond3A_5 {
      %iota3A = tpu.iota {dimensions = array<i32: 0>} : vector<1000x64xi32>
      %mul3A = arith.constant 1000 : i32
      %mul3A_11 = arith.muli %arg0, %mul3A : i32
      %add3A = vector.broadcast %mul3A_11 : i32 to vector<1000x64xi32>
      %add3A_12 = arith.addi %iota3A, %add3A : vector<1000x64xi32>
      %get3A = arith.constant 0 : index
      %get3A_13 = arith.constant 0 : index
      %get3A_14 = vector.load %arg5[%get3A, %get3A_13] : memref<1x64xi32, #tpu.memory_space<vmem>>, vector<1x64xi32>
      %eq3A_15 = vector.broadcast %get3A_14 : vector<1x64xi32> to vector<1000x64xi32>
      %eq3A_16 = arith.cmpi eq, %add3A_12, %eq3A_15 : vector<1000x64xi32>
      %convert_element_type3A_17 = arith.extui %eq3A_16 : vector<1000x64xi1> to vector<1000x64xi32>
      %convert_element_type3A_18 = arith.sitofp %convert_element_type3A_17 : vector<1000x64xi32> to vector<1000x64xf32>
      %get3A_19 = arith.constant 0 : index
      %get3A_20 = arith.constant 0 : index
      %get3A_21 = vector.load %arg6[%get3A_19, %get3A_20] : memref<1x64xi32, #tpu.memory_space<vmem>>, vector<1x64xi32>
      %eq3A_22 = vector.broadcast %get3A_21 : vector<1x64xi32> to vector<1000x64xi32>
      %eq3A_23 = arith.cmpi eq, %add3A_12, %eq3A_22 : vector<1000x64xi32>
      %convert_element_type3A_24 = arith.extui %eq3A_23 : vector<1000x64xi1> to vector<1000x64xi32>
      %convert_element_type3A_25 = arith.sitofp %convert_element_type3A_24 : vector<1000x64xi32> to vector<1000x64xf32>
      %get3A_26 = arith.constant 0 : index
      %get3A_27 = arith.constant 0 : index
      %get3A_28 = vector.load %arg1[%get3A_26, %get3A_27] : memref<1000x128xf32, #tpu.memory_space<vmem>>, vector<1000x128xf32>
      %get3A_29 = arith.constant 0 : index
      %get3A_30 = arith.constant 0 : index
      %get3A_31 = vector.load %arg15[%get3A_29, %get3A_30] : memref<64x512xf32, #tpu.memory_space<vmem>>, vector<64x128xf32>
      %dot_general3A = arith.constant dense<0.000000e+00> : vector<64x128xf32>
      %dot_general3A_32 = tpu.matmul %convert_element_type3A_18, %get3A_28, %dot_general3A {dimension_numbers = #tpu.dot_dimension_numbers<[0], [0], [1], [1], [0, 1, 1, 1], [], []>, transpose_lhs_hint = false} : vector<1000x64xf32>, vector<1000x128xf32>, vector<64x128xf32> -> vector<64x128xf32>
      %add3A_33 = arith.addf %get3A_31, %dot_general3A_32 : vector<64x128xf32>
      %swap3A = arith.constant 0 : index
      %swap3A_34 = arith.constant 0 : index
      %swap3A_35 = vector.load %arg15[%swap3A, %swap3A_34] : memref<64x512xf32, #tpu.memory_space<vmem>>, vector<64x128xf32>
      tpu.vector_store %arg15[%swap3A, %swap3A_34], %add3A_33 {strides = array<i32>} : memref<64x512xf32, #tpu.memory_space<vmem>>, vector<64x128xf32>,
      %get3A_36 = arith.constant 0 : index
      %get3A_37 = arith.constant 0 : index
      %get3A_38 = vector.load %arg16[%get3A_36, %get3A_37] : memref<64x512xf32, #tpu.memory_space<vmem>>, vector<64x128xf32>
      %dot_general3A_39 = arith.constant dense<0.000000e+00> : vector<64x128xf32>
      %dot_general3A_40 = tpu.matmul %convert_element_type3A_25, %get3A_28, %dot_general3A_39 {dimension_numbers = #tpu.dot_dimension_numbers<[0], [0], [1], [1], [0, 1, 1, 1], [], []>, transpose_lhs_hint = false} : vector<1000x64xf32>, vector<1000x128xf32>, vector<64x128xf32> -> vector<64x128xf32>
      %add3A_41 = arith.addf %get3A_38, %dot_general3A_40 : vector<64x128xf32>
      %swap3A_42 = arith.constant 0 : index
      %swap3A_43 = arith.constant 0 : index
      %swap3A_44 = vector.load %arg16[%swap3A_42, %swap3A_43] : memref<64x512xf32, #tpu.memory_space<vmem>>, vector<64x128xf32>
      tpu.vector_store %arg16[%swap3A_42, %swap3A_43], %add3A_41 {strides = array<i32>} : memref<64x512xf32, #tpu.memory_space<vmem>>, vector<64x128xf32>,
      %get3A_45 = arith.constant 0 : index
      %get3A_46 = arith.constant 0 : index
      %get3A_47 = vector.load %arg2[%get3A_45, %get3A_46] : memref<1000x128xf32, #tpu.memory_space<vmem>>, vector<1000x128xf32>
      %get3A_48 = arith.constant 0 : index
      %get3A_49 = arith.constant 128 : index
      %get3A_50 = vector.load %arg15[%get3A_48, %get3A_49] : memref<64x512xf32, #tpu.memory_space<vmem>>, vector<64x128xf32>
      %dot_general3A_51 = arith.constant dense<0.000000e+00> : vector<64x128xf32>
      %dot_general3A_52 = tpu.matmul %convert_element_type3A_18, %get3A_47, %dot_general3A_51 {dimension_numbers = #tpu.dot_dimension_numbers<[0], [0], [1], [1], [0, 1, 1, 1], [], []>, transpose_lhs_hint = false} : vector<1000x64xf32>, vector<1000x128xf32>, vector<64x128xf32> -> vector<64x128xf32>
      %add3A_53 = arith.addf %get3A_50, %dot_general3A_52 : vector<64x128xf32>
      %swap3A_54 = arith.constant 0 : index
      %swap3A_55 = arith.constant 128 : index
      %swap3A_56 = vector.load %arg15[%swap3A_54, %swap3A_55] : memref<64x512xf32, #tpu.memory_space<vmem>>, vector<64x128xf32>
      tpu.vector_store %arg15[%swap3A_54, %swap3A_55], %add3A_53 {strides = array<i32>} : memref<64x512xf32, #tpu.memory_space<vmem>>, vector<64x128xf32>,
      %get3A_57 = arith.constant 0 : index
      %get3A_58 = arith.constant 128 : index
      %get3A_59 = vector.load %arg16[%get3A_57, %get3A_58] : memref<64x512xf32, #tpu.memory_space<vmem>>, vector<64x128xf32>
      %dot_general3A_60 = arith.constant dense<0.000000e+00> : vector<64x128xf32>
      %dot_general3A_61 = tpu.matmul %convert_element_type3A_25, %get3A_47, %dot_general3A_60 {dimension_numbers = #tpu.dot_dimension_numbers<[0], [0], [1], [1], [0, 1, 1, 1], [], []>, transpose_lhs_hint = false} : vector<1000x64xf32>, vector<1000x128xf32>, vector<64x128xf32> -> vector<64x128xf32>
      %add3A_62 = arith.addf %get3A_59, %dot_general3A_61 : vector<64x128xf32>
      %swap3A_63 = arith.constant 0 : index
      %swap3A_64 = arith.constant 128 : index
      %swap3A_65 = vector.load %arg16[%swap3A_63, %swap3A_64] : memref<64x512xf32, #tpu.memory_space<vmem>>, vector<64x128xf32>
      tpu.vector_store %arg16[%swap3A_63, %swap3A_64], %add3A_62 {strides = array<i32>} : memref<64x512xf32, #tpu.memory_space<vmem>>, vector<64x128xf32>,
      %get3A_66 = arith.constant 0 : index
      %get3A_67 = arith.constant 0 : index
      %get3A_68 = vector.load %arg3[%get3A_66, %get3A_67] : memref<1000x128xf32, #tpu.memory_space<vmem>>, vector<1000x128xf32>
      %get3A_69 = arith.constant 0 : index
      %get3A_70 = arith.constant 256 : index
      %get3A_71 = vector.load %arg15[%get3A_69, %get3A_70] : memref<64x512xf32, #tpu.memory_space<vmem>>, vector<64x128xf32>
      %dot_general3A_72 = arith.constant dense<0.000000e+00> : vector<64x128xf32>
      %dot_general3A_73 = tpu.matmul %convert_element_type3A_18, %get3A_68, %dot_general3A_72 {dimension_numbers = #tpu.dot_dimension_numbers<[0], [0], [1], [1], [0, 1, 1, 1], [], []>, transpose_lhs_hint = false} : vector<1000x64xf32>, vector<1000x128xf32>, vector<64x128xf32> -> vector<64x128xf32>
      %add3A_74 = arith.addf %get3A_71, %dot_general3A_73 : vector<64x128xf32>
      %swap3A_75 = arith.constant 0 : index
      %swap3A_76 = arith.constant 256 : index
      %swap3A_77 = vector.load %arg15[%swap3A_75, %swap3A_76] : memref<64x512xf32, #tpu.memory_space<vmem>>, vector<64x128xf32>
      tpu.vector_store %arg15[%swap3A_75, %swap3A_76], %add3A_74 {strides = array<i32>} : memref<64x512xf32, #tpu.memory_space<vmem>>, vector<64x128xf32>,
      %get3A_78 = arith.constant 0 : index
      %get3A_79 = arith.constant 256 : index
      %get3A_80 = vector.load %arg16[%get3A_78, %get3A_79] : memref<64x512xf32, #tpu.memory_space<vmem>>, vector<64x128xf32>
      %dot_general3A_81 = arith.constant dense<0.000000e+00> : vector<64x128xf32>
      %dot_general3A_82 = tpu.matmul %convert_element_type3A_25, %get3A_68, %dot_general3A_81 {dimension_numbers = #tpu.dot_dimension_numbers<[0], [0], [1], [1], [0, 1, 1, 1], [], []>, transpose_lhs_hint = false} : vector<1000x64xf32>, vector<1000x128xf32>, vector<64x128xf32> -> vector<64x128xf32>
      %add3A_83 = arith.addf %get3A_80, %dot_general3A_82 : vector<64x128xf32>
      %swap3A_84 = arith.constant 0 : index
      %swap3A_85 = arith.constant 256 : index
      %swap3A_86 = vector.load %arg16[%swap3A_84, %swap3A_85] : memref<64x512xf32, #tpu.memory_space<vmem>>, vector<64x128xf32>
      tpu.vector_store %arg16[%swap3A_84, %swap3A_85], %add3A_83 {strides = array<i32>} : memref<64x512xf32, #tpu.memory_space<vmem>>, vector<64x128xf32>,
      %get3A_87 = arith.constant 0 : index
      %get3A_88 = arith.constant 0 : index
      %get3A_89 = vector.load %arg4[%get3A_87, %get3A_88] : memref<1000x128xf32, #tpu.memory_space<vmem>>, vector<1000x128xf32>
      %get3A_90 = arith.constant 0 : index
      %get3A_91 = arith.constant 384 : index
      %get3A_92 = vector.load %arg15[%get3A_90, %get3A_91] : memref<64x512xf32, #tpu.memory_space<vmem>>, vector<64x128xf32>
      %dot_general3A_93 = arith.constant dense<0.000000e+00> : vector<64x128xf32>
      %dot_general3A_94 = tpu.matmul %convert_element_type3A_18, %get3A_89, %dot_general3A_93 {dimension_numbers = #tpu.dot_dimension_numbers<[0], [0], [1], [1], [0, 1, 1, 1], [], []>, transpose_lhs_hint = false} : vector<1000x64xf32>, vector<1000x128xf32>, vector<64x128xf32> -> vector<64x128xf32>
      %add3A_95 = arith.addf %get3A_92, %dot_general3A_94 : vector<64x128xf32>
      %swap3A_96 = arith.constant 0 : index
      %swap3A_97 = arith.constant 384 : index
      %swap3A_98 = vector.load %arg15[%swap3A_96, %swap3A_97] : memref<64x512xf32, #tpu.memory_space<vmem>>, vector<64x128xf32>
      tpu.vector_store %arg15[%swap3A_96, %swap3A_97], %add3A_95 {strides = array<i32>} : memref<64x512xf32, #tpu.memory_space<vmem>>, vector<64x128xf32>,
      %get3A_99 = arith.constant 0 : index
      %get3A_100 = arith.constant 384 : index
      %get3A_101 = vector.load %arg16[%get3A_99, %get3A_100] : memref<64x512xf32, #tpu.memory_space<vmem>>, vector<64x128xf32>
      %dot_general3A_102 = arith.constant dense<0.000000e+00> : vector<64x128xf32>
      %dot_general3A_103 = tpu.matmul %convert_element_type3A_25, %get3A_89, %dot_general3A_102 {dimension_numbers = #tpu.dot_dimension_numbers<[0], [0], [1], [1], [0, 1, 1, 1], [], []>, transpose_lhs_hint = false} : vector<1000x64xf32>, vector<1000x128xf32>, vector<64x128xf32> -> vector<64x128xf32>
      %add3A_104 = arith.addf %get3A_101, %dot_general3A_103 : vector<64x128xf32>
      %swap3A_105 = arith.constant 0 : index
      %swap3A_106 = arith.constant 384 : index
      %swap3A_107 = vector.load %arg16[%swap3A_105, %swap3A_106] : memref<64x512xf32, #tpu.memory_space<vmem>>, vector<64x128xf32>
      tpu.vector_store %arg16[%swap3A_105, %swap3A_106], %add3A_104 {strides = array<i32>} : memref<64x512xf32, #tpu.memory_space<vmem>>, vector<64x128xf32>,
    } else {
    }
    %eq3A_6 = arith.constant 10 : i32
    %eq3A_7 = arith.cmpi eq, %arg0, %eq3A_6 : i32
    %convert_element_type3A_8 = arith.extui %eq3A_7 : i1 to i32
    %cond3A_9 = arith.constant 0 : i32
    %cond3A_10 = arith.cmpi ne, %convert_element_type3A_8, %cond3A_9 : i32
    scf.if %cond3A_10 {
      %get3A = arith.constant 0 : index
      %get3A_11 = arith.constant 0 : index
      %get3A_12 = vector.load %arg15[%get3A, %get3A_11] : memref<64x512xf32, #tpu.memory_space<vmem>>, vector<64x512xf32>
      %get3A_13 = arith.constant 0 : index
      %get3A_14 = arith.constant 0 : index
      %get3A_15 = vector.load %arg16[%get3A_13, %get3A_14] : memref<64x512xf32, #tpu.memory_space<vmem>>, vector<64x512xf32>
      %get3A_16 = arith.constant 0 : index
      %get3A_17 = arith.constant 0 : index
      %get3A_18 = vector.load %arg7[%get3A_16, %get3A_17] : memref<1x512xf32, #tpu.memory_space<vmem>>, vector<1x512xf32>
      %reduce_sum3A = arith.constant dense<0.000000e+00> : vector<512xf32>
      %reduce_sum3A_19 = vector.multi_reduction <add>, %get3A_12, %reduce_sum3A [0] : vector<64x512xf32> to vector<512xf32>
      %broadcast_in_dim3A = vector.shape_cast %reduce_sum3A_19 : vector<512xf32> to vector<1x512xf32>
      %div3A = arith.constant 6.400000e+01 : f32
      %div3A_20 = vector.broadcast %div3A : f32 to vector<1x512xf32>
      %div3A_21 = arith.divf %broadcast_in_dim3A, %div3A_20 : vector<1x512xf32>
      %reduce_sum3A_22 = arith.constant dense<0.000000e+00> : vector<512xf32>
      %reduce_sum3A_23 = vector.multi_reduction <add>, %get3A_15, %reduce_sum3A_22 [0] : vector<64x512xf32> to vector<512xf32>
      %broadcast_in_dim3A_24 = vector.shape_cast %reduce_sum3A_23 : vector<512xf32> to vector<1x512xf32>
      %div3A_25 = arith.constant 6.400000e+01 : f32
      %div3A_26 = vector.broadcast %div3A_25 : f32 to vector<1x512xf32>
      %div3A_27 = arith.divf %broadcast_in_dim3A_24, %div3A_26 : vector<1x512xf32>
      %mul3A = vector.broadcast %get3A_18 : vector<1x512xf32> to vector<64x512xf32>
      %mul3A_28 = arith.mulf %get3A_12, %mul3A : vector<64x512xf32>
      %dot_general3A = arith.constant dense<0.000000e+00> : vector<64x64xf32>
      %dot_general3A_29 = tpu.matmul %mul3A_28, %get3A_15, %dot_general3A {dimension_numbers = #tpu.dot_dimension_numbers<[1], [1], [0], [0], [0, 0, 1, 0], [], []>, transpose_lhs_hint = false} : vector<64x512xf32>, vector<64x512xf32>, vector<64x64xf32> -> vector<64x64xf32>
      %reduce_min3A = arith.constant dense<0x7F800000> : vector<64xf32>
      %reduce_min3A_30 = vector.multi_reduction <minimumf>, %dot_general3A_29, %reduce_min3A [1] : vector<64x64xf32> to vector<64xf32>
      %broadcast_in_dim3A_31 = vector.shape_cast %reduce_min3A_30 : vector<64xf32> to vector<64x1xf32>
      %reduce_min3A_32 = arith.constant dense<0x7F800000> : vector<1xf32>
      %reduce_min3A_33 = vector.multi_reduction <minimumf>, %broadcast_in_dim3A_31, %reduce_min3A_32 [0] : vector<64x1xf32> to vector<1xf32>
      %broadcast_in_dim3A_34 = vector.shape_cast %reduce_min3A_33 : vector<1xf32> to vector<1x1xf32>
      %reduce_max3A = arith.constant dense<0xFF800000> : vector<64xf32>
      %reduce_max3A_35 = vector.multi_reduction <maximumf>, %dot_general3A_29, %reduce_max3A [1] : vector<64x64xf32> to vector<64xf32>
      %broadcast_in_dim3A_36 = vector.shape_cast %reduce_max3A_35 : vector<64xf32> to vector<64x1xf32>
      %reduce_max3A_37 = arith.constant dense<0xFF800000> : vector<1xf32>
      %reduce_max3A_38 = vector.multi_reduction <maximumf>, %broadcast_in_dim3A_36, %reduce_max3A_37 [0] : vector<64x1xf32> to vector<1xf32>
      %broadcast_in_dim3A_39 = vector.shape_cast %reduce_max3A_38 : vector<1xf32> to vector<1x1xf32>
      %reduce_sum3A_40 = arith.constant dense<0.000000e+00> : vector<64xf32>
      %reduce_sum3A_41 = vector.multi_reduction <add>, %dot_general3A_29, %reduce_sum3A_40 [1] : vector<64x64xf32> to vector<64xf32>
      %broadcast_in_dim3A_42 = vector.shape_cast %reduce_sum3A_41 : vector<64xf32> to vector<64x1xf32>
      %div3A_43 = arith.constant 6.400000e+01 : f32
      %div3A_44 = vector.broadcast %div3A_43 : f32 to vector<64x1xf32>
      %div3A_45 = arith.divf %broadcast_in_dim3A_42, %div3A_44 : vector<64x1xf32>
      %reduce_sum3A_46 = arith.constant dense<0.000000e+00> : vector<1xf32>
      %reduce_sum3A_47 = vector.multi_reduction <add>, %div3A_45, %reduce_sum3A_46 [0] : vector<64x1xf32> to vector<1xf32>
      %broadcast_in_dim3A_48 = vector.shape_cast %reduce_sum3A_47 : vector<1xf32> to vector<1x1xf32>
      %div3A_49 = arith.constant 6.400000e+01 : f32
      %div3A_50 = vector.broadcast %div3A_49 : f32 to vector<1x1xf32>
      %div3A_51 = arith.divf %broadcast_in_dim3A_48, %div3A_50 : vector<1x1xf32>
      %concatenate3A = tpu.concatenate %div3A_21, %div3A_27 in 1 : vector<1x512xf32>, vector<1x512xf32> -> vector<1x1024xf32>
      %get3A_52 = arith.constant 0 : index
      %get3A_53 = arith.constant 0 : index
      %get3A_54 = vector.load %arg8[%get3A_52, %get3A_53] : memref<1024x64xf32, #tpu.memory_space<vmem>>, vector<1024x64xf32>
      %dot_general3A_55 = arith.constant dense<0.000000e+00> : vector<1x64xf32>
      %dot_general3A_56 = tpu.matmul %concatenate3A, %get3A_54, %dot_general3A_55 {dimension_numbers = #tpu.dot_dimension_numbers<[1], [0], [0], [1], [0, 0, 1, 1], [], []>, transpose_lhs_hint = false} : vector<1x1024xf32>, vector<1024x64xf32>, vector<1x64xf32> -> vector<1x64xf32>
      %get3A_57 = arith.constant 0 : index
      %get3A_58 = arith.constant 0 : index
      %get3A_59 = vector.load %arg9[%get3A_57, %get3A_58] : memref<1x64xf32, #tpu.memory_space<vmem>>, vector<1x64xf32>
      %add3A = arith.addf %dot_general3A_56, %get3A_59 : vector<1x64xf32>
      %get3A_60 = arith.constant 0 : index
      %get3A_61 = arith.constant 0 : index
      %get3A_62 = vector.load %arg10[%get3A_60, %get3A_61] : memref<1x67xf32, #tpu.memory_space<vmem>>, vector<1x64xf32>
      %get3A_63 = arith.constant 0 : index
      %get3A_64 = arith.constant 64 : index
      %get3A_65 = vector.load %arg10[%get3A_63, %get3A_64] : memref<1x67xf32, #tpu.memory_space<vmem>>, vector<1x1xf32>
      %get3A_66 = arith.constant 0 : index
      %get3A_67 = arith.constant 65 : index
      %get3A_68 = vector.load %arg10[%get3A_66, %get3A_67] : memref<1x67xf32, #tpu.memory_space<vmem>>, vector<1x1xf32>
      %get3A_69 = arith.constant 0 : index
      %get3A_70 = arith.constant 66 : index
      %get3A_71 = vector.load %arg10[%get3A_69, %get3A_70] : memref<1x67xf32, #tpu.memory_space<vmem>>, vector<1x1xf32>
      %mul3A_72 = arith.mulf %add3A, %get3A_62 : vector<1x64xf32>
      %reduce_sum3A_73 = arith.constant dense<0.000000e+00> : vector<1xf32>
      %reduce_sum3A_74 = vector.multi_reduction <add>, %mul3A_72, %reduce_sum3A_73 [1] : vector<1x64xf32> to vector<1xf32>
      %broadcast_in_dim3A_75 = vector.shape_cast %reduce_sum3A_74 : vector<1xf32> to vector<1x1xf32>
      %mul3A_76 = arith.mulf %broadcast_in_dim3A_34, %get3A_65 : vector<1x1xf32>
      %add3A_77 = arith.addf %broadcast_in_dim3A_75, %mul3A_76 : vector<1x1xf32>
      %mul3A_78 = arith.mulf %div3A_51, %get3A_68 : vector<1x1xf32>
      %add3A_79 = arith.addf %add3A_77, %mul3A_78 : vector<1x1xf32>
      %mul3A_80 = arith.mulf %broadcast_in_dim3A_39, %get3A_71 : vector<1x1xf32>
      %add3A_81 = arith.addf %add3A_79, %mul3A_80 : vector<1x1xf32>
      %get3A_82 = arith.constant 0 : index
      %get3A_83 = arith.constant 0 : index
      %get3A_84 = vector.load %arg11[%get3A_82, %get3A_83] : memref<1x1xf32, #tpu.memory_space<vmem>>, vector<1x1xf32>
      %add3A_85 = arith.addf %add3A_81, %get3A_84 : vector<1x1xf32>
      %swap3A = arith.constant 0 : index
      %swap3A_86 = arith.constant 0 : index
      %swap3A_87 = vector.load %arg12[%swap3A, %swap3A_86] : memref<1x1xf32, #tpu.memory_space<vmem>>, vector<1x1xf32>
      tpu.vector_store %arg12[%swap3A, %swap3A_86], %add3A_85 {strides = array<i32>} : memref<1x1xf32, #tpu.memory_space<vmem>>, vector<1x1xf32>,
      %get3A_88 = arith.constant 0 : index
      %get3A_89 = arith.constant 0 : index
      %get3A_90 = vector.load %arg8[%get3A_88, %get3A_89] : memref<1024x64xf32, #tpu.memory_space<vmem>>, vector<1024x64xf32>
      %dot_general3A_91 = arith.constant dense<0.000000e+00> : vector<1x1024xf32>
      %dot_general3A_92 = tpu.matmul %get3A_62, %get3A_90, %dot_general3A_91 {dimension_numbers = #tpu.dot_dimension_numbers<[1], [1], [0], [0], [0, 0, 1, 0], [], []>, transpose_lhs_hint = false} : vector<1x64xf32>, vector<1024x64xf32>, vector<1x1024xf32> -> vector<1x1024xf32>
      %slice3A = vector.extract_strided_slice %dot_general3A_92 {offsets = [0, 0], sizes = [1, 512], strides = [1, 1]} : vector<1x1024xf32> to vector<1x512xf32>
      %slice3A_93 = vector.extract_strided_slice %dot_general3A_92 {offsets = [0, 512], sizes = [1, 512], strides = [1, 1]} : vector<1x1024xf32> to vector<1x512xf32>
      %eq3A_94 = vector.broadcast %broadcast_in_dim3A_34 : vector<1x1xf32> to vector<64x64xf32>
      %eq3A_95 = arith.cmpf oeq, %dot_general3A_29, %eq3A_94 : vector<64x64xf32>
      %convert_element_type3A_96 = arith.extui %eq3A_95 : vector<64x64xi1> to vector<64x64xi32>
      %convert_element_type3A_97 = arith.sitofp %convert_element_type3A_96 : vector<64x64xi32> to vector<64x64xf32>
      %eq3A_98 = vector.broadcast %broadcast_in_dim3A_39 : vector<1x1xf32> to vector<64x64xf32>
      %eq3A_99 = arith.cmpf oeq, %dot_general3A_29, %eq3A_98 : vector<64x64xf32>
      %convert_element_type3A_100 = arith.extui %eq3A_99 : vector<64x64xi1> to vector<64x64xi32>
      %convert_element_type3A_101 = arith.sitofp %convert_element_type3A_100 : vector<64x64xi32> to vector<64x64xf32>
      %reduce_sum3A_102 = arith.constant dense<0.000000e+00> : vector<64xf32>
      %reduce_sum3A_103 = vector.multi_reduction <add>, %convert_element_type3A_97, %reduce_sum3A_102 [1] : vector<64x64xf32> to vector<64xf32>
      %broadcast_in_dim3A_104 = vector.shape_cast %reduce_sum3A_103 : vector<64xf32> to vector<64x1xf32>
      %reduce_sum3A_105 = arith.constant dense<0.000000e+00> : vector<1xf32>
      %reduce_sum3A_106 = vector.multi_reduction <add>, %broadcast_in_dim3A_104, %reduce_sum3A_105 [0] : vector<64x1xf32> to vector<1xf32>
      %broadcast_in_dim3A_107 = vector.shape_cast %reduce_sum3A_106 : vector<1xf32> to vector<1x1xf32>
      %reduce_sum3A_108 = arith.constant dense<0.000000e+00> : vector<64xf32>
      %reduce_sum3A_109 = vector.multi_reduction <add>, %convert_element_type3A_101, %reduce_sum3A_108 [1] : vector<64x64xf32> to vector<64xf32>
      %broadcast_in_dim3A_110 = vector.shape_cast %reduce_sum3A_109 : vector<64xf32> to vector<64x1xf32>
      %reduce_sum3A_111 = arith.constant dense<0.000000e+00> : vector<1xf32>
      %reduce_sum3A_112 = vector.multi_reduction <add>, %broadcast_in_dim3A_110, %reduce_sum3A_111 [0] : vector<64x1xf32> to vector<1xf32>
      %broadcast_in_dim3A_113 = vector.shape_cast %reduce_sum3A_112 : vector<1xf32> to vector<1x1xf32>
      %div3A_114 = arith.constant 4.096000e+03 : f32
      %div3A_115 = vector.broadcast %div3A_114 : f32 to vector<1x1xf32>
      %div3A_116 = arith.divf %get3A_68, %div3A_115 : vector<1x1xf32>
      %mul3A_117 = vector.broadcast %get3A_65 : vector<1x1xf32> to vector<64x64xf32>
      %mul3A_118 = arith.mulf %mul3A_117, %convert_element_type3A_97 : vector<64x64xf32>
      %div3A_119 = vector.broadcast %broadcast_in_dim3A_107 : vector<1x1xf32> to vector<64x64xf32>
      %div3A_120 = arith.divf %mul3A_118, %div3A_119 : vector<64x64xf32>
      %add3A_121 = vector.broadcast %div3A_116 : vector<1x1xf32> to vector<64x64xf32>
      %add3A_122 = arith.addf %add3A_121, %div3A_120 : vector<64x64xf32>
      %mul3A_123 = vector.broadcast %get3A_71 : vector<1x1xf32> to vector<64x64xf32>
      %mul3A_124 = arith.mulf %mul3A_123, %convert_element_type3A_101 : vector<64x64xf32>
      %div3A_125 = vector.broadcast %broadcast_in_dim3A_113 : vector<1x1xf32> to vector<64x64xf32>
      %div3A_126 = arith.divf %mul3A_124, %div3A_125 : vector<64x64xf32>
      %add3A_127 = arith.addf %add3A_122, %div3A_126 : vector<64x64xf32>
      %dot_general3A_128 = arith.constant dense<0.000000e+00> : vector<64x512xf32>
      %dot_general3A_129 = tpu.matmul %add3A_127, %get3A_15, %dot_general3A_128 {dimension_numbers = #tpu.dot_dimension_numbers<[1], [0], [0], [1], [0, 0, 1, 1], [], []>, transpose_lhs_hint = false} : vector<64x64xf32>, vector<64x512xf32>, vector<64x512xf32> -> vector<64x512xf32>
      %mul3A_130 = vector.broadcast %get3A_18 : vector<1x512xf32> to vector<64x512xf32>
      %mul3A_131 = arith.mulf %dot_general3A_129, %mul3A_130 : vector<64x512xf32>
      %div3A_132 = arith.constant 6.400000e+01 : f32
      %div3A_133 = vector.broadcast %div3A_132 : f32 to vector<1x512xf32>
      %div3A_134 = arith.divf %slice3A, %div3A_133 : vector<1x512xf32>
      %add3A_135 = vector.broadcast %div3A_134 : vector<1x512xf32> to vector<64x512xf32>
      %add3A_136 = arith.addf %mul3A_131, %add3A_135 : vector<64x512xf32>
      %swap3A_137 = arith.constant 0 : index
      %swap3A_138 = arith.constant 0 : index
      %swap3A_139 = vector.load %arg13[%swap3A_137, %swap3A_138] : memref<64x512xf32, #tpu.memory_space<vmem>>, vector<64x512xf32>
      tpu.vector_store %arg13[%swap3A_137, %swap3A_138], %add3A_136 {strides = array<i32>} : memref<64x512xf32, #tpu.memory_space<vmem>>, vector<64x512xf32>,
      %dot_general3A_140 = arith.constant dense<0.000000e+00> : vector<64x512xf32>
      %dot_general3A_141 = tpu.matmul %add3A_127, %get3A_12, %dot_general3A_140 {dimension_numbers = #tpu.dot_dimension_numbers<[0], [0], [1], [1], [0, 1, 1, 1], [], []>, transpose_lhs_hint = false} : vector<64x64xf32>, vector<64x512xf32>, vector<64x512xf32> -> vector<64x512xf32>
      %mul3A_142 = vector.broadcast %get3A_18 : vector<1x512xf32> to vector<64x512xf32>
      %mul3A_143 = arith.mulf %dot_general3A_141, %mul3A_142 : vector<64x512xf32>
      %div3A_144 = arith.constant 6.400000e+01 : f32
      %div3A_145 = vector.broadcast %div3A_144 : f32 to vector<1x512xf32>
      %div3A_146 = arith.divf %slice3A_93, %div3A_145 : vector<1x512xf32>
      %add3A_147 = vector.broadcast %div3A_146 : vector<1x512xf32> to vector<64x512xf32>
      %add3A_148 = arith.addf %mul3A_143, %add3A_147 : vector<64x512xf32>
      %swap3A_149 = arith.constant 0 : index
      %swap3A_150 = arith.constant 0 : index
      %swap3A_151 = vector.load %arg14[%swap3A_149, %swap3A_150] : memref<64x512xf32, #tpu.memory_space<vmem>>, vector<64x512xf32>
      tpu.vector_store %arg14[%swap3A_149, %swap3A_150], %add3A_148 {strides = array<i32>} : memref<64x512xf32, #tpu.memory_space<vmem>>, vector<64x512xf32>,
    } else {
    }
    return
  }
  func.func @transform_0(%arg0: i32) -> (i32, i32) {
    %min3A = arith.constant 9 : i32
    %min3A_0 = arith.minsi %arg0, %min3A : i32
    %c0_i32 = arith.constant 0 : i32
    %c0_i32_1 = arith.constant 0 : i32
    return %min3A_0, %c0_i32 : i32, i32
  }
  func.func @transform_1(%arg0: i32) -> (i32, i32) {
    %min3A = arith.constant 9 : i32
    %min3A_0 = arith.minsi %arg0, %min3A : i32
    %c0_i32 = arith.constant 0 : i32
    %c0_i32_1 = arith.constant 0 : i32
    return %min3A_0, %c0_i32 : i32, i32
  }
  func.func @transform_2(%arg0: i32) -> (i32, i32) {
    %min3A = arith.constant 9 : i32
    %min3A_0 = arith.minsi %arg0, %min3A : i32
    %c0_i32 = arith.constant 0 : i32
    %c0_i32_1 = arith.constant 0 : i32
    return %min3A_0, %c0_i32 : i32, i32
  }
  func.func @transform_3(%arg0: i32) -> (i32, i32) {
    %min3A = arith.constant 9 : i32
    %min3A_0 = arith.minsi %arg0, %min3A : i32
    %c0_i32 = arith.constant 0 : i32
    %c0_i32_1 = arith.constant 0 : i32
    return %min3A_0, %c0_i32 : i32, i32
  }
  func.func @transform_4(%arg0: i32) -> (i32, i32) {
    %c0_i32 = arith.constant 0 : i32
    %c0_i32_0 = arith.constant 0 : i32
    %c0_i32_1 = arith.constant 0 : i32
    return %c0_i32, %c0_i32_0 : i32, i32
  }
  func.func @transform_5(%arg0: i32) -> (i32, i32) {
    %c0_i32 = arith.constant 0 : i32
    %c0_i32_0 = arith.constant 0 : i32
    %c0_i32_1 = arith.constant 0 : i32
    return %c0_i32, %c0_i32_0 : i32, i32
  }
  func.func @transform_6(%arg0: i32) -> (i32, i32) {
    %c0_i32 = arith.constant 0 : i32
    %c0_i32_0 = arith.constant 0 : i32
    %c0_i32_1 = arith.constant 0 : i32
    return %c0_i32, %c0_i32_0 : i32, i32
  }
  func.func @transform_7(%arg0: i32) -> (i32, i32) {
    %c0_i32 = arith.constant 0 : i32
    %c0_i32_0 = arith.constant 0 : i32
    %c0_i32_1 = arith.constant 0 : i32
    return %c0_i32, %c0_i32_0 : i32, i32
  }
  func.func @transform_8(%arg0: i32) -> (i32, i32) {
    %c0_i32 = arith.constant 0 : i32
    %c0_i32_0 = arith.constant 0 : i32
    %c0_i32_1 = arith.constant 0 : i32
    return %c0_i32, %c0_i32_0 : i32, i32
  }
  func.func @transform_9(%arg0: i32) -> (i32, i32) {
    %c0_i32 = arith.constant 0 : i32
    %c0_i32_0 = arith.constant 0 : i32
    %c0_i32_1 = arith.constant 0 : i32
    return %c0_i32, %c0_i32_0 : i32, i32
  }
  func.func @transform_10(%arg0: i32) -> (i32, i32) {
    %c0_i32 = arith.constant 0 : i32
    %c0_i32_0 = arith.constant 0 : i32
    %c0_i32_1 = arith.constant 0 : i32
    return %c0_i32, %c0_i32_0 : i32, i32
  }
  func.func @transform_11(%arg0: i32) -> (i32, i32) {
    %c0_i32 = arith.constant 0 : i32
    %c0_i32_0 = arith.constant 0 : i32
    %c0_i32_1 = arith.constant 0 : i32
    return %c0_i32, %c0_i32_0 : i32, i32
  }
  func.func @transform_12(%arg0: i32) -> (i32, i32) {
    %c0_i32 = arith.constant 0 : i32
    %c0_i32_0 = arith.constant 0 : i32
    %c0_i32_1 = arith.constant 0 : i32
    return %c0_i32, %c0_i32_0 : i32, i32
  }
  func.func @transform_13(%arg0: i32) -> (i32, i32) {
    %c0_i32 = arith.constant 0 : i32
    %c0_i32_0 = arith.constant 0 : i32
    %c0_i32_1 = arith.constant 0 : i32
    return %c0_i32, %c0_i32_0 : i32, i32
  }
}

module attributes {stable_mosaic.version = 14 : i64} {
  func.func @_bwd3_body(%arg0: i32, %arg1: memref<1x64xi32, #tpu.memory_space<vmem>>, %arg2: memref<1x64xi32, #tpu.memory_space<vmem>>, %arg3: memref<64x128xf32, #tpu.memory_space<vmem>>, %arg4: memref<64x128xf32, #tpu.memory_space<vmem>>, %arg5: memref<1000x128xf32, #tpu.memory_space<vmem>>, %arg6: memref<128x128xf32, #tpu.memory_space<vmem>>, %arg7: memref<1000x128xf32, #tpu.memory_space<vmem>>) attributes {dimension_semantics = [#tpu.dimension_semantics<arbitrary>], iteration_bounds = array<i64: 10>, scalar_prefetch = 0 : i64, scratch_operands = 0 : i64, tpu.core_type = #tpu.core_type<tc>, window_params = [{pipeline_mode = #tpu.pipeline_mode<synchronous>, transform_indices = @transform_0, window_bounds = array<i64: 1, 64>}, {pipeline_mode = #tpu.pipeline_mode<synchronous>, transform_indices = @transform_1, window_bounds = array<i64: 1, 64>}, {pipeline_mode = #tpu.pipeline_mode<synchronous>, transform_indices = @transform_2, window_bounds = array<i64: 64, 128>}, {pipeline_mode = #tpu.pipeline_mode<synchronous>, transform_indices = @transform_3, window_bounds = array<i64: 64, 128>}, {transform_indices = @transform_4, window_bounds = array<i64: 1000, 128>}, {pipeline_mode = #tpu.pipeline_mode<synchronous>, transform_indices = @transform_5, window_bounds = array<i64: 128, 128>}, {transform_indices = @transform_6, window_bounds = array<i64: 1000, 128>}]} {
    %iota3A = tpu.iota {dimensions = array<i32: 0>} : vector<1000x64xi32>
    %mul3A = arith.constant 1000 : i32
    %mul3A_0 = arith.muli %arg0, %mul3A : i32
    %add3A = vector.broadcast %mul3A_0 : i32 to vector<1000x64xi32>
    %add3A_1 = arith.addi %iota3A, %add3A : vector<1000x64xi32>
    %get3A = arith.constant 0 : index
    %get3A_2 = arith.constant 0 : index
    %get3A_3 = vector.load %arg1[%get3A, %get3A_2] : memref<1x64xi32, #tpu.memory_space<vmem>>, vector<1x64xi32>
    %eq3A = vector.broadcast %get3A_3 : vector<1x64xi32> to vector<1000x64xi32>
    %eq3A_4 = arith.cmpi eq, %add3A_1, %eq3A : vector<1000x64xi32>
    %convert_element_type3A = arith.extui %eq3A_4 : vector<1000x64xi1> to vector<1000x64xi32>
    %convert_element_type3A_5 = arith.sitofp %convert_element_type3A : vector<1000x64xi32> to vector<1000x64xf32>
    %get3A_6 = arith.constant 0 : index
    %get3A_7 = arith.constant 0 : index
    %get3A_8 = vector.load %arg2[%get3A_6, %get3A_7] : memref<1x64xi32, #tpu.memory_space<vmem>>, vector<1x64xi32>
    %eq3A_9 = vector.broadcast %get3A_8 : vector<1x64xi32> to vector<1000x64xi32>
    %eq3A_10 = arith.cmpi eq, %add3A_1, %eq3A_9 : vector<1000x64xi32>
    %convert_element_type3A_11 = arith.extui %eq3A_10 : vector<1000x64xi1> to vector<1000x64xi32>
    %convert_element_type3A_12 = arith.sitofp %convert_element_type3A_11 : vector<1000x64xi32> to vector<1000x64xf32>
    %get3A_13 = arith.constant 0 : index
    %get3A_14 = arith.constant 0 : index
    %get3A_15 = vector.load %arg3[%get3A_13, %get3A_14] : memref<64x128xf32, #tpu.memory_space<vmem>>, vector<64x128xf32>
    %dot_general3A = arith.constant dense<0.000000e+00> : vector<1000x128xf32>
    %dot_general3A_16 = tpu.matmul %convert_element_type3A_5, %get3A_15, %dot_general3A {dimension_numbers = #tpu.dot_dimension_numbers<[1], [0], [0], [1], [0, 0, 1, 1], [], []>, transpose_lhs_hint = false} : vector<1000x64xf32>, vector<64x128xf32>, vector<1000x128xf32> -> vector<1000x128xf32>
    %get3A_17 = arith.constant 0 : index
    %get3A_18 = arith.constant 0 : index
    %get3A_19 = vector.load %arg4[%get3A_17, %get3A_18] : memref<64x128xf32, #tpu.memory_space<vmem>>, vector<64x128xf32>
    %dot_general3A_20 = arith.constant dense<0.000000e+00> : vector<1000x128xf32>
    %dot_general3A_21 = tpu.matmul %convert_element_type3A_12, %get3A_19, %dot_general3A_20 {dimension_numbers = #tpu.dot_dimension_numbers<[1], [0], [0], [1], [0, 0, 1, 1], [], []>, transpose_lhs_hint = false} : vector<1000x64xf32>, vector<64x128xf32>, vector<1000x128xf32> -> vector<1000x128xf32>
    %add3A_22 = arith.addf %dot_general3A_16, %dot_general3A_21 : vector<1000x128xf32>
    %get3A_23 = arith.constant 0 : index
    %get3A_24 = arith.constant 0 : index
    %get3A_25 = vector.load %arg5[%get3A_23, %get3A_24] : memref<1000x128xf32, #tpu.memory_space<vmem>>, vector<1000x128xf32>
    %gt3A = arith.constant 0.000000e+00 : f32
    %gt3A_26 = vector.broadcast %gt3A : f32 to vector<1000x128xf32>
    %gt3A_27 = arith.cmpf ogt, %get3A_25, %gt3A_26 : vector<1000x128xf32>
    %jit3A = arith.constant 0.000000e+00 : f32
    %broadcast_in_dim3A = vector.broadcast %jit3A : f32 to vector<1000x128xf32>
    %select_n3A = arith.select %gt3A_27, %add3A_22, %broadcast_in_dim3A : vector<1000x128xi1>, vector<1000x128xf32>
    %get3A_28 = arith.constant 0 : index
    %get3A_29 = arith.constant 0 : index
    %get3A_30 = vector.load %arg6[%get3A_28, %get3A_29] : memref<128x128xf32, #tpu.memory_space<vmem>>, vector<128x128xf32>
    %dot_general3A_31 = arith.constant dense<0.000000e+00> : vector<1000x128xf32>
    %dot_general3A_32 = tpu.matmul %select_n3A, %get3A_30, %dot_general3A_31 {dimension_numbers = #tpu.dot_dimension_numbers<[1], [1], [0], [0], [0, 0, 1, 0], [], []>, transpose_lhs_hint = false} : vector<1000x128xf32>, vector<128x128xf32>, vector<1000x128xf32> -> vector<1000x128xf32>
    %swap3A = arith.constant 0 : index
    %swap3A_33 = arith.constant 0 : index
    %swap3A_34 = vector.load %arg7[%swap3A, %swap3A_33] : memref<1000x128xf32, #tpu.memory_space<vmem>>, vector<1000x128xf32>
    tpu.vector_store %arg7[%swap3A, %swap3A_33], %dot_general3A_32 {strides = array<i32>} : memref<1000x128xf32, #tpu.memory_space<vmem>>, vector<1000x128xf32>,
    return
  }
  func.func @transform_0(%arg0: i32) -> (i32, i32) {
    %c0_i32 = arith.constant 0 : i32
    %c0_i32_0 = arith.constant 0 : i32
    %c0_i32_1 = arith.constant 0 : i32
    return %c0_i32, %c0_i32_0 : i32, i32
  }
  func.func @transform_1(%arg0: i32) -> (i32, i32) {
    %c0_i32 = arith.constant 0 : i32
    %c0_i32_0 = arith.constant 0 : i32
    %c0_i32_1 = arith.constant 0 : i32
    return %c0_i32, %c0_i32_0 : i32, i32
  }
  func.func @transform_2(%arg0: i32) -> (i32, i32) {
    %c0_i32 = arith.constant 0 : i32
    %c0_i32_0 = arith.constant 0 : i32
    %c0_i32_1 = arith.constant 0 : i32
    return %c0_i32, %c0_i32_0 : i32, i32
  }
  func.func @transform_3(%arg0: i32) -> (i32, i32) {
    %c0_i32 = arith.constant 0 : i32
    %c0_i32_0 = arith.constant 0 : i32
    %c0_i32_1 = arith.constant 0 : i32
    return %c0_i32, %c0_i32_0 : i32, i32
  }
  func.func @transform_4(%arg0: i32) -> (i32, i32) {
    %c0_i32 = arith.constant 0 : i32
    %c0_i32_0 = arith.constant 0 : i32
    return %arg0, %c0_i32 : i32, i32
  }
  func.func @transform_5(%arg0: i32) -> (i32, i32) {
    %c0_i32 = arith.constant 0 : i32
    %c0_i32_0 = arith.constant 0 : i32
    %c0_i32_1 = arith.constant 0 : i32
    return %c0_i32, %c0_i32_0 : i32, i32
  }
  func.func @transform_6(%arg0: i32) -> (i32, i32) {
    %c0_i32 = arith.constant 0 : i32
    %c0_i32_0 = arith.constant 0 : i32
    return %arg0, %c0_i32 : i32, i32
  }
}

module attributes {stable_mosaic.version = 14 : i64} {
  func.func @_bwd_mid_body(%arg0: i32, %arg1: memref<2x1000x128xf32, #tpu.memory_space<vmem>>, %arg2: memref<1x64xi32, #tpu.memory_space<vmem>>, %arg3: memref<1x64xi32, #tpu.memory_space<vmem>>, %arg4: memref<64x128xf32, #tpu.memory_space<vmem>>, %arg5: memref<64x128xf32, #tpu.memory_space<vmem>>, %arg6: memref<1000x128xf32, #tpu.memory_space<vmem>>, %arg7: memref<128x128xf32, #tpu.memory_space<vmem>>, %arg8: memref<1000x128xf32, #tpu.memory_space<vmem>>, %arg9: memref<1000x128xf32, #tpu.memory_space<vmem>>) attributes {dimension_semantics = [#tpu.dimension_semantics<arbitrary>], iteration_bounds = array<i64: 10>, scalar_prefetch = 0 : i64, scratch_operands = 0 : i64, tpu.core_type = #tpu.core_type<tc>, window_params = [{transform_indices = @transform_0, window_bounds = array<i64: 2, 1000, 128>}, {pipeline_mode = #tpu.pipeline_mode<synchronous>, transform_indices = @transform_1, window_bounds = array<i64: 1, 64>}, {pipeline_mode = #tpu.pipeline_mode<synchronous>, transform_indices = @transform_2, window_bounds = array<i64: 1, 64>}, {pipeline_mode = #tpu.pipeline_mode<synchronous>, transform_indices = @transform_3, window_bounds = array<i64: 64, 128>}, {pipeline_mode = #tpu.pipeline_mode<synchronous>, transform_indices = @transform_4, window_bounds = array<i64: 64, 128>}, {transform_indices = @transform_5, window_bounds = array<i64: 1000, 128>}, {pipeline_mode = #tpu.pipeline_mode<synchronous>, transform_indices = @transform_6, window_bounds = array<i64: 128, 128>}, {transform_indices = @transform_7, window_bounds = array<i64: 1000, 128>}, {transform_indices = @transform_8, window_bounds = array<i64: 1000, 128>}]} {
    %iota3A = tpu.iota {dimensions = array<i32: 0>} : vector<1000x64xi32>
    %mul3A = arith.constant 1000 : i32
    %mul3A_0 = arith.muli %arg0, %mul3A : i32
    %add3A = vector.broadcast %mul3A_0 : i32 to vector<1000x64xi32>
    %add3A_1 = arith.addi %iota3A, %add3A : vector<1000x64xi32>
    %get3A = arith.constant 0 : index
    %get3A_2 = arith.constant 0 : index
    %get3A_3 = vector.load %arg2[%get3A, %get3A_2] : memref<1x64xi32, #tpu.memory_space<vmem>>, vector<1x64xi32>
    %eq3A = vector.broadcast %get3A_3 : vector<1x64xi32> to vector<1000x64xi32>
    %eq3A_4 = arith.cmpi eq, %add3A_1, %eq3A : vector<1000x64xi32>
    %convert_element_type3A = arith.extui %eq3A_4 : vector<1000x64xi1> to vector<1000x64xi32>
    %convert_element_type3A_5 = arith.sitofp %convert_element_type3A : vector<1000x64xi32> to vector<1000x64xf32>
    %get3A_6 = arith.constant 0 : index
    %get3A_7 = arith.constant 0 : index
    %get3A_8 = vector.load %arg3[%get3A_6, %get3A_7] : memref<1x64xi32, #tpu.memory_space<vmem>>, vector<1x64xi32>
    %eq3A_9 = vector.broadcast %get3A_8 : vector<1x64xi32> to vector<1000x64xi32>
    %eq3A_10 = arith.cmpi eq, %add3A_1, %eq3A_9 : vector<1000x64xi32>
    %convert_element_type3A_11 = arith.extui %eq3A_10 : vector<1000x64xi1> to vector<1000x64xi32>
    %convert_element_type3A_12 = arith.sitofp %convert_element_type3A_11 : vector<1000x64xi32> to vector<1000x64xf32>
    %get3A_13 = arith.constant 0 : index
    %get3A_14 = arith.constant 0 : index
    %get3A_15 = vector.load %arg4[%get3A_13, %get3A_14] : memref<64x128xf32, #tpu.memory_space<vmem>>, vector<64x128xf32>
    %dot_general3A = arith.constant dense<0.000000e+00> : vector<1000x128xf32>
    %dot_general3A_16 = tpu.matmul %convert_element_type3A_5, %get3A_15, %dot_general3A {dimension_numbers = #tpu.dot_dimension_numbers<[1], [0], [0], [1], [0, 0, 1, 1], [], []>, transpose_lhs_hint = false} : vector<1000x64xf32>, vector<64x128xf32>, vector<1000x128xf32> -> vector<1000x128xf32>
    %get3A_17 = arith.constant 0 : index
    %get3A_18 = arith.constant 0 : index
    %get3A_19 = vector.load %arg5[%get3A_17, %get3A_18] : memref<64x128xf32, #tpu.memory_space<vmem>>, vector<64x128xf32>
    %dot_general3A_20 = arith.constant dense<0.000000e+00> : vector<1000x128xf32>
    %dot_general3A_21 = tpu.matmul %convert_element_type3A_12, %get3A_19, %dot_general3A_20 {dimension_numbers = #tpu.dot_dimension_numbers<[1], [0], [0], [1], [0, 0, 1, 1], [], []>, transpose_lhs_hint = false} : vector<1000x64xf32>, vector<64x128xf32>, vector<1000x128xf32> -> vector<1000x128xf32>
    %add3A_22 = arith.addf %dot_general3A_16, %dot_general3A_21 : vector<1000x128xf32>
    %get3A_23 = arith.constant 0 : index
    %get3A_24 = arith.constant 0 : index
    %get3A_25 = arith.constant 0 : index
    %get3A_26 = vector.load %arg1[%get3A_23, %get3A_24, %get3A_25] : memref<2x1000x128xf32, #tpu.memory_space<vmem>>, vector<1x1000x128xf32>
    %get3A_27 = vector.shape_cast %get3A_26 : vector<1x1000x128xf32> to vector<1000x128xf32>
    %get3A_28 = arith.constant 1 : index
    %get3A_29 = arith.constant 0 : index
    %get3A_30 = arith.constant 0 : index
    %get3A_31 = vector.load %arg1[%get3A_28, %get3A_29, %get3A_30] : memref<2x1000x128xf32, #tpu.memory_space<vmem>>, vector<1x1000x128xf32>
    %get3A_32 = vector.shape_cast %get3A_31 : vector<1x1000x128xf32> to vector<1000x128xf32>
    %add3A_33 = arith.addf %get3A_27, %get3A_32 : vector<1000x128xf32>
    %add3A_34 = arith.addf %add3A_33, %add3A_22 : vector<1000x128xf32>
    %swap3A = arith.constant 0 : index
    %swap3A_35 = arith.constant 0 : index
    %swap3A_36 = vector.load %arg8[%swap3A, %swap3A_35] : memref<1000x128xf32, #tpu.memory_space<vmem>>, vector<1000x128xf32>
    tpu.vector_store %arg8[%swap3A, %swap3A_35], %add3A_34 {strides = array<i32>} : memref<1000x128xf32, #tpu.memory_space<vmem>>, vector<1000x128xf32>,
    %get3A_37 = arith.constant 0 : index
    %get3A_38 = arith.constant 0 : index
    %get3A_39 = vector.load %arg6[%get3A_37, %get3A_38] : memref<1000x128xf32, #tpu.memory_space<vmem>>, vector<1000x128xf32>
    %gt3A = arith.constant 0.000000e+00 : f32
    %gt3A_40 = vector.broadcast %gt3A : f32 to vector<1000x128xf32>
    %gt3A_41 = arith.cmpf ogt, %get3A_39, %gt3A_40 : vector<1000x128xf32>
    %jit3A = arith.constant 0.000000e+00 : f32
    %broadcast_in_dim3A = vector.broadcast %jit3A : f32 to vector<1000x128xf32>
    %select_n3A = arith.select %gt3A_41, %add3A_34, %broadcast_in_dim3A : vector<1000x128xi1>, vector<1000x128xf32>
    %get3A_42 = arith.constant 0 : index
    %get3A_43 = arith.constant 0 : index
    %get3A_44 = vector.load %arg7[%get3A_42, %get3A_43] : memref<128x128xf32, #tpu.memory_space<vmem>>, vector<128x128xf32>
    %dot_general3A_45 = arith.constant dense<0.000000e+00> : vector<1000x128xf32>
    %dot_general3A_46 = tpu.matmul %select_n3A, %get3A_44, %dot_general3A_45 {dimension_numbers = #tpu.dot_dimension_numbers<[1], [1], [0], [0], [0, 0, 1, 0], [], []>, transpose_lhs_hint = false} : vector<1000x128xf32>, vector<128x128xf32>, vector<1000x128xf32> -> vector<1000x128xf32>
    %swap3A_47 = arith.constant 0 : index
    %swap3A_48 = arith.constant 0 : index
    %swap3A_49 = vector.load %arg9[%swap3A_47, %swap3A_48] : memref<1000x128xf32, #tpu.memory_space<vmem>>, vector<1000x128xf32>
    tpu.vector_store %arg9[%swap3A_47, %swap3A_48], %dot_general3A_46 {strides = array<i32>} : memref<1000x128xf32, #tpu.memory_space<vmem>>, vector<1000x128xf32>,
    return
  }
  func.func @transform_0(%arg0: i32) -> (i32, i32, i32) {
    %c0_i32 = arith.constant 0 : i32
    %c0_i32_0 = arith.constant 0 : i32
    %c0_i32_1 = arith.constant 0 : i32
    return %c0_i32, %arg0, %c0_i32_0 : i32, i32, i32
  }
  func.func @transform_1(%arg0: i32) -> (i32, i32) {
    %c0_i32 = arith.constant 0 : i32
    %c0_i32_0 = arith.constant 0 : i32
    %c0_i32_1 = arith.constant 0 : i32
    return %c0_i32, %c0_i32_0 : i32, i32
  }
  func.func @transform_2(%arg0: i32) -> (i32, i32) {
    %c0_i32 = arith.constant 0 : i32
    %c0_i32_0 = arith.constant 0 : i32
    %c0_i32_1 = arith.constant 0 : i32
    return %c0_i32, %c0_i32_0 : i32, i32
  }
  func.func @transform_3(%arg0: i32) -> (i32, i32) {
    %c0_i32 = arith.constant 0 : i32
    %c0_i32_0 = arith.constant 0 : i32
    %c0_i32_1 = arith.constant 0 : i32
    return %c0_i32, %c0_i32_0 : i32, i32
  }
  func.func @transform_4(%arg0: i32) -> (i32, i32) {
    %c0_i32 = arith.constant 0 : i32
    %c0_i32_0 = arith.constant 0 : i32
    %c0_i32_1 = arith.constant 0 : i32
    return %c0_i32, %c0_i32_0 : i32, i32
  }
  func.func @transform_5(%arg0: i32) -> (i32, i32) {
    %c0_i32 = arith.constant 0 : i32
    %c0_i32_0 = arith.constant 0 : i32
    return %arg0, %c0_i32 : i32, i32
  }
  func.func @transform_6(%arg0: i32) -> (i32, i32) {
    %c0_i32 = arith.constant 0 : i32
    %c0_i32_0 = arith.constant 0 : i32
    %c0_i32_1 = arith.constant 0 : i32
    return %c0_i32, %c0_i32_0 : i32, i32
  }
  func.func @transform_7(%arg0: i32) -> (i32, i32) {
    %c0_i32 = arith.constant 0 : i32
    %c0_i32_0 = arith.constant 0 : i32
    return %arg0, %c0_i32 : i32, i32
  }
  func.func @transform_8(%arg0: i32) -> (i32, i32) {
    %c0_i32 = arith.constant 0 : i32
    %c0_i32_0 = arith.constant 0 : i32
    return %arg0, %c0_i32 : i32, i32
  }
}

module attributes {stable_mosaic.version = 14 : i64} {
  func.func @_bwd_last_body(%arg0: i32, %arg1: memref<2x1000x128xf32, #tpu.memory_space<vmem>>, %arg2: memref<1x64xi32, #tpu.memory_space<vmem>>, %arg3: memref<1x64xi32, #tpu.memory_space<vmem>>, %arg4: memref<64x128xf32, #tpu.memory_space<vmem>>, %arg5: memref<64x128xf32, #tpu.memory_space<vmem>>, %arg6: memref<1000x128xf32, #tpu.memory_space<vmem>>) attributes {dimension_semantics = [#tpu.dimension_semantics<arbitrary>], iteration_bounds = array<i64: 10>, scalar_prefetch = 0 : i64, scratch_operands = 0 : i64, tpu.core_type = #tpu.core_type<tc>, window_params = [{transform_indices = @transform_0, window_bounds = array<i64: 2, 1000, 128>}, {pipeline_mode = #tpu.pipeline_mode<synchronous>, transform_indices = @transform_1, window_bounds = array<i64: 1, 64>}, {pipeline_mode = #tpu.pipeline_mode<synchronous>, transform_indices = @transform_2, window_bounds = array<i64: 1, 64>}, {pipeline_mode = #tpu.pipeline_mode<synchronous>, transform_indices = @transform_3, window_bounds = array<i64: 64, 128>}, {pipeline_mode = #tpu.pipeline_mode<synchronous>, transform_indices = @transform_4, window_bounds = array<i64: 64, 128>}, {transform_indices = @transform_5, window_bounds = array<i64: 1000, 128>}]} {
    %iota3A = tpu.iota {dimensions = array<i32: 0>} : vector<1000x64xi32>
    %mul3A = arith.constant 1000 : i32
    %mul3A_0 = arith.muli %arg0, %mul3A : i32
    %add3A = vector.broadcast %mul3A_0 : i32 to vector<1000x64xi32>
    %add3A_1 = arith.addi %iota3A, %add3A : vector<1000x64xi32>
    %get3A = arith.constant 0 : index
    %get3A_2 = arith.constant 0 : index
    %get3A_3 = vector.load %arg2[%get3A, %get3A_2] : memref<1x64xi32, #tpu.memory_space<vmem>>, vector<1x64xi32>
    %eq3A = vector.broadcast %get3A_3 : vector<1x64xi32> to vector<1000x64xi32>
    %eq3A_4 = arith.cmpi eq, %add3A_1, %eq3A : vector<1000x64xi32>
    %convert_element_type3A = arith.extui %eq3A_4 : vector<1000x64xi1> to vector<1000x64xi32>
    %convert_element_type3A_5 = arith.sitofp %convert_element_type3A : vector<1000x64xi32> to vector<1000x64xf32>
    %get3A_6 = arith.constant 0 : index
    %get3A_7 = arith.constant 0 : index
    %get3A_8 = vector.load %arg3[%get3A_6, %get3A_7] : memref<1x64xi32, #tpu.memory_space<vmem>>, vector<1x64xi32>
    %eq3A_9 = vector.broadcast %get3A_8 : vector<1x64xi32> to vector<1000x64xi32>
    %eq3A_10 = arith.cmpi eq, %add3A_1, %eq3A_9 : vector<1000x64xi32>
    %convert_element_type3A_11 = arith.extui %eq3A_10 : vector<1000x64xi1> to vector<1000x64xi32>
    %convert_element_type3A_12 = arith.sitofp %convert_element_type3A_11 : vector<1000x64xi32> to vector<1000x64xf32>
    %get3A_13 = arith.constant 0 : index
    %get3A_14 = arith.constant 0 : index
    %get3A_15 = vector.load %arg4[%get3A_13, %get3A_14] : memref<64x128xf32, #tpu.memory_space<vmem>>, vector<64x128xf32>
    %dot_general3A = arith.constant dense<0.000000e+00> : vector<1000x128xf32>
    %dot_general3A_16 = tpu.matmul %convert_element_type3A_5, %get3A_15, %dot_general3A {dimension_numbers = #tpu.dot_dimension_numbers<[1], [0], [0], [1], [0, 0, 1, 1], [], []>, transpose_lhs_hint = false} : vector<1000x64xf32>, vector<64x128xf32>, vector<1000x128xf32> -> vector<1000x128xf32>
    %get3A_17 = arith.constant 0 : index
    %get3A_18 = arith.constant 0 : index
    %get3A_19 = vector.load %arg5[%get3A_17, %get3A_18] : memref<64x128xf32, #tpu.memory_space<vmem>>, vector<64x128xf32>
    %dot_general3A_20 = arith.constant dense<0.000000e+00> : vector<1000x128xf32>
    %dot_general3A_21 = tpu.matmul %convert_element_type3A_12, %get3A_19, %dot_general3A_20 {dimension_numbers = #tpu.dot_dimension_numbers<[1], [0], [0], [1], [0, 0, 1, 1], [], []>, transpose_lhs_hint = false} : vector<1000x64xf32>, vector<64x128xf32>, vector<1000x128xf32> -> vector<1000x128xf32>
    %add3A_22 = arith.addf %dot_general3A_16, %dot_general3A_21 : vector<1000x128xf32>
    %get3A_23 = arith.constant 0 : index
    %get3A_24 = arith.constant 0 : index
    %get3A_25 = arith.constant 0 : index
    %get3A_26 = vector.load %arg1[%get3A_23, %get3A_24, %get3A_25] : memref<2x1000x128xf32, #tpu.memory_space<vmem>>, vector<1x1000x128xf32>
    %get3A_27 = vector.shape_cast %get3A_26 : vector<1x1000x128xf32> to vector<1000x128xf32>
    %get3A_28 = arith.constant 1 : index
    %get3A_29 = arith.constant 0 : index
    %get3A_30 = arith.constant 0 : index
    %get3A_31 = vector.load %arg1[%get3A_28, %get3A_29, %get3A_30] : memref<2x1000x128xf32, #tpu.memory_space<vmem>>, vector<1x1000x128xf32>
    %get3A_32 = vector.shape_cast %get3A_31 : vector<1x1000x128xf32> to vector<1000x128xf32>
    %add3A_33 = arith.addf %get3A_27, %get3A_32 : vector<1000x128xf32>
    %add3A_34 = arith.addf %add3A_33, %add3A_22 : vector<1000x128xf32>
    %swap3A = arith.constant 0 : index
    %swap3A_35 = arith.constant 0 : index
    %swap3A_36 = vector.load %arg6[%swap3A, %swap3A_35] : memref<1000x128xf32, #tpu.memory_space<vmem>>, vector<1000x128xf32>
    tpu.vector_store %arg6[%swap3A, %swap3A_35], %add3A_34 {strides = array<i32>} : memref<1000x128xf32, #tpu.memory_space<vmem>>, vector<1000x128xf32>,
    return
  }
  func.func @transform_0(%arg0: i32) -> (i32, i32, i32) {
    %c0_i32 = arith.constant 0 : i32
    %c0_i32_0 = arith.constant 0 : i32
    %c0_i32_1 = arith.constant 0 : i32
    return %c0_i32, %arg0, %c0_i32_0 : i32, i32, i32
  }
  func.func @transform_1(%arg0: i32) -> (i32, i32) {
    %c0_i32 = arith.constant 0 : i32
    %c0_i32_0 = arith.constant 0 : i32
    %c0_i32_1 = arith.constant 0 : i32
    return %c0_i32, %c0_i32_0 : i32, i32
  }
  func.func @transform_2(%arg0: i32) -> (i32, i32) {
    %c0_i32 = arith.constant 0 : i32
    %c0_i32_0 = arith.constant 0 : i32
    %c0_i32_1 = arith.constant 0 : i32
    return %c0_i32, %c0_i32_0 : i32, i32
  }
  func.func @transform_3(%arg0: i32) -> (i32, i32) {
    %c0_i32 = arith.constant 0 : i32
    %c0_i32_0 = arith.constant 0 : i32
    %c0_i32_1 = arith.constant 0 : i32
    return %c0_i32, %c0_i32_0 : i32, i32
  }
  func.func @transform_4(%arg0: i32) -> (i32, i32) {
    %c0_i32 = arith.constant 0 : i32
    %c0_i32_0 = arith.constant 0 : i32
    %c0_i32_1 = arith.constant 0 : i32
    return %c0_i32, %c0_i32_0 : i32, i32
  }
  func.func @transform_5(%arg0: i32) -> (i32, i32) {
    %c0_i32 = arith.constant 0 : i32
    %c0_i32_0 = arith.constant 0 : i32
    return %arg0, %c0_i32 : i32, i32
  }
}

</mosaic_0001>

<sc_bundles>
// kernel: kernel.16.cloned.1.call-start
scs
__scs_entry_jumppad:
0x0: {  	(pc) =	sbr.rel $0x88, $3  }
0x1: {  	(tag) =	ssettag $0x0;
	lr =	simm.s32 $0x1  }
0x2: {  	[smem:$0x3F92] =	sst lr;
	_ =	strace $0xD0000000  }
0x3: {  	_ = 	snop  }
0x4: {  	_ = 	snop  }
0x5: {  	_ = 	snop  }
0x6: {  	_ = 	snop  }
0x7: {  	_ = 	snop  }
__scs_overlays_trampoline_lowered:
0x8: {  	[smem:$0x3FA1] =	sst s0  }
0x9: {  	[smem:$0x3FA2] =	sst s1  }
0xa: {  	[smem:$0x3FA3] =	sst s2  }
0xb: {  	[smem:$0x3FA4] =	sst s3  }
0xc: {  	[smem:$0x3FA5] =	sst s4  }
0xd: {  	[smem:$0x3FA6] =	sst s5  }
0xe: {  	[smem:$0x3FA7] =	sst s6  }
0xf: {  	[smem:$0x3FA8] =	sst s7  }
0x10: {  	[smem:$0x3FA9] =	sst s8  }
0x11: {  	[smem:$0x3FAA] =	sst s9;
	s0 =	simm.s32 @!p0 $0x0  }
0x12: {  	s1 =	sld [smem:$0x3F90];
	s0 =	simm.s32 @p0 $0x1  }
0x13: {  	[smem:$0x3FAB] =	sst s0;
	s0 =	simm.s32 @!p1 $0x0  }
0x14: {  	s2 =	sld [smem:$0x3F8F];
	s0 =	simm.s32 @p1 $0x1  }
0x15: {  	[smem:$0x3FAC] =	sst s0;
	s0 =	simm.s32 @!p2 $0x0  }
0x16: {  	s3 =	sld [smem:$0x3FDB];
	s0 =	simm.s32 @p2 $0x1  }
0x17: {  	s4 =	simm.s32 $0x1BF5;
	[smem:$0x3FAE] =	sst s0  }
0x18: {  	s0 =	sld [smem:$0x3F91];
	_ =	swait.ge [sflag:s4], $0x0  }
0x19: {  	s7 =	sld [smem:$0x3F92]  }
0x1a: {  	s8 =	sadd.s32 $0xFFFFE003, lr  }
0x1b: {  	s9 =	sadd.s32 $0xFFFFFEF7, lr;
	s5 =	simm.s32 $0xFFFFFFFF;
	p2 =	slt.u32 s8, $0xFFFFF086  }
0x1c: {  	p1 =	slt.u32 s9, $0xF7A;
	s5 =	simm.s32 @!p2 $0x0  }
0x1d: {  	s5 =	simm.s32 @p1 $0x1;
	p0 =	seq.s32 s7, s2  }
0x1e: {  	s7 =	smul.u32 @!p0 $0xF7A, s2;
	p2 =	seq.s32 @!p0 s5, $0x0  }
0x1f: {  	s9 =	smul.u32 $0xF7A, s1;
	s8 =	simm.s32 @!p0 $0x1BF5;
	p2 =	por !p2, p0  }
0x20: {  	[sflag:s8] =	ssyncset.s32 @!p0 $0xFFFFF086;
	s6 =	sadd.s32 @!p0 s3, s7;
	s7 =	simm.s32 @!p0 $0x108  }
0x21: {  	s3 =	sadd.s32 s3, s9;
	s6 =	sadd.s32 @!p0 $0x88, s6;
	s7 =	simm.s32 @p2 $0x1082  }
0x22: {  	[simem:s7], [sflag:s8] =	dma.local @!p0 [hbm:s6], $0xF7A  }
0x23: {  	s9 =	sor.u32 $0xD0000000, s2;
	s6 =	simm.s32 $0x108;
	_ =	swait.ge @!p0 [sflag:s8], $0x0  }
0x24: {  	s3 =	sadd.s32 $0x88, s3;
	s6 =	simm.s32 @!p1 $0x1082;
	[sflag:s4] =	ssyncset.s32 $0xFFFFF086  }
0x25: {  	[simem:s6], [sflag:s4] =	dma.local [hbm:s3], $0xF7A  }
0x26: {  	[smem:$0x3F92] =	sst s1;
	(tag) =	ssettag s2;
	_ =	strace s9  }
0x27: {  	s1 =	sld [smem:$0x3FA2]  }
0x28: {  	s2 =	sld [smem:$0x3FA3]  }
0x29: {  	s4 =	sld [smem:$0x3FA5]  }
0x2a: {  	p0 =	seq.s32 s5, $0x0;
	s5 =	sld [smem:$0x3FA6]  }
0x2b: {  	s6 =	sld [smem:$0x3FA7]  }
0x2c: {  	s7 =	sld [smem:$0x3FA8]  }
0x2d: {  	s3 =	simm.s32 $0x108;
	s8 =	sld [smem:$0x3FA9]  }
0x2e: {  	s3 =	simm.s32 @!p0 $0x1082;
	s9 =	sld [smem:$0x3FAA]  }
0x2f: {  	lr =	sadd.s32 s0, s3;
	s0 =	sld [smem:$0x3FA1]  }
0x30: {  	s3 =	sld [smem:$0x3FA4]  }
0x31: {  	[smem:$0x3FAD] =	sst s10  }
0x32: {  	s10 =	sld [smem:$0x3FAB];
	_ =	sdelay $0x3  }
0x33: {  	p0 =	seq.s32 s10, $0x1;
	s10 =	sld [smem:$0x3FAD];
	_ =	sdelay $0x3  }
0x34: {  	[smem:$0x3FAD] =	sst s10  }
0x35: {  	s10 =	sld [smem:$0x3FAC];
	_ =	sdelay $0x3  }
0x36: {  	p1 =	seq.s32 s10, $0x1;
	s10 =	sld [smem:$0x3FAD];
	_ =	sdelay $0x3  }
0x37: {  	[smem:$0x3FAD] =	sst s10  }
0x38: {  	s10 =	sld [smem:$0x3FAE]  }
0x39: {  	_ = 	snop;
	(pc) =	sbr.ind lr, $3  }
0x3a: {  	_ = 	snop  }
0x3b: {  	_ = 	snop  }
0x3c: {  	p2 =	seq.s32 s10, $0x1;
	s10 =	sld [smem:$0x3FAD]  }
0x3d: {  	_ =	shalt  }
0x3e: {  	_ =	shalt  }
0x3f: {  	_ =	shalt  }
0x40: {  	_ =	shalt  }
0x41: {  	_ =	shalt  }
0x42: {  	_ =	shalt  }
0x43: {  	_ =	shalt  }
0x44: {  	_ =	shalt  }
0x45: {  	_ =	shalt  }
0x46: {  	_ =	shalt  }
0x47: {  	_ =	shalt  }
0x48: {  	_ =	shalt  }
0x49: {  	_ =	shalt  }
0x4a: {  	_ =	shalt  }
0x4b: {  	_ =	shalt  }
0x4c: {  	_ =	shalt  }
0x4d: {  	_ =	shalt  }
0x4e: {  	_ =	shalt  }
0x4f: {  	_ =	shalt  }
0x50: {  	_ =	shalt  }
0x51: {  	_ =	shalt  }
0x52: {  	_ =	shalt  }
0x53: {  	_ =	shalt  }
0x54: {  	_ =	shalt  }
0x55: {  	_ =	shalt  }
0x56: {  	_ =	shalt  }
0x57: {  	_ =	shalt  }
0x58: {  	_ =	shalt  }
0x59: {  	_ =	shalt  }
0x5a: {  	_ =	shalt  }
0x5b: {  	_ =	shalt  }
0x5c: {  	_ =	shalt  }
0x5d: {  	_ =	shalt  }
0x5e: {  	_ =	shalt  }
0x5f: {  	_ =	shalt  }
0x60: {  	_ =	shalt  }
0x61: {  	_ =	shalt  }
0x62: {  	_ =	shalt  }
0x63: {  	_ =	shalt  }
0x64: {  	_ =	shalt  }
0x65: {  	_ =	shalt  }
0x66: {  	_ =	shalt  }
0x67: {  	_ =	shalt  }
0x68: {  	_ =	shalt  }
0x69: {  	_ =	shalt  }
0x6a: {  	_ =	shalt  }
0x6b: {  	_ =	shalt  }
0x6c: {  	_ =	shalt  }
0x6d: {  	_ =	shalt  }
0x6e: {  	_ =	shalt  }
0x6f: {  	_ =	shalt  }
0x70: {  	_ =	shalt  }
0x71: {  	_ =	shalt  }
0x72: {  	_ =	shalt  }
0x73: {  	_ =	shalt  }
0x74: {  	_ =	shalt  }
0x75: {  	_ =	shalt  }
0x76: {  	_ =	shalt  }
0x77: {  	_ =	shalt  }
0x78: {  	_ =	shalt  }
0x79: {  	_ =	shalt  }
0x7a: {  	_ =	shalt  }
0x7b: {  	_ =	shalt  }
0x7c: {  	_ =	shalt  }
0x7d: {  	_ =	shalt  }
0x7e: {  	_ =	shalt  }
0x7f: {  	_ =	shalt  }
0x80: {  	_ =	shalt  }
0x81: {  	_ =	shalt  }
0x82: {  	_ =	shalt  }
0x83: {  	_ =	shalt  }
0x84: {  	_ =	shalt  }
0x85: {  	_ =	shalt  }
0x86: {  	_ =	shalt  }
0x87: {  	_ =	shalt  }
.Lfunc_end0:
.L_simem_size_0:
called_computation_lowered:
.L_overlay_start_0:
0x88: {  	s2 =	sld [smem:$0x3FD9]  }
0x89: {  	s3 =	sld [smem:$0x3FFE];
	_ =	sdelay $0x1  }
0x8a: {  	s1 =	srdreg.scid  }
0x8b: {  	s0 =	sand.u32 $0x1, s1  }
0x8c: {  	s14 =	sshll.u32 s0, $0xA;
	s2 =	sadd.s32 s3, s2  }
0x8d: {  	s2 =	sadd.s32 s2, s14  }
0x8e: {  	[smem:$0x3FB9] =	sst s2  }
0x8f: {  	_ = 	snop  }
0x90: {  	s2 =	sld [smem:$0x3FD0];
	_ =	sdelay $0x2  }
0x91: {  	s4 =	simm.s32 $0xA;
	s5 =	simm.s32 $0x10;
	s15 =	sld [smem:$0x3FC9]  }
0x92: {  	[smem:s5], [sflag:s4] =	dma.local [hbm:s2], $0x1  }
0x93: {  	_ =	swait.eq [sflag:s4], $0x1  }
0x94: {  	[sflag:s4] =	ssyncset.done $0x0  }
0x95: {  	[sflag:s4] =	ssyncadd.s32 $0xFFFFFFFF  }
0x96: {  	s16 =	sld [smem:$0x13];
	(tm) =	ssettm $0x1  }
0x97: {  	s17 =	sld [smem:$0x3FFB];
	_ =	sdelay $0x3  }
0x98: {  	_ =	strace s17  }
0x99: {  	s4 =	sld [smem:$0x3FFC];
	_ =	sdelay $0x3  }
0x9a: {  	_ =	strace s4  }
0x9b: {  	s4 =	sld [smem:$0x3FFD];
	_ =	sdelay $0x3  }
0x9c: {  	_ =	strace s4  }
0x9d: {  	_ =	strace $0x8FFFFFFF  }
0x9e: {  	s18 =	sld [smem:$0x3FDB];
	_ =	sdelay $0x1  }
0x9f: {  	s19 =	simm.s32 $_scs_section_size  }
0xa0: {  	s6 =	simm.s32 $_size__tile_overlayer_lowered;
	s7 =	simm.s32 $_tile_overlayer_lowered  }
0xa1: {  	s22 =	simm.s32 $0x1BFF;
	s21 =	sshll.u32 s7, $0x1;
	s4 =	sadd.s32 s19, s18  }
0xa2: {  	s8 =	simm.s32 $0x0;
	s20 =	sshll.u32 s6, $0x1;
	s6 =	sadd.s32 s21, s4  }
0xa3: {  	[timem:s8], [sflag:s22] =	dma.local [hbm:s6], s20  }
0xa4: {  	_ =	swait.ge [sflag:s22], s20  }
0xa5: {  	s5 =	ssub.s32 $0x0, s20;
	[sflag:s22] =	ssyncset.done $0x0  }
0xa6: {  	[sflag:s22] =	ssyncadd.s32 s5;
	_ =	sdelay $0x1  }
0xa7: {  	s23 =	simm.s32 $0x1B8B  }
0xa8: {  	_ =	swait.ge [sflag:s23], $0x1  }
0xa9: {  	[sflag:s23] =	ssyncset.done $0x0  }
0xaa: {  	s25 =	simm.s32 $0x1B8E;
	s24 =	sld [smem:$0x3FFE];
	[sflag:s23] =	ssyncadd.s32 $0xFFFFFFFF  }
0xab: {  	s26 =	simm.s32 $execute0_lowered;
	[smem:$0x3FD2] =	sst s25  }
0xac: {  	s6 =	sshll.u32 s26, $0x1;
	_ =	strace $0x80000046;
	[dreg:$0x1] =	wrdreg $0xFFFFFFFF  }
0xad: {  	s28 =	simm.s32 $_size_execute0_lowered;
	s4 =	sadd.s32 s4, s6;
	[dreg:$0x0] =	wrdreg $0x0  }
0xae: {  	s6 =	sshll.u32 s28, $0x1;
	[dreg:$0x2] =	wrdreg s4  }
0xaf: {  	[dreg:$0x3] =	wrdreg s6  }
0xb0: {  	[dreg:$0x4] =	wrdreg $0xC0  }
0xb1: {  	_ =	task [dreg:s8], $0x5FFFF  }
0xb2: {  	[dreg:$0x1] =	wrdreg $0xFFFFFFFF  }
0xb3: {  	[dreg:$0x0] =	wrdreg $0x60  }
0xb4: {  	[dreg:$0x2] =	wrdreg s15  }
0xb5: {  	[dreg:$0x3] =	wrdreg s16  }
0xb6: {  	[dreg:$0x4] =	wrdreg s24  }
0xb7: {  	[dreg:$0x5] =	wrdreg $0x0  }
0xb8: {  	[dreg:$0x6] =	wrdreg $0x9  }
0xb9: {  	_ =	task.clear_ibuf [dreg:s8], $0x7FFFF;
	_ =	strace $0x90000046  }
0xba: {  	s29 =	simm.s32 $0x9;
	_ =	strace $0x80000048  }
0xbb: {  	_ =	swait.ge [sflag:s29], $0x1  }
0xbc: {  	[sflag:s29] =	ssyncadd.s32 $0xFFFFFFFF  }
0xbd: {  	_ =	strace $0x90000048  }
0xbe: {  	_ =	sfence  }
0xbf: {  	s30 =	sld [smem:$0x0];
	_ =	sdelay $0x2  }
0xc0: {  	s31 =	sshll.u32 s1, $0xD;
	s1 =	sshrl.u32 s1, $0x2  }
0xc1: {  	s3 =	sand.u32 $0x4000, s31;
	s1 =	sadd.s32 s1, s30  }
0xc2: {  	s0 =	sor.u32 s3, s0;
	s1 =	sshll.u32 s1, $0x11  }
0xc3: {  	s0 =	sor.u32 s1, s0  }
0xc4: {  	s0 =	sadd.s32 $0x8F2B, s0  }
0xc5: {  	[sflag:s0] =	ssyncadd.remote.s32 $0x1  }
0xc6: {  	_ =	sfence.sel $0xFFFF  }
0xc7: {  	[dreg:$0x0] =	wrdreg $0xFFFFFFFF;
	(pc) =	sbr.abs _section_cstart, $3  }
0xc8: {  	[dreg:$0x1] =	wrdreg $0xFFFFFFFF  }
0xc9: {  	_ =	task.clear_ibuf [dreg:s8], $0x2FFFF;
	_ =	strace $0x9FFFFFFF  }
0xca: {  	(tm) =	ssettm $0x7FFFFFFF  }
0xcb: {  	_ =	shalt  }
tec
execute0_lowered:
.L_overlay_start_1:
0x0: {  	(tag) =	ssettag $0x1  }
0x1: {  	s1 =	rddreg [dreg:$0x0]  }
0x2: {  	s9 =	rddreg [dreg:$0x1]  }
0x3: {  	s6 =	rddreg [dreg:$0x2]  }
0x4: {  	s2 =	rddreg [dreg:$0x3];
	s3 =	srdreg.scid  }
0x5: {  	s0 =	rddreg [dreg:$0x4];
	s4 =	simm.s32 $0x0;
	s15 =	simm.s32 $0x13C00  }
0x6: {  	s16 =	simm.s32 $0x15000;
	s17 =	simm.s32 $0x80;
	s18 =	simm.s32 $0x16400  }
0x7: {  	s19 =	simm.s32 $0x1A400;
	s20 =	simm.s32 $0x1;
	s21 =	simm.s32 $0x2  }
0x8: {  	s22 =	simm.s32 $0x14F80;
	s7 =	sand.u32 $0x1, s3;
	s3 =	stileid.u32  }
0x9: {  	s23 =	simm.s32 $0x16300;
	[smem:$0x7FF] =	sst s4;
	s8 =	smul.u32 $0x13C000, s7  }
0xa: {  	s11 =	sadd.s32 $0x5E00, s6;
	s5 =	sadd.s32 $0xFE00, s6;
	s10 =	smul.u32 $0x13C00, s3  }
0xb: {  	_ =	strace $0x80000047;
	s24 =	sshll.u32 s3, $0x1;
	s12 =	ssub.s32 $0x2, s7  }
0xc: {  	s25 =	smul.u32 $0x4F000, s3;
	s29 =	sshll.u32 s3, $0x6;
	s7 =	sor.u32 s7, s24  }
0xd: {  	s13 =	sshrl.u32 s12, $0x1;
	s24 =	simm.s32 $0x16380;
	s8 =	sadd.s32 s10, s8  }
0xe: {  	s7 =	smul.u32 $0x2800, s7;
	s12 =	ssub.s32 s12, s13;
	s26 =	sshrl.u32 s25, $0x2  }
0xf: {  	s25 =	simm.s32 $0x0;
	s8 =	sshrl.u32 s8, $0x3;
	s28 =	sadd.s32 s26, s2  }
0x10: {  	s12 =	smax.u32 s12, $0x1;
	s14 =	sadd.s32 s8, s6;
	s30 =	sshrl.u32 s7, $0x3  }
0x11: {  	s6 =	sor.u32 $0x1C03, s29;
	s13 =	sshrl.u32 s28, $0x3;
	s31 =	sadd.s32 $0x280, s30  }
0x12: {  	s7 =	sadd.s32 s9, s30;
	s8 =	sadd.s32 s11, s30;
	s9 =	sadd.s32 s9, s31  }
0x13: {  	s10 =	sadd.s32 s11, s31;
	s11 =	sadd.s32 $0x12600, s14;
	s14 =	simm.s32 $0x3  }
.LBB2_1:
0x14: {  	[spmem:s13], [sflag:s6] =	dma.local [hbm:s5], $0x2780  }
0x15: {  	_ =	swait.ge [sflag:s14], $0x2780  }
0x16: {  	[sflag:s14] =	ssyncset.done $0x0  }
0x17: {  	[sflag:s14] =	ssyncadd.s32 $0xFFFFD880  }
0x18: {  	[bflag:$0x0] =	sbarrier.arrive $0xFFFF  }
0x19: {  	[tilespmem:s15], [sflag:$0x3] =	stream.linear.gather [hbm4b:s7+s4], $0x1400, $0x38;
	[tilespmem:$0x1E400] =	vst v63  }
0x1a: {  	_ =	swait.ge [sflag:s14], $0x1400  }
0x1b: {  	[sflag:s14] =	ssyncset.done $0x0  }
0x1c: {  	[sflag:s14] =	ssyncadd.s32 $0xFFFFEC00  }
0x1d: {  	[tilespmem:s16], [sflag:$0x3] =	stream.linear.gather [hbm4b:s8+s4], $0x1400, $0x38;
	[tilespmem:$0x1E400] =	vst v63  }
0x1e: {  	_ =	swait.ge [sflag:s14], $0x1400  }
0x1f: {  	[sflag:s14] =	ssyncset.done $0x0  }
0x20: {  	[sflag:s14] =	ssyncadd.s32 $0xFFFFEC00  }
0x21: {  	[tilespmem:s18], [sflag:$0x1] =	stream.indirect.gather [hbm4b:s1+s17], $0x80, s15, s17, $0xb8;
	[tilespmem:$0x1E400] =	vst v63  }
0x22: {  	s26 =	simm.s32 $0x13C80  }
0x23: {  	[tilespmem:s19], [sflag:$0x2] =	stream.indirect.gather [hbm4b:s1+s17], $0x80, s26, s17, $0xb8;
	[tilespmem:$0x1E400] =	vst v63  }
0x24: {  	_ =	swait.ge [sflag:s20], $0x4000  }
0x25: {  	[sflag:s20] =	ssyncset.done $0x0  }
0x26: {  	s29 =	simm.s32 $0x15000;
	[sflag:s20] =	ssyncadd.s32 $0xFFFFC000  }
0x27: {  	[spmem:s2] =	stream.indirect.scatter.add.f32 [tilespmem:s18], [sflag:$0x3], $0x80, s29, s17, $0xb8;
	[tilespmem:$0x1E400] =	vst v63  }
0x28: {  	_ =	swait.ge [sflag:s14], $0x4000  }
0x29: {  	[sflag:s14] =	ssyncset.done $0x0  }
0x2a: {  	s30 =	simm.s32 $0x13D00;
	[sflag:s14] =	ssyncadd.s32 $0xFFFFC000  }
0x2b: {  	[tilespmem:s18], [sflag:$0x1] =	stream.indirect.gather [hbm4b:s1+s17], $0x80, s30, s17, $0xb8;
	[tilespmem:$0x1E400] =	vst v63  }
0x2c: {  	_ =	swait.ge [sflag:s21], $0x4000  }
0x2d: {  	[sflag:s21] =	ssyncset.done $0x0  }
0x2e: {  	s31 =	simm.s32 $0x15080;
	[sflag:s21] =	ssyncadd.s32 $0xFFFFC000  }
0x2f: {  	[spmem:s2] =	stream.indirect.scatter.add.f32 [tilespmem:s19], [sflag:$0x3], $0x80, s31, s17, $0xb8;
	[tilespmem:$0x1E400] =	vst v63  }
0x30: {  	_ =	swait.ge [sflag:s14], $0x4000  }
0x31: {  	s28 =	simm.s32 $0x800;
	s26 =	simm.s32 $0x100;
	[sflag:s14] =	ssyncset.done $0x0  }
.LBB2_2:
0x32: {  	s29 =	sadd.s32 $0x13C80, s26  }
0x33: {  	[sflag:s14] =	ssyncadd.s32 $0xFFFFC000;
	s30 =	smov.u32 s28;
	s31 =	sadd.s32 $0x400, s28  }
0x34: {  	[tilespmem:s19], [sflag:$0x2] =	stream.indirect.gather [hbm4b:s1+s17], $0x80, s29, s17, $0xb8;
	[tilespmem:$0x1E400] =	vst v63  }
0x35: {  	p0 =	sne.s32 s28, $0x4800;
	_ =	swait.ge [sflag:s20], $0x4000  }
0x36: {  	[sflag:s20] =	ssyncset.done $0x0  }
0x37: {  	s28 =	sadd.s32 $0x15000, s26;
	[sflag:s20] =	ssyncadd.s32 $0xFFFFC000  }
0x38: {  	[spmem:s2] =	stream.indirect.scatter.add.f32 [tilespmem:s18], [sflag:$0x3], $0x80, s28, s17, $0xb8;
	[tilespmem:$0x1E400] =	vst v63  }
0x39: {  	_ =	swait.ge [sflag:s14], $0x4000  }
0x3a: {  	[sflag:s14] =	ssyncset.done $0x0  }
0x3b: {  	s28 =	sadd.s32 $0x13D00, s26;
	[sflag:s14] =	ssyncadd.s32 $0xFFFFC000  }
0x3c: {  	[tilespmem:s18], [sflag:$0x1] =	stream.indirect.gather [hbm4b:s1+s17], $0x80, s28, s17, $0xb8;
	[tilespmem:$0x1E400] =	vst v63  }
0x3d: {  	_ =	swait.ge [sflag:s21], $0x4000  }
.Ltmp0:
0x3e: {  	[sflag:s21] =	ssyncset.done $0x0;
	(pc) =	sbr.rel @p0 .LBB2_2-.Ltmp0, $4  }
0x3f: {  	s26 =	sadd.s32 $0x15080, s26;
	[sflag:s21] =	ssyncadd.s32 $0xFFFFC000  }
0x40: {  	[spmem:s2] =	stream.indirect.scatter.add.f32 [tilespmem:s19], [sflag:$0x3], $0x80, s26, s17, $0xb8;
	[tilespmem:$0x1E400] =	vst v63  }
0x41: {  	_ =	swait.ge [sflag:s14], $0x4000  }
0x42: {  	s28 =	smov.u32 s31;
	s26 =	sshra.s32 s30, $0x2;
	[sflag:s14] =	ssyncset.done $0x0  }
0x43: {  	s28 =	sadd.s32 $0x13C80, s26;
	[sflag:s14] =	ssyncadd.s32 $0xFFFFC000  }
0x44: {  	[tilespmem:s19], [sflag:$0x2] =	stream.indirect.gather [hbm4b:s1+s17], $0x80, s28, s17, $0xb8;
	[tilespmem:$0x1E400] =	vst v63  }
0x45: {  	_ =	swait.ge [sflag:s20], $0x4000  }
0x46: {  	[sflag:s20] =	ssyncset.done $0x0  }
0x47: {  	s28 =	sadd.s32 $0x15000, s26;
	[sflag:s20] =	ssyncadd.s32 $0xFFFFC000  }
0x48: {  	[spmem:s2] =	stream.indirect.scatter.add.f32 [tilespmem:s18], [sflag:$0x3], $0x80, s28, s17, $0xb8;
	[tilespmem:$0x1E400] =	vst v63  }
0x49: {  	_ =	swait.ge [sflag:s14], $0x4000  }
0x4a: {  	[sflag:s14] =	ssyncset.done $0x0  }
0x4b: {  	s28 =	sadd.s32 $0x13D00, s26;
	[sflag:s14] =	ssyncadd.s32 $0xFFFFC000  }
0x4c: {  	[tilespmem:s18], [sflag:$0x1] =	stream.indirect.gather [hbm4b:s1+s17], $0x80, s28, s17, $0xb8;
	[tilespmem:$0x1E400] =	vst v63  }
0x4d: {  	_ =	swait.ge [sflag:s21], $0x4000  }
0x4e: {  	[sflag:s21] =	ssyncset.done $0x0  }
0x4f: {  	s29 =	sadd.s32 $0x15080, s26;
	[sflag:s21] =	ssyncadd.s32 $0xFFFFC000  }
0x50: {  	[spmem:s2] =	stream.indirect.scatter.add.f32 [tilespmem:s19], [sflag:$0x3], $0x80, s29, s17, $0xb8;
	[tilespmem:$0x1E400] =	vst v63  }
0x51: {  	_ =	swait.ge [sflag:s14], $0x4000  }
0x52: {  	[sflag:s14] =	ssyncset.done $0x0  }
0x53: {  	[sflag:s14] =	ssyncadd.s32 $0xFFFFC000  }
0x54: {  	[tilespmem:s19], [sflag:$0x2] =	stream.indirect.gather [hbm4b:s1+s17], $0x80, s22, s17, $0xb8;
	[tilespmem:$0x1E400] =	vst v63  }
0x55: {  	_ =	swait.ge [sflag:s20], $0x4000  }
0x56: {  	[sflag:s20] =	ssyncset.done $0x0  }
0x57: {  	[sflag:s20] =	ssyncadd.s32 $0xFFFFC000  }
0x58: {  	[spmem:s2] =	stream.indirect.scatter.add.f32 [tilespmem:s18], [sflag:$0x3], $0x80, s23, s17, $0xb8;
	[tilespmem:$0x1E400] =	vst v63  }
0x59: {  	_ =	swait.ge [sflag:s14], $0x4000  }
0x5a: {  	[sflag:s14] =	ssyncset.done $0x0  }
0x5b: {  	[sflag:s14] =	ssyncadd.s32 $0xFFFFC000  }
0x5c: {  	_ =	swait.ge [sflag:s21], $0x4000  }
0x5d: {  	[sflag:s21] =	ssyncset.done $0x0  }
0x5e: {  	[sflag:s21] =	ssyncadd.s32 $0xFFFFC000  }
0x5f: {  	[spmem:s2] =	stream.indirect.scatter.add.f32 [tilespmem:s19], [sflag:$0x3], $0x80, s24, s17, $0xb8;
	[tilespmem:$0x1E400] =	vst v63  }
0x60: {  	_ =	swait.ge [sflag:s14], $0x4000  }
0x61: {  	[sflag:s14] =	ssyncset.done $0x0  }
0x62: {  	s30 =	simm.s32 $0x0;
	[sflag:s14] =	ssyncadd.s32 $0xFFFFC000  }
0x63: {  	[tilespmem:s15], [sflag:$0x3] =	stream.linear.gather [hbm4b:s9+s30], $0x1400, $0x38;
	[tilespmem:$0x1E400] =	vst v63  }
0x64: {  	_ =	swait.ge [sflag:s14], $0x1400  }
0x65: {  	[sflag:s14] =	ssyncset.done $0x0  }
0x66: {  	[sflag:s14] =	ssyncadd.s32 $0xFFFFEC00  }
0x67: {  	[tilespmem:s16], [sflag:$0x3] =	stream.linear.gather [hbm4b:s10+s30], $0x1400, $0x38;
	[tilespmem:$0x1E400] =	vst v63  }
0x68: {  	_ =	swait.ge [sflag:s14], $0x1400  }
0x69: {  	[sflag:s14] =	ssyncset.done $0x0  }
0x6a: {  	[sflag:s14] =	ssyncadd.s32 $0xFFFFEC00  }
0x6b: {  	[tilespmem:s18], [sflag:$0x1] =	stream.indirect.gather [hbm4b:s1+s17], $0x80, s15, s17, $0xb8;
	[tilespmem:$0x1E400] =	vst v63  }
0x6c: {  	s31 =	simm.s32 $0x13C80  }
0x6d: {  	[tilespmem:s19], [sflag:$0x2] =	stream.indirect.gather [hbm4b:s1+s17], $0x80, s31, s17, $0xb8;
	[tilespmem:$0x1E400] =	vst v63  }
0x6e: {  	_ =	swait.ge [sflag:s20], $0x4000  }
0x6f: {  	[sflag:s20] =	ssyncset.done $0x0  }
0x70: {  	s29 =	simm.s32 $0x15000;
	[sflag:s20] =	ssyncadd.s32 $0xFFFFC000  }
0x71: {  	[spmem:s2] =	stream.indirect.scatter.add.f32 [tilespmem:s18], [sflag:$0x3], $0x80, s29, s17, $0xb8;
	[tilespmem:$0x1E400] =	vst v63  }
0x72: {  	_ =	swait.ge [sflag:s14], $0x4000  }
0x73: {  	[sflag:s14] =	ssyncset.done $0x0  }
0x74: {  	s30 =	simm.s32 $0x13D00;
	[sflag:s14] =	ssyncadd.s32 $0xFFFFC000  }
0x75: {  	[tilespmem:s18], [sflag:$0x1] =	stream.indirect.gather [hbm4b:s1+s17], $0x80, s30, s17, $0xb8;
	[tilespmem:$0x1E400] =	vst v63  }
0x76: {  	_ =	swait.ge [sflag:s21], $0x4000  }
0x77: {  	[sflag:s21] =	ssyncset.done $0x0  }
0x78: {  	s31 =	simm.s32 $0x15080;
	[sflag:s21] =	ssyncadd.s32 $0xFFFFC000  }
0x79: {  	[spmem:s2] =	stream.indirect.scatter.add.f32 [tilespmem:s19], [sflag:$0x3], $0x80, s31, s17, $0xb8;
	[tilespmem:$0x1E400] =	vst v63  }
0x7a: {  	_ =	swait.ge [sflag:s14], $0x4000  }
0x7b: {  	s26 =	simm.s32 $0x100;
	s28 =	simm.s32 $0x800;
	[sflag:s14] =	ssyncset.done $0x0  }
.LBB2_4:
0x7c: {  	s29 =	sadd.s32 $0x13C80, s26  }
0x7d: {  	[sflag:s14] =	ssyncadd.s32 $0xFFFFC000;
	s30 =	smov.u32 s28;
	s31 =	sadd.s32 $0x400, s28  }
0x7e: {  	[tilespmem:s19], [sflag:$0x2] =	stream.indirect.gather [hbm4b:s1+s17], $0x80, s29, s17, $0xb8;
	[tilespmem:$0x1E400] =	vst v63  }
0x7f: {  	p0 =	sne.s32 s28, $0x4800;
	_ =	swait.ge [sflag:s20], $0x4000  }
0x80: {  	[sflag:s20] =	ssyncset.done $0x0  }
0x81: {  	s28 =	sadd.s32 $0x15000, s26;
	[sflag:s20] =	ssyncadd.s32 $0xFFFFC000  }
0x82: {  	[spmem:s2] =	stream.indirect.scatter.add.f32 [tilespmem:s18], [sflag:$0x3], $0x80, s28, s17, $0xb8;
	[tilespmem:$0x1E400] =	vst v63  }
0x83: {  	_ =	swait.ge [sflag:s14], $0x4000  }
0x84: {  	[sflag:s14] =	ssyncset.done $0x0  }
0x85: {  	s28 =	sadd.s32 $0x13D00, s26;
	[sflag:s14] =	ssyncadd.s32 $0xFFFFC000  }
0x86: {  	[tilespmem:s18], [sflag:$0x1] =	stream.indirect.gather [hbm4b:s1+s17], $0x80, s28, s17, $0xb8;
	[tilespmem:$0x1E400] =	vst v63  }
0x87: {  	_ =	swait.ge [sflag:s21], $0x4000  }
.Ltmp1:
0x88: {  	[sflag:s21] =	ssyncset.done $0x0;
	(pc) =	sbr.rel @p0 .LBB2_4-.Ltmp1, $4  }
0x89: {  	s26 =	sadd.s32 $0x15080, s26;
	[sflag:s21] =	ssyncadd.s32 $0xFFFFC000  }
0x8a: {  	[spmem:s2] =	stream.indirect.scatter.add.f32 [tilespmem:s19], [sflag:$0x3], $0x80, s26, s17, $0xb8;
	[tilespmem:$0x1E400] =	vst v63  }
0x8b: {  	_ =	swait.ge [sflag:s14], $0x4000  }
0x8c: {  	s28 =	smov.u32 s31;
	s26 =	sshra.s32 s30, $0x2;
	[sflag:s14] =	ssyncset.done $0x0  }
0x8d: {  	s28 =	sadd.s32 $0x13C80, s26;
	[sflag:s14] =	ssyncadd.s32 $0xFFFFC000  }
0x8e: {  	[tilespmem:s19], [sflag:$0x2] =	stream.indirect.gather [hbm4b:s1+s17], $0x80, s28, s17, $0xb8;
	[tilespmem:$0x1E400] =	vst v63  }
0x8f: {  	_ =	swait.ge [sflag:s20], $0x4000  }
0x90: {  	[sflag:s20] =	ssyncset.done $0x0  }
0x91: {  	s29 =	sadd.s32 $0x15000, s26;
	[sflag:s20] =	ssyncadd.s32 $0xFFFFC000  }
0x92: {  	[spmem:s2] =	stream.indirect.scatter.add.f32 [tilespmem:s18], [sflag:$0x3], $0x80, s29, s17, $0xb8;
	[tilespmem:$0x1E400] =	vst v63  }
0x93: {  	_ =	swait.ge [sflag:s14], $0x4000  }
0x94: {  	[sflag:s14] =	ssyncset.done $0x0  }
0x95: {  	s30 =	sadd.s32 $0x13D00, s26;
	[sflag:s14] =	ssyncadd.s32 $0xFFFFC000  }
0x96: {  	[tilespmem:s18], [sflag:$0x1] =	stream.indirect.gather [hbm4b:s1+s17], $0x80, s30, s17, $0xb8;
	[tilespmem:$0x1E400] =	vst v63  }
0x97: {  	_ =	swait.ge [sflag:s21], $0x4000  }
0x98: {  	[sflag:s21] =	ssyncset.done $0x0  }
0x99: {  	s31 =	sadd.s32 $0x15080, s26;
	[sflag:s21] =	ssyncadd.s32 $0xFFFFC000  }
0x9a: {  	[spmem:s2] =	stream.indirect.scatter.add.f32 [tilespmem:s19], [sflag:$0x3], $0x80, s31, s17, $0xb8;
	[tilespmem:$0x1E400] =	vst v63  }
0x9b: {  	_ =	swait.ge [sflag:s14], $0x4000  }
0x9c: {  	[sflag:s14] =	ssyncset.done $0x0  }
0x9d: {  	[sflag:s14] =	ssyncadd.s32 $0xFFFFC000  }
0x9e: {  	[tilespmem:s19], [sflag:$0x2] =	stream.indirect.gather [hbm4b:s1+s17], $0x80, s22, s17, $0xb8;
	[tilespmem:$0x1E400] =	vst v63  }
0x9f: {  	_ =	swait.ge [sflag:s20], $0x4000  }
0xa0: {  	[sflag:s20] =	ssyncset.done $0x0  }
0xa1: {  	[sflag:s20] =	ssyncadd.s32 $0xFFFFC000  }
0xa2: {  	[spmem:s2] =	stream.indirect.scatter.add.f32 [tilespmem:s18], [sflag:$0x3], $0x80, s23, s17, $0xb8;
	[tilespmem:$0x1E400] =	vst v63  }
0xa3: {  	_ =	swait.ge [sflag:s14], $0x4000  }
0xa4: {  	[sflag:s14] =	ssyncset.done $0x0  }
0xa5: {  	[sflag:s14] =	ssyncadd.s32 $0xFFFFC000  }
0xa6: {  	_ =	swait.ge [sflag:s21], $0x4000  }
0xa7: {  	[sflag:s21] =	ssyncset.done $0x0  }
0xa8: {  	[sflag:s21] =	ssyncadd.s32 $0xFFFFC000  }
0xa9: {  	[spmem:s2] =	stream.indirect.scatter.add.f32 [tilespmem:s19], [sflag:$0x3], $0x80, s24, s17, $0xb8;
	[tilespmem:$0x1E400] =	vst v63  }
0xaa: {  	_ =	swait.ge [sflag:s14], $0x4000  }
0xab: {  	s25 =	sadd.s32 $0x1, s25;
	[sflag:s14] =	ssyncset.done $0x0  }
0xac: {  	p0 =	sne.s32 s25, s12;
	[sflag:s14] =	ssyncadd.s32 $0xFFFFC000  }
.Ltmp2:
0xad: {  	[bflag:$0x0] =	sbarrier.arrive $0xFFFF;
	(pc) =	sbr.rel @p0 .LBB2_1-.Ltmp2, $4  }
0xae: {  	[hbm:s11], [sflag:s6] =	dma.local [spmem:s13], $0x2780  }
0xaf: {  	_ =	swait.ge [sflag:s14], $0x2780  }
0xb0: {  	[sflag:s14] =	ssyncset.done $0x0  }
0xb1: {  	[sflag:s14] =	ssyncadd.s32 $0xFFFFD880  }
0xb2: {  	_ =	sfence.sel $0x180000  }
0xb3: {  	[bflag:$0x0] =	sbarrier.arrive $0xFFFF  }
0xb4: {  	p0 =	sne.s32 s3, $0x0;
	_ =	strace $0x90000047  }
0xb5: {  	s0 =	sadd.s32 @!p0 $0x100000, s0;
	[bflag:$0x2] =	sbarrier.arrive $0xFFFF  }
0xb6: {  	[sflag:s0] =	ssyncadd.tile.s32 @!p0 $0x1;
	_ =	shalt  }
.Lfunc_end2:
_tile_overlayer_lowered:
.L_overlay_start_2:
0xb7: {  	(tag) =	ssettag $0x2  }
0xb8: {  	s0 =	rddreg [dreg:$0x0];
	s2 =	stileid.u32  }
0xb9: {  	s1 =	rddreg [dreg:$0x1];
	p0 =	sne.s32 s2, $0x0  }
0xba: {  	s3 =	rddreg [dreg:$0x2];
	[bflag:$0x3] =	sbarrier.arrive $0xFFFF;
	s2 =	simm.s32 @!p0 $0x1C03  }
0xbb: {  	[timem:s3], [sflag:s2] =	dma.local @!p0 [hbm:s0], s1  }
0xbc: {  	s0 =	simm.s32 @!p0 $0x3  }
0xbd: {  	_ =	swait.ge @!p0 [sflag:s0], s1  }
0xbe: {  	s1 =	ssub.s32 @!p0 $0x0, s1;
	[sflag:s0] =	ssyncset.done @!p0 $0x0  }
0xbf: {  	[sflag:s0] =	ssyncadd.s32 @!p0 s1  }
0xc0: {  	[bflag:$0x3] =	sbarrier.arrive $0xFFFF  }
0xc1: {  	_ =	shalt  }

// kernel: kernel.19.cloned.1.call-start
scs
__scs_entry_jumppad:
0x0: {  	(pc) =	sbr.rel $0x88, $3  }
0x1: {  	(tag) =	ssettag $0x0;
	lr =	simm.s32 $0x1  }
0x2: {  	[smem:$0x3F92] =	sst lr;
	_ =	strace $0xD0000000  }
0x3: {  	_ = 	snop  }
0x4: {  	_ = 	snop  }
0x5: {  	_ = 	snop  }
0x6: {  	_ = 	snop  }
0x7: {  	_ = 	snop  }
__scs_overlays_trampoline_lowered:
0x8: {  	[smem:$0x3FA1] =	sst s0  }
0x9: {  	[smem:$0x3FA2] =	sst s1  }
0xa: {  	[smem:$0x3FA3] =	sst s2  }
0xb: {  	[smem:$0x3FA4] =	sst s3  }
0xc: {  	[smem:$0x3FA5] =	sst s4  }
0xd: {  	[smem:$0x3FA6] =	sst s5  }
0xe: {  	[smem:$0x3FA7] =	sst s6  }
0xf: {  	[smem:$0x3FA8] =	sst s7  }
0x10: {  	[smem:$0x3FA9] =	sst s8  }
0x11: {  	[smem:$0x3FAA] =	sst s9;
	s0 =	simm.s32 @!p0 $0x0  }
0x12: {  	s1 =	sld [smem:$0x3F90];
	s0 =	simm.s32 @p0 $0x1  }
0x13: {  	[smem:$0x3FAB] =	sst s0;
	s0 =	simm.s32 @!p1 $0x0  }
0x14: {  	s2 =	sld [smem:$0x3F8F];
	s0 =	simm.s32 @p1 $0x1  }
0x15: {  	[smem:$0x3FAC] =	sst s0;
	s0 =	simm.s32 @!p2 $0x0  }
0x16: {  	s3 =	sld [smem:$0x3FDB];
	s0 =	simm.s32 @p2 $0x1  }
0x17: {  	s4 =	simm.s32 $0x1BF5;
	[smem:$0x3FAE] =	sst s0  }
0x18: {  	s0 =	sld [smem:$0x3F91];
	_ =	swait.ge [sflag:s4], $0x0  }
0x19: {  	s7 =	sld [smem:$0x3F92]  }
0x1a: {  	s8 =	sadd.s32 $0xFFFFE003, lr  }
0x1b: {  	s9 =	sadd.s32 $0xFFFFFEF7, lr;
	s5 =	simm.s32 $0xFFFFFFFF;
	p2 =	slt.u32 s8, $0xFFFFF086  }
0x1c: {  	p1 =	slt.u32 s9, $0xF7A;
	s5 =	simm.s32 @!p2 $0x0  }
0x1d: {  	s5 =	simm.s32 @p1 $0x1;
	p0 =	seq.s32 s7, s2  }
0x1e: {  	s7 =	smul.u32 @!p0 $0xF7A, s2;
	p2 =	seq.s32 @!p0 s5, $0x0  }
0x1f: {  	s9 =	smul.u32 $0xF7A, s1;
	s8 =	simm.s32 @!p0 $0x1BF5;
	p2 =	por !p2, p0  }
0x20: {  	[sflag:s8] =	ssyncset.s32 @!p0 $0xFFFFF086;
	s6 =	sadd.s32 @!p0 s3, s7;
	s7 =	simm.s32 @!p0 $0x108  }
0x21: {  	s3 =	sadd.s32 s3, s9;
	s6 =	sadd.s32 @!p0 $0x88, s6;
	s7 =	simm.s32 @p2 $0x1082  }
0x22: {  	[simem:s7], [sflag:s8] =	dma.local @!p0 [hbm:s6], $0xF7A  }
0x23: {  	s9 =	sor.u32 $0xD0000000, s2;
	s6 =	simm.s32 $0x108;
	_ =	swait.ge @!p0 [sflag:s8], $0x0  }
0x24: {  	s3 =	sadd.s32 $0x88, s3;
	s6 =	simm.s32 @!p1 $0x1082;
	[sflag:s4] =	ssyncset.s32 $0xFFFFF086  }
0x25: {  	[simem:s6], [sflag:s4] =	dma.local [hbm:s3], $0xF7A  }
0x26: {  	[smem:$0x3F92] =	sst s1;
	(tag) =	ssettag s2;
	_ =	strace s9  }
0x27: {  	s1 =	sld [smem:$0x3FA2]  }
0x28: {  	s2 =	sld [smem:$0x3FA3]  }
0x29: {  	s4 =	sld [smem:$0x3FA5]  }
0x2a: {  	p0 =	seq.s32 s5, $0x0;
	s5 =	sld [smem:$0x3FA6]  }
0x2b: {  	s6 =	sld [smem:$0x3FA7]  }
0x2c: {  	s7 =	sld [smem:$0x3FA8]  }
0x2d: {  	s3 =	simm.s32 $0x108;
	s8 =	sld [smem:$0x3FA9]  }
0x2e: {  	s3 =	simm.s32 @!p0 $0x1082;
	s9 =	sld [smem:$0x3FAA]  }
0x2f: {  	lr =	sadd.s32 s0, s3;
	s0 =	sld [smem:$0x3FA1]  }
0x30: {  	s3 =	sld [smem:$0x3FA4]  }
0x31: {  	[smem:$0x3FAD] =	sst s10  }
0x32: {  	s10 =	sld [smem:$0x3FAB];
	_ =	sdelay $0x3  }
0x33: {  	p0 =	seq.s32 s10, $0x1;
	s10 =	sld [smem:$0x3FAD];
	_ =	sdelay $0x3  }
0x34: {  	[smem:$0x3FAD] =	sst s10  }
0x35: {  	s10 =	sld [smem:$0x3FAC];
	_ =	sdelay $0x3  }
0x36: {  	p1 =	seq.s32 s10, $0x1;
	s10 =	sld [smem:$0x3FAD];
	_ =	sdelay $0x3  }
0x37: {  	[smem:$0x3FAD] =	sst s10  }
0x38: {  	s10 =	sld [smem:$0x3FAE]  }
0x39: {  	_ = 	snop;
	(pc) =	sbr.ind lr, $3  }
0x3a: {  	_ = 	snop  }
0x3b: {  	_ = 	snop  }
0x3c: {  	p2 =	seq.s32 s10, $0x1;
	s10 =	sld [smem:$0x3FAD]  }
0x3d: {  	_ =	shalt  }
0x3e: {  	_ =	shalt  }
0x3f: {  	_ =	shalt  }
0x40: {  	_ =	shalt  }
0x41: {  	_ =	shalt  }
0x42: {  	_ =	shalt  }
0x43: {  	_ =	shalt  }
0x44: {  	_ =	shalt  }
0x45: {  	_ =	shalt  }
0x46: {  	_ =	shalt  }
0x47: {  	_ =	shalt  }
0x48: {  	_ =	shalt  }
0x49: {  	_ =	shalt  }
0x4a: {  	_ =	shalt  }
0x4b: {  	_ =	shalt  }
0x4c: {  	_ =	shalt  }
0x4d: {  	_ =	shalt  }
0x4e: {  	_ =	shalt  }
0x4f: {  	_ =	shalt  }
0x50: {  	_ =	shalt  }
0x51: {  	_ =	shalt  }
0x52: {  	_ =	shalt  }
0x53: {  	_ =	shalt  }
0x54: {  	_ =	shalt  }
0x55: {  	_ =	shalt  }
0x56: {  	_ =	shalt  }
0x57: {  	_ =	shalt  }
0x58: {  	_ =	shalt  }
0x59: {  	_ =	shalt  }
0x5a: {  	_ =	shalt  }
0x5b: {  	_ =	shalt  }
0x5c: {  	_ =	shalt  }
0x5d: {  	_ =	shalt  }
0x5e: {  	_ =	shalt  }
0x5f: {  	_ =	shalt  }
0x60: {  	_ =	shalt  }
0x61: {  	_ =	shalt  }
0x62: {  	_ =	shalt  }
0x63: {  	_ =	shalt  }
0x64: {  	_ =	shalt  }
0x65: {  	_ =	shalt  }
0x66: {  	_ =	shalt  }
0x67: {  	_ =	shalt  }
0x68: {  	_ =	shalt  }
0x69: {  	_ =	shalt  }
0x6a: {  	_ =	shalt  }
0x6b: {  	_ =	shalt  }
0x6c: {  	_ =	shalt  }
0x6d: {  	_ =	shalt  }
0x6e: {  	_ =	shalt  }
0x6f: {  	_ =	shalt  }
0x70: {  	_ =	shalt  }
0x71: {  	_ =	shalt  }
0x72: {  	_ =	shalt  }
0x73: {  	_ =	shalt  }
0x74: {  	_ =	shalt  }
0x75: {  	_ =	shalt  }
0x76: {  	_ =	shalt  }
0x77: {  	_ =	shalt  }
0x78: {  	_ =	shalt  }
0x79: {  	_ =	shalt  }
0x7a: {  	_ =	shalt  }
0x7b: {  	_ =	shalt  }
0x7c: {  	_ =	shalt  }
0x7d: {  	_ =	shalt  }
0x7e: {  	_ =	shalt  }
0x7f: {  	_ =	shalt  }
0x80: {  	_ =	shalt  }
0x81: {  	_ =	shalt  }
0x82: {  	_ =	shalt  }
0x83: {  	_ =	shalt  }
0x84: {  	_ =	shalt  }
0x85: {  	_ =	shalt  }
0x86: {  	_ =	shalt  }
0x87: {  	_ =	shalt  }
.Lfunc_end0:
.L_simem_size_0:
called_computation.1_lowered:
.L_overlay_start_0:
0x88: {  	s2 =	sld [smem:$0x3FD9]  }
0x89: {  	s3 =	sld [smem:$0x3FFE];
	_ =	sdelay $0x1  }
0x8a: {  	s1 =	srdreg.scid  }
0x8b: {  	s0 =	sand.u32 $0x1, s1  }
0x8c: {  	s14 =	sshll.u32 s0, $0xA;
	s2 =	sadd.s32 s3, s2  }
0x8d: {  	s2 =	sadd.s32 s2, s14  }
0x8e: {  	[smem:$0x3FB9] =	sst s2  }
0x8f: {  	_ = 	snop  }
0x90: {  	s2 =	sld [smem:$0x3FD0];
	_ =	sdelay $0x2  }
0x91: {  	s15 =	simm.s32 $0xA;
	s4 =	simm.s32 $0x10  }
0x92: {  	[smem:s4], [sflag:s15] =	dma.local [hbm:s2], $0x1  }
0x93: {  	_ =	swait.eq [sflag:s15], $0x1  }
0x94: {  	[sflag:s15] =	ssyncset.done $0x0  }
0x95: {  	s16 =	sld [smem:$0x11];
	[sflag:s15] =	ssyncadd.s32 $0xFFFFFFFF  }
0x96: {  	s17 =	sld [smem:$0x13];
	(tm) =	ssettm $0x1  }
0x97: {  	s18 =	sld [smem:$0x3FFB];
	_ =	sdelay $0x3  }
0x98: {  	_ =	strace s18  }
0x99: {  	s4 =	sld [smem:$0x3FFC];
	_ =	sdelay $0x3  }
0x9a: {  	_ =	strace s4  }
0x9b: {  	s4 =	sld [smem:$0x3FFD];
	_ =	sdelay $0x3  }
0x9c: {  	_ =	strace s4  }
0x9d: {  	_ =	strace $0x8FFFFFFF  }
0x9e: {  	s19 =	sld [smem:$0x3FDB];
	_ =	sdelay $0x1  }
0x9f: {  	s5 =	simm.s32 $_scs_section_size  }
0xa0: {  	s6 =	simm.s32 $_size__tile_overlayer_lowered;
	s7 =	simm.s32 $_tile_overlayer_lowered  }
0xa1: {  	s22 =	simm.s32 $0x1BFF;
	s21 =	sshll.u32 s7, $0x1;
	s4 =	sadd.s32 s5, s19  }
0xa2: {  	s8 =	simm.s32 $0x0;
	s20 =	sshll.u32 s6, $0x1;
	s6 =	sadd.s32 s21, s4  }
0xa3: {  	[timem:s8], [sflag:s22] =	dma.local [hbm:s6], s20  }
0xa4: {  	_ =	swait.ge [sflag:s22], s20  }
0xa5: {  	s5 =	ssub.s32 $0x0, s20;
	[sflag:s22] =	ssyncset.done $0x0  }
0xa6: {  	[sflag:s22] =	ssyncadd.s32 s5;
	_ =	sdelay $0x1  }
0xa7: {  	s23 =	simm.s32 $0x1B8B  }
0xa8: {  	_ =	swait.ge [sflag:s23], $0x1  }
0xa9: {  	[sflag:s23] =	ssyncset.done $0x0  }
0xaa: {  	s25 =	simm.s32 $0x1B8E;
	s24 =	sld [smem:$0x3FFE];
	[sflag:s23] =	ssyncadd.s32 $0xFFFFFFFF  }
0xab: {  	s26 =	simm.s32 $execute0_lowered;
	[smem:$0x3FD2] =	sst s25  }
0xac: {  	s6 =	sshll.u32 s26, $0x1;
	_ =	strace $0x80000049;
	[dreg:$0x1] =	wrdreg $0xFFFFFFFF  }
0xad: {  	s28 =	simm.s32 $_size_execute0_lowered;
	s4 =	sadd.s32 s4, s6;
	[dreg:$0x0] =	wrdreg $0x0  }
0xae: {  	s6 =	sshll.u32 s28, $0x1;
	[dreg:$0x2] =	wrdreg s4  }
0xaf: {  	[dreg:$0x3] =	wrdreg s6  }
0xb0: {  	[dreg:$0x4] =	wrdreg $0xC0  }
0xb1: {  	_ =	task [dreg:s8], $0x5FFFF  }
0xb2: {  	[dreg:$0x1] =	wrdreg $0xFFFFFFFF  }
0xb3: {  	[dreg:$0x0] =	wrdreg $0x60  }
0xb4: {  	[dreg:$0x2] =	wrdreg s16  }
0xb5: {  	[dreg:$0x3] =	wrdreg s17  }
0xb6: {  	[dreg:$0x4] =	wrdreg s24  }
0xb7: {  	[dreg:$0x5] =	wrdreg $0x0  }
0xb8: {  	[dreg:$0x6] =	wrdreg $0x9  }
0xb9: {  	_ =	task.clear_ibuf [dreg:s8], $0x7FFFF;
	_ =	strace $0x90000049  }
0xba: {  	s29 =	simm.s32 $0x9;
	_ =	strace $0x8000004B  }
0xbb: {  	_ =	swait.ge [sflag:s29], $0x1  }
0xbc: {  	[sflag:s29] =	ssyncadd.s32 $0xFFFFFFFF  }
0xbd: {  	_ =	strace $0x9000004B  }
0xbe: {  	_ =	sfence  }
0xbf: {  	s30 =	sld [smem:$0x0];
	_ =	sdelay $0x2  }
0xc0: {  	s31 =	sshll.u32 s1, $0xD;
	s1 =	sshrl.u32 s1, $0x2  }
0xc1: {  	s3 =	sand.u32 $0x4000, s31;
	s1 =	sadd.s32 s1, s30  }
0xc2: {  	s0 =	sor.u32 s3, s0;
	s1 =	sshll.u32 s1, $0x11  }
0xc3: {  	s0 =	sor.u32 s1, s0  }
0xc4: {  	s0 =	sadd.s32 $0x8F2B, s0  }
0xc5: {  	[sflag:s0] =	ssyncadd.remote.s32 $0x1  }
0xc6: {  	_ =	sfence.sel $0xFFFF  }
0xc7: {  	[dreg:$0x0] =	wrdreg $0xFFFFFFFF;
	(pc) =	sbr.abs _section_cstart, $3  }
0xc8: {  	[dreg:$0x1] =	wrdreg $0xFFFFFFFF  }
0xc9: {  	_ =	task.clear_ibuf [dreg:s8], $0x2FFFF;
	_ =	strace $0x9FFFFFFF  }
0xca: {  	(tm) =	ssettm $0x7FFFFFFF  }
0xcb: {  	_ =	shalt  }
tec
execute0_lowered:
.L_overlay_start_1:
0x0: {  	(tag) =	ssettag $0x1  }
0x1: {  	s1 =	rddreg [dreg:$0x0]  }
0x2: {  	s9 =	rddreg [dreg:$0x1]  }
0x3: {  	s6 =	rddreg [dreg:$0x2]  }
0x4: {  	s2 =	rddreg [dreg:$0x3];
	s3 =	srdreg.scid  }
0x5: {  	s0 =	rddreg [dreg:$0x4];
	s4 =	simm.s32 $0x0;
	s15 =	simm.s32 $0x13C00  }
0x6: {  	s16 =	simm.s32 $0x15000;
	s17 =	simm.s32 $0x80;
	s18 =	simm.s32 $0x16400  }
0x7: {  	s19 =	simm.s32 $0x1A400;
	s20 =	simm.s32 $0x1;
	s21 =	simm.s32 $0x2  }
0x8: {  	s22 =	simm.s32 $0x14F80;
	s7 =	sand.u32 $0x1, s3;
	s3 =	stileid.u32  }
0x9: {  	s23 =	simm.s32 $0x16300;
	[smem:$0x7FF] =	sst s4;
	s8 =	smul.u32 $0x13C000, s7  }
0xa: {  	s11 =	sadd.s32 $0x5E00, s6;
	s5 =	sadd.s32 $0xFE00, s6;
	s10 =	smul.u32 $0x13C00, s3  }
0xb: {  	_ =	strace $0x8000004A;
	s24 =	sshll.u32 s3, $0x1;
	s12 =	ssub.s32 $0x2, s7  }
0xc: {  	s25 =	smul.u32 $0x4F000, s3;
	s29 =	sshll.u32 s3, $0x6;
	s7 =	sor.u32 s7, s24  }
0xd: {  	s13 =	sshrl.u32 s12, $0x1;
	s24 =	simm.s32 $0x16380;
	s8 =	sadd.s32 s10, s8  }
0xe: {  	s7 =	smul.u32 $0x2800, s7;
	s12 =	ssub.s32 s12, s13;
	s26 =	sshrl.u32 s25, $0x2  }
0xf: {  	s25 =	simm.s32 $0x0;
	s8 =	sshrl.u32 s8, $0x3;
	s28 =	sadd.s32 s26, s2  }
0x10: {  	s12 =	smax.u32 s12, $0x1;
	s14 =	sadd.s32 s8, s6;
	s30 =	sshrl.u32 s7, $0x3  }
0x11: {  	s6 =	sor.u32 $0x1C03, s29;
	s13 =	sshrl.u32 s28, $0x3;
	s31 =	sadd.s32 $0x280, s30  }
0x12: {  	s7 =	sadd.s32 s9, s30;
	s8 =	sadd.s32 s11, s30;
	s9 =	sadd.s32 s9, s31  }
0x13: {  	s10 =	sadd.s32 s11, s31;
	s11 =	sadd.s32 $0x12600, s14;
	s14 =	simm.s32 $0x3  }
.LBB2_1:
0x14: {  	[spmem:s13], [sflag:s6] =	dma.local [hbm:s5], $0x2780  }
0x15: {  	_ =	swait.ge [sflag:s14], $0x2780  }
0x16: {  	[sflag:s14] =	ssyncset.done $0x0  }
0x17: {  	[sflag:s14] =	ssyncadd.s32 $0xFFFFD880  }
0x18: {  	[bflag:$0x0] =	sbarrier.arrive $0xFFFF  }
0x19: {  	[tilespmem:s15], [sflag:$0x3] =	stream.linear.gather [hbm4b:s7+s4], $0x1400, $0x38;
	[tilespmem:$0x1E400] =	vst v63  }
0x1a: {  	_ =	swait.ge [sflag:s14], $0x1400  }
0x1b: {  	[sflag:s14] =	ssyncset.done $0x0  }
0x1c: {  	[sflag:s14] =	ssyncadd.s32 $0xFFFFEC00  }
0x1d: {  	[tilespmem:s16], [sflag:$0x3] =	stream.linear.gather [hbm4b:s8+s4], $0x1400, $0x38;
	[tilespmem:$0x1E400] =	vst v63  }
0x1e: {  	_ =	swait.ge [sflag:s14], $0x1400  }
0x1f: {  	[sflag:s14] =	ssyncset.done $0x0  }
0x20: {  	[sflag:s14] =	ssyncadd.s32 $0xFFFFEC00  }
0x21: {  	[tilespmem:s18], [sflag:$0x1] =	stream.indirect.gather [hbm4b:s1+s17], $0x80, s15, s17, $0xb8;
	[tilespmem:$0x1E400] =	vst v63  }
0x22: {  	s26 =	simm.s32 $0x13C80  }
0x23: {  	[tilespmem:s19], [sflag:$0x2] =	stream.indirect.gather [hbm4b:s1+s17], $0x80, s26, s17, $0xb8;
	[tilespmem:$0x1E400] =	vst v63  }
0x24: {  	_ =	swait.ge [sflag:s20], $0x4000  }
0x25: {  	[sflag:s20] =	ssyncset.done $0x0  }
0x26: {  	s29 =	simm.s32 $0x15000;
	[sflag:s20] =	ssyncadd.s32 $0xFFFFC000  }
0x27: {  	[spmem:s2] =	stream.indirect.scatter.add.f32 [tilespmem:s18], [sflag:$0x3], $0x80, s29, s17, $0xb8;
	[tilespmem:$0x1E400] =	vst v63  }
0x28: {  	_ =	swait.ge [sflag:s14], $0x4000  }
0x29: {  	[sflag:s14] =	ssyncset.done $0x0  }
0x2a: {  	s30 =	simm.s32 $0x13D00;
	[sflag:s14] =	ssyncadd.s32 $0xFFFFC000  }
0x2b: {  	[tilespmem:s18], [sflag:$0x1] =	stream.indirect.gather [hbm4b:s1+s17], $0x80, s30, s17, $0xb8;
	[tilespmem:$0x1E400] =	vst v63  }
0x2c: {  	_ =	swait.ge [sflag:s21], $0x4000  }
0x2d: {  	[sflag:s21] =	ssyncset.done $0x0  }
0x2e: {  	s31 =	simm.s32 $0x15080;
	[sflag:s21] =	ssyncadd.s32 $0xFFFFC000  }
0x2f: {  	[spmem:s2] =	stream.indirect.scatter.add.f32 [tilespmem:s19], [sflag:$0x3], $0x80, s31, s17, $0xb8;
	[tilespmem:$0x1E400] =	vst v63  }
0x30: {  	_ =	swait.ge [sflag:s14], $0x4000  }
0x31: {  	s28 =	simm.s32 $0x800;
	s26 =	simm.s32 $0x100;
	[sflag:s14] =	ssyncset.done $0x0  }
.LBB2_2:
0x32: {  	s29 =	sadd.s32 $0x13C80, s26  }
0x33: {  	[sflag:s14] =	ssyncadd.s32 $0xFFFFC000;
	s30 =	smov.u32 s28;
	s31 =	sadd.s32 $0x400, s28  }
0x34: {  	[tilespmem:s19], [sflag:$0x2] =	stream.indirect.gather [hbm4b:s1+s17], $0x80, s29, s17, $0xb8;
	[tilespmem:$0x1E400] =	vst v63  }
0x35: {  	p0 =	sne.s32 s28, $0x4800;
	_ =	swait.ge [sflag:s20], $0x4000  }
0x36: {  	[sflag:s20] =	ssyncset.done $0x0  }
0x37: {  	s28 =	sadd.s32 $0x15000, s26;
	[sflag:s20] =	ssyncadd.s32 $0xFFFFC000  }
0x38: {  	[spmem:s2] =	stream.indirect.scatter.add.f32 [tilespmem:s18], [sflag:$0x3], $0x80, s28, s17, $0xb8;
	[tilespmem:$0x1E400] =	vst v63  }
0x39: {  	_ =	swait.ge [sflag:s14], $0x4000  }
0x3a: {  	[sflag:s14] =	ssyncset.done $0x0  }
0x3b: {  	s28 =	sadd.s32 $0x13D00, s26;
	[sflag:s14] =	ssyncadd.s32 $0xFFFFC000  }
0x3c: {  	[tilespmem:s18], [sflag:$0x1] =	stream.indirect.gather [hbm4b:s1+s17], $0x80, s28, s17, $0xb8;
	[tilespmem:$0x1E400] =	vst v63  }
0x3d: {  	_ =	swait.ge [sflag:s21], $0x4000  }
.Ltmp0:
0x3e: {  	[sflag:s21] =	ssyncset.done $0x0;
	(pc) =	sbr.rel @p0 .LBB2_2-.Ltmp0, $4  }
0x3f: {  	s26 =	sadd.s32 $0x15080, s26;
	[sflag:s21] =	ssyncadd.s32 $0xFFFFC000  }
0x40: {  	[spmem:s2] =	stream.indirect.scatter.add.f32 [tilespmem:s19], [sflag:$0x3], $0x80, s26, s17, $0xb8;
	[tilespmem:$0x1E400] =	vst v63  }
0x41: {  	_ =	swait.ge [sflag:s14], $0x4000  }
0x42: {  	s28 =	smov.u32 s31;
	s26 =	sshra.s32 s30, $0x2;
	[sflag:s14] =	ssyncset.done $0x0  }
0x43: {  	s28 =	sadd.s32 $0x13C80, s26;
	[sflag:s14] =	ssyncadd.s32 $0xFFFFC000  }
0x44: {  	[tilespmem:s19], [sflag:$0x2] =	stream.indirect.gather [hbm4b:s1+s17], $0x80, s28, s17, $0xb8;
	[tilespmem:$0x1E400] =	vst v63  }
0x45: {  	_ =	swait.ge [sflag:s20], $0x4000  }
0x46: {  	[sflag:s20] =	ssyncset.done $0x0  }
0x47: {  	s28 =	sadd.s32 $0x15000, s26;
	[sflag:s20] =	ssyncadd.s32 $0xFFFFC000  }
0x48: {  	[spmem:s2] =	stream.indirect.scatter.add.f32 [tilespmem:s18], [sflag:$0x3], $0x80, s28, s17, $0xb8;
	[tilespmem:$0x1E400] =	vst v63  }
0x49: {  	_ =	swait.ge [sflag:s14], $0x4000  }
0x4a: {  	[sflag:s14] =	ssyncset.done $0x0  }
0x4b: {  	s28 =	sadd.s32 $0x13D00, s26;
	[sflag:s14] =	ssyncadd.s32 $0xFFFFC000  }
0x4c: {  	[tilespmem:s18], [sflag:$0x1] =	stream.indirect.gather [hbm4b:s1+s17], $0x80, s28, s17, $0xb8;
	[tilespmem:$0x1E400] =	vst v63  }
0x4d: {  	_ =	swait.ge [sflag:s21], $0x4000  }
0x4e: {  	[sflag:s21] =	ssyncset.done $0x0  }
0x4f: {  	s29 =	sadd.s32 $0x15080, s26;
	[sflag:s21] =	ssyncadd.s32 $0xFFFFC000  }
0x50: {  	[spmem:s2] =	stream.indirect.scatter.add.f32 [tilespmem:s19], [sflag:$0x3], $0x80, s29, s17, $0xb8;
	[tilespmem:$0x1E400] =	vst v63  }
0x51: {  	_ =	swait.ge [sflag:s14], $0x4000  }
0x52: {  	[sflag:s14] =	ssyncset.done $0x0  }
0x53: {  	[sflag:s14] =	ssyncadd.s32 $0xFFFFC000  }
0x54: {  	[tilespmem:s19], [sflag:$0x2] =	stream.indirect.gather [hbm4b:s1+s17], $0x80, s22, s17, $0xb8;
	[tilespmem:$0x1E400] =	vst v63  }
0x55: {  	_ =	swait.ge [sflag:s20], $0x4000  }
0x56: {  	[sflag:s20] =	ssyncset.done $0x0  }
0x57: {  	[sflag:s20] =	ssyncadd.s32 $0xFFFFC000  }
0x58: {  	[spmem:s2] =	stream.indirect.scatter.add.f32 [tilespmem:s18], [sflag:$0x3], $0x80, s23, s17, $0xb8;
	[tilespmem:$0x1E400] =	vst v63  }
0x59: {  	_ =	swait.ge [sflag:s14], $0x4000  }
0x5a: {  	[sflag:s14] =	ssyncset.done $0x0  }
0x5b: {  	[sflag:s14] =	ssyncadd.s32 $0xFFFFC000  }
0x5c: {  	_ =	swait.ge [sflag:s21], $0x4000  }
0x5d: {  	[sflag:s21] =	ssyncset.done $0x0  }
0x5e: {  	[sflag:s21] =	ssyncadd.s32 $0xFFFFC000  }
0x5f: {  	[spmem:s2] =	stream.indirect.scatter.add.f32 [tilespmem:s19], [sflag:$0x3], $0x80, s24, s17, $0xb8;
	[tilespmem:$0x1E400] =	vst v63  }
0x60: {  	_ =	swait.ge [sflag:s14], $0x4000  }
0x61: {  	[sflag:s14] =	ssyncset.done $0x0  }
0x62: {  	s30 =	simm.s32 $0x0;
	[sflag:s14] =	ssyncadd.s32 $0xFFFFC000  }
0x63: {  	[tilespmem:s15], [sflag:$0x3] =	stream.linear.gather [hbm4b:s9+s30], $0x1400, $0x38;
	[tilespmem:$0x1E400] =	vst v63  }
0x64: {  	_ =	swait.ge [sflag:s14], $0x1400  }
0x65: {  	[sflag:s14] =	ssyncset.done $0x0  }
0x66: {  	[sflag:s14] =	ssyncadd.s32 $0xFFFFEC00  }
0x67: {  	[tilespmem:s16], [sflag:$0x3] =	stream.linear.gather [hbm4b:s10+s30], $0x1400, $0x38;
	[tilespmem:$0x1E400] =	vst v63  }
0x68: {  	_ =	swait.ge [sflag:s14], $0x1400  }
0x69: {  	[sflag:s14] =	ssyncset.done $0x0  }
0x6a: {  	[sflag:s14] =	ssyncadd.s32 $0xFFFFEC00  }
0x6b: {  	[tilespmem:s18], [sflag:$0x1] =	stream.indirect.gather [hbm4b:s1+s17], $0x80, s15, s17, $0xb8;
	[tilespmem:$0x1E400] =	vst v63  }
0x6c: {  	s31 =	simm.s32 $0x13C80  }
0x6d: {  	[tilespmem:s19], [sflag:$0x2] =	stream.indirect.gather [hbm4b:s1+s17], $0x80, s31, s17, $0xb8;
	[tilespmem:$0x1E400] =	vst v63  }
0x6e: {  	_ =	swait.ge [sflag:s20], $0x4000  }
0x6f: {  	[sflag:s20] =	ssyncset.done $0x0  }
0x70: {  	s29 =	simm.s32 $0x15000;
	[sflag:s20] =	ssyncadd.s32 $0xFFFFC000  }
0x71: {  	[spmem:s2] =	stream.indirect.scatter.add.f32 [tilespmem:s18], [sflag:$0x3], $0x80, s29, s17, $0xb8;
	[tilespmem:$0x1E400] =	vst v63  }
0x72: {  	_ =	swait.ge [sflag:s14], $0x4000  }
0x73: {  	[sflag:s14] =	ssyncset.done $0x0  }
0x74: {  	s30 =	simm.s32 $0x13D00;
	[sflag:s14] =	ssyncadd.s32 $0xFFFFC000  }
0x75: {  	[tilespmem:s18], [sflag:$0x1] =	stream.indirect.gather [hbm4b:s1+s17], $0x80, s30, s17, $0xb8;
	[tilespmem:$0x1E400] =	vst v63  }
0x76: {  	_ =	swait.ge [sflag:s21], $0x4000  }
0x77: {  	[sflag:s21] =	ssyncset.done $0x0  }
0x78: {  	s31 =	simm.s32 $0x15080;
	[sflag:s21] =	ssyncadd.s32 $0xFFFFC000  }
0x79: {  	[spmem:s2] =	stream.indirect.scatter.add.f32 [tilespmem:s19], [sflag:$0x3], $0x80, s31, s17, $0xb8;
	[tilespmem:$0x1E400] =	vst v63  }
0x7a: {  	_ =	swait.ge [sflag:s14], $0x4000  }
0x7b: {  	s26 =	simm.s32 $0x100;
	s28 =	simm.s32 $0x800;
	[sflag:s14] =	ssyncset.done $0x0  }
.LBB2_4:
0x7c: {  	s29 =	sadd.s32 $0x13C80, s26  }
0x7d: {  	[sflag:s14] =	ssyncadd.s32 $0xFFFFC000;
	s30 =	smov.u32 s28;
	s31 =	sadd.s32 $0x400, s28  }
0x7e: {  	[tilespmem:s19], [sflag:$0x2] =	stream.indirect.gather [hbm4b:s1+s17], $0x80, s29, s17, $0xb8;
	[tilespmem:$0x1E400] =	vst v63  }
0x7f: {  	p0 =	sne.s32 s28, $0x4800;
	_ =	swait.ge [sflag:s20], $0x4000  }
0x80: {  	[sflag:s20] =	ssyncset.done $0x0  }
0x81: {  	s28 =	sadd.s32 $0x15000, s26;
	[sflag:s20] =	ssyncadd.s32 $0xFFFFC000  }
0x82: {  	[spmem:s2] =	stream.indirect.scatter.add.f32 [tilespmem:s18], [sflag:$0x3], $0x80, s28, s17, $0xb8;
	[tilespmem:$0x1E400] =	vst v63  }
0x83: {  	_ =	swait.ge [sflag:s14], $0x4000  }
0x84: {  	[sflag:s14] =	ssyncset.done $0x0  }
0x85: {  	s28 =	sadd.s32 $0x13D00, s26;
	[sflag:s14] =	ssyncadd.s32 $0xFFFFC000  }
0x86: {  	[tilespmem:s18], [sflag:$0x1] =	stream.indirect.gather [hbm4b:s1+s17], $0x80, s28, s17, $0xb8;
	[tilespmem:$0x1E400] =	vst v63  }
0x87: {  	_ =	swait.ge [sflag:s21], $0x4000  }
.Ltmp1:
0x88: {  	[sflag:s21] =	ssyncset.done $0x0;
	(pc) =	sbr.rel @p0 .LBB2_4-.Ltmp1, $4  }
0x89: {  	s26 =	sadd.s32 $0x15080, s26;
	[sflag:s21] =	ssyncadd.s32 $0xFFFFC000  }
0x8a: {  	[spmem:s2] =	stream.indirect.scatter.add.f32 [tilespmem:s19], [sflag:$0x3], $0x80, s26, s17, $0xb8;
	[tilespmem:$0x1E400] =	vst v63  }
0x8b: {  	_ =	swait.ge [sflag:s14], $0x4000  }
0x8c: {  	s28 =	smov.u32 s31;
	s26 =	sshra.s32 s30, $0x2;
	[sflag:s14] =	ssyncset.done $0x0  }
0x8d: {  	s28 =	sadd.s32 $0x13C80, s26;
	[sflag:s14] =	ssyncadd.s32 $0xFFFFC000  }
0x8e: {  	[tilespmem:s19], [sflag:$0x2] =	stream.indirect.gather [hbm4b:s1+s17], $0x80, s28, s17, $0xb8;
	[tilespmem:$0x1E400] =	vst v63  }
0x8f: {  	_ =	swait.ge [sflag:s20], $0x4000  }
0x90: {  	[sflag:s20] =	ssyncset.done $0x0  }
0x91: {  	s29 =	sadd.s32 $0x15000, s26;
	[sflag:s20] =	ssyncadd.s32 $0xFFFFC000  }
0x92: {  	[spmem:s2] =	stream.indirect.scatter.add.f32 [tilespmem:s18], [sflag:$0x3], $0x80, s29, s17, $0xb8;
	[tilespmem:$0x1E400] =	vst v63  }
0x93: {  	_ =	swait.ge [sflag:s14], $0x4000  }
0x94: {  	[sflag:s14] =	ssyncset.done $0x0  }
0x95: {  	s30 =	sadd.s32 $0x13D00, s26;
	[sflag:s14] =	ssyncadd.s32 $0xFFFFC000  }
0x96: {  	[tilespmem:s18], [sflag:$0x1] =	stream.indirect.gather [hbm4b:s1+s17], $0x80, s30, s17, $0xb8;
	[tilespmem:$0x1E400] =	vst v63  }
0x97: {  	_ =	swait.ge [sflag:s21], $0x4000  }
0x98: {  	[sflag:s21] =	ssyncset.done $0x0  }
0x99: {  	s31 =	sadd.s32 $0x15080, s26;
	[sflag:s21] =	ssyncadd.s32 $0xFFFFC000  }
0x9a: {  	[spmem:s2] =	stream.indirect.scatter.add.f32 [tilespmem:s19], [sflag:$0x3], $0x80, s31, s17, $0xb8;
	[tilespmem:$0x1E400] =	vst v63  }
0x9b: {  	_ =	swait.ge [sflag:s14], $0x4000  }
0x9c: {  	[sflag:s14] =	ssyncset.done $0x0  }
0x9d: {  	[sflag:s14] =	ssyncadd.s32 $0xFFFFC000  }
0x9e: {  	[tilespmem:s19], [sflag:$0x2] =	stream.indirect.gather [hbm4b:s1+s17], $0x80, s22, s17, $0xb8;
	[tilespmem:$0x1E400] =	vst v63  }
0x9f: {  	_ =	swait.ge [sflag:s20], $0x4000  }
0xa0: {  	[sflag:s20] =	ssyncset.done $0x0  }
0xa1: {  	[sflag:s20] =	ssyncadd.s32 $0xFFFFC000  }
0xa2: {  	[spmem:s2] =	stream.indirect.scatter.add.f32 [tilespmem:s18], [sflag:$0x3], $0x80, s23, s17, $0xb8;
	[tilespmem:$0x1E400] =	vst v63  }
0xa3: {  	_ =	swait.ge [sflag:s14], $0x4000  }
0xa4: {  	[sflag:s14] =	ssyncset.done $0x0  }
0xa5: {  	[sflag:s14] =	ssyncadd.s32 $0xFFFFC000  }
0xa6: {  	_ =	swait.ge [sflag:s21], $0x4000  }
0xa7: {  	[sflag:s21] =	ssyncset.done $0x0  }
0xa8: {  	[sflag:s21] =	ssyncadd.s32 $0xFFFFC000  }
0xa9: {  	[spmem:s2] =	stream.indirect.scatter.add.f32 [tilespmem:s19], [sflag:$0x3], $0x80, s24, s17, $0xb8;
	[tilespmem:$0x1E400] =	vst v63  }
0xaa: {  	_ =	swait.ge [sflag:s14], $0x4000  }
0xab: {  	s25 =	sadd.s32 $0x1, s25;
	[sflag:s14] =	ssyncset.done $0x0  }
0xac: {  	p0 =	sne.s32 s25, s12;
	[sflag:s14] =	ssyncadd.s32 $0xFFFFC000  }
.Ltmp2:
0xad: {  	[bflag:$0x0] =	sbarrier.arrive $0xFFFF;
	(pc) =	sbr.rel @p0 .LBB2_1-.Ltmp2, $4  }
0xae: {  	[hbm:s11], [sflag:s6] =	dma.local [spmem:s13], $0x2780  }
0xaf: {  	_ =	swait.ge [sflag:s14], $0x2780  }
0xb0: {  	[sflag:s14] =	ssyncset.done $0x0  }
0xb1: {  	[sflag:s14] =	ssyncadd.s32 $0xFFFFD880  }
0xb2: {  	_ =	sfence.sel $0x180000  }
0xb3: {  	[bflag:$0x0] =	sbarrier.arrive $0xFFFF  }
0xb4: {  	p0 =	sne.s32 s3, $0x0;
	_ =	strace $0x9000004A  }
0xb5: {  	s0 =	sadd.s32 @!p0 $0x100000, s0;
	[bflag:$0x2] =	sbarrier.arrive $0xFFFF  }
0xb6: {  	[sflag:s0] =	ssyncadd.tile.s32 @!p0 $0x1;
	_ =	shalt  }
.Lfunc_end2:
_tile_overlayer_lowered:
.L_overlay_start_2:
0xb7: {  	(tag) =	ssettag $0x2  }
0xb8: {  	s0 =	rddreg [dreg:$0x0];
	s2 =	stileid.u32  }
0xb9: {  	s1 =	rddreg [dreg:$0x1];
	p0 =	sne.s32 s2, $0x0  }
0xba: {  	s3 =	rddreg [dreg:$0x2];
	[bflag:$0x3] =	sbarrier.arrive $0xFFFF;
	s2 =	simm.s32 @!p0 $0x1C03  }
0xbb: {  	[timem:s3], [sflag:s2] =	dma.local @!p0 [hbm:s0], s1  }
0xbc: {  	s0 =	simm.s32 @!p0 $0x3  }
0xbd: {  	_ =	swait.ge @!p0 [sflag:s0], s1  }
0xbe: {  	s1 =	ssub.s32 @!p0 $0x0, s1;
	[sflag:s0] =	ssyncset.done @!p0 $0x0  }
0xbf: {  	[sflag:s0] =	ssyncadd.s32 @!p0 s1  }
0xc0: {  	[bflag:$0x3] =	sbarrier.arrive $0xFFFF  }
0xc1: {  	_ =	shalt  }

// kernel: kernel.22.cloned.1.call-start
scs
__scs_entry_jumppad:
0x0: {  	(pc) =	sbr.rel $0x88, $3  }
0x1: {  	(tag) =	ssettag $0x0;
	lr =	simm.s32 $0x1  }
0x2: {  	[smem:$0x3F92] =	sst lr;
	_ =	strace $0xD0000000  }
0x3: {  	_ = 	snop  }
0x4: {  	_ = 	snop  }
0x5: {  	_ = 	snop  }
0x6: {  	_ = 	snop  }
0x7: {  	_ = 	snop  }
__scs_overlays_trampoline_lowered:
0x8: {  	[smem:$0x3FA1] =	sst s0  }
0x9: {  	[smem:$0x3FA2] =	sst s1  }
0xa: {  	[smem:$0x3FA3] =	sst s2  }
0xb: {  	[smem:$0x3FA4] =	sst s3  }
0xc: {  	[smem:$0x3FA5] =	sst s4  }
0xd: {  	[smem:$0x3FA6] =	sst s5  }
0xe: {  	[smem:$0x3FA7] =	sst s6  }
0xf: {  	[smem:$0x3FA8] =	sst s7  }
0x10: {  	[smem:$0x3FA9] =	sst s8  }
0x11: {  	[smem:$0x3FAA] =	sst s9;
	s0 =	simm.s32 @!p0 $0x0  }
0x12: {  	s1 =	sld [smem:$0x3F90];
	s0 =	simm.s32 @p0 $0x1  }
0x13: {  	[smem:$0x3FAB] =	sst s0;
	s0 =	simm.s32 @!p1 $0x0  }
0x14: {  	s2 =	sld [smem:$0x3F8F];
	s0 =	simm.s32 @p1 $0x1  }
0x15: {  	[smem:$0x3FAC] =	sst s0;
	s0 =	simm.s32 @!p2 $0x0  }
0x16: {  	s3 =	sld [smem:$0x3FDB];
	s0 =	simm.s32 @p2 $0x1  }
0x17: {  	s4 =	simm.s32 $0x1BF5;
	[smem:$0x3FAE] =	sst s0  }
0x18: {  	s0 =	sld [smem:$0x3F91];
	_ =	swait.ge [sflag:s4], $0x0  }
0x19: {  	s7 =	sld [smem:$0x3F92]  }
0x1a: {  	s8 =	sadd.s32 $0xFFFFE003, lr  }
0x1b: {  	s9 =	sadd.s32 $0xFFFFFEF7, lr;
	s5 =	simm.s32 $0xFFFFFFFF;
	p2 =	slt.u32 s8, $0xFFFFF086  }
0x1c: {  	p1 =	slt.u32 s9, $0xF7A;
	s5 =	simm.s32 @!p2 $0x0  }
0x1d: {  	s5 =	simm.s32 @p1 $0x1;
	p0 =	seq.s32 s7, s2  }
0x1e: {  	s7 =	smul.u32 @!p0 $0xF7A, s2;
	p2 =	seq.s32 @!p0 s5, $0x0  }
0x1f: {  	s9 =	smul.u32 $0xF7A, s1;
	s8 =	simm.s32 @!p0 $0x1BF5;
	p2 =	por !p2, p0  }
0x20: {  	[sflag:s8] =	ssyncset.s32 @!p0 $0xFFFFF086;
	s6 =	sadd.s32 @!p0 s3, s7;
	s7 =	simm.s32 @!p0 $0x108  }
0x21: {  	s3 =	sadd.s32 s3, s9;
	s6 =	sadd.s32 @!p0 $0x88, s6;
	s7 =	simm.s32 @p2 $0x1082  }
0x22: {  	[simem:s7], [sflag:s8] =	dma.local @!p0 [hbm:s6], $0xF7A  }
0x23: {  	s9 =	sor.u32 $0xD0000000, s2;
	s6 =	simm.s32 $0x108;
	_ =	swait.ge @!p0 [sflag:s8], $0x0  }
0x24: {  	s3 =	sadd.s32 $0x88, s3;
	s6 =	simm.s32 @!p1 $0x1082;
	[sflag:s4] =	ssyncset.s32 $0xFFFFF086  }
0x25: {  	[simem:s6], [sflag:s4] =	dma.local [hbm:s3], $0xF7A  }
0x26: {  	[smem:$0x3F92] =	sst s1;
	(tag) =	ssettag s2;
	_ =	strace s9  }
0x27: {  	s1 =	sld [smem:$0x3FA2]  }
0x28: {  	s2 =	sld [smem:$0x3FA3]  }
0x29: {  	s4 =	sld [smem:$0x3FA5]  }
0x2a: {  	p0 =	seq.s32 s5, $0x0;
	s5 =	sld [smem:$0x3FA6]  }
0x2b: {  	s6 =	sld [smem:$0x3FA7]  }
0x2c: {  	s7 =	sld [smem:$0x3FA8]  }
0x2d: {  	s3 =	simm.s32 $0x108;
	s8 =	sld [smem:$0x3FA9]  }
0x2e: {  	s3 =	simm.s32 @!p0 $0x1082;
	s9 =	sld [smem:$0x3FAA]  }
0x2f: {  	lr =	sadd.s32 s0, s3;
	s0 =	sld [smem:$0x3FA1]  }
0x30: {  	s3 =	sld [smem:$0x3FA4]  }
0x31: {  	[smem:$0x3FAD] =	sst s10  }
0x32: {  	s10 =	sld [smem:$0x3FAB];
	_ =	sdelay $0x3  }
0x33: {  	p0 =	seq.s32 s10, $0x1;
	s10 =	sld [smem:$0x3FAD];
	_ =	sdelay $0x3  }
0x34: {  	[smem:$0x3FAD] =	sst s10  }
0x35: {  	s10 =	sld [smem:$0x3FAC];
	_ =	sdelay $0x3  }
0x36: {  	p1 =	seq.s32 s10, $0x1;
	s10 =	sld [smem:$0x3FAD];
	_ =	sdelay $0x3  }
0x37: {  	[smem:$0x3FAD] =	sst s10  }
0x38: {  	s10 =	sld [smem:$0x3FAE]  }
0x39: {  	_ = 	snop;
	(pc) =	sbr.ind lr, $3  }
0x3a: {  	_ = 	snop  }
0x3b: {  	_ = 	snop  }
0x3c: {  	p2 =	seq.s32 s10, $0x1;
	s10 =	sld [smem:$0x3FAD]  }
0x3d: {  	_ =	shalt  }
0x3e: {  	_ =	shalt  }
0x3f: {  	_ =	shalt  }
0x40: {  	_ =	shalt  }
0x41: {  	_ =	shalt  }
0x42: {  	_ =	shalt  }
0x43: {  	_ =	shalt  }
0x44: {  	_ =	shalt  }
0x45: {  	_ =	shalt  }
0x46: {  	_ =	shalt  }
0x47: {  	_ =	shalt  }
0x48: {  	_ =	shalt  }
0x49: {  	_ =	shalt  }
0x4a: {  	_ =	shalt  }
0x4b: {  	_ =	shalt  }
0x4c: {  	_ =	shalt  }
0x4d: {  	_ =	shalt  }
0x4e: {  	_ =	shalt  }
0x4f: {  	_ =	shalt  }
0x50: {  	_ =	shalt  }
0x51: {  	_ =	shalt  }
0x52: {  	_ =	shalt  }
0x53: {  	_ =	shalt  }
0x54: {  	_ =	shalt  }
0x55: {  	_ =	shalt  }
0x56: {  	_ =	shalt  }
0x57: {  	_ =	shalt  }
0x58: {  	_ =	shalt  }
0x59: {  	_ =	shalt  }
0x5a: {  	_ =	shalt  }
0x5b: {  	_ =	shalt  }
0x5c: {  	_ =	shalt  }
0x5d: {  	_ =	shalt  }
0x5e: {  	_ =	shalt  }
0x5f: {  	_ =	shalt  }
0x60: {  	_ =	shalt  }
0x61: {  	_ =	shalt  }
0x62: {  	_ =	shalt  }
0x63: {  	_ =	shalt  }
0x64: {  	_ =	shalt  }
0x65: {  	_ =	shalt  }
0x66: {  	_ =	shalt  }
0x67: {  	_ =	shalt  }
0x68: {  	_ =	shalt  }
0x69: {  	_ =	shalt  }
0x6a: {  	_ =	shalt  }
0x6b: {  	_ =	shalt  }
0x6c: {  	_ =	shalt  }
0x6d: {  	_ =	shalt  }
0x6e: {  	_ =	shalt  }
0x6f: {  	_ =	shalt  }
0x70: {  	_ =	shalt  }
0x71: {  	_ =	shalt  }
0x72: {  	_ =	shalt  }
0x73: {  	_ =	shalt  }
0x74: {  	_ =	shalt  }
0x75: {  	_ =	shalt  }
0x76: {  	_ =	shalt  }
0x77: {  	_ =	shalt  }
0x78: {  	_ =	shalt  }
0x79: {  	_ =	shalt  }
0x7a: {  	_ =	shalt  }
0x7b: {  	_ =	shalt  }
0x7c: {  	_ =	shalt  }
0x7d: {  	_ =	shalt  }
0x7e: {  	_ =	shalt  }
0x7f: {  	_ =	shalt  }
0x80: {  	_ =	shalt  }
0x81: {  	_ =	shalt  }
0x82: {  	_ =	shalt  }
0x83: {  	_ =	shalt  }
0x84: {  	_ =	shalt  }
0x85: {  	_ =	shalt  }
0x86: {  	_ =	shalt  }
0x87: {  	_ =	shalt  }
.Lfunc_end0:
.L_simem_size_0:
called_computation.2_lowered:
.L_overlay_start_0:
0x88: {  	s2 =	sld [smem:$0x3FD9]  }
0x89: {  	s3 =	sld [smem:$0x3FFE];
	_ =	sdelay $0x1  }
0x8a: {  	s1 =	srdreg.scid  }
0x8b: {  	s0 =	sand.u32 $0x1, s1  }
0x8c: {  	s14 =	sshll.u32 s0, $0xA;
	s2 =	sadd.s32 s3, s2  }
0x8d: {  	s2 =	sadd.s32 s2, s14  }
0x8e: {  	[smem:$0x3FB9] =	sst s2  }
0x8f: {  	_ = 	snop  }
0x90: {  	s2 =	sld [smem:$0x3FD0];
	_ =	sdelay $0x2  }
0x91: {  	s15 =	simm.s32 $0xA;
	s4 =	simm.s32 $0x10  }
0x92: {  	[smem:s4], [sflag:s15] =	dma.local [hbm:s2], $0x1  }
0x93: {  	_ =	swait.eq [sflag:s15], $0x1  }
0x94: {  	[sflag:s15] =	ssyncset.done $0x0  }
0x95: {  	s16 =	sld [smem:$0x12];
	[sflag:s15] =	ssyncadd.s32 $0xFFFFFFFF  }
0x96: {  	s17 =	sld [smem:$0x13];
	(tm) =	ssettm $0x1  }
0x97: {  	s18 =	sld [smem:$0x3FFB];
	_ =	sdelay $0x3  }
0x98: {  	_ =	strace s18  }
0x99: {  	s4 =	sld [smem:$0x3FFC];
	_ =	sdelay $0x3  }
0x9a: {  	_ =	strace s4  }
0x9b: {  	s4 =	sld [smem:$0x3FFD];
	_ =	sdelay $0x3  }
0x9c: {  	_ =	strace s4  }
0x9d: {  	_ =	strace $0x8FFFFFFF  }
0x9e: {  	s19 =	sld [smem:$0x3FDB];
	_ =	sdelay $0x1  }
0x9f: {  	s5 =	simm.s32 $_scs_section_size  }
0xa0: {  	s6 =	simm.s32 $_size__tile_overlayer_lowered;
	s7 =	simm.s32 $_tile_overlayer_lowered  }
0xa1: {  	s22 =	simm.s32 $0x1BFF;
	s21 =	sshll.u32 s7, $0x1;
	s4 =	sadd.s32 s5, s19  }
0xa2: {  	s8 =	simm.s32 $0x0;
	s20 =	sshll.u32 s6, $0x1;
	s6 =	sadd.s32 s21, s4  }
0xa3: {  	[timem:s8], [sflag:s22] =	dma.local [hbm:s6], s20  }
0xa4: {  	_ =	swait.ge [sflag:s22], s20  }
0xa5: {  	s5 =	ssub.s32 $0x0, s20;
	[sflag:s22] =	ssyncset.done $0x0  }
0xa6: {  	[sflag:s22] =	ssyncadd.s32 s5;
	_ =	sdelay $0x1  }
0xa7: {  	s23 =	simm.s32 $0x1B8B  }
0xa8: {  	_ =	swait.ge [sflag:s23], $0x1  }
0xa9: {  	[sflag:s23] =	ssyncset.done $0x0  }
0xaa: {  	s25 =	simm.s32 $0x1B8E;
	s24 =	sld [smem:$0x3FFE];
	[sflag:s23] =	ssyncadd.s32 $0xFFFFFFFF  }
0xab: {  	s26 =	simm.s32 $execute0_lowered;
	[smem:$0x3FD2] =	sst s25  }
0xac: {  	s6 =	sshll.u32 s26, $0x1;
	_ =	strace $0x8000004C;
	[dreg:$0x1] =	wrdreg $0xFFFFFFFF  }
0xad: {  	s28 =	simm.s32 $_size_execute0_lowered;
	s4 =	sadd.s32 s4, s6;
	[dreg:$0x0] =	wrdreg $0x0  }
0xae: {  	s6 =	sshll.u32 s28, $0x1;
	[dreg:$0x2] =	wrdreg s4  }
0xaf: {  	[dreg:$0x3] =	wrdreg s6  }
0xb0: {  	[dreg:$0x4] =	wrdreg $0xC0  }
0xb1: {  	_ =	task [dreg:s8], $0x5FFFF  }
0xb2: {  	[dreg:$0x1] =	wrdreg $0xFFFFFFFF  }
0xb3: {  	[dreg:$0x0] =	wrdreg $0x60  }
0xb4: {  	[dreg:$0x2] =	wrdreg s16  }
0xb5: {  	[dreg:$0x3] =	wrdreg s17  }
0xb6: {  	[dreg:$0x4] =	wrdreg s24  }
0xb7: {  	[dreg:$0x5] =	wrdreg $0x0  }
0xb8: {  	[dreg:$0x6] =	wrdreg $0x9  }
0xb9: {  	_ =	task.clear_ibuf [dreg:s8], $0x7FFFF;
	_ =	strace $0x9000004C  }
0xba: {  	s29 =	simm.s32 $0x9;
	_ =	strace $0x8000004E  }
0xbb: {  	_ =	swait.ge [sflag:s29], $0x1  }
0xbc: {  	[sflag:s29] =	ssyncadd.s32 $0xFFFFFFFF  }
0xbd: {  	_ =	strace $0x9000004E  }
0xbe: {  	_ =	sfence  }
0xbf: {  	s30 =	sld [smem:$0x0];
	_ =	sdelay $0x2  }
0xc0: {  	s31 =	sshll.u32 s1, $0xD;
	s1 =	sshrl.u32 s1, $0x2  }
0xc1: {  	s3 =	sand.u32 $0x4000, s31;
	s1 =	sadd.s32 s1, s30  }
0xc2: {  	s0 =	sor.u32 s3, s0;
	s1 =	sshll.u32 s1, $0x11  }
0xc3: {  	s0 =	sor.u32 s1, s0  }
0xc4: {  	s0 =	sadd.s32 $0x8F2B, s0  }
0xc5: {  	[sflag:s0] =	ssyncadd.remote.s32 $0x1  }
0xc6: {  	_ =	sfence.sel $0xFFFF  }
0xc7: {  	[dreg:$0x0] =	wrdreg $0xFFFFFFFF;
	(pc) =	sbr.abs _section_cstart, $3  }
0xc8: {  	[dreg:$0x1] =	wrdreg $0xFFFFFFFF  }
0xc9: {  	_ =	task.clear_ibuf [dreg:s8], $0x2FFFF;
	_ =	strace $0x9FFFFFFF  }
0xca: {  	(tm) =	ssettm $0x7FFFFFFF  }
0xcb: {  	_ =	shalt  }
tec
execute0_lowered:
.L_overlay_start_1:
0x0: {  	(tag) =	ssettag $0x1  }
0x1: {  	s1 =	rddreg [dreg:$0x0]  }
0x2: {  	s9 =	rddreg [dreg:$0x1]  }
0x3: {  	s6 =	rddreg [dreg:$0x2]  }
0x4: {  	s2 =	rddreg [dreg:$0x3];
	s3 =	srdreg.scid  }
0x5: {  	s0 =	rddreg [dreg:$0x4];
	s4 =	simm.s32 $0x0;
	s15 =	simm.s32 $0x13C00  }
0x6: {  	s16 =	simm.s32 $0x15000;
	s17 =	simm.s32 $0x80;
	s18 =	simm.s32 $0x16400  }
0x7: {  	s19 =	simm.s32 $0x1A400;
	s20 =	simm.s32 $0x1;
	s21 =	simm.s32 $0x2  }
0x8: {  	s22 =	simm.s32 $0x14F80;
	s7 =	sand.u32 $0x1, s3;
	s3 =	stileid.u32  }
0x9: {  	s23 =	simm.s32 $0x16300;
	[smem:$0x7FF] =	sst s4;
	s8 =	smul.u32 $0x13C000, s7  }
0xa: {  	s11 =	sadd.s32 $0x5E00, s6;
	s5 =	sadd.s32 $0xFE00, s6;
	s10 =	smul.u32 $0x13C00, s3  }
0xb: {  	_ =	strace $0x8000004D;
	s24 =	sshll.u32 s3, $0x1;
	s12 =	ssub.s32 $0x2, s7  }
0xc: {  	s25 =	smul.u32 $0x4F000, s3;
	s29 =	sshll.u32 s3, $0x6;
	s7 =	sor.u32 s7, s24  }
0xd: {  	s13 =	sshrl.u32 s12, $0x1;
	s24 =	simm.s32 $0x16380;
	s8 =	sadd.s32 s10, s8  }
0xe: {  	s7 =	smul.u32 $0x2800, s7;
	s12 =	ssub.s32 s12, s13;
	s26 =	sshrl.u32 s25, $0x2  }
0xf: {  	s25 =	simm.s32 $0x0;
	s8 =	sshrl.u32 s8, $0x3;
	s28 =	sadd.s32 s26, s2  }
0x10: {  	s12 =	smax.u32 s12, $0x1;
	s14 =	sadd.s32 s8, s6;
	s30 =	sshrl.u32 s7, $0x3  }
0x11: {  	s6 =	sor.u32 $0x1C03, s29;
	s13 =	sshrl.u32 s28, $0x3;
	s31 =	sadd.s32 $0x280, s30  }
0x12: {  	s7 =	sadd.s32 s9, s30;
	s8 =	sadd.s32 s11, s30;
	s9 =	sadd.s32 s9, s31  }
0x13: {  	s10 =	sadd.s32 s11, s31;
	s11 =	sadd.s32 $0x12600, s14;
	s14 =	simm.s32 $0x3  }
.LBB2_1:
0x14: {  	[spmem:s13], [sflag:s6] =	dma.local [hbm:s5], $0x2780  }
0x15: {  	_ =	swait.ge [sflag:s14], $0x2780  }
0x16: {  	[sflag:s14] =	ssyncset.done $0x0  }
0x17: {  	[sflag:s14] =	ssyncadd.s32 $0xFFFFD880  }
0x18: {  	[bflag:$0x0] =	sbarrier.arrive $0xFFFF  }
0x19: {  	[tilespmem:s15], [sflag:$0x3] =	stream.linear.gather [hbm4b:s7+s4], $0x1400, $0x38;
	[tilespmem:$0x1E400] =	vst v63  }
0x1a: {  	_ =	swait.ge [sflag:s14], $0x1400  }
0x1b: {  	[sflag:s14] =	ssyncset.done $0x0  }
0x1c: {  	[sflag:s14] =	ssyncadd.s32 $0xFFFFEC00  }
0x1d: {  	[tilespmem:s16], [sflag:$0x3] =	stream.linear.gather [hbm4b:s8+s4], $0x1400, $0x38;
	[tilespmem:$0x1E400] =	vst v63  }
0x1e: {  	_ =	swait.ge [sflag:s14], $0x1400  }
0x1f: {  	[sflag:s14] =	ssyncset.done $0x0  }
0x20: {  	[sflag:s14] =	ssyncadd.s32 $0xFFFFEC00  }
0x21: {  	[tilespmem:s18], [sflag:$0x1] =	stream.indirect.gather [hbm4b:s1+s17], $0x80, s15, s17, $0xb8;
	[tilespmem:$0x1E400] =	vst v63  }
0x22: {  	s26 =	simm.s32 $0x13C80  }
0x23: {  	[tilespmem:s19], [sflag:$0x2] =	stream.indirect.gather [hbm4b:s1+s17], $0x80, s26, s17, $0xb8;
	[tilespmem:$0x1E400] =	vst v63  }
0x24: {  	_ =	swait.ge [sflag:s20], $0x4000  }
0x25: {  	[sflag:s20] =	ssyncset.done $0x0  }
0x26: {  	s29 =	simm.s32 $0x15000;
	[sflag:s20] =	ssyncadd.s32 $0xFFFFC000  }
0x27: {  	[spmem:s2] =	stream.indirect.scatter.add.f32 [tilespmem:s18], [sflag:$0x3], $0x80, s29, s17, $0xb8;
	[tilespmem:$0x1E400] =	vst v63  }
0x28: {  	_ =	swait.ge [sflag:s14], $0x4000  }
0x29: {  	[sflag:s14] =	ssyncset.done $0x0  }
0x2a: {  	s30 =	simm.s32 $0x13D00;
	[sflag:s14] =	ssyncadd.s32 $0xFFFFC000  }
0x2b: {  	[tilespmem:s18], [sflag:$0x1] =	stream.indirect.gather [hbm4b:s1+s17], $0x80, s30, s17, $0xb8;
	[tilespmem:$0x1E400] =	vst v63  }
0x2c: {  	_ =	swait.ge [sflag:s21], $0x4000  }
0x2d: {  	[sflag:s21] =	ssyncset.done $0x0  }
0x2e: {  	s31 =	simm.s32 $0x15080;
	[sflag:s21] =	ssyncadd.s32 $0xFFFFC000  }
0x2f: {  	[spmem:s2] =	stream.indirect.scatter.add.f32 [tilespmem:s19], [sflag:$0x3], $0x80, s31, s17, $0xb8;
	[tilespmem:$0x1E400] =	vst v63  }
0x30: {  	_ =	swait.ge [sflag:s14], $0x4000  }
0x31: {  	s28 =	simm.s32 $0x800;
	s26 =	simm.s32 $0x100;
	[sflag:s14] =	ssyncset.done $0x0  }
.LBB2_2:
0x32: {  	s29 =	sadd.s32 $0x13C80, s26  }
0x33: {  	[sflag:s14] =	ssyncadd.s32 $0xFFFFC000;
	s30 =	smov.u32 s28;
	s31 =	sadd.s32 $0x400, s28  }
0x34: {  	[tilespmem:s19], [sflag:$0x2] =	stream.indirect.gather [hbm4b:s1+s17], $0x80, s29, s17, $0xb8;
	[tilespmem:$0x1E400] =	vst v63  }
0x35: {  	p0 =	sne.s32 s28, $0x4800;
	_ =	swait.ge [sflag:s20], $0x4000  }
0x36: {  	[sflag:s20] =	ssyncset.done $0x0  }
0x37: {  	s28 =	sadd.s32 $0x15000, s26;
	[sflag:s20] =	ssyncadd.s32 $0xFFFFC000  }
0x38: {  	[spmem:s2] =	stream.indirect.scatter.add.f32 [tilespmem:s18], [sflag:$0x3], $0x80, s28, s17, $0xb8;
	[tilespmem:$0x1E400] =	vst v63  }
0x39: {  	_ =	swait.ge [sflag:s14], $0x4000  }
0x3a: {  	[sflag:s14] =	ssyncset.done $0x0  }
0x3b: {  	s28 =	sadd.s32 $0x13D00, s26;
	[sflag:s14] =	ssyncadd.s32 $0xFFFFC000  }
0x3c: {  	[tilespmem:s18], [sflag:$0x1] =	stream.indirect.gather [hbm4b:s1+s17], $0x80, s28, s17, $0xb8;
	[tilespmem:$0x1E400] =	vst v63  }
0x3d: {  	_ =	swait.ge [sflag:s21], $0x4000  }
.Ltmp0:
0x3e: {  	[sflag:s21] =	ssyncset.done $0x0;
	(pc) =	sbr.rel @p0 .LBB2_2-.Ltmp0, $4  }
0x3f: {  	s26 =	sadd.s32 $0x15080, s26;
	[sflag:s21] =	ssyncadd.s32 $0xFFFFC000  }
0x40: {  	[spmem:s2] =	stream.indirect.scatter.add.f32 [tilespmem:s19], [sflag:$0x3], $0x80, s26, s17, $0xb8;
	[tilespmem:$0x1E400] =	vst v63  }
0x41: {  	_ =	swait.ge [sflag:s14], $0x4000  }
0x42: {  	s28 =	smov.u32 s31;
	s26 =	sshra.s32 s30, $0x2;
	[sflag:s14] =	ssyncset.done $0x0  }
0x43: {  	s28 =	sadd.s32 $0x13C80, s26;
	[sflag:s14] =	ssyncadd.s32 $0xFFFFC000  }
0x44: {  	[tilespmem:s19], [sflag:$0x2] =	stream.indirect.gather [hbm4b:s1+s17], $0x80, s28, s17, $0xb8;
	[tilespmem:$0x1E400] =	vst v63  }
0x45: {  	_ =	swait.ge [sflag:s20], $0x4000  }
0x46: {  	[sflag:s20] =	ssyncset.done $0x0  }
0x47: {  	s28 =	sadd.s32 $0x15000, s26;
	[sflag:s20] =	ssyncadd.s32 $0xFFFFC000  }
0x48: {  	[spmem:s2] =	stream.indirect.scatter.add.f32 [tilespmem:s18], [sflag:$0x3], $0x80, s28, s17, $0xb8;
	[tilespmem:$0x1E400] =	vst v63  }
0x49: {  	_ =	swait.ge [sflag:s14], $0x4000  }
0x4a: {  	[sflag:s14] =	ssyncset.done $0x0  }
0x4b: {  	s28 =	sadd.s32 $0x13D00, s26;
	[sflag:s14] =	ssyncadd.s32 $0xFFFFC000  }
0x4c: {  	[tilespmem:s18], [sflag:$0x1] =	stream.indirect.gather [hbm4b:s1+s17], $0x80, s28, s17, $0xb8;
	[tilespmem:$0x1E400] =	vst v63  }
0x4d: {  	_ =	swait.ge [sflag:s21], $0x4000  }
0x4e: {  	[sflag:s21] =	ssyncset.done $0x0  }
0x4f: {  	s29 =	sadd.s32 $0x15080, s26;
	[sflag:s21] =	ssyncadd.s32 $0xFFFFC000  }
0x50: {  	[spmem:s2] =	stream.indirect.scatter.add.f32 [tilespmem:s19], [sflag:$0x3], $0x80, s29, s17, $0xb8;
	[tilespmem:$0x1E400] =	vst v63  }
0x51: {  	_ =	swait.ge [sflag:s14], $0x4000  }
0x52: {  	[sflag:s14] =	ssyncset.done $0x0  }
0x53: {  	[sflag:s14] =	ssyncadd.s32 $0xFFFFC000  }
0x54: {  	[tilespmem:s19], [sflag:$0x2] =	stream.indirect.gather [hbm4b:s1+s17], $0x80, s22, s17, $0xb8;
	[tilespmem:$0x1E400] =	vst v63  }
0x55: {  	_ =	swait.ge [sflag:s20], $0x4000  }
0x56: {  	[sflag:s20] =	ssyncset.done $0x0  }
0x57: {  	[sflag:s20] =	ssyncadd.s32 $0xFFFFC000  }
0x58: {  	[spmem:s2] =	stream.indirect.scatter.add.f32 [tilespmem:s18], [sflag:$0x3], $0x80, s23, s17, $0xb8;
	[tilespmem:$0x1E400] =	vst v63  }
0x59: {  	_ =	swait.ge [sflag:s14], $0x4000  }
0x5a: {  	[sflag:s14] =	ssyncset.done $0x0  }
0x5b: {  	[sflag:s14] =	ssyncadd.s32 $0xFFFFC000  }
0x5c: {  	_ =	swait.ge [sflag:s21], $0x4000  }
0x5d: {  	[sflag:s21] =	ssyncset.done $0x0  }
0x5e: {  	[sflag:s21] =	ssyncadd.s32 $0xFFFFC000  }
0x5f: {  	[spmem:s2] =	stream.indirect.scatter.add.f32 [tilespmem:s19], [sflag:$0x3], $0x80, s24, s17, $0xb8;
	[tilespmem:$0x1E400] =	vst v63  }
0x60: {  	_ =	swait.ge [sflag:s14], $0x4000  }
0x61: {  	[sflag:s14] =	ssyncset.done $0x0  }
0x62: {  	s30 =	simm.s32 $0x0;
	[sflag:s14] =	ssyncadd.s32 $0xFFFFC000  }
0x63: {  	[tilespmem:s15], [sflag:$0x3] =	stream.linear.gather [hbm4b:s9+s30], $0x1400, $0x38;
	[tilespmem:$0x1E400] =	vst v63  }
0x64: {  	_ =	swait.ge [sflag:s14], $0x1400  }
0x65: {  	[sflag:s14] =	ssyncset.done $0x0  }
0x66: {  	[sflag:s14] =	ssyncadd.s32 $0xFFFFEC00  }
0x67: {  	[tilespmem:s16], [sflag:$0x3] =	stream.linear.gather [hbm4b:s10+s30], $0x1400, $0x38;
	[tilespmem:$0x1E400] =	vst v63  }
0x68: {  	_ =	swait.ge [sflag:s14], $0x1400  }
0x69: {  	[sflag:s14] =	ssyncset.done $0x0  }
0x6a: {  	[sflag:s14] =	ssyncadd.s32 $0xFFFFEC00  }
0x6b: {  	[tilespmem:s18], [sflag:$0x1] =	stream.indirect.gather [hbm4b:s1+s17], $0x80, s15, s17, $0xb8;
	[tilespmem:$0x1E400] =	vst v63  }
0x6c: {  	s31 =	simm.s32 $0x13C80  }
0x6d: {  	[tilespmem:s19], [sflag:$0x2] =	stream.indirect.gather [hbm4b:s1+s17], $0x80, s31, s17, $0xb8;
	[tilespmem:$0x1E400] =	vst v63  }
0x6e: {  	_ =	swait.ge [sflag:s20], $0x4000  }
0x6f: {  	[sflag:s20] =	ssyncset.done $0x0  }
0x70: {  	s29 =	simm.s32 $0x15000;
	[sflag:s20] =	ssyncadd.s32 $0xFFFFC000  }
0x71: {  	[spmem:s2] =	stream.indirect.scatter.add.f32 [tilespmem:s18], [sflag:$0x3], $0x80, s29, s17, $0xb8;
	[tilespmem:$0x1E400] =	vst v63  }
0x72: {  	_ =	swait.ge [sflag:s14], $0x4000  }
0x73: {  	[sflag:s14] =	ssyncset.done $0x0  }
0x74: {  	s30 =	simm.s32 $0x13D00;
	[sflag:s14] =	ssyncadd.s32 $0xFFFFC000  }
0x75: {  	[tilespmem:s18], [sflag:$0x1] =	stream.indirect.gather [hbm4b:s1+s17], $0x80, s30, s17, $0xb8;
	[tilespmem:$0x1E400] =	vst v63  }
0x76: {  	_ =	swait.ge [sflag:s21], $0x4000  }
0x77: {  	[sflag:s21] =	ssyncset.done $0x0  }
0x78: {  	s31 =	simm.s32 $0x15080;
	[sflag:s21] =	ssyncadd.s32 $0xFFFFC000  }
0x79: {  	[spmem:s2] =	stream.indirect.scatter.add.f32 [tilespmem:s19], [sflag:$0x3], $0x80, s31, s17, $0xb8;
	[tilespmem:$0x1E400] =	vst v63  }
0x7a: {  	_ =	swait.ge [sflag:s14], $0x4000  }
0x7b: {  	s26 =	simm.s32 $0x100;
	s28 =	simm.s32 $0x800;
	[sflag:s14] =	ssyncset.done $0x0  }
.LBB2_4:
0x7c: {  	s29 =	sadd.s32 $0x13C80, s26  }
0x7d: {  	[sflag:s14] =	ssyncadd.s32 $0xFFFFC000;
	s30 =	smov.u32 s28;
	s31 =	sadd.s32 $0x400, s28  }
0x7e: {  	[tilespmem:s19], [sflag:$0x2] =	stream.indirect.gather [hbm4b:s1+s17], $0x80, s29, s17, $0xb8;
	[tilespmem:$0x1E400] =	vst v63  }
0x7f: {  	p0 =	sne.s32 s28, $0x4800;
	_ =	swait.ge [sflag:s20], $0x4000  }
0x80: {  	[sflag:s20] =	ssyncset.done $0x0  }
0x81: {  	s28 =	sadd.s32 $0x15000, s26;
	[sflag:s20] =	ssyncadd.s32 $0xFFFFC000  }
0x82: {  	[spmem:s2] =	stream.indirect.scatter.add.f32 [tilespmem:s18], [sflag:$0x3], $0x80, s28, s17, $0xb8;
	[tilespmem:$0x1E400] =	vst v63  }
0x83: {  	_ =	swait.ge [sflag:s14], $0x4000  }
0x84: {  	[sflag:s14] =	ssyncset.done $0x0  }
0x85: {  	s28 =	sadd.s32 $0x13D00, s26;
	[sflag:s14] =	ssyncadd.s32 $0xFFFFC000  }
0x86: {  	[tilespmem:s18], [sflag:$0x1] =	stream.indirect.gather [hbm4b:s1+s17], $0x80, s28, s17, $0xb8;
	[tilespmem:$0x1E400] =	vst v63  }
0x87: {  	_ =	swait.ge [sflag:s21], $0x4000  }
.Ltmp1:
0x88: {  	[sflag:s21] =	ssyncset.done $0x0;
	(pc) =	sbr.rel @p0 .LBB2_4-.Ltmp1, $4  }
0x89: {  	s26 =	sadd.s32 $0x15080, s26;
	[sflag:s21] =	ssyncadd.s32 $0xFFFFC000  }
0x8a: {  	[spmem:s2] =	stream.indirect.scatter.add.f32 [tilespmem:s19], [sflag:$0x3], $0x80, s26, s17, $0xb8;
	[tilespmem:$0x1E400] =	vst v63  }
0x8b: {  	_ =	swait.ge [sflag:s14], $0x4000  }
0x8c: {  	s28 =	smov.u32 s31;
	s26 =	sshra.s32 s30, $0x2;
	[sflag:s14] =	ssyncset.done $0x0  }
0x8d: {  	s28 =	sadd.s32 $0x13C80, s26;
	[sflag:s14] =	ssyncadd.s32 $0xFFFFC000  }
0x8e: {  	[tilespmem:s19], [sflag:$0x2] =	stream.indirect.gather [hbm4b:s1+s17], $0x80, s28, s17, $0xb8;
	[tilespmem:$0x1E400] =	vst v63  }
0x8f: {  	_ =	swait.ge [sflag:s20], $0x4000  }
0x90: {  	[sflag:s20] =	ssyncset.done $0x0  }
0x91: {  	s29 =	sadd.s32 $0x15000, s26;
	[sflag:s20] =	ssyncadd.s32 $0xFFFFC000  }
0x92: {  	[spmem:s2] =	stream.indirect.scatter.add.f32 [tilespmem:s18], [sflag:$0x3], $0x80, s29, s17, $0xb8;
	[tilespmem:$0x1E400] =	vst v63  }
0x93: {  	_ =	swait.ge [sflag:s14], $0x4000  }
0x94: {  	[sflag:s14] =	ssyncset.done $0x0  }
0x95: {  	s30 =	sadd.s32 $0x13D00, s26;
	[sflag:s14] =	ssyncadd.s32 $0xFFFFC000  }
0x96: {  	[tilespmem:s18], [sflag:$0x1] =	stream.indirect.gather [hbm4b:s1+s17], $0x80, s30, s17, $0xb8;
	[tilespmem:$0x1E400] =	vst v63  }
0x97: {  	_ =	swait.ge [sflag:s21], $0x4000  }
0x98: {  	[sflag:s21] =	ssyncset.done $0x0  }
0x99: {  	s31 =	sadd.s32 $0x15080, s26;
	[sflag:s21] =	ssyncadd.s32 $0xFFFFC000  }
0x9a: {  	[spmem:s2] =	stream.indirect.scatter.add.f32 [tilespmem:s19], [sflag:$0x3], $0x80, s31, s17, $0xb8;
	[tilespmem:$0x1E400] =	vst v63  }
0x9b: {  	_ =	swait.ge [sflag:s14], $0x4000  }
0x9c: {  	[sflag:s14] =	ssyncset.done $0x0  }
0x9d: {  	[sflag:s14] =	ssyncadd.s32 $0xFFFFC000  }
0x9e: {  	[tilespmem:s19], [sflag:$0x2] =	stream.indirect.gather [hbm4b:s1+s17], $0x80, s22, s17, $0xb8;
	[tilespmem:$0x1E400] =	vst v63  }
0x9f: {  	_ =	swait.ge [sflag:s20], $0x4000  }
0xa0: {  	[sflag:s20] =	ssyncset.done $0x0  }
0xa1: {  	[sflag:s20] =	ssyncadd.s32 $0xFFFFC000  }
0xa2: {  	[spmem:s2] =	stream.indirect.scatter.add.f32 [tilespmem:s18], [sflag:$0x3], $0x80, s23, s17, $0xb8;
	[tilespmem:$0x1E400] =	vst v63  }
0xa3: {  	_ =	swait.ge [sflag:s14], $0x4000  }
0xa4: {  	[sflag:s14] =	ssyncset.done $0x0  }
0xa5: {  	[sflag:s14] =	ssyncadd.s32 $0xFFFFC000  }
0xa6: {  	_ =	swait.ge [sflag:s21], $0x4000  }
0xa7: {  	[sflag:s21] =	ssyncset.done $0x0  }
0xa8: {  	[sflag:s21] =	ssyncadd.s32 $0xFFFFC000  }
0xa9: {  	[spmem:s2] =	stream.indirect.scatter.add.f32 [tilespmem:s19], [sflag:$0x3], $0x80, s24, s17, $0xb8;
	[tilespmem:$0x1E400] =	vst v63  }
0xaa: {  	_ =	swait.ge [sflag:s14], $0x4000  }
0xab: {  	s25 =	sadd.s32 $0x1, s25;
	[sflag:s14] =	ssyncset.done $0x0  }
0xac: {  	p0 =	sne.s32 s25, s12;
	[sflag:s14] =	ssyncadd.s32 $0xFFFFC000  }
.Ltmp2:
0xad: {  	[bflag:$0x0] =	sbarrier.arrive $0xFFFF;
	(pc) =	sbr.rel @p0 .LBB2_1-.Ltmp2, $4  }
0xae: {  	[hbm:s11], [sflag:s6] =	dma.local [spmem:s13], $0x2780  }
0xaf: {  	_ =	swait.ge [sflag:s14], $0x2780  }
0xb0: {  	[sflag:s14] =	ssyncset.done $0x0  }
0xb1: {  	[sflag:s14] =	ssyncadd.s32 $0xFFFFD880  }
0xb2: {  	_ =	sfence.sel $0x180000  }
0xb3: {  	[bflag:$0x0] =	sbarrier.arrive $0xFFFF  }
0xb4: {  	p0 =	sne.s32 s3, $0x0;
	_ =	strace $0x9000004D  }
0xb5: {  	s0 =	sadd.s32 @!p0 $0x100000, s0;
	[bflag:$0x2] =	sbarrier.arrive $0xFFFF  }
0xb6: {  	[sflag:s0] =	ssyncadd.tile.s32 @!p0 $0x1;
	_ =	shalt  }
.Lfunc_end2:
_tile_overlayer_lowered:
.L_overlay_start_2:
0xb7: {  	(tag) =	ssettag $0x2  }
0xb8: {  	s0 =	rddreg [dreg:$0x0];
	s2 =	stileid.u32  }
0xb9: {  	s1 =	rddreg [dreg:$0x1];
	p0 =	sne.s32 s2, $0x0  }
0xba: {  	s3 =	rddreg [dreg:$0x2];
	[bflag:$0x3] =	sbarrier.arrive $0xFFFF;
	s2 =	simm.s32 @!p0 $0x1C03  }
0xbb: {  	[timem:s3], [sflag:s2] =	dma.local @!p0 [hbm:s0], s1  }
0xbc: {  	s0 =	simm.s32 @!p0 $0x3  }
0xbd: {  	_ =	swait.ge @!p0 [sflag:s0], s1  }
0xbe: {  	s1 =	ssub.s32 @!p0 $0x0, s1;
	[sflag:s0] =	ssyncset.done @!p0 $0x0  }
0xbf: {  	[sflag:s0] =	ssyncadd.s32 @!p0 s1  }
0xc0: {  	[bflag:$0x3] =	sbarrier.arrive $0xFFFF  }
0xc1: {  	_ =	shalt  }

// kernel: kernel.25.cloned.1.call-start
scs
__scs_entry_jumppad:
0x0: {  	(pc) =	sbr.rel $0x88, $3  }
0x1: {  	(tag) =	ssettag $0x0;
	lr =	simm.s32 $0x1  }
0x2: {  	[smem:$0x3F92] =	sst lr;
	_ =	strace $0xD0000000  }
0x3: {  	_ = 	snop  }
0x4: {  	_ = 	snop  }
0x5: {  	_ = 	snop  }
0x6: {  	_ = 	snop  }
0x7: {  	_ = 	snop  }
__scs_overlays_trampoline_lowered:
0x8: {  	[smem:$0x3FA1] =	sst s0  }
0x9: {  	[smem:$0x3FA2] =	sst s1  }
0xa: {  	[smem:$0x3FA3] =	sst s2  }
0xb: {  	[smem:$0x3FA4] =	sst s3  }
0xc: {  	[smem:$0x3FA5] =	sst s4  }
0xd: {  	[smem:$0x3FA6] =	sst s5  }
0xe: {  	[smem:$0x3FA7] =	sst s6  }
0xf: {  	[smem:$0x3FA8] =	sst s7  }
0x10: {  	[smem:$0x3FA9] =	sst s8  }
0x11: {  	[smem:$0x3FAA] =	sst s9;
	s0 =	simm.s32 @!p0 $0x0  }
0x12: {  	s1 =	sld [smem:$0x3F90];
	s0 =	simm.s32 @p0 $0x1  }
0x13: {  	[smem:$0x3FAB] =	sst s0;
	s0 =	simm.s32 @!p1 $0x0  }
0x14: {  	s2 =	sld [smem:$0x3F8F];
	s0 =	simm.s32 @p1 $0x1  }
0x15: {  	[smem:$0x3FAC] =	sst s0;
	s0 =	simm.s32 @!p2 $0x0  }
0x16: {  	s3 =	sld [smem:$0x3FDB];
	s0 =	simm.s32 @p2 $0x1  }
0x17: {  	s4 =	simm.s32 $0x1BF5;
	[smem:$0x3FAE] =	sst s0  }
0x18: {  	s0 =	sld [smem:$0x3F91];
	_ =	swait.ge [sflag:s4], $0x0  }
0x19: {  	s7 =	sld [smem:$0x3F92]  }
0x1a: {  	s8 =	sadd.s32 $0xFFFFE003, lr  }
0x1b: {  	s9 =	sadd.s32 $0xFFFFFEF7, lr;
	s5 =	simm.s32 $0xFFFFFFFF;
	p2 =	slt.u32 s8, $0xFFFFF086  }
0x1c: {  	p1 =	slt.u32 s9, $0xF7A;
	s5 =	simm.s32 @!p2 $0x0  }
0x1d: {  	s5 =	simm.s32 @p1 $0x1;
	p0 =	seq.s32 s7, s2  }
0x1e: {  	s7 =	smul.u32 @!p0 $0xF7A, s2;
	p2 =	seq.s32 @!p0 s5, $0x0  }
0x1f: {  	s9 =	smul.u32 $0xF7A, s1;
	s8 =	simm.s32 @!p0 $0x1BF5;
	p2 =	por !p2, p0  }
0x20: {  	[sflag:s8] =	ssyncset.s32 @!p0 $0xFFFFF086;
	s6 =	sadd.s32 @!p0 s3, s7;
	s7 =	simm.s32 @!p0 $0x108  }
0x21: {  	s3 =	sadd.s32 s3, s9;
	s6 =	sadd.s32 @!p0 $0x88, s6;
	s7 =	simm.s32 @p2 $0x1082  }
0x22: {  	[simem:s7], [sflag:s8] =	dma.local @!p0 [hbm:s6], $0xF7A  }
0x23: {  	s9 =	sor.u32 $0xD0000000, s2;
	s6 =	simm.s32 $0x108;
	_ =	swait.ge @!p0 [sflag:s8], $0x0  }
0x24: {  	s3 =	sadd.s32 $0x88, s3;
	s6 =	simm.s32 @!p1 $0x1082;
	[sflag:s4] =	ssyncset.s32 $0xFFFFF086  }
0x25: {  	[simem:s6], [sflag:s4] =	dma.local [hbm:s3], $0xF7A  }
0x26: {  	[smem:$0x3F92] =	sst s1;
	(tag) =	ssettag s2;
	_ =	strace s9  }
0x27: {  	s1 =	sld [smem:$0x3FA2]  }
0x28: {  	s2 =	sld [smem:$0x3FA3]  }
0x29: {  	s4 =	sld [smem:$0x3FA5]  }
0x2a: {  	p0 =	seq.s32 s5, $0x0;
	s5 =	sld [smem:$0x3FA6]  }
0x2b: {  	s6 =	sld [smem:$0x3FA7]  }
0x2c: {  	s7 =	sld [smem:$0x3FA8]  }
0x2d: {  	s3 =	simm.s32 $0x108;
	s8 =	sld [smem:$0x3FA9]  }
0x2e: {  	s3 =	simm.s32 @!p0 $0x1082;
	s9 =	sld [smem:$0x3FAA]  }
0x2f: {  	lr =	sadd.s32 s0, s3;
	s0 =	sld [smem:$0x3FA1]  }
0x30: {  	s3 =	sld [smem:$0x3FA4]  }
0x31: {  	[smem:$0x3FAD] =	sst s10  }
0x32: {  	s10 =	sld [smem:$0x3FAB];
	_ =	sdelay $0x3  }
0x33: {  	p0 =	seq.s32 s10, $0x1;
	s10 =	sld [smem:$0x3FAD];
	_ =	sdelay $0x3  }
0x34: {  	[smem:$0x3FAD] =	sst s10  }
0x35: {  	s10 =	sld [smem:$0x3FAC];
	_ =	sdelay $0x3  }
0x36: {  	p1 =	seq.s32 s10, $0x1;
	s10 =	sld [smem:$0x3FAD];
	_ =	sdelay $0x3  }
0x37: {  	[smem:$0x3FAD] =	sst s10  }
0x38: {  	s10 =	sld [smem:$0x3FAE]  }
0x39: {  	_ = 	snop;
	(pc) =	sbr.ind lr, $3  }
0x3a: {  	_ = 	snop  }
0x3b: {  	_ = 	snop  }
0x3c: {  	p2 =	seq.s32 s10, $0x1;
	s10 =	sld [smem:$0x3FAD]  }
0x3d: {  	_ =	shalt  }
0x3e: {  	_ =	shalt  }
0x3f: {  	_ =	shalt  }
0x40: {  	_ =	shalt  }
0x41: {  	_ =	shalt  }
0x42: {  	_ =	shalt  }
0x43: {  	_ =	shalt  }
0x44: {  	_ =	shalt  }
0x45: {  	_ =	shalt  }
0x46: {  	_ =	shalt  }
0x47: {  	_ =	shalt  }
0x48: {  	_ =	shalt  }
0x49: {  	_ =	shalt  }
0x4a: {  	_ =	shalt  }
0x4b: {  	_ =	shalt  }
0x4c: {  	_ =	shalt  }
0x4d: {  	_ =	shalt  }
0x4e: {  	_ =	shalt  }
0x4f: {  	_ =	shalt  }
0x50: {  	_ =	shalt  }
0x51: {  	_ =	shalt  }
0x52: {  	_ =	shalt  }
0x53: {  	_ =	shalt  }
0x54: {  	_ =	shalt  }
0x55: {  	_ =	shalt  }
0x56: {  	_ =	shalt  }
0x57: {  	_ =	shalt  }
0x58: {  	_ =	shalt  }
0x59: {  	_ =	shalt  }
0x5a: {  	_ =	shalt  }
0x5b: {  	_ =	shalt  }
0x5c: {  	_ =	shalt  }
0x5d: {  	_ =	shalt  }
0x5e: {  	_ =	shalt  }
0x5f: {  	_ =	shalt  }
0x60: {  	_ =	shalt  }
0x61: {  	_ =	shalt  }
0x62: {  	_ =	shalt  }
0x63: {  	_ =	shalt  }
0x64: {  	_ =	shalt  }
0x65: {  	_ =	shalt  }
0x66: {  	_ =	shalt  }
0x67: {  	_ =	shalt  }
0x68: {  	_ =	shalt  }
0x69: {  	_ =	shalt  }
0x6a: {  	_ =	shalt  }
0x6b: {  	_ =	shalt  }
0x6c: {  	_ =	shalt  }
0x6d: {  	_ =	shalt  }
0x6e: {  	_ =	shalt  }
0x6f: {  	_ =	shalt  }
0x70: {  	_ =	shalt  }
0x71: {  	_ =	shalt  }
0x72: {  	_ =	shalt  }
0x73: {  	_ =	shalt  }
0x74: {  	_ =	shalt  }
0x75: {  	_ =	shalt  }
0x76: {  	_ =	shalt  }
0x77: {  	_ =	shalt  }
0x78: {  	_ =	shalt  }
0x79: {  	_ =	shalt  }
0x7a: {  	_ =	shalt  }
0x7b: {  	_ =	shalt  }
0x7c: {  	_ =	shalt  }
0x7d: {  	_ =	shalt  }
0x7e: {  	_ =	shalt  }
0x7f: {  	_ =	shalt  }
0x80: {  	_ =	shalt  }
0x81: {  	_ =	shalt  }
0x82: {  	_ =	shalt  }
0x83: {  	_ =	shalt  }
0x84: {  	_ =	shalt  }
0x85: {  	_ =	shalt  }
0x86: {  	_ =	shalt  }
0x87: {  	_ =	shalt  }
.Lfunc_end0:
.L_simem_size_0:
called_computation.3_lowered:
.L_overlay_start_0:
0x88: {  	s2 =	sld [smem:$0x3FD9]  }
0x89: {  	s3 =	sld [smem:$0x3FFE];
	_ =	sdelay $0x1  }
0x8a: {  	s1 =	srdreg.scid  }
0x8b: {  	s0 =	sand.u32 $0x1, s1  }
0x8c: {  	s14 =	sshll.u32 s0, $0xA;
	s2 =	sadd.s32 s3, s2  }
0x8d: {  	s2 =	sadd.s32 s2, s14  }
0x8e: {  	[smem:$0x3FB9] =	sst s2  }
0x8f: {  	_ = 	snop  }
0x90: {  	s2 =	sld [smem:$0x3FD0];
	_ =	sdelay $0x2  }
0x91: {  	s15 =	simm.s32 $0xA;
	s4 =	simm.s32 $0x10  }
0x92: {  	[smem:s4], [sflag:s15] =	dma.local [hbm:s2], $0x1  }
0x93: {  	_ =	swait.eq [sflag:s15], $0x1  }
0x94: {  	[sflag:s15] =	ssyncset.done $0x0  }
0x95: {  	[sflag:s15] =	ssyncadd.s32 $0xFFFFFFFF  }
0x96: {  	s16 =	sld [smem:$0x11];
	(tm) =	ssettm $0x1  }
0x97: {  	s17 =	sld [smem:$0x3FFB];
	_ =	sdelay $0x3  }
0x98: {  	_ =	strace s17  }
0x99: {  	s3 =	sld [smem:$0x3FFC];
	_ =	sdelay $0x3  }
0x9a: {  	_ =	strace s3  }
0x9b: {  	s3 =	sld [smem:$0x3FFD];
	_ =	sdelay $0x3  }
0x9c: {  	_ =	strace s3  }
0x9d: {  	_ =	strace $0x8FFFFFFF  }
0x9e: {  	s18 =	sld [smem:$0x3FDB];
	_ =	sdelay $0x1  }
0x9f: {  	s19 =	simm.s32 $_scs_section_size  }
0xa0: {  	s5 =	simm.s32 $_size__tile_overlayer_lowered;
	s6 =	simm.s32 $_tile_overlayer_lowered  }
0xa1: {  	s22 =	simm.s32 $0x1BFF;
	s21 =	sshll.u32 s6, $0x1;
	s3 =	sadd.s32 s19, s18  }
0xa2: {  	s7 =	simm.s32 $0x0;
	s20 =	sshll.u32 s5, $0x1;
	s5 =	sadd.s32 s21, s3  }
0xa3: {  	[timem:s7], [sflag:s22] =	dma.local [hbm:s5], s20  }
0xa4: {  	_ =	swait.ge [sflag:s22], s20  }
0xa5: {  	s4 =	ssub.s32 $0x0, s20;
	[sflag:s22] =	ssyncset.done $0x0  }
0xa6: {  	[sflag:s22] =	ssyncadd.s32 s4;
	_ =	sdelay $0x1  }
0xa7: {  	s23 =	simm.s32 $0x1B8B  }
0xa8: {  	_ =	swait.ge [sflag:s23], $0x1  }
0xa9: {  	[sflag:s23] =	ssyncset.done $0x0  }
0xaa: {  	s25 =	simm.s32 $0x1B8E;
	s24 =	sld [smem:$0x3FFE];
	[sflag:s23] =	ssyncadd.s32 $0xFFFFFFFF  }
0xab: {  	s26 =	simm.s32 $execute0_lowered;
	[smem:$0x3FD2] =	sst s25  }
0xac: {  	s5 =	sshll.u32 s26, $0x1;
	_ =	strace $0x8000004F;
	[dreg:$0x1] =	wrdreg $0xFFFFFFFF  }
0xad: {  	s28 =	simm.s32 $_size_execute0_lowered;
	s3 =	sadd.s32 s3, s5;
	[dreg:$0x0] =	wrdreg $0x0  }
0xae: {  	s5 =	sshll.u32 s28, $0x1;
	[dreg:$0x2] =	wrdreg s3  }
0xaf: {  	[dreg:$0x3] =	wrdreg s5  }
0xb0: {  	[dreg:$0x4] =	wrdreg $0xC0  }
0xb1: {  	_ =	task [dreg:s7], $0x5FFFF  }
0xb2: {  	[dreg:$0x1] =	wrdreg $0xFFFFFFFF  }
0xb3: {  	[dreg:$0x0] =	wrdreg $0x60  }
0xb4: {  	[dreg:$0x2] =	wrdreg s16  }
0xb5: {  	[dreg:$0x3] =	wrdreg s24  }
0xb6: {  	[dreg:$0x4] =	wrdreg $0x0  }
0xb7: {  	[dreg:$0x5] =	wrdreg $0x9  }
0xb8: {  	_ =	task.clear_ibuf [dreg:s7], $0x6FFFF;
	_ =	strace $0x9000004F  }
0xb9: {  	s29 =	simm.s32 $0x9;
	_ =	strace $0x80000051  }
0xba: {  	_ =	swait.ge [sflag:s29], $0x1  }
0xbb: {  	[sflag:s29] =	ssyncadd.s32 $0xFFFFFFFF  }
0xbc: {  	_ =	strace $0x90000051  }
0xbd: {  	_ =	sfence  }
0xbe: {  	s30 =	sld [smem:$0x0];
	_ =	sdelay $0x2  }
0xbf: {  	s31 =	sshll.u32 s1, $0xD;
	s1 =	sshrl.u32 s1, $0x2  }
0xc0: {  	s3 =	sand.u32 $0x4000, s31;
	s1 =	sadd.s32 s1, s30  }
0xc1: {  	s0 =	sor.u32 s3, s0;
	s1 =	sshll.u32 s1, $0x11  }
0xc2: {  	s0 =	sor.u32 s1, s0  }
0xc3: {  	s0 =	sadd.s32 $0x8F2B, s0  }
0xc4: {  	[sflag:s0] =	ssyncadd.remote.s32 $0x1  }
0xc5: {  	_ =	sfence.sel $0xFFFF  }
0xc6: {  	[dreg:$0x0] =	wrdreg $0xFFFFFFFF;
	(pc) =	sbr.abs _section_cstart, $3  }
0xc7: {  	[dreg:$0x1] =	wrdreg $0xFFFFFFFF  }
0xc8: {  	_ =	task.clear_ibuf [dreg:s7], $0x2FFFF;
	_ =	strace $0x9FFFFFFF  }
0xc9: {  	(tm) =	ssettm $0x7FFFFFFF  }
tec
execute0_lowered:
.L_overlay_start_1:
0x0: {  	(tag) =	ssettag $0x1  }
0x1: {  	s1 =	rddreg [dreg:$0x0]  }
0x2: {  	s6 =	rddreg [dreg:$0x1]  }
0x3: {  	s2 =	rddreg [dreg:$0x2]  }
0x4: {  	s3 =	srdreg.scid;
	s0 =	rddreg [dreg:$0x3]  }
0x5: {  	s4 =	simm.s32 $0x0;
	s16 =	simm.s32 $0x15000;
	s17 =	simm.s32 $0x80  }
0x6: {  	s18 =	simm.s32 $0x16400;
	s19 =	simm.s32 $0x1A400;
	s20 =	simm.s32 $0x1  }
0x7: {  	s21 =	simm.s32 $0x2;
	s22 =	simm.s32 $0x14F80;
	s23 =	simm.s32 $0x16300  }
0x8: {  	s24 =	simm.s32 $0x16380;
	s7 =	sand.u32 $0x1, s3;
	s3 =	stileid.u32  }
0x9: {  	[smem:$0x7FF] =	sst s4;
	s10 =	sadd.s32 $0x61800, s6;
	s8 =	smul.u32 $0x13C000, s7  }
0xa: {  	s11 =	sadd.s32 $0x6B800, s6;
	s5 =	sadd.s32 $0xFE00, s6;
	s9 =	smul.u32 $0x13C00, s3  }
0xb: {  	_ =	strace $0x80000050;
	s25 =	sshll.u32 s3, $0x1;
	s12 =	ssub.s32 $0x2, s7  }
0xc: {  	s26 =	smul.u32 $0x4F000, s3;
	s30 =	sshll.u32 s3, $0x6;
	s7 =	sor.u32 s7, s25  }
0xd: {  	s13 =	sshrl.u32 s12, $0x1;
	s25 =	simm.s32 $0x0;
	s8 =	sadd.s32 s9, s8  }
0xe: {  	s7 =	smul.u32 $0x2800, s7;
	s12 =	ssub.s32 s12, s13;
	s28 =	sshrl.u32 s26, $0x2  }
0xf: {  	s8 =	sshrl.u32 s8, $0x3;
	s29 =	sadd.s32 s28, s2;
	s12 =	smax.u32 s12, $0x1  }
0x10: {  	s14 =	sadd.s32 s8, s6;
	s31 =	sshrl.u32 s7, $0x3;
	s6 =	sor.u32 $0x1C03, s30  }
0x11: {  	s13 =	sshrl.u32 s29, $0x3;
	s7 =	sadd.s32 s10, s31;
	s15 =	sadd.s32 $0x280, s31  }
0x12: {  	s8 =	sadd.s32 s11, s31;
	s9 =	sadd.s32 s10, s15;
	s10 =	sadd.s32 s11, s15  }
0x13: {  	s11 =	sadd.s32 $0x12600, s14;
	s14 =	simm.s32 $0x3;
	s15 =	simm.s32 $0x13C00  }
.LBB2_1:
0x14: {  	[spmem:s13], [sflag:s6] =	dma.local [hbm:s5], $0x2780  }
0x15: {  	_ =	swait.ge [sflag:s14], $0x2780  }
0x16: {  	[sflag:s14] =	ssyncset.done $0x0  }
0x17: {  	[sflag:s14] =	ssyncadd.s32 $0xFFFFD880  }
0x18: {  	[bflag:$0x0] =	sbarrier.arrive $0xFFFF  }
0x19: {  	[tilespmem:s15], [sflag:$0x3] =	stream.linear.gather [hbm4b:s7+s4], $0x1400, $0x38;
	[tilespmem:$0x1E400] =	vst v63  }
0x1a: {  	_ =	swait.ge [sflag:s14], $0x1400  }
0x1b: {  	[sflag:s14] =	ssyncset.done $0x0  }
0x1c: {  	[sflag:s14] =	ssyncadd.s32 $0xFFFFEC00  }
0x1d: {  	[tilespmem:s16], [sflag:$0x3] =	stream.linear.gather [hbm4b:s8+s4], $0x1400, $0x38;
	[tilespmem:$0x1E400] =	vst v63  }
0x1e: {  	_ =	swait.ge [sflag:s14], $0x1400  }
0x1f: {  	[sflag:s14] =	ssyncset.done $0x0  }
0x20: {  	[sflag:s14] =	ssyncadd.s32 $0xFFFFEC00  }
0x21: {  	[tilespmem:s18], [sflag:$0x1] =	stream.indirect.gather [hbm4b:s1+s17], $0x80, s15, s17, $0xb8;
	[tilespmem:$0x1E400] =	vst v63  }
0x22: {  	s26 =	simm.s32 $0x13C80  }
0x23: {  	[tilespmem:s19], [sflag:$0x2] =	stream.indirect.gather [hbm4b:s1+s17], $0x80, s26, s17, $0xb8;
	[tilespmem:$0x1E400] =	vst v63  }
0x24: {  	_ =	swait.ge [sflag:s20], $0x4000  }
0x25: {  	[sflag:s20] =	ssyncset.done $0x0  }
0x26: {  	s29 =	simm.s32 $0x15000;
	[sflag:s20] =	ssyncadd.s32 $0xFFFFC000  }
0x27: {  	[spmem:s2] =	stream.indirect.scatter.add.f32 [tilespmem:s18], [sflag:$0x3], $0x80, s29, s17, $0xb8;
	[tilespmem:$0x1E400] =	vst v63  }
0x28: {  	_ =	swait.ge [sflag:s14], $0x4000  }
0x29: {  	[sflag:s14] =	ssyncset.done $0x0  }
0x2a: {  	s30 =	simm.s32 $0x13D00;
	[sflag:s14] =	ssyncadd.s32 $0xFFFFC000  }
0x2b: {  	[tilespmem:s18], [sflag:$0x1] =	stream.indirect.gather [hbm4b:s1+s17], $0x80, s30, s17, $0xb8;
	[tilespmem:$0x1E400] =	vst v63  }
0x2c: {  	_ =	swait.ge [sflag:s21], $0x4000  }
0x2d: {  	[sflag:s21] =	ssyncset.done $0x0  }
0x2e: {  	s31 =	simm.s32 $0x15080;
	[sflag:s21] =	ssyncadd.s32 $0xFFFFC000  }
0x2f: {  	[spmem:s2] =	stream.indirect.scatter.add.f32 [tilespmem:s19], [sflag:$0x3], $0x80, s31, s17, $0xb8;
	[tilespmem:$0x1E400] =	vst v63  }
0x30: {  	_ =	swait.ge [sflag:s14], $0x4000  }
0x31: {  	s28 =	simm.s32 $0x800;
	s26 =	simm.s32 $0x100;
	[sflag:s14] =	ssyncset.done $0x0  }
.LBB2_2:
0x32: {  	s29 =	sadd.s32 $0x13C80, s26  }
0x33: {  	[sflag:s14] =	ssyncadd.s32 $0xFFFFC000;
	s30 =	smov.u32 s28;
	s31 =	sadd.s32 $0x400, s28  }
0x34: {  	[tilespmem:s19], [sflag:$0x2] =	stream.indirect.gather [hbm4b:s1+s17], $0x80, s29, s17, $0xb8;
	[tilespmem:$0x1E400] =	vst v63  }
0x35: {  	p0 =	sne.s32 s28, $0x4800;
	_ =	swait.ge [sflag:s20], $0x4000  }
0x36: {  	[sflag:s20] =	ssyncset.done $0x0  }
0x37: {  	s28 =	sadd.s32 $0x15000, s26;
	[sflag:s20] =	ssyncadd.s32 $0xFFFFC000  }
0x38: {  	[spmem:s2] =	stream.indirect.scatter.add.f32 [tilespmem:s18], [sflag:$0x3], $0x80, s28, s17, $0xb8;
	[tilespmem:$0x1E400] =	vst v63  }
0x39: {  	_ =	swait.ge [sflag:s14], $0x4000  }
0x3a: {  	[sflag:s14] =	ssyncset.done $0x0  }
0x3b: {  	s28 =	sadd.s32 $0x13D00, s26;
	[sflag:s14] =	ssyncadd.s32 $0xFFFFC000  }
0x3c: {  	[tilespmem:s18], [sflag:$0x1] =	stream.indirect.gather [hbm4b:s1+s17], $0x80, s28, s17, $0xb8;
	[tilespmem:$0x1E400] =	vst v63  }
0x3d: {  	_ =	swait.ge [sflag:s21], $0x4000  }
.Ltmp0:
0x3e: {  	[sflag:s21] =	ssyncset.done $0x0;
	(pc) =	sbr.rel @p0 .LBB2_2-.Ltmp0, $4  }
0x3f: {  	s26 =	sadd.s32 $0x15080, s26;
	[sflag:s21] =	ssyncadd.s32 $0xFFFFC000  }
0x40: {  	[spmem:s2] =	stream.indirect.scatter.add.f32 [tilespmem:s19], [sflag:$0x3], $0x80, s26, s17, $0xb8;
	[tilespmem:$0x1E400] =	vst v63  }
0x41: {  	_ =	swait.ge [sflag:s14], $0x4000  }
0x42: {  	s28 =	smov.u32 s31;
	s26 =	sshra.s32 s30, $0x2;
	[sflag:s14] =	ssyncset.done $0x0  }
0x43: {  	s28 =	sadd.s32 $0x13C80, s26;
	[sflag:s14] =	ssyncadd.s32 $0xFFFFC000  }
0x44: {  	[tilespmem:s19], [sflag:$0x2] =	stream.indirect.gather [hbm4b:s1+s17], $0x80, s28, s17, $0xb8;
	[tilespmem:$0x1E400] =	vst v63  }
0x45: {  	_ =	swait.ge [sflag:s20], $0x4000  }
0x46: {  	[sflag:s20] =	ssyncset.done $0x0  }
0x47: {  	s28 =	sadd.s32 $0x15000, s26;
	[sflag:s20] =	ssyncadd.s32 $0xFFFFC000  }
0x48: {  	[spmem:s2] =	stream.indirect.scatter.add.f32 [tilespmem:s18], [sflag:$0x3], $0x80, s28, s17, $0xb8;
	[tilespmem:$0x1E400] =	vst v63  }
0x49: {  	_ =	swait.ge [sflag:s14], $0x4000  }
0x4a: {  	[sflag:s14] =	ssyncset.done $0x0  }
0x4b: {  	s28 =	sadd.s32 $0x13D00, s26;
	[sflag:s14] =	ssyncadd.s32 $0xFFFFC000  }
0x4c: {  	[tilespmem:s18], [sflag:$0x1] =	stream.indirect.gather [hbm4b:s1+s17], $0x80, s28, s17, $0xb8;
	[tilespmem:$0x1E400] =	vst v63  }
0x4d: {  	_ =	swait.ge [sflag:s21], $0x4000  }
0x4e: {  	[sflag:s21] =	ssyncset.done $0x0  }
0x4f: {  	s29 =	sadd.s32 $0x15080, s26;
	[sflag:s21] =	ssyncadd.s32 $0xFFFFC000  }
0x50: {  	[spmem:s2] =	stream.indirect.scatter.add.f32 [tilespmem:s19], [sflag:$0x3], $0x80, s29, s17, $0xb8;
	[tilespmem:$0x1E400] =	vst v63  }
0x51: {  	_ =	swait.ge [sflag:s14], $0x4000  }
0x52: {  	[sflag:s14] =	ssyncset.done $0x0  }
0x53: {  	[sflag:s14] =	ssyncadd.s32 $0xFFFFC000  }
0x54: {  	[tilespmem:s19], [sflag:$0x2] =	stream.indirect.gather [hbm4b:s1+s17], $0x80, s22, s17, $0xb8;
	[tilespmem:$0x1E400] =	vst v63  }
0x55: {  	_ =	swait.ge [sflag:s20], $0x4000  }
0x56: {  	[sflag:s20] =	ssyncset.done $0x0  }
0x57: {  	[sflag:s20] =	ssyncadd.s32 $0xFFFFC000  }
0x58: {  	[spmem:s2] =	stream.indirect.scatter.add.f32 [tilespmem:s18], [sflag:$0x3], $0x80, s23, s17, $0xb8;
	[tilespmem:$0x1E400] =	vst v63  }
0x59: {  	_ =	swait.ge [sflag:s14], $0x4000  }
0x5a: {  	[sflag:s14] =	ssyncset.done $0x0  }
0x5b: {  	[sflag:s14] =	ssyncadd.s32 $0xFFFFC000  }
0x5c: {  	_ =	swait.ge [sflag:s21], $0x4000  }
0x5d: {  	[sflag:s21] =	ssyncset.done $0x0  }
0x5e: {  	[sflag:s21] =	ssyncadd.s32 $0xFFFFC000  }
0x5f: {  	[spmem:s2] =	stream.indirect.scatter.add.f32 [tilespmem:s19], [sflag:$0x3], $0x80, s24, s17, $0xb8;
	[tilespmem:$0x1E400] =	vst v63  }
0x60: {  	_ =	swait.ge [sflag:s14], $0x4000  }
0x61: {  	[sflag:s14] =	ssyncset.done $0x0  }
0x62: {  	s30 =	simm.s32 $0x0;
	[sflag:s14] =	ssyncadd.s32 $0xFFFFC000  }
0x63: {  	[tilespmem:s15], [sflag:$0x3] =	stream.linear.gather [hbm4b:s9+s30], $0x1400, $0x38;
	[tilespmem:$0x1E400] =	vst v63  }
0x64: {  	_ =	swait.ge [sflag:s14], $0x1400  }
0x65: {  	[sflag:s14] =	ssyncset.done $0x0  }
0x66: {  	[sflag:s14] =	ssyncadd.s32 $0xFFFFEC00  }
0x67: {  	[tilespmem:s16], [sflag:$0x3] =	stream.linear.gather [hbm4b:s10+s30], $0x1400, $0x38;
	[tilespmem:$0x1E400] =	vst v63  }
0x68: {  	_ =	swait.ge [sflag:s14], $0x1400  }
0x69: {  	[sflag:s14] =	ssyncset.done $0x0  }
0x6a: {  	[sflag:s14] =	ssyncadd.s32 $0xFFFFEC00  }
0x6b: {  	[tilespmem:s18], [sflag:$0x1] =	stream.indirect.gather [hbm4b:s1+s17], $0x80, s15, s17, $0xb8;
	[tilespmem:$0x1E400] =	vst v63  }
0x6c: {  	s31 =	simm.s32 $0x13C80  }
0x6d: {  	[tilespmem:s19], [sflag:$0x2] =	stream.indirect.gather [hbm4b:s1+s17], $0x80, s31, s17, $0xb8;
	[tilespmem:$0x1E400] =	vst v63  }
0x6e: {  	_ =	swait.ge [sflag:s20], $0x4000  }
0x6f: {  	[sflag:s20] =	ssyncset.done $0x0  }
0x70: {  	s29 =	simm.s32 $0x15000;
	[sflag:s20] =	ssyncadd.s32 $0xFFFFC000  }
0x71: {  	[spmem:s2] =	stream.indirect.scatter.add.f32 [tilespmem:s18], [sflag:$0x3], $0x80, s29, s17, $0xb8;
	[tilespmem:$0x1E400] =	vst v63  }
0x72: {  	_ =	swait.ge [sflag:s14], $0x4000  }
0x73: {  	[sflag:s14] =	ssyncset.done $0x0  }
0x74: {  	s30 =	simm.s32 $0x13D00;
	[sflag:s14] =	ssyncadd.s32 $0xFFFFC000  }
0x75: {  	[tilespmem:s18], [sflag:$0x1] =	stream.indirect.gather [hbm4b:s1+s17], $0x80, s30, s17, $0xb8;
	[tilespmem:$0x1E400] =	vst v63  }
0x76: {  	_ =	swait.ge [sflag:s21], $0x4000  }
0x77: {  	[sflag:s21] =	ssyncset.done $0x0  }
0x78: {  	s31 =	simm.s32 $0x15080;
	[sflag:s21] =	ssyncadd.s32 $0xFFFFC000  }
0x79: {  	[spmem:s2] =	stream.indirect.scatter.add.f32 [tilespmem:s19], [sflag:$0x3], $0x80, s31, s17, $0xb8;
	[tilespmem:$0x1E400] =	vst v63  }
0x7a: {  	_ =	swait.ge [sflag:s14], $0x4000  }
0x7b: {  	s26 =	simm.s32 $0x100;
	s28 =	simm.s32 $0x800;
	[sflag:s14] =	ssyncset.done $0x0  }
.LBB2_4:
0x7c: {  	s29 =	sadd.s32 $0x13C80, s26  }
0x7d: {  	[sflag:s14] =	ssyncadd.s32 $0xFFFFC000;
	s30 =	smov.u32 s28;
	s31 =	sadd.s32 $0x400, s28  }
0x7e: {  	[tilespmem:s19], [sflag:$0x2] =	stream.indirect.gather [hbm4b:s1+s17], $0x80, s29, s17, $0xb8;
	[tilespmem:$0x1E400] =	vst v63  }
0x7f: {  	p0 =	sne.s32 s28, $0x4800;
	_ =	swait.ge [sflag:s20], $0x4000  }
0x80: {  	[sflag:s20] =	ssyncset.done $0x0  }
0x81: {  	s28 =	sadd.s32 $0x15000, s26;
	[sflag:s20] =	ssyncadd.s32 $0xFFFFC000  }
0x82: {  	[spmem:s2] =	stream.indirect.scatter.add.f32 [tilespmem:s18], [sflag:$0x3], $0x80, s28, s17, $0xb8;
	[tilespmem:$0x1E400] =	vst v63  }
0x83: {  	_ =	swait.ge [sflag:s14], $0x4000  }
0x84: {  	[sflag:s14] =	ssyncset.done $0x0  }
0x85: {  	s28 =	sadd.s32 $0x13D00, s26;
	[sflag:s14] =	ssyncadd.s32 $0xFFFFC000  }
0x86: {  	[tilespmem:s18], [sflag:$0x1] =	stream.indirect.gather [hbm4b:s1+s17], $0x80, s28, s17, $0xb8;
	[tilespmem:$0x1E400] =	vst v63  }
0x87: {  	_ =	swait.ge [sflag:s21], $0x4000  }
.Ltmp1:
0x88: {  	[sflag:s21] =	ssyncset.done $0x0;
	(pc) =	sbr.rel @p0 .LBB2_4-.Ltmp1, $4  }
0x89: {  	s26 =	sadd.s32 $0x15080, s26;
	[sflag:s21] =	ssyncadd.s32 $0xFFFFC000  }
0x8a: {  	[spmem:s2] =	stream.indirect.scatter.add.f32 [tilespmem:s19], [sflag:$0x3], $0x80, s26, s17, $0xb8;
	[tilespmem:$0x1E400] =	vst v63  }
0x8b: {  	_ =	swait.ge [sflag:s14], $0x4000  }
0x8c: {  	s28 =	smov.u32 s31;
	s26 =	sshra.s32 s30, $0x2;
	[sflag:s14] =	ssyncset.done $0x0  }
0x8d: {  	s28 =	sadd.s32 $0x13C80, s26;
	[sflag:s14] =	ssyncadd.s32 $0xFFFFC000  }
0x8e: {  	[tilespmem:s19], [sflag:$0x2] =	stream.indirect.gather [hbm4b:s1+s17], $0x80, s28, s17, $0xb8;
	[tilespmem:$0x1E400] =	vst v63  }
0x8f: {  	_ =	swait.ge [sflag:s20], $0x4000  }
0x90: {  	[sflag:s20] =	ssyncset.done $0x0  }
0x91: {  	s29 =	sadd.s32 $0x15000, s26;
	[sflag:s20] =	ssyncadd.s32 $0xFFFFC000  }
0x92: {  	[spmem:s2] =	stream.indirect.scatter.add.f32 [tilespmem:s18], [sflag:$0x3], $0x80, s29, s17, $0xb8;
	[tilespmem:$0x1E400] =	vst v63  }
0x93: {  	_ =	swait.ge [sflag:s14], $0x4000  }
0x94: {  	[sflag:s14] =	ssyncset.done $0x0  }
0x95: {  	s30 =	sadd.s32 $0x13D00, s26;
	[sflag:s14] =	ssyncadd.s32 $0xFFFFC000  }
0x96: {  	[tilespmem:s18], [sflag:$0x1] =	stream.indirect.gather [hbm4b:s1+s17], $0x80, s30, s17, $0xb8;
	[tilespmem:$0x1E400] =	vst v63  }
0x97: {  	_ =	swait.ge [sflag:s21], $0x4000  }
0x98: {  	[sflag:s21] =	ssyncset.done $0x0  }
0x99: {  	s31 =	sadd.s32 $0x15080, s26;
	[sflag:s21] =	ssyncadd.s32 $0xFFFFC000  }
0x9a: {  	[spmem:s2] =	stream.indirect.scatter.add.f32 [tilespmem:s19], [sflag:$0x3], $0x80, s31, s17, $0xb8;
	[tilespmem:$0x1E400] =	vst v63  }
0x9b: {  	_ =	swait.ge [sflag:s14], $0x4000  }
0x9c: {  	[sflag:s14] =	ssyncset.done $0x0  }
0x9d: {  	[sflag:s14] =	ssyncadd.s32 $0xFFFFC000  }
0x9e: {  	[tilespmem:s19], [sflag:$0x2] =	stream.indirect.gather [hbm4b:s1+s17], $0x80, s22, s17, $0xb8;
	[tilespmem:$0x1E400] =	vst v63  }
0x9f: {  	_ =	swait.ge [sflag:s20], $0x4000  }
0xa0: {  	[sflag:s20] =	ssyncset.done $0x0  }
0xa1: {  	[sflag:s20] =	ssyncadd.s32 $0xFFFFC000  }
0xa2: {  	[spmem:s2] =	stream.indirect.scatter.add.f32 [tilespmem:s18], [sflag:$0x3], $0x80, s23, s17, $0xb8;
	[tilespmem:$0x1E400] =	vst v63  }
0xa3: {  	_ =	swait.ge [sflag:s14], $0x4000  }
0xa4: {  	[sflag:s14] =	ssyncset.done $0x0  }
0xa5: {  	[sflag:s14] =	ssyncadd.s32 $0xFFFFC000  }
0xa6: {  	_ =	swait.ge [sflag:s21], $0x4000  }
0xa7: {  	[sflag:s21] =	ssyncset.done $0x0  }
0xa8: {  	[sflag:s21] =	ssyncadd.s32 $0xFFFFC000  }
0xa9: {  	[spmem:s2] =	stream.indirect.scatter.add.f32 [tilespmem:s19], [sflag:$0x3], $0x80, s24, s17, $0xb8;
	[tilespmem:$0x1E400] =	vst v63  }
0xaa: {  	_ =	swait.ge [sflag:s14], $0x4000  }
0xab: {  	s25 =	sadd.s32 $0x1, s25;
	[sflag:s14] =	ssyncset.done $0x0  }
0xac: {  	p0 =	sne.s32 s25, s12;
	[sflag:s14] =	ssyncadd.s32 $0xFFFFC000  }
.Ltmp2:
0xad: {  	[bflag:$0x0] =	sbarrier.arrive $0xFFFF;
	(pc) =	sbr.rel @p0 .LBB2_1-.Ltmp2, $4  }
0xae: {  	[hbm:s11], [sflag:s6] =	dma.local [spmem:s13], $0x2780  }
0xaf: {  	_ =	swait.ge [sflag:s14], $0x2780  }
0xb0: {  	[sflag:s14] =	ssyncset.done $0x0  }
0xb1: {  	[sflag:s14] =	ssyncadd.s32 $0xFFFFD880  }
0xb2: {  	_ =	sfence.sel $0x180000  }
0xb3: {  	[bflag:$0x0] =	sbarrier.arrive $0xFFFF  }
0xb4: {  	p0 =	sne.s32 s3, $0x0;
	_ =	strace $0x90000050  }
0xb5: {  	s0 =	sadd.s32 @!p0 $0x100000, s0;
	[bflag:$0x2] =	sbarrier.arrive $0xFFFF  }
0xb6: {  	[sflag:s0] =	ssyncadd.tile.s32 @!p0 $0x1;
	_ =	shalt  }
.Lfunc_end2:
_tile_overlayer_lowered:
.L_overlay_start_2:
0xb7: {  	(tag) =	ssettag $0x2  }
0xb8: {  	s0 =	rddreg [dreg:$0x0];
	s2 =	stileid.u32  }
0xb9: {  	s1 =	rddreg [dreg:$0x1];
	p0 =	sne.s32 s2, $0x0  }
0xba: {  	s3 =	rddreg [dreg:$0x2];
	[bflag:$0x3] =	sbarrier.arrive $0xFFFF;
	s2 =	simm.s32 @!p0 $0x1C03  }
0xbb: {  	[timem:s3], [sflag:s2] =	dma.local @!p0 [hbm:s0], s1  }
0xbc: {  	s0 =	simm.s32 @!p0 $0x3  }
0xbd: {  	_ =	swait.ge @!p0 [sflag:s0], s1  }
0xbe: {  	s1 =	ssub.s32 @!p0 $0x0, s1;
	[sflag:s0] =	ssyncset.done @!p0 $0x0  }
0xbf: {  	[sflag:s0] =	ssyncadd.s32 @!p0 s1  }
0xc0: {  	[bflag:$0x3] =	sbarrier.arrive $0xFFFF  }
0xc1: {  	_ =	shalt  }

// kernel: kernel.28.cloned.1.call-start
scs
__scs_entry_jumppad:
0x0: {  	(pc) =	sbr.rel $0x88, $3  }
0x1: {  	(tag) =	ssettag $0x0;
	lr =	simm.s32 $0x1  }
0x2: {  	[smem:$0x3F92] =	sst lr;
	_ =	strace $0xD0000000  }
0x3: {  	_ = 	snop  }
0x4: {  	_ = 	snop  }
0x5: {  	_ = 	snop  }
0x6: {  	_ = 	snop  }
0x7: {  	_ = 	snop  }
__scs_overlays_trampoline_lowered:
0x8: {  	[smem:$0x3FA1] =	sst s0  }
0x9: {  	[smem:$0x3FA2] =	sst s1  }
0xa: {  	[smem:$0x3FA3] =	sst s2  }
0xb: {  	[smem:$0x3FA4] =	sst s3  }
0xc: {  	[smem:$0x3FA5] =	sst s4  }
0xd: {  	[smem:$0x3FA6] =	sst s5  }
0xe: {  	[smem:$0x3FA7] =	sst s6  }
0xf: {  	[smem:$0x3FA8] =	sst s7  }
0x10: {  	[smem:$0x3FA9] =	sst s8  }
0x11: {  	[smem:$0x3FAA] =	sst s9;
	s0 =	simm.s32 @!p0 $0x0  }
0x12: {  	s1 =	sld [smem:$0x3F90];
	s0 =	simm.s32 @p0 $0x1  }
0x13: {  	[smem:$0x3FAB] =	sst s0;
	s0 =	simm.s32 @!p1 $0x0  }
0x14: {  	s2 =	sld [smem:$0x3F8F];
	s0 =	simm.s32 @p1 $0x1  }
0x15: {  	[smem:$0x3FAC] =	sst s0;
	s0 =	simm.s32 @!p2 $0x0  }
0x16: {  	s3 =	sld [smem:$0x3FDB];
	s0 =	simm.s32 @p2 $0x1  }
0x17: {  	s4 =	simm.s32 $0x1BF5;
	[smem:$0x3FAE] =	sst s0  }
0x18: {  	s0 =	sld [smem:$0x3F91];
	_ =	swait.ge [sflag:s4], $0x0  }
0x19: {  	s7 =	sld [smem:$0x3F92]  }
0x1a: {  	s8 =	sadd.s32 $0xFFFFE003, lr  }
0x1b: {  	s9 =	sadd.s32 $0xFFFFFEF7, lr;
	s5 =	simm.s32 $0xFFFFFFFF;
	p2 =	slt.u32 s8, $0xFFFFF086  }
0x1c: {  	p1 =	slt.u32 s9, $0xF7A;
	s5 =	simm.s32 @!p2 $0x0  }
0x1d: {  	s5 =	simm.s32 @p1 $0x1;
	p0 =	seq.s32 s7, s2  }
0x1e: {  	s7 =	smul.u32 @!p0 $0xF7A, s2;
	p2 =	seq.s32 @!p0 s5, $0x0  }
0x1f: {  	s9 =	smul.u32 $0xF7A, s1;
	s8 =	simm.s32 @!p0 $0x1BF5;
	p2 =	por !p2, p0  }
0x20: {  	[sflag:s8] =	ssyncset.s32 @!p0 $0xFFFFF086;
	s6 =	sadd.s32 @!p0 s3, s7;
	s7 =	simm.s32 @!p0 $0x108  }
0x21: {  	s3 =	sadd.s32 s3, s9;
	s6 =	sadd.s32 @!p0 $0x88, s6;
	s7 =	simm.s32 @p2 $0x1082  }
0x22: {  	[simem:s7], [sflag:s8] =	dma.local @!p0 [hbm:s6], $0xF7A  }
0x23: {  	s9 =	sor.u32 $0xD0000000, s2;
	s6 =	simm.s32 $0x108;
	_ =	swait.ge @!p0 [sflag:s8], $0x0  }
0x24: {  	s3 =	sadd.s32 $0x88, s3;
	s6 =	simm.s32 @!p1 $0x1082;
	[sflag:s4] =	ssyncset.s32 $0xFFFFF086  }
0x25: {  	[simem:s6], [sflag:s4] =	dma.local [hbm:s3], $0xF7A  }
0x26: {  	[smem:$0x3F92] =	sst s1;
	(tag) =	ssettag s2;
	_ =	strace s9  }
0x27: {  	s1 =	sld [smem:$0x3FA2]  }
0x28: {  	s2 =	sld [smem:$0x3FA3]  }
0x29: {  	s4 =	sld [smem:$0x3FA5]  }
0x2a: {  	p0 =	seq.s32 s5, $0x0;
	s5 =	sld [smem:$0x3FA6]  }
0x2b: {  	s6 =	sld [smem:$0x3FA7]  }
0x2c: {  	s7 =	sld [smem:$0x3FA8]  }
0x2d: {  	s3 =	simm.s32 $0x108;
	s8 =	sld [smem:$0x3FA9]  }
0x2e: {  	s3 =	simm.s32 @!p0 $0x1082;
	s9 =	sld [smem:$0x3FAA]  }
0x2f: {  	lr =	sadd.s32 s0, s3;
	s0 =	sld [smem:$0x3FA1]  }
0x30: {  	s3 =	sld [smem:$0x3FA4]  }
0x31: {  	[smem:$0x3FAD] =	sst s10  }
0x32: {  	s10 =	sld [smem:$0x3FAB];
	_ =	sdelay $0x3  }
0x33: {  	p0 =	seq.s32 s10, $0x1;
	s10 =	sld [smem:$0x3FAD];
	_ =	sdelay $0x3  }
0x34: {  	[smem:$0x3FAD] =	sst s10  }
0x35: {  	s10 =	sld [smem:$0x3FAC];
	_ =	sdelay $0x3  }
0x36: {  	p1 =	seq.s32 s10, $0x1;
	s10 =	sld [smem:$0x3FAD];
	_ =	sdelay $0x3  }
0x37: {  	[smem:$0x3FAD] =	sst s10  }
0x38: {  	s10 =	sld [smem:$0x3FAE]  }
0x39: {  	_ = 	snop;
	(pc) =	sbr.ind lr, $3  }
0x3a: {  	_ = 	snop  }
0x3b: {  	_ = 	snop  }
0x3c: {  	p2 =	seq.s32 s10, $0x1;
	s10 =	sld [smem:$0x3FAD]  }
0x3d: {  	_ =	shalt  }
0x3e: {  	_ =	shalt  }
0x3f: {  	_ =	shalt  }
0x40: {  	_ =	shalt  }
0x41: {  	_ =	shalt  }
0x42: {  	_ =	shalt  }
0x43: {  	_ =	shalt  }
0x44: {  	_ =	shalt  }
0x45: {  	_ =	shalt  }
0x46: {  	_ =	shalt  }
0x47: {  	_ =	shalt  }
0x48: {  	_ =	shalt  }
0x49: {  	_ =	shalt  }
0x4a: {  	_ =	shalt  }
0x4b: {  	_ =	shalt  }
0x4c: {  	_ =	shalt  }
0x4d: {  	_ =	shalt  }
0x4e: {  	_ =	shalt  }
0x4f: {  	_ =	shalt  }
0x50: {  	_ =	shalt  }
0x51: {  	_ =	shalt  }
0x52: {  	_ =	shalt  }
0x53: {  	_ =	shalt  }
0x54: {  	_ =	shalt  }
0x55: {  	_ =	shalt  }
0x56: {  	_ =	shalt  }
0x57: {  	_ =	shalt  }
0x58: {  	_ =	shalt  }
0x59: {  	_ =	shalt  }
0x5a: {  	_ =	shalt  }
0x5b: {  	_ =	shalt  }
0x5c: {  	_ =	shalt  }
0x5d: {  	_ =	shalt  }
0x5e: {  	_ =	shalt  }
0x5f: {  	_ =	shalt  }
0x60: {  	_ =	shalt  }
0x61: {  	_ =	shalt  }
0x62: {  	_ =	shalt  }
0x63: {  	_ =	shalt  }
0x64: {  	_ =	shalt  }
0x65: {  	_ =	shalt  }
0x66: {  	_ =	shalt  }
0x67: {  	_ =	shalt  }
0x68: {  	_ =	shalt  }
0x69: {  	_ =	shalt  }
0x6a: {  	_ =	shalt  }
0x6b: {  	_ =	shalt  }
0x6c: {  	_ =	shalt  }
0x6d: {  	_ =	shalt  }
0x6e: {  	_ =	shalt  }
0x6f: {  	_ =	shalt  }
0x70: {  	_ =	shalt  }
0x71: {  	_ =	shalt  }
0x72: {  	_ =	shalt  }
0x73: {  	_ =	shalt  }
0x74: {  	_ =	shalt  }
0x75: {  	_ =	shalt  }
0x76: {  	_ =	shalt  }
0x77: {  	_ =	shalt  }
0x78: {  	_ =	shalt  }
0x79: {  	_ =	shalt  }
0x7a: {  	_ =	shalt  }
0x7b: {  	_ =	shalt  }
0x7c: {  	_ =	shalt  }
0x7d: {  	_ =	shalt  }
0x7e: {  	_ =	shalt  }
0x7f: {  	_ =	shalt  }
0x80: {  	_ =	shalt  }
0x81: {  	_ =	shalt  }
0x82: {  	_ =	shalt  }
0x83: {  	_ =	shalt  }
0x84: {  	_ =	shalt  }
0x85: {  	_ =	shalt  }
0x86: {  	_ =	shalt  }
0x87: {  	_ =	shalt  }
.Lfunc_end0:
.L_simem_size_0:
called_computation.4_lowered:
.L_overlay_start_0:
0x88: {  	s2 =	sld [smem:$0x3FD9]  }
0x89: {  	s3 =	sld [smem:$0x3FFE];
	_ =	sdelay $0x1  }
0x8a: {  	s1 =	srdreg.scid  }
0x8b: {  	s0 =	sand.u32 $0x1, s1  }
0x8c: {  	s14 =	sshll.u32 s0, $0xA;
	s2 =	sadd.s32 s3, s2  }
0x8d: {  	s2 =	sadd.s32 s2, s14  }
0x8e: {  	[smem:$0x3FB9] =	sst s2  }
0x8f: {  	_ = 	snop  }
0x90: {  	s2 =	sld [smem:$0x3FD0];
	_ =	sdelay $0x2  }
0x91: {  	s15 =	simm.s32 $0xA;
	s4 =	simm.s32 $0x10  }
0x92: {  	[smem:s4], [sflag:s15] =	dma.local [hbm:s2], $0x1  }
0x93: {  	_ =	swait.eq [sflag:s15], $0x1  }
0x94: {  	[sflag:s15] =	ssyncset.done $0x0  }
0x95: {  	[sflag:s15] =	ssyncadd.s32 $0xFFFFFFFF  }
0x96: {  	s16 =	sld [smem:$0x11];
	(tm) =	ssettm $0x1  }
0x97: {  	s17 =	sld [smem:$0x3FFB];
	_ =	sdelay $0x3  }
0x98: {  	_ =	strace s17  }
0x99: {  	s3 =	sld [smem:$0x3FFC];
	_ =	sdelay $0x3  }
0x9a: {  	_ =	strace s3  }
0x9b: {  	s3 =	sld [smem:$0x3FFD];
	_ =	sdelay $0x3  }
0x9c: {  	_ =	strace s3  }
0x9d: {  	_ =	strace $0x8FFFFFFF  }
0x9e: {  	s18 =	sld [smem:$0x3FDB];
	_ =	sdelay $0x1  }
0x9f: {  	s19 =	simm.s32 $_scs_section_size  }
0xa0: {  	s5 =	simm.s32 $_size__tile_overlayer_lowered;
	s6 =	simm.s32 $_tile_overlayer_lowered  }
0xa1: {  	s22 =	simm.s32 $0x1BFF;
	s21 =	sshll.u32 s6, $0x1;
	s3 =	sadd.s32 s19, s18  }
0xa2: {  	s7 =	simm.s32 $0x0;
	s20 =	sshll.u32 s5, $0x1;
	s5 =	sadd.s32 s21, s3  }
0xa3: {  	[timem:s7], [sflag:s22] =	dma.local [hbm:s5], s20  }
0xa4: {  	_ =	swait.ge [sflag:s22], s20  }
0xa5: {  	s4 =	ssub.s32 $0x0, s20;
	[sflag:s22] =	ssyncset.done $0x0  }
0xa6: {  	[sflag:s22] =	ssyncadd.s32 s4;
	_ =	sdelay $0x1  }
0xa7: {  	s23 =	simm.s32 $0x1B8B  }
0xa8: {  	_ =	swait.ge [sflag:s23], $0x1  }
0xa9: {  	[sflag:s23] =	ssyncset.done $0x0  }
0xaa: {  	s25 =	simm.s32 $0x1B8E;
	s24 =	sld [smem:$0x3FFE];
	[sflag:s23] =	ssyncadd.s32 $0xFFFFFFFF  }
0xab: {  	s26 =	simm.s32 $execute0_lowered;
	[smem:$0x3FD2] =	sst s25  }
0xac: {  	s5 =	sshll.u32 s26, $0x1;
	_ =	strace $0x80000052;
	[dreg:$0x1] =	wrdreg $0xFFFFFFFF  }
0xad: {  	s28 =	simm.s32 $_size_execute0_lowered;
	s3 =	sadd.s32 s3, s5;
	[dreg:$0x0] =	wrdreg $0x0  }
0xae: {  	s5 =	sshll.u32 s28, $0x1;
	[dreg:$0x2] =	wrdreg s3  }
0xaf: {  	[dreg:$0x3] =	wrdreg s5  }
0xb0: {  	[dreg:$0x4] =	wrdreg $0xC0  }
0xb1: {  	_ =	task [dreg:s7], $0x5FFFF  }
0xb2: {  	[dreg:$0x1] =	wrdreg $0xFFFFFFFF  }
0xb3: {  	[dreg:$0x0] =	wrdreg $0x60  }
0xb4: {  	[dreg:$0x2] =	wrdreg s16  }
0xb5: {  	[dreg:$0x3] =	wrdreg s24  }
0xb6: {  	[dreg:$0x4] =	wrdreg $0x0  }
0xb7: {  	[dreg:$0x5] =	wrdreg $0x9  }
0xb8: {  	_ =	task.clear_ibuf [dreg:s7], $0x6FFFF;
	_ =	strace $0x90000052  }
0xb9: {  	s29 =	simm.s32 $0x9;
	_ =	strace $0x80000054  }
0xba: {  	_ =	swait.ge [sflag:s29], $0x1  }
0xbb: {  	[sflag:s29] =	ssyncadd.s32 $0xFFFFFFFF  }
0xbc: {  	_ =	strace $0x90000054  }
0xbd: {  	_ =	sfence  }
0xbe: {  	s30 =	sld [smem:$0x0];
	_ =	sdelay $0x2  }
0xbf: {  	s31 =	sshll.u32 s1, $0xD;
	s1 =	sshrl.u32 s1, $0x2  }
0xc0: {  	s3 =	sand.u32 $0x4000, s31;
	s1 =	sadd.s32 s1, s30  }
0xc1: {  	s0 =	sor.u32 s3, s0;
	s1 =	sshll.u32 s1, $0x11  }
0xc2: {  	s0 =	sor.u32 s1, s0  }
0xc3: {  	s0 =	sadd.s32 $0x8F2B, s0  }
0xc4: {  	[sflag:s0] =	ssyncadd.remote.s32 $0x1  }
0xc5: {  	_ =	sfence.sel $0xFFFF  }
0xc6: {  	[dreg:$0x0] =	wrdreg $0xFFFFFFFF;
	(pc) =	sbr.abs _section_cstart, $3  }
0xc7: {  	[dreg:$0x1] =	wrdreg $0xFFFFFFFF  }
0xc8: {  	_ =	task.clear_ibuf [dreg:s7], $0x2FFFF;
	_ =	strace $0x9FFFFFFF  }
0xc9: {  	(tm) =	ssettm $0x7FFFFFFF  }
tec
execute0_lowered:
.L_overlay_start_1:
0x0: {  	(tag) =	ssettag $0x1  }
0x1: {  	s1 =	rddreg [dreg:$0x0]  }
0x2: {  	s6 =	rddreg [dreg:$0x1]  }
0x3: {  	s2 =	rddreg [dreg:$0x2]  }
0x4: {  	s3 =	srdreg.scid;
	s0 =	rddreg [dreg:$0x3]  }
0x5: {  	s4 =	simm.s32 $0x0;
	s16 =	simm.s32 $0x15000;
	s17 =	simm.s32 $0x80  }
0x6: {  	s18 =	simm.s32 $0x16400;
	s19 =	simm.s32 $0x1A400;
	s20 =	simm.s32 $0x1  }
0x7: {  	s21 =	simm.s32 $0x2;
	s22 =	simm.s32 $0x14F80;
	s23 =	simm.s32 $0x16300  }
0x8: {  	s24 =	simm.s32 $0x16380;
	s7 =	sand.u32 $0x1, s3;
	s3 =	stileid.u32  }
0x9: {  	[smem:$0x7FF] =	sst s4;
	s10 =	sadd.s32 $0x61800, s6;
	s8 =	smul.u32 $0x13C000, s7  }
0xa: {  	s11 =	sadd.s32 $0x6B800, s6;
	s5 =	sadd.s32 $0xFE00, s6;
	s9 =	smul.u32 $0x13C00, s3  }
0xb: {  	_ =	strace $0x80000053;
	s25 =	sshll.u32 s3, $0x1;
	s12 =	ssub.s32 $0x2, s7  }
0xc: {  	s26 =	smul.u32 $0x4F000, s3;
	s30 =	sshll.u32 s3, $0x6;
	s7 =	sor.u32 s7, s25  }
0xd: {  	s13 =	sshrl.u32 s12, $0x1;
	s25 =	simm.s32 $0x0;
	s8 =	sadd.s32 s9, s8  }
0xe: {  	s7 =	smul.u32 $0x2800, s7;
	s12 =	ssub.s32 s12, s13;
	s28 =	sshrl.u32 s26, $0x2  }
0xf: {  	s8 =	sshrl.u32 s8, $0x3;
	s29 =	sadd.s32 s28, s2;
	s12 =	smax.u32 s12, $0x1  }
0x10: {  	s14 =	sadd.s32 s8, s6;
	s31 =	sshrl.u32 s7, $0x3;
	s6 =	sor.u32 $0x1C03, s30  }
0x11: {  	s13 =	sshrl.u32 s29, $0x3;
	s7 =	sadd.s32 s10, s31;
	s15 =	sadd.s32 $0x280, s31  }
0x12: {  	s8 =	sadd.s32 s11, s31;
	s9 =	sadd.s32 s10, s15;
	s10 =	sadd.s32 s11, s15  }
0x13: {  	s11 =	sadd.s32 $0x12600, s14;
	s14 =	simm.s32 $0x3;
	s15 =	simm.s32 $0x13C00  }
.LBB2_1:
0x14: {  	[spmem:s13], [sflag:s6] =	dma.local [hbm:s5], $0x2780  }
0x15: {  	_ =	swait.ge [sflag:s14], $0x2780  }
0x16: {  	[sflag:s14] =	ssyncset.done $0x0  }
0x17: {  	[sflag:s14] =	ssyncadd.s32 $0xFFFFD880  }
0x18: {  	[bflag:$0x0] =	sbarrier.arrive $0xFFFF  }
0x19: {  	[tilespmem:s15], [sflag:$0x3] =	stream.linear.gather [hbm4b:s7+s4], $0x1400, $0x38;
	[tilespmem:$0x1E400] =	vst v63  }
0x1a: {  	_ =	swait.ge [sflag:s14], $0x1400  }
0x1b: {  	[sflag:s14] =	ssyncset.done $0x0  }
0x1c: {  	[sflag:s14] =	ssyncadd.s32 $0xFFFFEC00  }
0x1d: {  	[tilespmem:s16], [sflag:$0x3] =	stream.linear.gather [hbm4b:s8+s4], $0x1400, $0x38;
	[tilespmem:$0x1E400] =	vst v63  }
0x1e: {  	_ =	swait.ge [sflag:s14], $0x1400  }
0x1f: {  	[sflag:s14] =	ssyncset.done $0x0  }
0x20: {  	[sflag:s14] =	ssyncadd.s32 $0xFFFFEC00  }
0x21: {  	[tilespmem:s18], [sflag:$0x1] =	stream.indirect.gather [hbm4b:s1+s17], $0x80, s15, s17, $0xb8;
	[tilespmem:$0x1E400] =	vst v63  }
0x22: {  	s26 =	simm.s32 $0x13C80  }
0x23: {  	[tilespmem:s19], [sflag:$0x2] =	stream.indirect.gather [hbm4b:s1+s17], $0x80, s26, s17, $0xb8;
	[tilespmem:$0x1E400] =	vst v63  }
0x24: {  	_ =	swait.ge [sflag:s20], $0x4000  }
0x25: {  	[sflag:s20] =	ssyncset.done $0x0  }
0x26: {  	s29 =	simm.s32 $0x15000;
	[sflag:s20] =	ssyncadd.s32 $0xFFFFC000  }
0x27: {  	[spmem:s2] =	stream.indirect.scatter.add.f32 [tilespmem:s18], [sflag:$0x3], $0x80, s29, s17, $0xb8;
	[tilespmem:$0x1E400] =	vst v63  }
0x28: {  	_ =	swait.ge [sflag:s14], $0x4000  }
0x29: {  	[sflag:s14] =	ssyncset.done $0x0  }
0x2a: {  	s30 =	simm.s32 $0x13D00;
	[sflag:s14] =	ssyncadd.s32 $0xFFFFC000  }
0x2b: {  	[tilespmem:s18], [sflag:$0x1] =	stream.indirect.gather [hbm4b:s1+s17], $0x80, s30, s17, $0xb8;
	[tilespmem:$0x1E400] =	vst v63  }
0x2c: {  	_ =	swait.ge [sflag:s21], $0x4000  }
0x2d: {  	[sflag:s21] =	ssyncset.done $0x0  }
0x2e: {  	s31 =	simm.s32 $0x15080;
	[sflag:s21] =	ssyncadd.s32 $0xFFFFC000  }
0x2f: {  	[spmem:s2] =	stream.indirect.scatter.add.f32 [tilespmem:s19], [sflag:$0x3], $0x80, s31, s17, $0xb8;
	[tilespmem:$0x1E400] =	vst v63  }
0x30: {  	_ =	swait.ge [sflag:s14], $0x4000  }
0x31: {  	s28 =	simm.s32 $0x800;
	s26 =	simm.s32 $0x100;
	[sflag:s14] =	ssyncset.done $0x0  }
.LBB2_2:
0x32: {  	s29 =	sadd.s32 $0x13C80, s26  }
0x33: {  	[sflag:s14] =	ssyncadd.s32 $0xFFFFC000;
	s30 =	smov.u32 s28;
	s31 =	sadd.s32 $0x400, s28  }
0x34: {  	[tilespmem:s19], [sflag:$0x2] =	stream.indirect.gather [hbm4b:s1+s17], $0x80, s29, s17, $0xb8;
	[tilespmem:$0x1E400] =	vst v63  }
0x35: {  	p0 =	sne.s32 s28, $0x4800;
	_ =	swait.ge [sflag:s20], $0x4000  }
0x36: {  	[sflag:s20] =	ssyncset.done $0x0  }
0x37: {  	s28 =	sadd.s32 $0x15000, s26;
	[sflag:s20] =	ssyncadd.s32 $0xFFFFC000  }
0x38: {  	[spmem:s2] =	stream.indirect.scatter.add.f32 [tilespmem:s18], [sflag:$0x3], $0x80, s28, s17, $0xb8;
	[tilespmem:$0x1E400] =	vst v63  }
0x39: {  	_ =	swait.ge [sflag:s14], $0x4000  }
0x3a: {  	[sflag:s14] =	ssyncset.done $0x0  }
0x3b: {  	s28 =	sadd.s32 $0x13D00, s26;
	[sflag:s14] =	ssyncadd.s32 $0xFFFFC000  }
0x3c: {  	[tilespmem:s18], [sflag:$0x1] =	stream.indirect.gather [hbm4b:s1+s17], $0x80, s28, s17, $0xb8;
	[tilespmem:$0x1E400] =	vst v63  }
0x3d: {  	_ =	swait.ge [sflag:s21], $0x4000  }
.Ltmp0:
0x3e: {  	[sflag:s21] =	ssyncset.done $0x0;
	(pc) =	sbr.rel @p0 .LBB2_2-.Ltmp0, $4  }
0x3f: {  	s26 =	sadd.s32 $0x15080, s26;
	[sflag:s21] =	ssyncadd.s32 $0xFFFFC000  }
0x40: {  	[spmem:s2] =	stream.indirect.scatter.add.f32 [tilespmem:s19], [sflag:$0x3], $0x80, s26, s17, $0xb8;
	[tilespmem:$0x1E400] =	vst v63  }
0x41: {  	_ =	swait.ge [sflag:s14], $0x4000  }
0x42: {  	s28 =	smov.u32 s31;
	s26 =	sshra.s32 s30, $0x2;
	[sflag:s14] =	ssyncset.done $0x0  }
0x43: {  	s28 =	sadd.s32 $0x13C80, s26;
	[sflag:s14] =	ssyncadd.s32 $0xFFFFC000  }
0x44: {  	[tilespmem:s19], [sflag:$0x2] =	stream.indirect.gather [hbm4b:s1+s17], $0x80, s28, s17, $0xb8;
	[tilespmem:$0x1E400] =	vst v63  }
0x45: {  	_ =	swait.ge [sflag:s20], $0x4000  }
0x46: {  	[sflag:s20] =	ssyncset.done $0x0  }
0x47: {  	s28 =	sadd.s32 $0x15000, s26;
	[sflag:s20] =	ssyncadd.s32 $0xFFFFC000  }
0x48: {  	[spmem:s2] =	stream.indirect.scatter.add.f32 [tilespmem:s18], [sflag:$0x3], $0x80, s28, s17, $0xb8;
	[tilespmem:$0x1E400] =	vst v63  }
0x49: {  	_ =	swait.ge [sflag:s14], $0x4000  }
0x4a: {  	[sflag:s14] =	ssyncset.done $0x0  }
0x4b: {  	s28 =	sadd.s32 $0x13D00, s26;
	[sflag:s14] =	ssyncadd.s32 $0xFFFFC000  }
0x4c: {  	[tilespmem:s18], [sflag:$0x1] =	stream.indirect.gather [hbm4b:s1+s17], $0x80, s28, s17, $0xb8;
	[tilespmem:$0x1E400] =	vst v63  }
0x4d: {  	_ =	swait.ge [sflag:s21], $0x4000  }
0x4e: {  	[sflag:s21] =	ssyncset.done $0x0  }
0x4f: {  	s29 =	sadd.s32 $0x15080, s26;
	[sflag:s21] =	ssyncadd.s32 $0xFFFFC000  }
0x50: {  	[spmem:s2] =	stream.indirect.scatter.add.f32 [tilespmem:s19], [sflag:$0x3], $0x80, s29, s17, $0xb8;
	[tilespmem:$0x1E400] =	vst v63  }
0x51: {  	_ =	swait.ge [sflag:s14], $0x4000  }
0x52: {  	[sflag:s14] =	ssyncset.done $0x0  }
0x53: {  	[sflag:s14] =	ssyncadd.s32 $0xFFFFC000  }
0x54: {  	[tilespmem:s19], [sflag:$0x2] =	stream.indirect.gather [hbm4b:s1+s17], $0x80, s22, s17, $0xb8;
	[tilespmem:$0x1E400] =	vst v63  }
0x55: {  	_ =	swait.ge [sflag:s20], $0x4000  }
0x56: {  	[sflag:s20] =	ssyncset.done $0x0  }
0x57: {  	[sflag:s20] =	ssyncadd.s32 $0xFFFFC000  }
0x58: {  	[spmem:s2] =	stream.indirect.scatter.add.f32 [tilespmem:s18], [sflag:$0x3], $0x80, s23, s17, $0xb8;
	[tilespmem:$0x1E400] =	vst v63  }
0x59: {  	_ =	swait.ge [sflag:s14], $0x4000  }
0x5a: {  	[sflag:s14] =	ssyncset.done $0x0  }
0x5b: {  	[sflag:s14] =	ssyncadd.s32 $0xFFFFC000  }
0x5c: {  	_ =	swait.ge [sflag:s21], $0x4000  }
0x5d: {  	[sflag:s21] =	ssyncset.done $0x0  }
0x5e: {  	[sflag:s21] =	ssyncadd.s32 $0xFFFFC000  }
0x5f: {  	[spmem:s2] =	stream.indirect.scatter.add.f32 [tilespmem:s19], [sflag:$0x3], $0x80, s24, s17, $0xb8;
	[tilespmem:$0x1E400] =	vst v63  }
0x60: {  	_ =	swait.ge [sflag:s14], $0x4000  }
0x61: {  	[sflag:s14] =	ssyncset.done $0x0  }
0x62: {  	s30 =	simm.s32 $0x0;
	[sflag:s14] =	ssyncadd.s32 $0xFFFFC000  }
0x63: {  	[tilespmem:s15], [sflag:$0x3] =	stream.linear.gather [hbm4b:s9+s30], $0x1400, $0x38;
	[tilespmem:$0x1E400] =	vst v63  }
0x64: {  	_ =	swait.ge [sflag:s14], $0x1400  }
0x65: {  	[sflag:s14] =	ssyncset.done $0x0  }
0x66: {  	[sflag:s14] =	ssyncadd.s32 $0xFFFFEC00  }
0x67: {  	[tilespmem:s16], [sflag:$0x3] =	stream.linear.gather [hbm4b:s10+s30], $0x1400, $0x38;
	[tilespmem:$0x1E400] =	vst v63  }
0x68: {  	_ =	swait.ge [sflag:s14], $0x1400  }
0x69: {  	[sflag:s14] =	ssyncset.done $0x0  }
0x6a: {  	[sflag:s14] =	ssyncadd.s32 $0xFFFFEC00  }
0x6b: {  	[tilespmem:s18], [sflag:$0x1] =	stream.indirect.gather [hbm4b:s1+s17], $0x80, s15, s17, $0xb8;
	[tilespmem:$0x1E400] =	vst v63  }
0x6c: {  	s31 =	simm.s32 $0x13C80  }
0x6d: {  	[tilespmem:s19], [sflag:$0x2] =	stream.indirect.gather [hbm4b:s1+s17], $0x80, s31, s17, $0xb8;
	[tilespmem:$0x1E400] =	vst v63  }
0x6e: {  	_ =	swait.ge [sflag:s20], $0x4000  }
0x6f: {  	[sflag:s20] =	ssyncset.done $0x0  }
0x70: {  	s29 =	simm.s32 $0x15000;
	[sflag:s20] =	ssyncadd.s32 $0xFFFFC000  }
0x71: {  	[spmem:s2] =	stream.indirect.scatter.add.f32 [tilespmem:s18], [sflag:$0x3], $0x80, s29, s17, $0xb8;
	[tilespmem:$0x1E400] =	vst v63  }
0x72: {  	_ =	swait.ge [sflag:s14], $0x4000  }
0x73: {  	[sflag:s14] =	ssyncset.done $0x0  }
0x74: {  	s30 =	simm.s32 $0x13D00;
	[sflag:s14] =	ssyncadd.s32 $0xFFFFC000  }
0x75: {  	[tilespmem:s18], [sflag:$0x1] =	stream.indirect.gather [hbm4b:s1+s17], $0x80, s30, s17, $0xb8;
	[tilespmem:$0x1E400] =	vst v63  }
0x76: {  	_ =	swait.ge [sflag:s21], $0x4000  }
0x77: {  	[sflag:s21] =	ssyncset.done $0x0  }
0x78: {  	s31 =	simm.s32 $0x15080;
	[sflag:s21] =	ssyncadd.s32 $0xFFFFC000  }
0x79: {  	[spmem:s2] =	stream.indirect.scatter.add.f32 [tilespmem:s19], [sflag:$0x3], $0x80, s31, s17, $0xb8;
	[tilespmem:$0x1E400] =	vst v63  }
0x7a: {  	_ =	swait.ge [sflag:s14], $0x4000  }
0x7b: {  	s26 =	simm.s32 $0x100;
	s28 =	simm.s32 $0x800;
	[sflag:s14] =	ssyncset.done $0x0  }
.LBB2_4:
0x7c: {  	s29 =	sadd.s32 $0x13C80, s26  }
0x7d: {  	[sflag:s14] =	ssyncadd.s32 $0xFFFFC000;
	s30 =	smov.u32 s28;
	s31 =	sadd.s32 $0x400, s28  }
0x7e: {  	[tilespmem:s19], [sflag:$0x2] =	stream.indirect.gather [hbm4b:s1+s17], $0x80, s29, s17, $0xb8;
	[tilespmem:$0x1E400] =	vst v63  }
0x7f: {  	p0 =	sne.s32 s28, $0x4800;
	_ =	swait.ge [sflag:s20], $0x4000  }
0x80: {  	[sflag:s20] =	ssyncset.done $0x0  }
0x81: {  	s28 =	sadd.s32 $0x15000, s26;
	[sflag:s20] =	ssyncadd.s32 $0xFFFFC000  }
0x82: {  	[spmem:s2] =	stream.indirect.scatter.add.f32 [tilespmem:s18], [sflag:$0x3], $0x80, s28, s17, $0xb8;
	[tilespmem:$0x1E400] =	vst v63  }
0x83: {  	_ =	swait.ge [sflag:s14], $0x4000  }
0x84: {  	[sflag:s14] =	ssyncset.done $0x0  }
0x85: {  	s28 =	sadd.s32 $0x13D00, s26;
	[sflag:s14] =	ssyncadd.s32 $0xFFFFC000  }
0x86: {  	[tilespmem:s18], [sflag:$0x1] =	stream.indirect.gather [hbm4b:s1+s17], $0x80, s28, s17, $0xb8;
	[tilespmem:$0x1E400] =	vst v63  }
0x87: {  	_ =	swait.ge [sflag:s21], $0x4000  }
.Ltmp1:
0x88: {  	[sflag:s21] =	ssyncset.done $0x0;
	(pc) =	sbr.rel @p0 .LBB2_4-.Ltmp1, $4  }
0x89: {  	s26 =	sadd.s32 $0x15080, s26;
	[sflag:s21] =	ssyncadd.s32 $0xFFFFC000  }
0x8a: {  	[spmem:s2] =	stream.indirect.scatter.add.f32 [tilespmem:s19], [sflag:$0x3], $0x80, s26, s17, $0xb8;
	[tilespmem:$0x1E400] =	vst v63  }
0x8b: {  	_ =	swait.ge [sflag:s14], $0x4000  }
0x8c: {  	s28 =	smov.u32 s31;
	s26 =	sshra.s32 s30, $0x2;
	[sflag:s14] =	ssyncset.done $0x0  }
0x8d: {  	s28 =	sadd.s32 $0x13C80, s26;
	[sflag:s14] =	ssyncadd.s32 $0xFFFFC000  }
0x8e: {  	[tilespmem:s19], [sflag:$0x2] =	stream.indirect.gather [hbm4b:s1+s17], $0x80, s28, s17, $0xb8;
	[tilespmem:$0x1E400] =	vst v63  }
0x8f: {  	_ =	swait.ge [sflag:s20], $0x4000  }
0x90: {  	[sflag:s20] =	ssyncset.done $0x0  }
0x91: {  	s29 =	sadd.s32 $0x15000, s26;
	[sflag:s20] =	ssyncadd.s32 $0xFFFFC000  }
0x92: {  	[spmem:s2] =	stream.indirect.scatter.add.f32 [tilespmem:s18], [sflag:$0x3], $0x80, s29, s17, $0xb8;
	[tilespmem:$0x1E400] =	vst v63  }
0x93: {  	_ =	swait.ge [sflag:s14], $0x4000  }
0x94: {  	[sflag:s14] =	ssyncset.done $0x0  }
0x95: {  	s30 =	sadd.s32 $0x13D00, s26;
	[sflag:s14] =	ssyncadd.s32 $0xFFFFC000  }
0x96: {  	[tilespmem:s18], [sflag:$0x1] =	stream.indirect.gather [hbm4b:s1+s17], $0x80, s30, s17, $0xb8;
	[tilespmem:$0x1E400] =	vst v63  }
0x97: {  	_ =	swait.ge [sflag:s21], $0x4000  }
0x98: {  	[sflag:s21] =	ssyncset.done $0x0  }
0x99: {  	s31 =	sadd.s32 $0x15080, s26;
	[sflag:s21] =	ssyncadd.s32 $0xFFFFC000  }
0x9a: {  	[spmem:s2] =	stream.indirect.scatter.add.f32 [tilespmem:s19], [sflag:$0x3], $0x80, s31, s17, $0xb8;
	[tilespmem:$0x1E400] =	vst v63  }
0x9b: {  	_ =	swait.ge [sflag:s14], $0x4000  }
0x9c: {  	[sflag:s14] =	ssyncset.done $0x0  }
0x9d: {  	[sflag:s14] =	ssyncadd.s32 $0xFFFFC000  }
0x9e: {  	[tilespmem:s19], [sflag:$0x2] =	stream.indirect.gather [hbm4b:s1+s17], $0x80, s22, s17, $0xb8;
	[tilespmem:$0x1E400] =	vst v63  }
0x9f: {  	_ =	swait.ge [sflag:s20], $0x4000  }
0xa0: {  	[sflag:s20] =	ssyncset.done $0x0  }
0xa1: {  	[sflag:s20] =	ssyncadd.s32 $0xFFFFC000  }
0xa2: {  	[spmem:s2] =	stream.indirect.scatter.add.f32 [tilespmem:s18], [sflag:$0x3], $0x80, s23, s17, $0xb8;
	[tilespmem:$0x1E400] =	vst v63  }
0xa3: {  	_ =	swait.ge [sflag:s14], $0x4000  }
0xa4: {  	[sflag:s14] =	ssyncset.done $0x0  }
0xa5: {  	[sflag:s14] =	ssyncadd.s32 $0xFFFFC000  }
0xa6: {  	_ =	swait.ge [sflag:s21], $0x4000  }
0xa7: {  	[sflag:s21] =	ssyncset.done $0x0  }
0xa8: {  	[sflag:s21] =	ssyncadd.s32 $0xFFFFC000  }
0xa9: {  	[spmem:s2] =	stream.indirect.scatter.add.f32 [tilespmem:s19], [sflag:$0x3], $0x80, s24, s17, $0xb8;
	[tilespmem:$0x1E400] =	vst v63  }
0xaa: {  	_ =	swait.ge [sflag:s14], $0x4000  }
0xab: {  	s25 =	sadd.s32 $0x1, s25;
	[sflag:s14] =	ssyncset.done $0x0  }
0xac: {  	p0 =	sne.s32 s25, s12;
	[sflag:s14] =	ssyncadd.s32 $0xFFFFC000  }
.Ltmp2:
0xad: {  	[bflag:$0x0] =	sbarrier.arrive $0xFFFF;
	(pc) =	sbr.rel @p0 .LBB2_1-.Ltmp2, $4  }
0xae: {  	[hbm:s11], [sflag:s6] =	dma.local [spmem:s13], $0x2780  }
0xaf: {  	_ =	swait.ge [sflag:s14], $0x2780  }
0xb0: {  	[sflag:s14] =	ssyncset.done $0x0  }
0xb1: {  	[sflag:s14] =	ssyncadd.s32 $0xFFFFD880  }
0xb2: {  	_ =	sfence.sel $0x180000  }
0xb3: {  	[bflag:$0x0] =	sbarrier.arrive $0xFFFF  }
0xb4: {  	p0 =	sne.s32 s3, $0x0;
	_ =	strace $0x90000053  }
0xb5: {  	s0 =	sadd.s32 @!p0 $0x100000, s0;
	[bflag:$0x2] =	sbarrier.arrive $0xFFFF  }
0xb6: {  	[sflag:s0] =	ssyncadd.tile.s32 @!p0 $0x1;
	_ =	shalt  }
.Lfunc_end2:
_tile_overlayer_lowered:
.L_overlay_start_2:
0xb7: {  	(tag) =	ssettag $0x2  }
0xb8: {  	s0 =	rddreg [dreg:$0x0];
	s2 =	stileid.u32  }
0xb9: {  	s1 =	rddreg [dreg:$0x1];
	p0 =	sne.s32 s2, $0x0  }
0xba: {  	s3 =	rddreg [dreg:$0x2];
	[bflag:$0x3] =	sbarrier.arrive $0xFFFF;
	s2 =	simm.s32 @!p0 $0x1C03  }
0xbb: {  	[timem:s3], [sflag:s2] =	dma.local @!p0 [hbm:s0], s1  }
0xbc: {  	s0 =	simm.s32 @!p0 $0x3  }
0xbd: {  	_ =	swait.ge @!p0 [sflag:s0], s1  }
0xbe: {  	s1 =	ssub.s32 @!p0 $0x0, s1;
	[sflag:s0] =	ssyncset.done @!p0 $0x0  }
0xbf: {  	[sflag:s0] =	ssyncadd.s32 @!p0 s1  }
0xc0: {  	[bflag:$0x3] =	sbarrier.arrive $0xFFFF  }
0xc1: {  	_ =	shalt  }

// kernel: kernel.31.cloned.1.call-start
scs
__scs_entry_jumppad:
0x0: {  	(pc) =	sbr.rel $0x88, $3  }
0x1: {  	(tag) =	ssettag $0x0;
	lr =	simm.s32 $0x1  }
0x2: {  	[smem:$0x3F92] =	sst lr;
	_ =	strace $0xD0000000  }
0x3: {  	_ = 	snop  }
0x4: {  	_ = 	snop  }
0x5: {  	_ = 	snop  }
0x6: {  	_ = 	snop  }
0x7: {  	_ = 	snop  }
__scs_overlays_trampoline_lowered:
0x8: {  	[smem:$0x3FA1] =	sst s0  }
0x9: {  	[smem:$0x3FA2] =	sst s1  }
0xa: {  	[smem:$0x3FA3] =	sst s2  }
0xb: {  	[smem:$0x3FA4] =	sst s3  }
0xc: {  	[smem:$0x3FA5] =	sst s4  }
0xd: {  	[smem:$0x3FA6] =	sst s5  }
0xe: {  	[smem:$0x3FA7] =	sst s6  }
0xf: {  	[smem:$0x3FA8] =	sst s7  }
0x10: {  	[smem:$0x3FA9] =	sst s8  }
0x11: {  	[smem:$0x3FAA] =	sst s9;
	s0 =	simm.s32 @!p0 $0x0  }
0x12: {  	s1 =	sld [smem:$0x3F90];
	s0 =	simm.s32 @p0 $0x1  }
0x13: {  	[smem:$0x3FAB] =	sst s0;
	s0 =	simm.s32 @!p1 $0x0  }
0x14: {  	s2 =	sld [smem:$0x3F8F];
	s0 =	simm.s32 @p1 $0x1  }
0x15: {  	[smem:$0x3FAC] =	sst s0;
	s0 =	simm.s32 @!p2 $0x0  }
0x16: {  	s3 =	sld [smem:$0x3FDB];
	s0 =	simm.s32 @p2 $0x1  }
0x17: {  	s4 =	simm.s32 $0x1BF5;
	[smem:$0x3FAE] =	sst s0  }
0x18: {  	s0 =	sld [smem:$0x3F91];
	_ =	swait.ge [sflag:s4], $0x0  }
0x19: {  	s7 =	sld [smem:$0x3F92]  }
0x1a: {  	s8 =	sadd.s32 $0xFFFFE003, lr  }
0x1b: {  	s9 =	sadd.s32 $0xFFFFFEF7, lr;
	s5 =	simm.s32 $0xFFFFFFFF;
	p2 =	slt.u32 s8, $0xFFFFF086  }
0x1c: {  	p1 =	slt.u32 s9, $0xF7A;
	s5 =	simm.s32 @!p2 $0x0  }
0x1d: {  	s5 =	simm.s32 @p1 $0x1;
	p0 =	seq.s32 s7, s2  }
0x1e: {  	s7 =	smul.u32 @!p0 $0xF7A, s2;
	p2 =	seq.s32 @!p0 s5, $0x0  }
0x1f: {  	s9 =	smul.u32 $0xF7A, s1;
	s8 =	simm.s32 @!p0 $0x1BF5;
	p2 =	por !p2, p0  }
0x20: {  	[sflag:s8] =	ssyncset.s32 @!p0 $0xFFFFF086;
	s6 =	sadd.s32 @!p0 s3, s7;
	s7 =	simm.s32 @!p0 $0x108  }
0x21: {  	s3 =	sadd.s32 s3, s9;
	s6 =	sadd.s32 @!p0 $0x88, s6;
	s7 =	simm.s32 @p2 $0x1082  }
0x22: {  	[simem:s7], [sflag:s8] =	dma.local @!p0 [hbm:s6], $0xF7A  }
0x23: {  	s9 =	sor.u32 $0xD0000000, s2;
	s6 =	simm.s32 $0x108;
	_ =	swait.ge @!p0 [sflag:s8], $0x0  }
0x24: {  	s3 =	sadd.s32 $0x88, s3;
	s6 =	simm.s32 @!p1 $0x1082;
	[sflag:s4] =	ssyncset.s32 $0xFFFFF086  }
0x25: {  	[simem:s6], [sflag:s4] =	dma.local [hbm:s3], $0xF7A  }
0x26: {  	[smem:$0x3F92] =	sst s1;
	(tag) =	ssettag s2;
	_ =	strace s9  }
0x27: {  	s1 =	sld [smem:$0x3FA2]  }
0x28: {  	s2 =	sld [smem:$0x3FA3]  }
0x29: {  	s4 =	sld [smem:$0x3FA5]  }
0x2a: {  	p0 =	seq.s32 s5, $0x0;
	s5 =	sld [smem:$0x3FA6]  }
0x2b: {  	s6 =	sld [smem:$0x3FA7]  }
0x2c: {  	s7 =	sld [smem:$0x3FA8]  }
0x2d: {  	s3 =	simm.s32 $0x108;
	s8 =	sld [smem:$0x3FA9]  }
0x2e: {  	s3 =	simm.s32 @!p0 $0x1082;
	s9 =	sld [smem:$0x3FAA]  }
0x2f: {  	lr =	sadd.s32 s0, s3;
	s0 =	sld [smem:$0x3FA1]  }
0x30: {  	s3 =	sld [smem:$0x3FA4]  }
0x31: {  	[smem:$0x3FAD] =	sst s10  }
0x32: {  	s10 =	sld [smem:$0x3FAB];
	_ =	sdelay $0x3  }
0x33: {  	p0 =	seq.s32 s10, $0x1;
	s10 =	sld [smem:$0x3FAD];
	_ =	sdelay $0x3  }
0x34: {  	[smem:$0x3FAD] =	sst s10  }
0x35: {  	s10 =	sld [smem:$0x3FAC];
	_ =	sdelay $0x3  }
0x36: {  	p1 =	seq.s32 s10, $0x1;
	s10 =	sld [smem:$0x3FAD];
	_ =	sdelay $0x3  }
0x37: {  	[smem:$0x3FAD] =	sst s10  }
0x38: {  	s10 =	sld [smem:$0x3FAE]  }
0x39: {  	_ = 	snop;
	(pc) =	sbr.ind lr, $3  }
0x3a: {  	_ = 	snop  }
0x3b: {  	_ = 	snop  }
0x3c: {  	p2 =	seq.s32 s10, $0x1;
	s10 =	sld [smem:$0x3FAD]  }
0x3d: {  	_ =	shalt  }
0x3e: {  	_ =	shalt  }
0x3f: {  	_ =	shalt  }
0x40: {  	_ =	shalt  }
0x41: {  	_ =	shalt  }
0x42: {  	_ =	shalt  }
0x43: {  	_ =	shalt  }
0x44: {  	_ =	shalt  }
0x45: {  	_ =	shalt  }
0x46: {  	_ =	shalt  }
0x47: {  	_ =	shalt  }
0x48: {  	_ =	shalt  }
0x49: {  	_ =	shalt  }
0x4a: {  	_ =	shalt  }
0x4b: {  	_ =	shalt  }
0x4c: {  	_ =	shalt  }
0x4d: {  	_ =	shalt  }
0x4e: {  	_ =	shalt  }
0x4f: {  	_ =	shalt  }
0x50: {  	_ =	shalt  }
0x51: {  	_ =	shalt  }
0x52: {  	_ =	shalt  }
0x53: {  	_ =	shalt  }
0x54: {  	_ =	shalt  }
0x55: {  	_ =	shalt  }
0x56: {  	_ =	shalt  }
0x57: {  	_ =	shalt  }
0x58: {  	_ =	shalt  }
0x59: {  	_ =	shalt  }
0x5a: {  	_ =	shalt  }
0x5b: {  	_ =	shalt  }
0x5c: {  	_ =	shalt  }
0x5d: {  	_ =	shalt  }
0x5e: {  	_ =	shalt  }
0x5f: {  	_ =	shalt  }
0x60: {  	_ =	shalt  }
0x61: {  	_ =	shalt  }
0x62: {  	_ =	shalt  }
0x63: {  	_ =	shalt  }
0x64: {  	_ =	shalt  }
0x65: {  	_ =	shalt  }
0x66: {  	_ =	shalt  }
0x67: {  	_ =	shalt  }
0x68: {  	_ =	shalt  }
0x69: {  	_ =	shalt  }
0x6a: {  	_ =	shalt  }
0x6b: {  	_ =	shalt  }
0x6c: {  	_ =	shalt  }
0x6d: {  	_ =	shalt  }
0x6e: {  	_ =	shalt  }
0x6f: {  	_ =	shalt  }
0x70: {  	_ =	shalt  }
0x71: {  	_ =	shalt  }
0x72: {  	_ =	shalt  }
0x73: {  	_ =	shalt  }
0x74: {  	_ =	shalt  }
0x75: {  	_ =	shalt  }
0x76: {  	_ =	shalt  }
0x77: {  	_ =	shalt  }
0x78: {  	_ =	shalt  }
0x79: {  	_ =	shalt  }
0x7a: {  	_ =	shalt  }
0x7b: {  	_ =	shalt  }
0x7c: {  	_ =	shalt  }
0x7d: {  	_ =	shalt  }
0x7e: {  	_ =	shalt  }
0x7f: {  	_ =	shalt  }
0x80: {  	_ =	shalt  }
0x81: {  	_ =	shalt  }
0x82: {  	_ =	shalt  }
0x83: {  	_ =	shalt  }
0x84: {  	_ =	shalt  }
0x85: {  	_ =	shalt  }
0x86: {  	_ =	shalt  }
0x87: {  	_ =	shalt  }
.Lfunc_end0:
.L_simem_size_0:
called_computation.5_lowered:
.L_overlay_start_0:
0x88: {  	s2 =	sld [smem:$0x3FD9]  }
0x89: {  	s3 =	sld [smem:$0x3FFE];
	_ =	sdelay $0x1  }
0x8a: {  	s1 =	srdreg.scid  }
0x8b: {  	s0 =	sand.u32 $0x1, s1  }
0x8c: {  	s14 =	sshll.u32 s0, $0xA;
	s2 =	sadd.s32 s3, s2  }
0x8d: {  	s2 =	sadd.s32 s2, s14  }
0x8e: {  	[smem:$0x3FB9] =	sst s2  }
0x8f: {  	_ = 	snop  }
0x90: {  	s2 =	sld [smem:$0x3FD0];
	_ =	sdelay $0x2  }
0x91: {  	s15 =	simm.s32 $0xA;
	s4 =	simm.s32 $0x10  }
0x92: {  	[smem:s4], [sflag:s15] =	dma.local [hbm:s2], $0x1  }
0x93: {  	_ =	swait.eq [sflag:s15], $0x1  }
0x94: {  	[sflag:s15] =	ssyncset.done $0x0  }
0x95: {  	[sflag:s15] =	ssyncadd.s32 $0xFFFFFFFF  }
0x96: {  	s16 =	sld [smem:$0x11];
	(tm) =	ssettm $0x1  }
0x97: {  	s17 =	sld [smem:$0x3FFB];
	_ =	sdelay $0x3  }
0x98: {  	_ =	strace s17  }
0x99: {  	s3 =	sld [smem:$0x3FFC];
	_ =	sdelay $0x3  }
0x9a: {  	_ =	strace s3  }
0x9b: {  	s3 =	sld [smem:$0x3FFD];
	_ =	sdelay $0x3  }
0x9c: {  	_ =	strace s3  }
0x9d: {  	_ =	strace $0x8FFFFFFF  }
0x9e: {  	s18 =	sld [smem:$0x3FDB];
	_ =	sdelay $0x1  }
0x9f: {  	s19 =	simm.s32 $_scs_section_size  }
0xa0: {  	s5 =	simm.s32 $_size__tile_overlayer_lowered;
	s6 =	simm.s32 $_tile_overlayer_lowered  }
0xa1: {  	s22 =	simm.s32 $0x1BFF;
	s21 =	sshll.u32 s6, $0x1;
	s3 =	sadd.s32 s19, s18  }
0xa2: {  	s7 =	simm.s32 $0x0;
	s20 =	sshll.u32 s5, $0x1;
	s5 =	sadd.s32 s21, s3  }
0xa3: {  	[timem:s7], [sflag:s22] =	dma.local [hbm:s5], s20  }
0xa4: {  	_ =	swait.ge [sflag:s22], s20  }
0xa5: {  	s4 =	ssub.s32 $0x0, s20;
	[sflag:s22] =	ssyncset.done $0x0  }
0xa6: {  	[sflag:s22] =	ssyncadd.s32 s4;
	_ =	sdelay $0x1  }
0xa7: {  	s23 =	simm.s32 $0x1B8B  }
0xa8: {  	_ =	swait.ge [sflag:s23], $0x1  }
0xa9: {  	[sflag:s23] =	ssyncset.done $0x0  }
0xaa: {  	s25 =	simm.s32 $0x1B8E;
	s24 =	sld [smem:$0x3FFE];
	[sflag:s23] =	ssyncadd.s32 $0xFFFFFFFF  }
0xab: {  	s26 =	simm.s32 $execute0_lowered;
	[smem:$0x3FD2] =	sst s25  }
0xac: {  	s5 =	sshll.u32 s26, $0x1;
	_ =	strace $0x80000055;
	[dreg:$0x1] =	wrdreg $0xFFFFFFFF  }
0xad: {  	s28 =	simm.s32 $_size_execute0_lowered;
	s3 =	sadd.s32 s3, s5;
	[dreg:$0x0] =	wrdreg $0x0  }
0xae: {  	s5 =	sshll.u32 s28, $0x1;
	[dreg:$0x2] =	wrdreg s3  }
0xaf: {  	[dreg:$0x3] =	wrdreg s5  }
0xb0: {  	[dreg:$0x4] =	wrdreg $0xC0  }
0xb1: {  	_ =	task [dreg:s7], $0x5FFFF  }
0xb2: {  	[dreg:$0x1] =	wrdreg $0xFFFFFFFF  }
0xb3: {  	[dreg:$0x0] =	wrdreg $0x60  }
0xb4: {  	[dreg:$0x2] =	wrdreg s16  }
0xb5: {  	[dreg:$0x3] =	wrdreg s24  }
0xb6: {  	[dreg:$0x4] =	wrdreg $0x0  }
0xb7: {  	[dreg:$0x5] =	wrdreg $0x9  }
0xb8: {  	_ =	task.clear_ibuf [dreg:s7], $0x6FFFF;
	_ =	strace $0x90000055  }
0xb9: {  	s29 =	simm.s32 $0x9;
	_ =	strace $0x80000057  }
0xba: {  	_ =	swait.ge [sflag:s29], $0x1  }
0xbb: {  	[sflag:s29] =	ssyncadd.s32 $0xFFFFFFFF  }
0xbc: {  	_ =	strace $0x90000057  }
0xbd: {  	_ =	sfence  }
0xbe: {  	s30 =	sld [smem:$0x0];
	_ =	sdelay $0x2  }
0xbf: {  	s31 =	sshll.u32 s1, $0xD;
	s1 =	sshrl.u32 s1, $0x2  }
0xc0: {  	s3 =	sand.u32 $0x4000, s31;
	s1 =	sadd.s32 s1, s30  }
0xc1: {  	s0 =	sor.u32 s3, s0;
	s1 =	sshll.u32 s1, $0x11  }
0xc2: {  	s0 =	sor.u32 s1, s0  }
0xc3: {  	s0 =	sadd.s32 $0x8F2B, s0  }
0xc4: {  	[sflag:s0] =	ssyncadd.remote.s32 $0x1  }
0xc5: {  	_ =	sfence.sel $0xFFFF  }
0xc6: {  	[dreg:$0x0] =	wrdreg $0xFFFFFFFF;
	(pc) =	sbr.abs _section_cstart, $3  }
0xc7: {  	[dreg:$0x1] =	wrdreg $0xFFFFFFFF  }
0xc8: {  	_ =	task.clear_ibuf [dreg:s7], $0x2FFFF;
	_ =	strace $0x9FFFFFFF  }
0xc9: {  	(tm) =	ssettm $0x7FFFFFFF  }
tec
execute0_lowered:
.L_overlay_start_1:
0x0: {  	(tag) =	ssettag $0x1  }
0x1: {  	s1 =	rddreg [dreg:$0x0]  }
0x2: {  	s6 =	rddreg [dreg:$0x1]  }
0x3: {  	s2 =	rddreg [dreg:$0x2]  }
0x4: {  	s3 =	srdreg.scid;
	s0 =	rddreg [dreg:$0x3]  }
0x5: {  	s4 =	simm.s32 $0x0;
	s16 =	simm.s32 $0x15000;
	s17 =	simm.s32 $0x80  }
0x6: {  	s18 =	simm.s32 $0x16400;
	s19 =	simm.s32 $0x1A400;
	s20 =	simm.s32 $0x1  }
0x7: {  	s21 =	simm.s32 $0x2;
	s22 =	simm.s32 $0x14F80;
	s23 =	simm.s32 $0x16300  }
0x8: {  	s24 =	simm.s32 $0x16380;
	s7 =	sand.u32 $0x1, s3;
	s3 =	stileid.u32  }
0x9: {  	[smem:$0x7FF] =	sst s4;
	s10 =	sadd.s32 $0x61800, s6;
	s8 =	smul.u32 $0x13C000, s7  }
0xa: {  	s11 =	sadd.s32 $0x6B800, s6;
	s5 =	sadd.s32 $0xFE00, s6;
	s9 =	smul.u32 $0x13C00, s3  }
0xb: {  	_ =	strace $0x80000056;
	s25 =	sshll.u32 s3, $0x1;
	s12 =	ssub.s32 $0x2, s7  }
0xc: {  	s26 =	smul.u32 $0x4F000, s3;
	s30 =	sshll.u32 s3, $0x6;
	s7 =	sor.u32 s7, s25  }
0xd: {  	s13 =	sshrl.u32 s12, $0x1;
	s25 =	simm.s32 $0x0;
	s8 =	sadd.s32 s9, s8  }
0xe: {  	s7 =	smul.u32 $0x2800, s7;
	s12 =	ssub.s32 s12, s13;
	s28 =	sshrl.u32 s26, $0x2  }
0xf: {  	s8 =	sshrl.u32 s8, $0x3;
	s29 =	sadd.s32 s28, s2;
	s12 =	smax.u32 s12, $0x1  }
0x10: {  	s14 =	sadd.s32 s8, s6;
	s31 =	sshrl.u32 s7, $0x3;
	s6 =	sor.u32 $0x1C03, s30  }
0x11: {  	s13 =	sshrl.u32 s29, $0x3;
	s7 =	sadd.s32 s10, s31;
	s15 =	sadd.s32 $0x280, s31  }
0x12: {  	s8 =	sadd.s32 s11, s31;
	s9 =	sadd.s32 s10, s15;
	s10 =	sadd.s32 s11, s15  }
0x13: {  	s11 =	sadd.s32 $0x12600, s14;
	s14 =	simm.s32 $0x3;
	s15 =	simm.s32 $0x13C00  }
.LBB2_1:
0x14: {  	[spmem:s13], [sflag:s6] =	dma.local [hbm:s5], $0x2780  }
0x15: {  	_ =	swait.ge [sflag:s14], $0x2780  }
0x16: {  	[sflag:s14] =	ssyncset.done $0x0  }
0x17: {  	[sflag:s14] =	ssyncadd.s32 $0xFFFFD880  }
0x18: {  	[bflag:$0x0] =	sbarrier.arrive $0xFFFF  }
0x19: {  	[tilespmem:s15], [sflag:$0x3] =	stream.linear.gather [hbm4b:s7+s4], $0x1400, $0x38;
	[tilespmem:$0x1E400] =	vst v63  }
0x1a: {  	_ =	swait.ge [sflag:s14], $0x1400  }
0x1b: {  	[sflag:s14] =	ssyncset.done $0x0  }
0x1c: {  	[sflag:s14] =	ssyncadd.s32 $0xFFFFEC00  }
0x1d: {  	[tilespmem:s16], [sflag:$0x3] =	stream.linear.gather [hbm4b:s8+s4], $0x1400, $0x38;
	[tilespmem:$0x1E400] =	vst v63  }
0x1e: {  	_ =	swait.ge [sflag:s14], $0x1400  }
0x1f: {  	[sflag:s14] =	ssyncset.done $0x0  }
0x20: {  	[sflag:s14] =	ssyncadd.s32 $0xFFFFEC00  }
0x21: {  	[tilespmem:s18], [sflag:$0x1] =	stream.indirect.gather [hbm4b:s1+s17], $0x80, s15, s17, $0xb8;
	[tilespmem:$0x1E400] =	vst v63  }
0x22: {  	s26 =	simm.s32 $0x13C80  }
0x23: {  	[tilespmem:s19], [sflag:$0x2] =	stream.indirect.gather [hbm4b:s1+s17], $0x80, s26, s17, $0xb8;
	[tilespmem:$0x1E400] =	vst v63  }
0x24: {  	_ =	swait.ge [sflag:s20], $0x4000  }
0x25: {  	[sflag:s20] =	ssyncset.done $0x0  }
0x26: {  	s29 =	simm.s32 $0x15000;
	[sflag:s20] =	ssyncadd.s32 $0xFFFFC000  }
0x27: {  	[spmem:s2] =	stream.indirect.scatter.add.f32 [tilespmem:s18], [sflag:$0x3], $0x80, s29, s17, $0xb8;
	[tilespmem:$0x1E400] =	vst v63  }
0x28: {  	_ =	swait.ge [sflag:s14], $0x4000  }
0x29: {  	[sflag:s14] =	ssyncset.done $0x0  }
0x2a: {  	s30 =	simm.s32 $0x13D00;
	[sflag:s14] =	ssyncadd.s32 $0xFFFFC000  }
0x2b: {  	[tilespmem:s18], [sflag:$0x1] =	stream.indirect.gather [hbm4b:s1+s17], $0x80, s30, s17, $0xb8;
	[tilespmem:$0x1E400] =	vst v63  }
0x2c: {  	_ =	swait.ge [sflag:s21], $0x4000  }
0x2d: {  	[sflag:s21] =	ssyncset.done $0x0  }
0x2e: {  	s31 =	simm.s32 $0x15080;
	[sflag:s21] =	ssyncadd.s32 $0xFFFFC000  }
0x2f: {  	[spmem:s2] =	stream.indirect.scatter.add.f32 [tilespmem:s19], [sflag:$0x3], $0x80, s31, s17, $0xb8;
	[tilespmem:$0x1E400] =	vst v63  }
0x30: {  	_ =	swait.ge [sflag:s14], $0x4000  }
0x31: {  	s28 =	simm.s32 $0x800;
	s26 =	simm.s32 $0x100;
	[sflag:s14] =	ssyncset.done $0x0  }
.LBB2_2:
0x32: {  	s29 =	sadd.s32 $0x13C80, s26  }
0x33: {  	[sflag:s14] =	ssyncadd.s32 $0xFFFFC000;
	s30 =	smov.u32 s28;
	s31 =	sadd.s32 $0x400, s28  }
0x34: {  	[tilespmem:s19], [sflag:$0x2] =	stream.indirect.gather [hbm4b:s1+s17], $0x80, s29, s17, $0xb8;
	[tilespmem:$0x1E400] =	vst v63  }
0x35: {  	p0 =	sne.s32 s28, $0x4800;
	_ =	swait.ge [sflag:s20], $0x4000  }
0x36: {  	[sflag:s20] =	ssyncset.done $0x0  }
0x37: {  	s28 =	sadd.s32 $0x15000, s26;
	[sflag:s20] =	ssyncadd.s32 $0xFFFFC000  }
0x38: {  	[spmem:s2] =	stream.indirect.scatter.add.f32 [tilespmem:s18], [sflag:$0x3], $0x80, s28, s17, $0xb8;
	[tilespmem:$0x1E400] =	vst v63  }
0x39: {  	_ =	swait.ge [sflag:s14], $0x4000  }
0x3a: {  	[sflag:s14] =	ssyncset.done $0x0  }
0x3b: {  	s28 =	sadd.s32 $0x13D00, s26;
	[sflag:s14] =	ssyncadd.s32 $0xFFFFC000  }
0x3c: {  	[tilespmem:s18], [sflag:$0x1] =	stream.indirect.gather [hbm4b:s1+s17], $0x80, s28, s17, $0xb8;
	[tilespmem:$0x1E400] =	vst v63  }
0x3d: {  	_ =	swait.ge [sflag:s21], $0x4000  }
.Ltmp0:
0x3e: {  	[sflag:s21] =	ssyncset.done $0x0;
	(pc) =	sbr.rel @p0 .LBB2_2-.Ltmp0, $4  }
0x3f: {  	s26 =	sadd.s32 $0x15080, s26;
	[sflag:s21] =	ssyncadd.s32 $0xFFFFC000  }
0x40: {  	[spmem:s2] =	stream.indirect.scatter.add.f32 [tilespmem:s19], [sflag:$0x3], $0x80, s26, s17, $0xb8;
	[tilespmem:$0x1E400] =	vst v63  }
0x41: {  	_ =	swait.ge [sflag:s14], $0x4000  }
0x42: {  	s28 =	smov.u32 s31;
	s26 =	sshra.s32 s30, $0x2;
	[sflag:s14] =	ssyncset.done $0x0  }
0x43: {  	s28 =	sadd.s32 $0x13C80, s26;
	[sflag:s14] =	ssyncadd.s32 $0xFFFFC000  }
0x44: {  	[tilespmem:s19], [sflag:$0x2] =	stream.indirect.gather [hbm4b:s1+s17], $0x80, s28, s17, $0xb8;
	[tilespmem:$0x1E400] =	vst v63  }
0x45: {  	_ =	swait.ge [sflag:s20], $0x4000  }
0x46: {  	[sflag:s20] =	ssyncset.done $0x0  }
0x47: {  	s28 =	sadd.s32 $0x15000, s26;
	[sflag:s20] =	ssyncadd.s32 $0xFFFFC000  }
0x48: {  	[spmem:s2] =	stream.indirect.scatter.add.f32 [tilespmem:s18], [sflag:$0x3], $0x80, s28, s17, $0xb8;
	[tilespmem:$0x1E400] =	vst v63  }
0x49: {  	_ =	swait.ge [sflag:s14], $0x4000  }
0x4a: {  	[sflag:s14] =	ssyncset.done $0x0  }
0x4b: {  	s28 =	sadd.s32 $0x13D00, s26;
	[sflag:s14] =	ssyncadd.s32 $0xFFFFC000  }
0x4c: {  	[tilespmem:s18], [sflag:$0x1] =	stream.indirect.gather [hbm4b:s1+s17], $0x80, s28, s17, $0xb8;
	[tilespmem:$0x1E400] =	vst v63  }
0x4d: {  	_ =	swait.ge [sflag:s21], $0x4000  }
0x4e: {  	[sflag:s21] =	ssyncset.done $0x0  }
0x4f: {  	s29 =	sadd.s32 $0x15080, s26;
	[sflag:s21] =	ssyncadd.s32 $0xFFFFC000  }
0x50: {  	[spmem:s2] =	stream.indirect.scatter.add.f32 [tilespmem:s19], [sflag:$0x3], $0x80, s29, s17, $0xb8;
	[tilespmem:$0x1E400] =	vst v63  }
0x51: {  	_ =	swait.ge [sflag:s14], $0x4000  }
0x52: {  	[sflag:s14] =	ssyncset.done $0x0  }
0x53: {  	[sflag:s14] =	ssyncadd.s32 $0xFFFFC000  }
0x54: {  	[tilespmem:s19], [sflag:$0x2] =	stream.indirect.gather [hbm4b:s1+s17], $0x80, s22, s17, $0xb8;
	[tilespmem:$0x1E400] =	vst v63  }
0x55: {  	_ =	swait.ge [sflag:s20], $0x4000  }
0x56: {  	[sflag:s20] =	ssyncset.done $0x0  }
0x57: {  	[sflag:s20] =	ssyncadd.s32 $0xFFFFC000  }
0x58: {  	[spmem:s2] =	stream.indirect.scatter.add.f32 [tilespmem:s18], [sflag:$0x3], $0x80, s23, s17, $0xb8;
	[tilespmem:$0x1E400] =	vst v63  }
0x59: {  	_ =	swait.ge [sflag:s14], $0x4000  }
0x5a: {  	[sflag:s14] =	ssyncset.done $0x0  }
0x5b: {  	[sflag:s14] =	ssyncadd.s32 $0xFFFFC000  }
0x5c: {  	_ =	swait.ge [sflag:s21], $0x4000  }
0x5d: {  	[sflag:s21] =	ssyncset.done $0x0  }
0x5e: {  	[sflag:s21] =	ssyncadd.s32 $0xFFFFC000  }
0x5f: {  	[spmem:s2] =	stream.indirect.scatter.add.f32 [tilespmem:s19], [sflag:$0x3], $0x80, s24, s17, $0xb8;
	[tilespmem:$0x1E400] =	vst v63  }
0x60: {  	_ =	swait.ge [sflag:s14], $0x4000  }
0x61: {  	[sflag:s14] =	ssyncset.done $0x0  }
0x62: {  	s30 =	simm.s32 $0x0;
	[sflag:s14] =	ssyncadd.s32 $0xFFFFC000  }
0x63: {  	[tilespmem:s15], [sflag:$0x3] =	stream.linear.gather [hbm4b:s9+s30], $0x1400, $0x38;
	[tilespmem:$0x1E400] =	vst v63  }
0x64: {  	_ =	swait.ge [sflag:s14], $0x1400  }
0x65: {  	[sflag:s14] =	ssyncset.done $0x0  }
0x66: {  	[sflag:s14] =	ssyncadd.s32 $0xFFFFEC00  }
0x67: {  	[tilespmem:s16], [sflag:$0x3] =	stream.linear.gather [hbm4b:s10+s30], $0x1400, $0x38;
	[tilespmem:$0x1E400] =	vst v63  }
0x68: {  	_ =	swait.ge [sflag:s14], $0x1400  }
0x69: {  	[sflag:s14] =	ssyncset.done $0x0  }
0x6a: {  	[sflag:s14] =	ssyncadd.s32 $0xFFFFEC00  }
0x6b: {  	[tilespmem:s18], [sflag:$0x1] =	stream.indirect.gather [hbm4b:s1+s17], $0x80, s15, s17, $0xb8;
	[tilespmem:$0x1E400] =	vst v63  }
0x6c: {  	s31 =	simm.s32 $0x13C80  }
0x6d: {  	[tilespmem:s19], [sflag:$0x2] =	stream.indirect.gather [hbm4b:s1+s17], $0x80, s31, s17, $0xb8;
	[tilespmem:$0x1E400] =	vst v63  }
0x6e: {  	_ =	swait.ge [sflag:s20], $0x4000  }
0x6f: {  	[sflag:s20] =	ssyncset.done $0x0  }
0x70: {  	s29 =	simm.s32 $0x15000;
	[sflag:s20] =	ssyncadd.s32 $0xFFFFC000  }
0x71: {  	[spmem:s2] =	stream.indirect.scatter.add.f32 [tilespmem:s18], [sflag:$0x3], $0x80, s29, s17, $0xb8;
	[tilespmem:$0x1E400] =	vst v63  }
0x72: {  	_ =	swait.ge [sflag:s14], $0x4000  }
0x73: {  	[sflag:s14] =	ssyncset.done $0x0  }
0x74: {  	s30 =	simm.s32 $0x13D00;
	[sflag:s14] =	ssyncadd.s32 $0xFFFFC000  }
0x75: {  	[tilespmem:s18], [sflag:$0x1] =	stream.indirect.gather [hbm4b:s1+s17], $0x80, s30, s17, $0xb8;
	[tilespmem:$0x1E400] =	vst v63  }
0x76: {  	_ =	swait.ge [sflag:s21], $0x4000  }
0x77: {  	[sflag:s21] =	ssyncset.done $0x0  }
0x78: {  	s31 =	simm.s32 $0x15080;
	[sflag:s21] =	ssyncadd.s32 $0xFFFFC000  }
0x79: {  	[spmem:s2] =	stream.indirect.scatter.add.f32 [tilespmem:s19], [sflag:$0x3], $0x80, s31, s17, $0xb8;
	[tilespmem:$0x1E400] =	vst v63  }
0x7a: {  	_ =	swait.ge [sflag:s14], $0x4000  }
0x7b: {  	s26 =	simm.s32 $0x100;
	s28 =	simm.s32 $0x800;
	[sflag:s14] =	ssyncset.done $0x0  }
.LBB2_4:
0x7c: {  	s29 =	sadd.s32 $0x13C80, s26  }
0x7d: {  	[sflag:s14] =	ssyncadd.s32 $0xFFFFC000;
	s30 =	smov.u32 s28;
	s31 =	sadd.s32 $0x400, s28  }
0x7e: {  	[tilespmem:s19], [sflag:$0x2] =	stream.indirect.gather [hbm4b:s1+s17], $0x80, s29, s17, $0xb8;
	[tilespmem:$0x1E400] =	vst v63  }
0x7f: {  	p0 =	sne.s32 s28, $0x4800;
	_ =	swait.ge [sflag:s20], $0x4000  }
0x80: {  	[sflag:s20] =	ssyncset.done $0x0  }
0x81: {  	s28 =	sadd.s32 $0x15000, s26;
	[sflag:s20] =	ssyncadd.s32 $0xFFFFC000  }
0x82: {  	[spmem:s2] =	stream.indirect.scatter.add.f32 [tilespmem:s18], [sflag:$0x3], $0x80, s28, s17, $0xb8;
	[tilespmem:$0x1E400] =	vst v63  }
0x83: {  	_ =	swait.ge [sflag:s14], $0x4000  }
0x84: {  	[sflag:s14] =	ssyncset.done $0x0  }
0x85: {  	s28 =	sadd.s32 $0x13D00, s26;
	[sflag:s14] =	ssyncadd.s32 $0xFFFFC000  }
0x86: {  	[tilespmem:s18], [sflag:$0x1] =	stream.indirect.gather [hbm4b:s1+s17], $0x80, s28, s17, $0xb8;
	[tilespmem:$0x1E400] =	vst v63  }
0x87: {  	_ =	swait.ge [sflag:s21], $0x4000  }
.Ltmp1:
0x88: {  	[sflag:s21] =	ssyncset.done $0x0;
	(pc) =	sbr.rel @p0 .LBB2_4-.Ltmp1, $4  }
0x89: {  	s26 =	sadd.s32 $0x15080, s26;
	[sflag:s21] =	ssyncadd.s32 $0xFFFFC000  }
0x8a: {  	[spmem:s2] =	stream.indirect.scatter.add.f32 [tilespmem:s19], [sflag:$0x3], $0x80, s26, s17, $0xb8;
	[tilespmem:$0x1E400] =	vst v63  }
0x8b: {  	_ =	swait.ge [sflag:s14], $0x4000  }
0x8c: {  	s28 =	smov.u32 s31;
	s26 =	sshra.s32 s30, $0x2;
	[sflag:s14] =	ssyncset.done $0x0  }
0x8d: {  	s28 =	sadd.s32 $0x13C80, s26;
	[sflag:s14] =	ssyncadd.s32 $0xFFFFC000  }
0x8e: {  	[tilespmem:s19], [sflag:$0x2] =	stream.indirect.gather [hbm4b:s1+s17], $0x80, s28, s17, $0xb8;
	[tilespmem:$0x1E400] =	vst v63  }
0x8f: {  	_ =	swait.ge [sflag:s20], $0x4000  }
0x90: {  	[sflag:s20] =	ssyncset.done $0x0  }
0x91: {  	s29 =	sadd.s32 $0x15000, s26;
	[sflag:s20] =	ssyncadd.s32 $0xFFFFC000  }
0x92: {  	[spmem:s2] =	stream.indirect.scatter.add.f32 [tilespmem:s18], [sflag:$0x3], $0x80, s29, s17, $0xb8;
	[tilespmem:$0x1E400] =	vst v63  }
0x93: {  	_ =	swait.ge [sflag:s14], $0x4000  }
0x94: {  	[sflag:s14] =	ssyncset.done $0x0  }
0x95: {  	s30 =	sadd.s32 $0x13D00, s26;
	[sflag:s14] =	ssyncadd.s32 $0xFFFFC000  }
0x96: {  	[tilespmem:s18], [sflag:$0x1] =	stream.indirect.gather [hbm4b:s1+s17], $0x80, s30, s17, $0xb8;
	[tilespmem:$0x1E400] =	vst v63  }
0x97: {  	_ =	swait.ge [sflag:s21], $0x4000  }
0x98: {  	[sflag:s21] =	ssyncset.done $0x0  }
0x99: {  	s31 =	sadd.s32 $0x15080, s26;
	[sflag:s21] =	ssyncadd.s32 $0xFFFFC000  }
0x9a: {  	[spmem:s2] =	stream.indirect.scatter.add.f32 [tilespmem:s19], [sflag:$0x3], $0x80, s31, s17, $0xb8;
	[tilespmem:$0x1E400] =	vst v63  }
0x9b: {  	_ =	swait.ge [sflag:s14], $0x4000  }
0x9c: {  	[sflag:s14] =	ssyncset.done $0x0  }
0x9d: {  	[sflag:s14] =	ssyncadd.s32 $0xFFFFC000  }
0x9e: {  	[tilespmem:s19], [sflag:$0x2] =	stream.indirect.gather [hbm4b:s1+s17], $0x80, s22, s17, $0xb8;
	[tilespmem:$0x1E400] =	vst v63  }
0x9f: {  	_ =	swait.ge [sflag:s20], $0x4000  }
0xa0: {  	[sflag:s20] =	ssyncset.done $0x0  }
0xa1: {  	[sflag:s20] =	ssyncadd.s32 $0xFFFFC000  }
0xa2: {  	[spmem:s2] =	stream.indirect.scatter.add.f32 [tilespmem:s18], [sflag:$0x3], $0x80, s23, s17, $0xb8;
	[tilespmem:$0x1E400] =	vst v63  }
0xa3: {  	_ =	swait.ge [sflag:s14], $0x4000  }
0xa4: {  	[sflag:s14] =	ssyncset.done $0x0  }
0xa5: {  	[sflag:s14] =	ssyncadd.s32 $0xFFFFC000  }
0xa6: {  	_ =	swait.ge [sflag:s21], $0x4000  }
0xa7: {  	[sflag:s21] =	ssyncset.done $0x0  }
0xa8: {  	[sflag:s21] =	ssyncadd.s32 $0xFFFFC000  }
0xa9: {  	[spmem:s2] =	stream.indirect.scatter.add.f32 [tilespmem:s19], [sflag:$0x3], $0x80, s24, s17, $0xb8;
	[tilespmem:$0x1E400] =	vst v63  }
0xaa: {  	_ =	swait.ge [sflag:s14], $0x4000  }
0xab: {  	s25 =	sadd.s32 $0x1, s25;
	[sflag:s14] =	ssyncset.done $0x0  }
0xac: {  	p0 =	sne.s32 s25, s12;
	[sflag:s14] =	ssyncadd.s32 $0xFFFFC000  }
.Ltmp2:
0xad: {  	[bflag:$0x0] =	sbarrier.arrive $0xFFFF;
	(pc) =	sbr.rel @p0 .LBB2_1-.Ltmp2, $4  }
0xae: {  	[hbm:s11], [sflag:s6] =	dma.local [spmem:s13], $0x2780  }
0xaf: {  	_ =	swait.ge [sflag:s14], $0x2780  }
0xb0: {  	[sflag:s14] =	ssyncset.done $0x0  }
0xb1: {  	[sflag:s14] =	ssyncadd.s32 $0xFFFFD880  }
0xb2: {  	_ =	sfence.sel $0x180000  }
0xb3: {  	[bflag:$0x0] =	sbarrier.arrive $0xFFFF  }
0xb4: {  	p0 =	sne.s32 s3, $0x0;
	_ =	strace $0x90000056  }
0xb5: {  	s0 =	sadd.s32 @!p0 $0x100000, s0;
	[bflag:$0x2] =	sbarrier.arrive $0xFFFF  }
0xb6: {  	[sflag:s0] =	ssyncadd.tile.s32 @!p0 $0x1;
	_ =	shalt  }
.Lfunc_end2:
_tile_overlayer_lowered:
.L_overlay_start_2:
0xb7: {  	(tag) =	ssettag $0x2  }
0xb8: {  	s0 =	rddreg [dreg:$0x0];
	s2 =	stileid.u32  }
0xb9: {  	s1 =	rddreg [dreg:$0x1];
	p0 =	sne.s32 s2, $0x0  }
0xba: {  	s3 =	rddreg [dreg:$0x2];
	[bflag:$0x3] =	sbarrier.arrive $0xFFFF;
	s2 =	simm.s32 @!p0 $0x1C03  }
0xbb: {  	[timem:s3], [sflag:s2] =	dma.local @!p0 [hbm:s0], s1  }
0xbc: {  	s0 =	simm.s32 @!p0 $0x3  }
0xbd: {  	_ =	swait.ge @!p0 [sflag:s0], s1  }
0xbe: {  	s1 =	ssub.s32 @!p0 $0x0, s1;
	[sflag:s0] =	ssyncset.done @!p0 $0x0  }
0xbf: {  	[sflag:s0] =	ssyncadd.s32 @!p0 s1  }
0xc0: {  	[bflag:$0x3] =	sbarrier.arrive $0xFFFF  }
0xc1: {  	_ =	shalt  }

</sc_bundles>
